<compile_context>
chip_gen: v7x
topology: tpu7x:2x2x1
jax: 0.10.2.dev20260603
libtpu: 0.0.44.dev20260713+nightly
codegen_flags: <defaults>
</compile_context>

<pallas_src>
import jax
import jax.numpy as jnp
from jax import lax
from jax.experimental import pallas as pl
from jax.experimental.pallas import tpu as pltpu
from jax.experimental.pallas import tpu_sc as plsc

NC = 2
NS = 16
NW = NC * NS
CHUNK = 128
SC_CONV = 4
SC_DEG = 8
STAGE_E = 2 * CHUNK * max(SC_CONV, SC_DEG)
BN = 2048
ZR = 512


def _mesh():
    return plsc.VectorSubcoreMesh(
        core_axis_name="c", subcore_axis_name="s", num_cores=NC, num_subcores=NS)



def _sc_deg(dst2, npad):
    rpt = npad // NS
    spt = (dst2.shape[0] // NW) // SC_DEG
    nz = rpt // ZR
    ztail = rpt - nz * ZR

    def body(dst_hbm, out0, out1, didx_v, ones_v, zbuf_v, acc_sh,
             semi0, semi1, sems0, sems1):
        semi = [semi0, semi1]
        sems = [sems0, sems1]
        c = lax.axis_index("c")
        s = lax.axis_index("s")
        w = c * NS + s
        base = w * spt * SC_DEG

        d0 = pltpu.async_copy(dst_hbm.at[pl.ds(base, SC_DEG)], didx_v.at[0], semi0)
        for i in range(8):
            ones_v[pl.ds(i * 16, 16)] = jnp.ones((16,), jnp.float32)

        def zfill(i, carry):
            zbuf_v[pl.ds(i * 16, 16)] = jnp.zeros((16,), jnp.float32)
            return carry
        lax.fori_loop(0, ZR // 16, zfill, 0)
        z0 = s * rpt
        for t in range(nz):
            pltpu.sync_copy(zbuf_v, acc_sh.at[pl.ds(z0 + t * ZR, ZR)])
        if ztail:
            pltpu.sync_copy(zbuf_v.at[pl.ds(0, ztail)],
                            acc_sh.at[pl.ds(z0 + nz * ZR, ztail)])
        d0.wait()
        plsc.subcore_barrier()

        def pair(i, carry):
            for p in (0, 1):
                q = 1 - p
                st = i * 2 + p
                nxt = st + 1

                @pl.when(nxt < spt)
                def _():
                    pltpu.async_copy(
                        dst_hbm.at[pl.ds(base + nxt * SC_DEG, SC_DEG)],
                        didx_v.at[q], semi[q])

                for j in range(SC_DEG):
                    pltpu.async_copy(ones_v, acc_sh.at[didx_v.at[p].at[j]],
                                     sems[p], add=True)

                @pl.when(nxt < spt)
                def _():
                    pltpu.make_async_copy(
                        dst_hbm.at[pl.ds(base + nxt * SC_DEG, SC_DEG)],
                        didx_v.at[q], semi[q]).wait()

                for j in range(SC_DEG):
                    pltpu.make_async_copy(
                        ones_v, acc_sh.at[didx_v.at[p].at[j]], sems[p]).wait()
            return carry

        lax.fori_loop(0, spt // 2, pair, 0)
        plsc.subcore_barrier()

        @pl.when(c == 0)
        def _():
            pltpu.sync_copy(acc_sh.at[pl.ds(s * rpt, rpt)],
                            out0.at[pl.ds(s * rpt, rpt)])

        @pl.when(c == 1)
        def _():
            pltpu.sync_copy(acc_sh.at[pl.ds(s * rpt, rpt)],
                            out1.at[pl.ds(s * rpt, rpt)])

    f = pl.kernel(
        body,
        out_type=(jax.ShapeDtypeStruct((npad,), jnp.float32),
                  jax.ShapeDtypeStruct((npad,), jnp.float32)),
        mesh=_mesh(),
        scratch_types=[
            pltpu.VMEM((2, SC_DEG, CHUNK), jnp.int32),
            pltpu.VMEM((CHUNK,), jnp.float32),
            pltpu.VMEM((ZR,), jnp.float32),
            pltpu.VMEM_SHARED((npad,), jnp.float32),
            pltpu.SemaphoreType.DMA,
            pltpu.SemaphoreType.DMA,
            pltpu.SemaphoreType.DMA,
            pltpu.SemaphoreType.DMA,
        ],
        compiler_params=pltpu.CompilerParams(use_tc_tiling_on_sc=False),
    )
    return f(dst2)


def _sc_conv(table, src2, dst2, npad):
    rpt = npad // NS
    spt = (src2.shape[0] // NW) // SC_CONV
    spt1 = 2 * ((2 * spt * 272) // (608 * 2))
    spt0 = 2 * spt - spt1
    nz = rpt // ZR
    ztail = rpt - nz * ZR

    def body(tbl_hbm, src_hbm, dst_hbm, out0, out1,
             sidx_v, didx_v, rows_v, zbuf_v, acc_sh,
             semi0, semi1, semg0, semg1, sems0, sems1):
        semi = [semi0, semi1]
        semg = [semg0, semg1]
        sems = [sems0, sems1]
        c = lax.axis_index("c")
        s = lax.axis_index("s")
        myspt = jnp.where(c == 0, spt0, spt1)
        base = jnp.where(c == 0, s * spt0, NS * spt0 + s * spt1) * SC_CONV

        i0 = pltpu.async_copy(src_hbm.at[pl.ds(base, SC_CONV)], sidx_v.at[0], semi0)
        i1 = pltpu.async_copy(dst_hbm.at[pl.ds(base, SC_CONV)], didx_v.at[0], semi0)

        def zfill(i, carry):
            zbuf_v[i, :] = jnp.zeros((16,), jnp.float32)
            return carry
        lax.fori_loop(0, ZR, zfill, 0)
        z0 = s * rpt
        for t in range(nz):
            pltpu.sync_copy(zbuf_v, acc_sh.at[pl.ds(z0 + t * ZR, ZR)])
        if ztail:
            pltpu.sync_copy(zbuf_v.at[pl.ds(0, ztail)],
                            acc_sh.at[pl.ds(z0 + nz * ZR, ztail)])

        i0.wait()
        i1.wait()
        for j in range(SC_CONV):
            pltpu.async_copy(tbl_hbm.at[sidx_v.at[0].at[j]],
                             rows_v.at[0, pl.ds(j * CHUNK, CHUNK)], semg0)
        plsc.subcore_barrier()

        def pair(i, carry):
            for p in (0, 1):
                q = 1 - p
                st = i * 2 + p
                nxt = st + 1
                rnx = base + nxt * SC_CONV

                @pl.when(nxt < myspt)
                def _():
                    pltpu.async_copy(src_hbm.at[pl.ds(rnx, SC_CONV)],
                                     sidx_v.at[q], semi[q])
                    pltpu.async_copy(dst_hbm.at[pl.ds(rnx, SC_CONV)],
                                     didx_v.at[q], semi[q])

                pltpu.make_async_copy(out0.at[pl.ds(0, SC_CONV * CHUNK)],
                                      rows_v.at[p], semg[p]).wait()
                for j in range(SC_CONV):
                    pltpu.async_copy(rows_v.at[p, pl.ds(j * CHUNK, CHUNK)],
                                     acc_sh.at[didx_v.at[p].at[j]],
                                     sems[p], add=True)

                @pl.when(nxt < myspt)
                def _():
                    pltpu.make_async_copy(src_hbm.at[pl.ds(rnx, SC_CONV)],
                                          sidx_v.at[q], semi[q]).wait()
                    pltpu.make_async_copy(dst_hbm.at[pl.ds(rnx, SC_CONV)],
                                          didx_v.at[q], semi[q]).wait()
                    for j in range(SC_CONV):
                        pltpu.async_copy(tbl_hbm.at[sidx_v.at[q].at[j]],
                                         rows_v.at[q, pl.ds(j * CHUNK, CHUNK)],
                                         semg[q])

                pltpu.make_async_copy(rows_v.at[p],
                                      acc_sh.at[pl.ds(0, SC_CONV * CHUNK)],
                                      sems[p]).wait()
            return carry

        lax.fori_loop(0, myspt // 2, pair, 0)
        plsc.subcore_barrier()

        @pl.when(c == 0)
        def _():
            pltpu.sync_copy(acc_sh.at[pl.ds(s * rpt, rpt)],
                            out0.at[pl.ds(s * rpt, rpt)])

        @pl.when(c == 1)
        def _():
            pltpu.sync_copy(acc_sh.at[pl.ds(s * rpt, rpt)],
                            out1.at[pl.ds(s * rpt, rpt)])

    f = pl.kernel(
        body,
        out_type=(jax.ShapeDtypeStruct((npad, 16), jnp.float32),
                  jax.ShapeDtypeStruct((npad, 16), jnp.float32)),
        mesh=_mesh(),
        scratch_types=[
            pltpu.VMEM((2, SC_CONV, CHUNK), jnp.int32),
            pltpu.VMEM((2, SC_CONV, CHUNK), jnp.int32),
            pltpu.VMEM((2, SC_CONV * CHUNK, 16), jnp.float32),
            pltpu.VMEM((ZR, 16), jnp.float32),
            pltpu.VMEM_SHARED((npad, 16), jnp.float32),
            pltpu.SemaphoreType.DMA,
            pltpu.SemaphoreType.DMA,
            pltpu.SemaphoreType.DMA,
            pltpu.SemaphoreType.DMA,
            pltpu.SemaphoreType.DMA,
            pltpu.SemaphoreType.DMA,
        ],
        compiler_params=pltpu.CompilerParams(use_tc_tiling_on_sc=False),
    )
    return f(table, src2, dst2)



def _elu(t):
    return jnp.where(t > 0, t, jnp.exp(jnp.minimum(t, 0.0)) - 1.0)



BP = BN // 8


def _tc_xw(x, W1p, npad8):
    d = x.shape[1]

    def body(x_r, w_r, o_r):
        xp = x_r[...].reshape(BP, 8 * d)
        o_r[...] = jnp.dot(xp, w_r[...], preferred_element_type=jnp.float32)

    return pl.pallas_call(
        body,
        grid=(npad8 // BP,),
        in_specs=[
            pl.BlockSpec((BN, d), lambda i: (i, 0)),
            pl.BlockSpec((8 * d, 128), lambda i: (0, 0)),
        ],
        out_specs=pl.BlockSpec((BP, 128), lambda i: (i, 0)),
        out_shape=jax.ShapeDtypeStruct((npad8, 128), jnp.float32),
    )(x, W1p)


def _tc_b(dega8, degb8, hw1p, S, npad8):

    def body(da_r, db_r, hw_r, s_r, dinvp_r, g1p_r):
        dinv8 = lax.rsqrt(da_r[...] + db_r[...] + 1.0)
        dinvp = jnp.dot(dinv8, s_r[...], preferred_element_type=jnp.float32)
        dinvp_r[...] = dinvp
        g1p_r[...] = hw_r[...] * dinvp

    return pl.pallas_call(
        body,
        grid=(npad8 // BP,),
        in_specs=[
            pl.BlockSpec((BP, 8), lambda i: (i, 0)),
            pl.BlockSpec((BP, 8), lambda i: (i, 0)),
            pl.BlockSpec((BP, 128), lambda i: (i, 0)),
            pl.BlockSpec((8, 128), lambda i: (0, 0)),
        ],
        out_specs=[
            pl.BlockSpec((BP, 128), lambda i: (i, 0)),
            pl.BlockSpec((BP, 128), lambda i: (i, 0)),
        ],
        out_shape=[
            jax.ShapeDtypeStruct((npad8, 128), jnp.float32),
            jax.ShapeDtypeStruct((npad8, 128), jnp.float32),
        ],
    )(dega8, degb8, hw1p, S)


def _tc_mid(sap, sbp, dinvp, gp, bp, lin_Wp, lin_bp, Wnp, npad8):

    def body(sa_r, sb_r, dv_r, g_r, b_r, lw_r, lb_r, wn_r, h_r, gn_r):
        dinvp = dv_r[...]
        t = dinvp * (sa_r[...] + sb_r[...] + g_r[...]) + b_r[...]
        h = jnp.dot(_elu(t), lw_r[...], preferred_element_type=jnp.float32) + lb_r[...]
        gn = jnp.dot(h, wn_r[...], preferred_element_type=jnp.float32) * dinvp
        h_r[...] = h
        gn_r[...] = gn

    return pl.pallas_call(
        body,
        grid=(npad8 // BP,),
        in_specs=[
            pl.BlockSpec((BP, 128), lambda i: (i, 0)),
            pl.BlockSpec((BP, 128), lambda i: (i, 0)),
            pl.BlockSpec((BP, 128), lambda i: (i, 0)),
            pl.BlockSpec((BP, 128), lambda i: (i, 0)),
            pl.BlockSpec((1, 128), lambda i: (0, 0)),
            pl.BlockSpec((128, 128), lambda i: (0, 0)),
            pl.BlockSpec((1, 128), lambda i: (0, 0)),
            pl.BlockSpec((128, 128), lambda i: (0, 0)),
        ],
        out_specs=[
            pl.BlockSpec((BP, 128), lambda i: (i, 0)),
            pl.BlockSpec((BP, 128), lambda i: (i, 0)),
        ],
        out_shape=[
            jax.ShapeDtypeStruct((npad8, 128), jnp.float32),
            jax.ShapeDtypeStruct((npad8, 128), jnp.float32),
        ],
    )(sap, sbp, dinvp, gp, bp, lin_Wp, lin_bp, Wnp)


def _tc_fin(sap, sbp, dinvp, g2p, b2p, lin_W2p, lin_b2p, h1p, Wf1p, Wf2p, bfp,
            npad8):
    cp = Wf1p.shape[1]

    def body(sa_r, sb_r, dv_r, g_r, b_r, lw_r, lb_r, h1_r, w1_r, w2_r, bf_r, o_r):
        dinvp = dv_r[...]
        t = dinvp * (sa_r[...] + sb_r[...] + g_r[...]) + b_r[...]
        h2 = jnp.dot(_elu(t), lw_r[...], preferred_element_type=jnp.float32) + lb_r[...]
        o_r[...] = (jnp.dot(h1_r[...], w1_r[...], preferred_element_type=jnp.float32)
                    + jnp.dot(h2, w2_r[...], preferred_element_type=jnp.float32)
                    + bf_r[...])

    return pl.pallas_call(
        body,
        grid=(npad8 // BP,),
        in_specs=[
            pl.BlockSpec((BP, 128), lambda i: (i, 0)),
            pl.BlockSpec((BP, 128), lambda i: (i, 0)),
            pl.BlockSpec((BP, 128), lambda i: (i, 0)),
            pl.BlockSpec((BP, 128), lambda i: (i, 0)),
            pl.BlockSpec((1, 128), lambda i: (0, 0)),
            pl.BlockSpec((128, 128), lambda i: (0, 0)),
            pl.BlockSpec((1, 128), lambda i: (0, 0)),
            pl.BlockSpec((BP, 128), lambda i: (i, 0)),
            pl.BlockSpec((128, cp), lambda i: (0, 0)),
            pl.BlockSpec((128, cp), lambda i: (0, 0)),
            pl.BlockSpec((1, cp), lambda i: (0, 0)),
        ],
        out_specs=pl.BlockSpec((BP, cp), lambda i: (i, 0)),
        out_shape=jax.ShapeDtypeStruct((npad8, cp), jnp.float32),
    )(sap, sbp, dinvp, g2p, b2p, lin_W2p, lin_b2p, h1p, Wf1p, Wf2p, bfp)



def kernel(x, edge_index, W1, b1, lin_W1, lin_b1, W2, b2, lin_W2, lin_b2, Wf, bf):
    n = x.shape[0]
    d = x.shape[1]
    e = edge_index.shape[1]
    C = Wf.shape[1]
    npad = -(-n // BN) * BN
    npad8 = npad // 8
    epw = -(-e // (NW * STAGE_E)) * STAGE_E
    ep = NW * epw

    src = jnp.concatenate(
        [edge_index[0], jnp.zeros((ep - e,), jnp.int32)]).reshape(ep // CHUNK, CHUNK)
    dst = jnp.concatenate(
        [edge_index[1], jnp.full((ep - e,), n, jnp.int32)]).reshape(ep // CHUNK, CHUNK)

    i8 = jnp.eye(8, dtype=jnp.float32)
    W1p = jnp.kron(i8, W1)
    lin_W1p = jnp.kron(i8, lin_W1)
    W2p = jnp.kron(i8, W2)
    lin_W2p = jnp.kron(i8, lin_W2)
    Wf1p = jnp.kron(i8, Wf[:16])
    Wf2p = jnp.kron(i8, Wf[16:])
    b1p = jnp.tile(b1, 8).reshape(1, 128)
    lin_b1p = jnp.tile(lin_b1, 8).reshape(1, 128)
    b2p = jnp.tile(b2, 8).reshape(1, 128)
    lin_b2p = jnp.tile(lin_b2, 8).reshape(1, 128)
    bfp = jnp.tile(bf, 8).reshape(1, 8 * C)
    S = jnp.repeat(i8, 16, axis=1)

    hw1p = _tc_xw(x, W1p, npad8)
    dega, degb = _sc_deg(dst, npad)
    dinvp, g1p = _tc_b(dega.reshape(npad8, 8), degb.reshape(npad8, 8),
                       hw1p, S, npad8)
    s1a, s1b = _sc_conv(g1p.reshape(npad, 16), src, dst, npad)
    h1p, g2p = _tc_mid(s1a.reshape(npad8, 128), s1b.reshape(npad8, 128),
                       dinvp, g1p, b1p, lin_W1p, lin_b1p, W2p, npad8)
    s2a, s2b = _sc_conv(g2p.reshape(npad, 16), src, dst, npad)
    outp = _tc_fin(s2a.reshape(npad8, 128), s2b.reshape(npad8, 128),
                   dinvp, g2p, b2p, lin_W2p, lin_b2p, h1p, Wf1p, Wf2p, bfp,
                   npad8)
    return outp.reshape(npad, C)[:n]

# --- scband reference (transcript-rebuilt; emitter-appended) ---
"""Pipeline reference for scband-hgcn-13975823581430 (READ-ONLY COPY).

The authoritative reference and input builder live on the scoring server;
editing this copy changes nothing except your own understanding.
"""

import jax, jax.numpy as jnp
import numpy as np

N = 100000
E = 3200000
D = 128
H = 16
C = 40

def setup_inputs(seed: int = 0):
    key = jax.random.key(seed)
    ks = jax.random.split(key, 12)
    inp = {}
    inp["x"] = jax.random.normal(ks[0], (N, D), dtype=jnp.float32)
    inp["edge_index"] = jax.random.randint(ks[1], (2, E), 0, N, dtype=jnp.int32)
    inp["W1"] = jax.random.normal(ks[2], (D, H), dtype=jnp.float32) * 0.05
    inp["b1"] = jnp.zeros((H,), dtype=jnp.float32)
    inp["lin_W1"] = jax.random.normal(ks[3], (H, H), dtype=jnp.float32) * 0.05
    inp["lin_b1"] = jnp.zeros((H,), dtype=jnp.float32)
    inp["W2"] = jax.random.normal(ks[4], (H, H), dtype=jnp.float32) * 0.05
    inp["b2"] = jnp.zeros((H,), dtype=jnp.float32)
    inp["lin_W2"] = jax.random.normal(ks[5], (H, H), dtype=jnp.float32) * 0.05
    inp["lin_b2"] = jnp.zeros((H,), dtype=jnp.float32)
    inp["Wf"] = jax.random.normal(ks[6], (2 * H, C), dtype=jnp.float32) * 0.05
    inp["bf"] = jnp.zeros((C,), dtype=jnp.float32)
    return inp

def reference(x, edge_index, W1, b1, lin_W1, lin_b1, W2, b2, lin_W2, lin_b2, Wf, bf):
    # GCNConv with added self-loops and symmetric normalization (PyG semantics).
    loop = jnp.arange(N, dtype=edge_index.dtype)
    src = jnp.concatenate([edge_index[0], loop])
    dst = jnp.concatenate([edge_index[1], loop])
    deg = jax.ops.segment_sum(jnp.ones(src.shape[0], dtype=jnp.float32), dst, num_segments=N)
    dinv = jnp.where(deg > 0, jax.lax.rsqrt(deg), 0.0)
    norm = dinv[src] * dinv[dst]

    def conv(h, W, b):
        h = h @ W
        msg = h[src] * norm[:, None]
        return jax.ops.segment_sum(msg, dst, num_segments=N) + b

    # layer 1 (dropout is identity in eval mode)
    h1 = jax.nn.elu(conv(x, W1, b1))
    h1 = h1 @ lin_W1 + lin_b1
    # layer 2
    h2 = jax.nn.elu(conv(h1, W2, b2))
    h2 = h2 @ lin_W2 + lin_b2
    z = jnp.concatenate([h1, h2], axis=1)
    return z @ Wf + bf

if __name__ == "__main__":
    import jax
    _d = setup_inputs()
    print(jax.jit(kernel)(*tuple(_d.values())))

</pallas_src>

<mosaic_0001>
#map = affine_map<(d0, d1) -> (0, 0)>
module attributes {stable_mosaic.version = 14 : i64} {
  func.func @body(%arg0: i32, %arg1: i32, %arg2: memref<100352x16xf32, #tpu.memory_space<hbm>>, %arg3: memref<25088x128xi32, #tpu.memory_space<hbm>>, %arg4: memref<25088x128xi32, #tpu.memory_space<hbm>>, %arg5: memref<100352x16xf32, #tpu.memory_space<hbm>>, %arg6: memref<100352x16xf32, #tpu.memory_space<hbm>>, %arg7: memref<2x4x128xi32, #tpu.memory_space<vmem>>, %arg8: memref<2x4x128xi32, #tpu.memory_space<vmem>>, %arg9: memref<2x512x16xf32, #tpu.memory_space<vmem>>, %arg10: memref<512x16xf32, #tpu.memory_space<vmem>>, %arg11: memref<100352x16xf32, #tpu.memory_space<vmem_shared>>, %arg12: memref<!tpu.dma_semaphore, #tpu.memory_space<semaphore_mem>>, %arg13: memref<!tpu.dma_semaphore, #tpu.memory_space<semaphore_mem>>, %arg14: memref<!tpu.dma_semaphore, #tpu.memory_space<semaphore_mem>>, %arg15: memref<!tpu.dma_semaphore, #tpu.memory_space<semaphore_mem>>, %arg16: memref<!tpu.dma_semaphore, #tpu.memory_space<semaphore_mem>>, %arg17: memref<!tpu.dma_semaphore, #tpu.memory_space<semaphore_mem>>) attributes {dimension_semantics = [#tpu.dimension_semantics<core_parallel>, #tpu.dimension_semantics<subcore_parallel>], iteration_bounds = array<i64: 2, 16>, scalar_prefetch = 0 : i64, scratch_operands = 11 : i64, tpu.core_type = #tpu.core_type<sc_vector_subcore>, window_params = [{transform_indices = #map}, {transform_indices = #map}, {transform_indices = #map}, {transform_indices = #map}, {transform_indices = #map}]} {
    %eq3A = arith.constant 0 : i32
    %eq3A_0 = arith.cmpi eq, %arg0, %eq3A : i32
    %jit3A = arith.constant 218 : i32
    %jit3A_1 = arith.constant 174 : i32
    %select_n3A = arith.select %eq3A_0, %jit3A, %jit3A_1 : i32
    %eq3A_2 = arith.constant 0 : i32
    %eq3A_3 = arith.cmpi eq, %arg0, %eq3A_2 : i32
    %mul3A = arith.constant 218 : i32
    %mul3A_4 = arith.muli %arg1, %mul3A : i32
    %mul3A_5 = arith.constant 174 : i32
    %mul3A_6 = arith.muli %arg1, %mul3A_5 : i32
    %add3A = arith.constant 3488 : i32
    %add3A_7 = arith.addi %add3A, %mul3A_6 : i32
    %select_n3A_8 = arith.select %eq3A_3, %mul3A_4, %add3A_7 : i32
    %mul3A_9 = arith.constant 4 : i32
    %mul3A_10 = arith.muli %select_n3A_8, %mul3A_9 : i32
    %dma_start3A = arith.constant 0 : i32
    %dma_start3A_11 = arith.constant 0 : i32
    %dma_start3A_12 = arith.constant 0 : i32
    %dma_start3A_13 = tpu.memref_slice %arg7[%dma_start3A, %dma_start3A_11, %dma_start3A_12] : memref<2x4x128xi32, #tpu.memory_space<vmem>> -> memref<1x4x128xi32, #tpu.memory_space<vmem>>
    %dma_start3A_14 = tpu.memref_squeeze %dma_start3A_13 : memref<1x4x128xi32, #tpu.memory_space<vmem>> -> memref<4x128xi32, #tpu.memory_space<vmem>>
    %dma_start3A_15 = arith.constant 0 : i32
    %dma_start3A_16 = tpu.memref_slice %arg3[%mul3A_10, %dma_start3A_15] : memref<25088x128xi32, #tpu.memory_space<hbm>> -> memref<4x128xi32, #tpu.memory_space<hbm>>
    %dma_start3A_17 = arith.constant 0 : i32
    %dma_start3A_18 = arith.constant 0 : i32
    %dma_start3A_19 = tpu.memref_slice %arg7[%dma_start3A, %dma_start3A_17, %dma_start3A_18] : memref<2x4x128xi32, #tpu.memory_space<vmem>> -> memref<1x4x128xi32, #tpu.memory_space<vmem>>
    %dma_start3A_20 = tpu.memref_squeeze %dma_start3A_19 : memref<1x4x128xi32, #tpu.memory_space<vmem>> -> memref<4x128xi32, #tpu.memory_space<vmem>>
    %dma_start3A_21 = arith.constant 0 : i32
    %dma_start3A_22 = tpu.memref_slice %arg3[%mul3A_10, %dma_start3A_21] : memref<25088x128xi32, #tpu.memory_space<hbm>> -> memref<4x128xi32, #tpu.memory_space<hbm>>
    tpu.enqueue_dma source(%dma_start3A_22 : memref<4x128xi32, #tpu.memory_space<hbm>>) target(%dma_start3A_20 : memref<4x128xi32, #tpu.memory_space<vmem>>) target_semaphore(%arg12 : memref<!tpu.dma_semaphore, #tpu.memory_space<semaphore_mem>>)
    %dma_start3A_23 = arith.constant 0 : i32
    %dma_start3A_24 = arith.constant 0 : i32
    %dma_start3A_25 = arith.constant 0 : i32
    %dma_start3A_26 = tpu.memref_slice %arg8[%dma_start3A_23, %dma_start3A_24, %dma_start3A_25] : memref<2x4x128xi32, #tpu.memory_space<vmem>> -> memref<1x4x128xi32, #tpu.memory_space<vmem>>
    %dma_start3A_27 = tpu.memref_squeeze %dma_start3A_26 : memref<1x4x128xi32, #tpu.memory_space<vmem>> -> memref<4x128xi32, #tpu.memory_space<vmem>>
    %dma_start3A_28 = arith.constant 0 : i32
    %dma_start3A_29 = tpu.memref_slice %arg4[%mul3A_10, %dma_start3A_28] : memref<25088x128xi32, #tpu.memory_space<hbm>> -> memref<4x128xi32, #tpu.memory_space<hbm>>
    %dma_start3A_30 = arith.constant 0 : i32
    %dma_start3A_31 = arith.constant 0 : i32
    %dma_start3A_32 = tpu.memref_slice %arg8[%dma_start3A_23, %dma_start3A_30, %dma_start3A_31] : memref<2x4x128xi32, #tpu.memory_space<vmem>> -> memref<1x4x128xi32, #tpu.memory_space<vmem>>
    %dma_start3A_33 = tpu.memref_squeeze %dma_start3A_32 : memref<1x4x128xi32, #tpu.memory_space<vmem>> -> memref<4x128xi32, #tpu.memory_space<vmem>>
    %dma_start3A_34 = arith.constant 0 : i32
    %dma_start3A_35 = tpu.memref_slice %arg4[%mul3A_10, %dma_start3A_34] : memref<25088x128xi32, #tpu.memory_space<hbm>> -> memref<4x128xi32, #tpu.memory_space<hbm>>
    tpu.enqueue_dma source(%dma_start3A_35 : memref<4x128xi32, #tpu.memory_space<hbm>>) target(%dma_start3A_33 : memref<4x128xi32, #tpu.memory_space<vmem>>) target_semaphore(%arg12 : memref<!tpu.dma_semaphore, #tpu.memory_space<semaphore_mem>>)
    %scan3A = arith.constant 0 : i32
    %scan3A_36 = arith.constant 0 : i32
    %scan3A_37 = arith.constant 512 : i32
    %scan3A_38 = arith.addi %scan3A_36, %scan3A_37 : i32
    %scan3A_39 = arith.constant 1 : i32
    scf.for %scan3A_198 = %scan3A_36 to %scan3A_38 step %scan3A_39  : i32 {
      %broadcast_in_dim3A = arith.constant 0.000000e+00 : f32
      %broadcast_in_dim3A_199 = vector.broadcast %broadcast_in_dim3A : f32 to vector<16xf32>
      %swap3A = arith.index_cast %scan3A_198 : i32 to index
      %swap3A_200 = arith.constant 0 : index
      %swap3A_201 = tpu.vector_load %arg10[%swap3A, %swap3A_200] {strides = array<i32>} : memref<512x16xf32, #tpu.memory_space<vmem>>, vector<1x16xf32>,
      %swap3A_202 = vector.shape_cast %swap3A_201 : vector<1x16xf32> to vector<16xf32>
      %swap3A_203 = vector.shape_cast %broadcast_in_dim3A_199 : vector<16xf32> to vector<1x16xf32>
      tpu.vector_store %arg10[%swap3A, %swap3A_200], %swap3A_203 {strides = array<i32>} : memref<512x16xf32, #tpu.memory_space<vmem>>, vector<1x16xf32>,
    }
    %scan3A_40 = arith.constant 512 : i32
    %mul3A_41 = arith.constant 6272 : i32
    %mul3A_42 = arith.muli %arg1, %mul3A_41 : i32
    %add3A_43 = arith.constant 0 : i32
    %add3A_44 = arith.addi %mul3A_42, %add3A_43 : i32
    "tpu.region"() ({
      %run_scoped3A = tpu.sem_alloc : memref<!tpu.dma_semaphore, #tpu.memory_space<semaphore_mem>>
      %dma_start3A_198 = arith.constant 0 : i32
      %dma_start3A_199 = tpu.memref_slice %arg11[%add3A_44, %dma_start3A_198] : memref<100352x16xf32, #tpu.memory_space<vmem_shared>> -> memref<512x16xf32, #tpu.memory_space<vmem_shared>>
      %dma_start3A_200 = arith.constant 0 : i32
      %dma_start3A_201 = tpu.memref_slice %arg11[%add3A_44, %dma_start3A_200] : memref<100352x16xf32, #tpu.memory_space<vmem_shared>> -> memref<512x16xf32, #tpu.memory_space<vmem_shared>>
      tpu.enqueue_dma source(%arg10 : memref<512x16xf32, #tpu.memory_space<vmem>>) target(%dma_start3A_201 : memref<512x16xf32, #tpu.memory_space<vmem_shared>>) target_semaphore(%run_scoped3A : memref<!tpu.dma_semaphore, #tpu.memory_space<semaphore_mem>>)
      %dma_wait3A_202 = arith.constant 0 : i32
      %dma_wait3A_203 = tpu.memref_slice %arg11[%add3A_44, %dma_wait3A_202] : memref<100352x16xf32, #tpu.memory_space<vmem_shared>> -> memref<512x16xf32, #tpu.memory_space<vmem_shared>>
      %dma_wait3A_204 = arith.constant 0 : i32
      %dma_wait3A_205 = tpu.memref_slice %arg11[%add3A_44, %dma_wait3A_204] : memref<100352x16xf32, #tpu.memory_space<vmem_shared>> -> memref<512x16xf32, #tpu.memory_space<vmem_shared>>
      tpu.wait_dma2 semaphore(%run_scoped3A : memref<!tpu.dma_semaphore, #tpu.memory_space<semaphore_mem>>) src(%arg10 : memref<512x16xf32, #tpu.memory_space<vmem>>) dst(%dma_wait3A_205 : memref<512x16xf32, #tpu.memory_space<vmem_shared>>)
      tpu.yield
    }) : () -> ()
    %add3A_45 = arith.constant 512 : i32
    %add3A_46 = arith.addi %mul3A_42, %add3A_45 : i32
    "tpu.region"() ({
      %run_scoped3A = tpu.sem_alloc : memref<!tpu.dma_semaphore, #tpu.memory_space<semaphore_mem>>
      %dma_start3A_198 = arith.constant 0 : i32
      %dma_start3A_199 = tpu.memref_slice %arg11[%add3A_46, %dma_start3A_198] : memref<100352x16xf32, #tpu.memory_space<vmem_shared>> -> memref<512x16xf32, #tpu.memory_space<vmem_shared>>
      %dma_start3A_200 = arith.constant 0 : i32
      %dma_start3A_201 = tpu.memref_slice %arg11[%add3A_46, %dma_start3A_200] : memref<100352x16xf32, #tpu.memory_space<vmem_shared>> -> memref<512x16xf32, #tpu.memory_space<vmem_shared>>
      tpu.enqueue_dma source(%arg10 : memref<512x16xf32, #tpu.memory_space<vmem>>) target(%dma_start3A_201 : memref<512x16xf32, #tpu.memory_space<vmem_shared>>) target_semaphore(%run_scoped3A : memref<!tpu.dma_semaphore, #tpu.memory_space<semaphore_mem>>)
      %dma_wait3A_202 = arith.constant 0 : i32
      %dma_wait3A_203 = tpu.memref_slice %arg11[%add3A_46, %dma_wait3A_202] : memref<100352x16xf32, #tpu.memory_space<vmem_shared>> -> memref<512x16xf32, #tpu.memory_space<vmem_shared>>
      %dma_wait3A_204 = arith.constant 0 : i32
      %dma_wait3A_205 = tpu.memref_slice %arg11[%add3A_46, %dma_wait3A_204] : memref<100352x16xf32, #tpu.memory_space<vmem_shared>> -> memref<512x16xf32, #tpu.memory_space<vmem_shared>>
      tpu.wait_dma2 semaphore(%run_scoped3A : memref<!tpu.dma_semaphore, #tpu.memory_space<semaphore_mem>>) src(%arg10 : memref<512x16xf32, #tpu.memory_space<vmem>>) dst(%dma_wait3A_205 : memref<512x16xf32, #tpu.memory_space<vmem_shared>>)
      tpu.yield
    }) : () -> ()
    %add3A_47 = arith.constant 1024 : i32
    %add3A_48 = arith.addi %mul3A_42, %add3A_47 : i32
    "tpu.region"() ({
      %run_scoped3A = tpu.sem_alloc : memref<!tpu.dma_semaphore, #tpu.memory_space<semaphore_mem>>
      %dma_start3A_198 = arith.constant 0 : i32
      %dma_start3A_199 = tpu.memref_slice %arg11[%add3A_48, %dma_start3A_198] : memref<100352x16xf32, #tpu.memory_space<vmem_shared>> -> memref<512x16xf32, #tpu.memory_space<vmem_shared>>
      %dma_start3A_200 = arith.constant 0 : i32
      %dma_start3A_201 = tpu.memref_slice %arg11[%add3A_48, %dma_start3A_200] : memref<100352x16xf32, #tpu.memory_space<vmem_shared>> -> memref<512x16xf32, #tpu.memory_space<vmem_shared>>
      tpu.enqueue_dma source(%arg10 : memref<512x16xf32, #tpu.memory_space<vmem>>) target(%dma_start3A_201 : memref<512x16xf32, #tpu.memory_space<vmem_shared>>) target_semaphore(%run_scoped3A : memref<!tpu.dma_semaphore, #tpu.memory_space<semaphore_mem>>)
      %dma_wait3A_202 = arith.constant 0 : i32
      %dma_wait3A_203 = tpu.memref_slice %arg11[%add3A_48, %dma_wait3A_202] : memref<100352x16xf32, #tpu.memory_space<vmem_shared>> -> memref<512x16xf32, #tpu.memory_space<vmem_shared>>
      %dma_wait3A_204 = arith.constant 0 : i32
      %dma_wait3A_205 = tpu.memref_slice %arg11[%add3A_48, %dma_wait3A_204] : memref<100352x16xf32, #tpu.memory_space<vmem_shared>> -> memref<512x16xf32, #tpu.memory_space<vmem_shared>>
      tpu.wait_dma2 semaphore(%run_scoped3A : memref<!tpu.dma_semaphore, #tpu.memory_space<semaphore_mem>>) src(%arg10 : memref<512x16xf32, #tpu.memory_space<vmem>>) dst(%dma_wait3A_205 : memref<512x16xf32, #tpu.memory_space<vmem_shared>>)
      tpu.yield
    }) : () -> ()
    %add3A_49 = arith.constant 1536 : i32
    %add3A_50 = arith.addi %mul3A_42, %add3A_49 : i32
    "tpu.region"() ({
      %run_scoped3A = tpu.sem_alloc : memref<!tpu.dma_semaphore, #tpu.memory_space<semaphore_mem>>
      %dma_start3A_198 = arith.constant 0 : i32
      %dma_start3A_199 = tpu.memref_slice %arg11[%add3A_50, %dma_start3A_198] : memref<100352x16xf32, #tpu.memory_space<vmem_shared>> -> memref<512x16xf32, #tpu.memory_space<vmem_shared>>
      %dma_start3A_200 = arith.constant 0 : i32
      %dma_start3A_201 = tpu.memref_slice %arg11[%add3A_50, %dma_start3A_200] : memref<100352x16xf32, #tpu.memory_space<vmem_shared>> -> memref<512x16xf32, #tpu.memory_space<vmem_shared>>
      tpu.enqueue_dma source(%arg10 : memref<512x16xf32, #tpu.memory_space<vmem>>) target(%dma_start3A_201 : memref<512x16xf32, #tpu.memory_space<vmem_shared>>) target_semaphore(%run_scoped3A : memref<!tpu.dma_semaphore, #tpu.memory_space<semaphore_mem>>)
      %dma_wait3A_202 = arith.constant 0 : i32
      %dma_wait3A_203 = tpu.memref_slice %arg11[%add3A_50, %dma_wait3A_202] : memref<100352x16xf32, #tpu.memory_space<vmem_shared>> -> memref<512x16xf32, #tpu.memory_space<vmem_shared>>
      %dma_wait3A_204 = arith.constant 0 : i32
      %dma_wait3A_205 = tpu.memref_slice %arg11[%add3A_50, %dma_wait3A_204] : memref<100352x16xf32, #tpu.memory_space<vmem_shared>> -> memref<512x16xf32, #tpu.memory_space<vmem_shared>>
      tpu.wait_dma2 semaphore(%run_scoped3A : memref<!tpu.dma_semaphore, #tpu.memory_space<semaphore_mem>>) src(%arg10 : memref<512x16xf32, #tpu.memory_space<vmem>>) dst(%dma_wait3A_205 : memref<512x16xf32, #tpu.memory_space<vmem_shared>>)
      tpu.yield
    }) : () -> ()
    %add3A_51 = arith.constant 2048 : i32
    %add3A_52 = arith.addi %mul3A_42, %add3A_51 : i32
    "tpu.region"() ({
      %run_scoped3A = tpu.sem_alloc : memref<!tpu.dma_semaphore, #tpu.memory_space<semaphore_mem>>
      %dma_start3A_198 = arith.constant 0 : i32
      %dma_start3A_199 = tpu.memref_slice %arg11[%add3A_52, %dma_start3A_198] : memref<100352x16xf32, #tpu.memory_space<vmem_shared>> -> memref<512x16xf32, #tpu.memory_space<vmem_shared>>
      %dma_start3A_200 = arith.constant 0 : i32
      %dma_start3A_201 = tpu.memref_slice %arg11[%add3A_52, %dma_start3A_200] : memref<100352x16xf32, #tpu.memory_space<vmem_shared>> -> memref<512x16xf32, #tpu.memory_space<vmem_shared>>
      tpu.enqueue_dma source(%arg10 : memref<512x16xf32, #tpu.memory_space<vmem>>) target(%dma_start3A_201 : memref<512x16xf32, #tpu.memory_space<vmem_shared>>) target_semaphore(%run_scoped3A : memref<!tpu.dma_semaphore, #tpu.memory_space<semaphore_mem>>)
      %dma_wait3A_202 = arith.constant 0 : i32
      %dma_wait3A_203 = tpu.memref_slice %arg11[%add3A_52, %dma_wait3A_202] : memref<100352x16xf32, #tpu.memory_space<vmem_shared>> -> memref<512x16xf32, #tpu.memory_space<vmem_shared>>
      %dma_wait3A_204 = arith.constant 0 : i32
      %dma_wait3A_205 = tpu.memref_slice %arg11[%add3A_52, %dma_wait3A_204] : memref<100352x16xf32, #tpu.memory_space<vmem_shared>> -> memref<512x16xf32, #tpu.memory_space<vmem_shared>>
      tpu.wait_dma2 semaphore(%run_scoped3A : memref<!tpu.dma_semaphore, #tpu.memory_space<semaphore_mem>>) src(%arg10 : memref<512x16xf32, #tpu.memory_space<vmem>>) dst(%dma_wait3A_205 : memref<512x16xf32, #tpu.memory_space<vmem_shared>>)
      tpu.yield
    }) : () -> ()
    %add3A_53 = arith.constant 2560 : i32
    %add3A_54 = arith.addi %mul3A_42, %add3A_53 : i32
    "tpu.region"() ({
      %run_scoped3A = tpu.sem_alloc : memref<!tpu.dma_semaphore, #tpu.memory_space<semaphore_mem>>
      %dma_start3A_198 = arith.constant 0 : i32
      %dma_start3A_199 = tpu.memref_slice %arg11[%add3A_54, %dma_start3A_198] : memref<100352x16xf32, #tpu.memory_space<vmem_shared>> -> memref<512x16xf32, #tpu.memory_space<vmem_shared>>
      %dma_start3A_200 = arith.constant 0 : i32
      %dma_start3A_201 = tpu.memref_slice %arg11[%add3A_54, %dma_start3A_200] : memref<100352x16xf32, #tpu.memory_space<vmem_shared>> -> memref<512x16xf32, #tpu.memory_space<vmem_shared>>
      tpu.enqueue_dma source(%arg10 : memref<512x16xf32, #tpu.memory_space<vmem>>) target(%dma_start3A_201 : memref<512x16xf32, #tpu.memory_space<vmem_shared>>) target_semaphore(%run_scoped3A : memref<!tpu.dma_semaphore, #tpu.memory_space<semaphore_mem>>)
      %dma_wait3A_202 = arith.constant 0 : i32
      %dma_wait3A_203 = tpu.memref_slice %arg11[%add3A_54, %dma_wait3A_202] : memref<100352x16xf32, #tpu.memory_space<vmem_shared>> -> memref<512x16xf32, #tpu.memory_space<vmem_shared>>
      %dma_wait3A_204 = arith.constant 0 : i32
      %dma_wait3A_205 = tpu.memref_slice %arg11[%add3A_54, %dma_wait3A_204] : memref<100352x16xf32, #tpu.memory_space<vmem_shared>> -> memref<512x16xf32, #tpu.memory_space<vmem_shared>>
      tpu.wait_dma2 semaphore(%run_scoped3A : memref<!tpu.dma_semaphore, #tpu.memory_space<semaphore_mem>>) src(%arg10 : memref<512x16xf32, #tpu.memory_space<vmem>>) dst(%dma_wait3A_205 : memref<512x16xf32, #tpu.memory_space<vmem_shared>>)
      tpu.yield
    }) : () -> ()
    %add3A_55 = arith.constant 3072 : i32
    %add3A_56 = arith.addi %mul3A_42, %add3A_55 : i32
    "tpu.region"() ({
      %run_scoped3A = tpu.sem_alloc : memref<!tpu.dma_semaphore, #tpu.memory_space<semaphore_mem>>
      %dma_start3A_198 = arith.constant 0 : i32
      %dma_start3A_199 = tpu.memref_slice %arg11[%add3A_56, %dma_start3A_198] : memref<100352x16xf32, #tpu.memory_space<vmem_shared>> -> memref<512x16xf32, #tpu.memory_space<vmem_shared>>
      %dma_start3A_200 = arith.constant 0 : i32
      %dma_start3A_201 = tpu.memref_slice %arg11[%add3A_56, %dma_start3A_200] : memref<100352x16xf32, #tpu.memory_space<vmem_shared>> -> memref<512x16xf32, #tpu.memory_space<vmem_shared>>
      tpu.enqueue_dma source(%arg10 : memref<512x16xf32, #tpu.memory_space<vmem>>) target(%dma_start3A_201 : memref<512x16xf32, #tpu.memory_space<vmem_shared>>) target_semaphore(%run_scoped3A : memref<!tpu.dma_semaphore, #tpu.memory_space<semaphore_mem>>)
      %dma_wait3A_202 = arith.constant 0 : i32
      %dma_wait3A_203 = tpu.memref_slice %arg11[%add3A_56, %dma_wait3A_202] : memref<100352x16xf32, #tpu.memory_space<vmem_shared>> -> memref<512x16xf32, #tpu.memory_space<vmem_shared>>
      %dma_wait3A_204 = arith.constant 0 : i32
      %dma_wait3A_205 = tpu.memref_slice %arg11[%add3A_56, %dma_wait3A_204] : memref<100352x16xf32, #tpu.memory_space<vmem_shared>> -> memref<512x16xf32, #tpu.memory_space<vmem_shared>>
      tpu.wait_dma2 semaphore(%run_scoped3A : memref<!tpu.dma_semaphore, #tpu.memory_space<semaphore_mem>>) src(%arg10 : memref<512x16xf32, #tpu.memory_space<vmem>>) dst(%dma_wait3A_205 : memref<512x16xf32, #tpu.memory_space<vmem_shared>>)
      tpu.yield
    }) : () -> ()
    %add3A_57 = arith.constant 3584 : i32
    %add3A_58 = arith.addi %mul3A_42, %add3A_57 : i32
    "tpu.region"() ({
      %run_scoped3A = tpu.sem_alloc : memref<!tpu.dma_semaphore, #tpu.memory_space<semaphore_mem>>
      %dma_start3A_198 = arith.constant 0 : i32
      %dma_start3A_199 = tpu.memref_slice %arg11[%add3A_58, %dma_start3A_198] : memref<100352x16xf32, #tpu.memory_space<vmem_shared>> -> memref<512x16xf32, #tpu.memory_space<vmem_shared>>
      %dma_start3A_200 = arith.constant 0 : i32
      %dma_start3A_201 = tpu.memref_slice %arg11[%add3A_58, %dma_start3A_200] : memref<100352x16xf32, #tpu.memory_space<vmem_shared>> -> memref<512x16xf32, #tpu.memory_space<vmem_shared>>
      tpu.enqueue_dma source(%arg10 : memref<512x16xf32, #tpu.memory_space<vmem>>) target(%dma_start3A_201 : memref<512x16xf32, #tpu.memory_space<vmem_shared>>) target_semaphore(%run_scoped3A : memref<!tpu.dma_semaphore, #tpu.memory_space<semaphore_mem>>)
      %dma_wait3A_202 = arith.constant 0 : i32
      %dma_wait3A_203 = tpu.memref_slice %arg11[%add3A_58, %dma_wait3A_202] : memref<100352x16xf32, #tpu.memory_space<vmem_shared>> -> memref<512x16xf32, #tpu.memory_space<vmem_shared>>
      %dma_wait3A_204 = arith.constant 0 : i32
      %dma_wait3A_205 = tpu.memref_slice %arg11[%add3A_58, %dma_wait3A_204] : memref<100352x16xf32, #tpu.memory_space<vmem_shared>> -> memref<512x16xf32, #tpu.memory_space<vmem_shared>>
      tpu.wait_dma2 semaphore(%run_scoped3A : memref<!tpu.dma_semaphore, #tpu.memory_space<semaphore_mem>>) src(%arg10 : memref<512x16xf32, #tpu.memory_space<vmem>>) dst(%dma_wait3A_205 : memref<512x16xf32, #tpu.memory_space<vmem_shared>>)
      tpu.yield
    }) : () -> ()
    %add3A_59 = arith.constant 4096 : i32
    %add3A_60 = arith.addi %mul3A_42, %add3A_59 : i32
    "tpu.region"() ({
      %run_scoped3A = tpu.sem_alloc : memref<!tpu.dma_semaphore, #tpu.memory_space<semaphore_mem>>
      %dma_start3A_198 = arith.constant 0 : i32
      %dma_start3A_199 = tpu.memref_slice %arg11[%add3A_60, %dma_start3A_198] : memref<100352x16xf32, #tpu.memory_space<vmem_shared>> -> memref<512x16xf32, #tpu.memory_space<vmem_shared>>
      %dma_start3A_200 = arith.constant 0 : i32
      %dma_start3A_201 = tpu.memref_slice %arg11[%add3A_60, %dma_start3A_200] : memref<100352x16xf32, #tpu.memory_space<vmem_shared>> -> memref<512x16xf32, #tpu.memory_space<vmem_shared>>
      tpu.enqueue_dma source(%arg10 : memref<512x16xf32, #tpu.memory_space<vmem>>) target(%dma_start3A_201 : memref<512x16xf32, #tpu.memory_space<vmem_shared>>) target_semaphore(%run_scoped3A : memref<!tpu.dma_semaphore, #tpu.memory_space<semaphore_mem>>)
      %dma_wait3A_202 = arith.constant 0 : i32
      %dma_wait3A_203 = tpu.memref_slice %arg11[%add3A_60, %dma_wait3A_202] : memref<100352x16xf32, #tpu.memory_space<vmem_shared>> -> memref<512x16xf32, #tpu.memory_space<vmem_shared>>
      %dma_wait3A_204 = arith.constant 0 : i32
      %dma_wait3A_205 = tpu.memref_slice %arg11[%add3A_60, %dma_wait3A_204] : memref<100352x16xf32, #tpu.memory_space<vmem_shared>> -> memref<512x16xf32, #tpu.memory_space<vmem_shared>>
      tpu.wait_dma2 semaphore(%run_scoped3A : memref<!tpu.dma_semaphore, #tpu.memory_space<semaphore_mem>>) src(%arg10 : memref<512x16xf32, #tpu.memory_space<vmem>>) dst(%dma_wait3A_205 : memref<512x16xf32, #tpu.memory_space<vmem_shared>>)
      tpu.yield
    }) : () -> ()
    %add3A_61 = arith.constant 4608 : i32
    %add3A_62 = arith.addi %mul3A_42, %add3A_61 : i32
    "tpu.region"() ({
      %run_scoped3A = tpu.sem_alloc : memref<!tpu.dma_semaphore, #tpu.memory_space<semaphore_mem>>
      %dma_start3A_198 = arith.constant 0 : i32
      %dma_start3A_199 = tpu.memref_slice %arg11[%add3A_62, %dma_start3A_198] : memref<100352x16xf32, #tpu.memory_space<vmem_shared>> -> memref<512x16xf32, #tpu.memory_space<vmem_shared>>
      %dma_start3A_200 = arith.constant 0 : i32
      %dma_start3A_201 = tpu.memref_slice %arg11[%add3A_62, %dma_start3A_200] : memref<100352x16xf32, #tpu.memory_space<vmem_shared>> -> memref<512x16xf32, #tpu.memory_space<vmem_shared>>
      tpu.enqueue_dma source(%arg10 : memref<512x16xf32, #tpu.memory_space<vmem>>) target(%dma_start3A_201 : memref<512x16xf32, #tpu.memory_space<vmem_shared>>) target_semaphore(%run_scoped3A : memref<!tpu.dma_semaphore, #tpu.memory_space<semaphore_mem>>)
      %dma_wait3A_202 = arith.constant 0 : i32
      %dma_wait3A_203 = tpu.memref_slice %arg11[%add3A_62, %dma_wait3A_202] : memref<100352x16xf32, #tpu.memory_space<vmem_shared>> -> memref<512x16xf32, #tpu.memory_space<vmem_shared>>
      %dma_wait3A_204 = arith.constant 0 : i32
      %dma_wait3A_205 = tpu.memref_slice %arg11[%add3A_62, %dma_wait3A_204] : memref<100352x16xf32, #tpu.memory_space<vmem_shared>> -> memref<512x16xf32, #tpu.memory_space<vmem_shared>>
      tpu.wait_dma2 semaphore(%run_scoped3A : memref<!tpu.dma_semaphore, #tpu.memory_space<semaphore_mem>>) src(%arg10 : memref<512x16xf32, #tpu.memory_space<vmem>>) dst(%dma_wait3A_205 : memref<512x16xf32, #tpu.memory_space<vmem_shared>>)
      tpu.yield
    }) : () -> ()
    %add3A_63 = arith.constant 5120 : i32
    %add3A_64 = arith.addi %mul3A_42, %add3A_63 : i32
    "tpu.region"() ({
      %run_scoped3A = tpu.sem_alloc : memref<!tpu.dma_semaphore, #tpu.memory_space<semaphore_mem>>
      %dma_start3A_198 = arith.constant 0 : i32
      %dma_start3A_199 = tpu.memref_slice %arg11[%add3A_64, %dma_start3A_198] : memref<100352x16xf32, #tpu.memory_space<vmem_shared>> -> memref<512x16xf32, #tpu.memory_space<vmem_shared>>
      %dma_start3A_200 = arith.constant 0 : i32
      %dma_start3A_201 = tpu.memref_slice %arg11[%add3A_64, %dma_start3A_200] : memref<100352x16xf32, #tpu.memory_space<vmem_shared>> -> memref<512x16xf32, #tpu.memory_space<vmem_shared>>
      tpu.enqueue_dma source(%arg10 : memref<512x16xf32, #tpu.memory_space<vmem>>) target(%dma_start3A_201 : memref<512x16xf32, #tpu.memory_space<vmem_shared>>) target_semaphore(%run_scoped3A : memref<!tpu.dma_semaphore, #tpu.memory_space<semaphore_mem>>)
      %dma_wait3A_202 = arith.constant 0 : i32
      %dma_wait3A_203 = tpu.memref_slice %arg11[%add3A_64, %dma_wait3A_202] : memref<100352x16xf32, #tpu.memory_space<vmem_shared>> -> memref<512x16xf32, #tpu.memory_space<vmem_shared>>
      %dma_wait3A_204 = arith.constant 0 : i32
      %dma_wait3A_205 = tpu.memref_slice %arg11[%add3A_64, %dma_wait3A_204] : memref<100352x16xf32, #tpu.memory_space<vmem_shared>> -> memref<512x16xf32, #tpu.memory_space<vmem_shared>>
      tpu.wait_dma2 semaphore(%run_scoped3A : memref<!tpu.dma_semaphore, #tpu.memory_space<semaphore_mem>>) src(%arg10 : memref<512x16xf32, #tpu.memory_space<vmem>>) dst(%dma_wait3A_205 : memref<512x16xf32, #tpu.memory_space<vmem_shared>>)
      tpu.yield
    }) : () -> ()
    %add3A_65 = arith.constant 5632 : i32
    %add3A_66 = arith.addi %mul3A_42, %add3A_65 : i32
    "tpu.region"() ({
      %run_scoped3A = tpu.sem_alloc : memref<!tpu.dma_semaphore, #tpu.memory_space<semaphore_mem>>
      %dma_start3A_198 = arith.constant 0 : i32
      %dma_start3A_199 = tpu.memref_slice %arg11[%add3A_66, %dma_start3A_198] : memref<100352x16xf32, #tpu.memory_space<vmem_shared>> -> memref<512x16xf32, #tpu.memory_space<vmem_shared>>
      %dma_start3A_200 = arith.constant 0 : i32
      %dma_start3A_201 = tpu.memref_slice %arg11[%add3A_66, %dma_start3A_200] : memref<100352x16xf32, #tpu.memory_space<vmem_shared>> -> memref<512x16xf32, #tpu.memory_space<vmem_shared>>
      tpu.enqueue_dma source(%arg10 : memref<512x16xf32, #tpu.memory_space<vmem>>) target(%dma_start3A_201 : memref<512x16xf32, #tpu.memory_space<vmem_shared>>) target_semaphore(%run_scoped3A : memref<!tpu.dma_semaphore, #tpu.memory_space<semaphore_mem>>)
      %dma_wait3A_202 = arith.constant 0 : i32
      %dma_wait3A_203 = tpu.memref_slice %arg11[%add3A_66, %dma_wait3A_202] : memref<100352x16xf32, #tpu.memory_space<vmem_shared>> -> memref<512x16xf32, #tpu.memory_space<vmem_shared>>
      %dma_wait3A_204 = arith.constant 0 : i32
      %dma_wait3A_205 = tpu.memref_slice %arg11[%add3A_66, %dma_wait3A_204] : memref<100352x16xf32, #tpu.memory_space<vmem_shared>> -> memref<512x16xf32, #tpu.memory_space<vmem_shared>>
      tpu.wait_dma2 semaphore(%run_scoped3A : memref<!tpu.dma_semaphore, #tpu.memory_space<semaphore_mem>>) src(%arg10 : memref<512x16xf32, #tpu.memory_space<vmem>>) dst(%dma_wait3A_205 : memref<512x16xf32, #tpu.memory_space<vmem_shared>>)
      tpu.yield
    }) : () -> ()
    %add3A_67 = arith.constant 6144 : i32
    %add3A_68 = arith.addi %mul3A_42, %add3A_67 : i32
    "tpu.region"() ({
      %run_scoped3A = tpu.sem_alloc : memref<!tpu.dma_semaphore, #tpu.memory_space<semaphore_mem>>
      %dma_start3A_198 = arith.constant 0 : i32
      %dma_start3A_199 = arith.constant 0 : i32
      %dma_start3A_200 = tpu.memref_slice %arg10[%dma_start3A_198, %dma_start3A_199] : memref<512x16xf32, #tpu.memory_space<vmem>> -> memref<128x16xf32, #tpu.memory_space<vmem>>
      %dma_start3A_201 = arith.constant 0 : i32
      %dma_start3A_202 = tpu.memref_slice %arg11[%add3A_68, %dma_start3A_201] : memref<100352x16xf32, #tpu.memory_space<vmem_shared>> -> memref<128x16xf32, #tpu.memory_space<vmem_shared>>
      %dma_start3A_203 = arith.constant 0 : i32
      %dma_start3A_204 = tpu.memref_slice %arg11[%add3A_68, %dma_start3A_203] : memref<100352x16xf32, #tpu.memory_space<vmem_shared>> -> memref<128x16xf32, #tpu.memory_space<vmem_shared>>
      %dma_start3A_205 = arith.constant 0 : i32
      %dma_start3A_206 = arith.constant 0 : i32
      %dma_start3A_207 = tpu.memref_slice %arg10[%dma_start3A_205, %dma_start3A_206] : memref<512x16xf32, #tpu.memory_space<vmem>> -> memref<128x16xf32, #tpu.memory_space<vmem>>
      tpu.enqueue_dma source(%dma_start3A_207 : memref<128x16xf32, #tpu.memory_space<vmem>>) target(%dma_start3A_204 : memref<128x16xf32, #tpu.memory_space<vmem_shared>>) target_semaphore(%run_scoped3A : memref<!tpu.dma_semaphore, #tpu.memory_space<semaphore_mem>>)
      %dma_wait3A_208 = arith.constant 0 : i32
      %dma_wait3A_209 = arith.constant 0 : i32
      %dma_wait3A_210 = tpu.memref_slice %arg10[%dma_wait3A_208, %dma_wait3A_209] : memref<512x16xf32, #tpu.memory_space<vmem>> -> memref<128x16xf32, #tpu.memory_space<vmem>>
      %dma_wait3A_211 = arith.constant 0 : i32
      %dma_wait3A_212 = tpu.memref_slice %arg11[%add3A_68, %dma_wait3A_211] : memref<100352x16xf32, #tpu.memory_space<vmem_shared>> -> memref<128x16xf32, #tpu.memory_space<vmem_shared>>
      %dma_wait3A_213 = arith.constant 0 : i32
      %dma_wait3A_214 = tpu.memref_slice %arg11[%add3A_68, %dma_wait3A_213] : memref<100352x16xf32, #tpu.memory_space<vmem_shared>> -> memref<128x16xf32, #tpu.memory_space<vmem_shared>>
      %dma_wait3A_215 = arith.constant 0 : i32
      %dma_wait3A_216 = arith.constant 0 : i32
      %dma_wait3A_217 = tpu.memref_slice %arg10[%dma_wait3A_215, %dma_wait3A_216] : memref<512x16xf32, #tpu.memory_space<vmem>> -> memref<128x16xf32, #tpu.memory_space<vmem>>
      tpu.wait_dma2 semaphore(%run_scoped3A : memref<!tpu.dma_semaphore, #tpu.memory_space<semaphore_mem>>) src(%dma_wait3A_217 : memref<128x16xf32, #tpu.memory_space<vmem>>) dst(%dma_wait3A_214 : memref<128x16xf32, #tpu.memory_space<vmem_shared>>)
      tpu.yield
    }) : () -> ()
    %dma_wait3A = arith.constant 0 : i32
    %dma_wait3A_69 = arith.constant 0 : i32
    %dma_wait3A_70 = arith.constant 0 : i32
    %dma_wait3A_71 = tpu.memref_slice %arg7[%dma_wait3A, %dma_wait3A_69, %dma_wait3A_70] : memref<2x4x128xi32, #tpu.memory_space<vmem>> -> memref<1x4x128xi32, #tpu.memory_space<vmem>>
    %dma_wait3A_72 = tpu.memref_squeeze %dma_wait3A_71 : memref<1x4x128xi32, #tpu.memory_space<vmem>> -> memref<4x128xi32, #tpu.memory_space<vmem>>
    %dma_wait3A_73 = arith.constant 0 : i32
    %dma_wait3A_74 = tpu.memref_slice %arg3[%mul3A_10, %dma_wait3A_73] : memref<25088x128xi32, #tpu.memory_space<hbm>> -> memref<4x128xi32, #tpu.memory_space<hbm>>
    %dma_wait3A_75 = arith.constant 0 : i32
    %dma_wait3A_76 = arith.constant 0 : i32
    %dma_wait3A_77 = tpu.memref_slice %arg7[%dma_wait3A, %dma_wait3A_75, %dma_wait3A_76] : memref<2x4x128xi32, #tpu.memory_space<vmem>> -> memref<1x4x128xi32, #tpu.memory_space<vmem>>
    %dma_wait3A_78 = tpu.memref_squeeze %dma_wait3A_77 : memref<1x4x128xi32, #tpu.memory_space<vmem>> -> memref<4x128xi32, #tpu.memory_space<vmem>>
    %dma_wait3A_79 = arith.constant 0 : i32
    %dma_wait3A_80 = tpu.memref_slice %arg3[%mul3A_10, %dma_wait3A_79] : memref<25088x128xi32, #tpu.memory_space<hbm>> -> memref<4x128xi32, #tpu.memory_space<hbm>>
    tpu.wait_dma2 semaphore(%arg12 : memref<!tpu.dma_semaphore, #tpu.memory_space<semaphore_mem>>) src(%dma_wait3A_80 : memref<4x128xi32, #tpu.memory_space<hbm>>) dst(%dma_wait3A_78 : memref<4x128xi32, #tpu.memory_space<vmem>>)
    %dma_wait3A_81 = arith.constant 0 : i32
    %dma_wait3A_82 = arith.constant 0 : i32
    %dma_wait3A_83 = arith.constant 0 : i32
    %dma_wait3A_84 = tpu.memref_slice %arg8[%dma_wait3A_81, %dma_wait3A_82, %dma_wait3A_83] : memref<2x4x128xi32, #tpu.memory_space<vmem>> -> memref<1x4x128xi32, #tpu.memory_space<vmem>>
    %dma_wait3A_85 = tpu.memref_squeeze %dma_wait3A_84 : memref<1x4x128xi32, #tpu.memory_space<vmem>> -> memref<4x128xi32, #tpu.memory_space<vmem>>
    %dma_wait3A_86 = arith.constant 0 : i32
    %dma_wait3A_87 = tpu.memref_slice %arg4[%mul3A_10, %dma_wait3A_86] : memref<25088x128xi32, #tpu.memory_space<hbm>> -> memref<4x128xi32, #tpu.memory_space<hbm>>
    %dma_wait3A_88 = arith.constant 0 : i32
    %dma_wait3A_89 = arith.constant 0 : i32
    %dma_wait3A_90 = tpu.memref_slice %arg8[%dma_wait3A_81, %dma_wait3A_88, %dma_wait3A_89] : memref<2x4x128xi32, #tpu.memory_space<vmem>> -> memref<1x4x128xi32, #tpu.memory_space<vmem>>
    %dma_wait3A_91 = tpu.memref_squeeze %dma_wait3A_90 : memref<1x4x128xi32, #tpu.memory_space<vmem>> -> memref<4x128xi32, #tpu.memory_space<vmem>>
    %dma_wait3A_92 = arith.constant 0 : i32
    %dma_wait3A_93 = tpu.memref_slice %arg4[%mul3A_10, %dma_wait3A_92] : memref<25088x128xi32, #tpu.memory_space<hbm>> -> memref<4x128xi32, #tpu.memory_space<hbm>>
    tpu.wait_dma2 semaphore(%arg12 : memref<!tpu.dma_semaphore, #tpu.memory_space<semaphore_mem>>) src(%dma_wait3A_93 : memref<4x128xi32, #tpu.memory_space<hbm>>) dst(%dma_wait3A_91 : memref<4x128xi32, #tpu.memory_space<vmem>>)
    %dma_start3A_94 = arith.constant 0 : i32
    %dma_start3A_95 = arith.constant 0 : i32
    %dma_start3A_96 = arith.constant 0 : i32
    %dma_start3A_97 = arith.constant 0 : i32
    %dma_start3A_98 = arith.constant 0 : i32
    %dma_start3A_99 = tpu.memref_slice %arg9[%dma_start3A_96, %dma_start3A_97, %dma_start3A_98] : memref<2x512x16xf32, #tpu.memory_space<vmem>> -> memref<1x128x16xf32, #tpu.memory_space<vmem>>
    %dma_start3A_100 = tpu.memref_squeeze %dma_start3A_99 : memref<1x128x16xf32, #tpu.memory_space<vmem>> -> memref<128x16xf32, #tpu.memory_space<vmem>>
    %dma_start3A_101 = arith.constant 0 : i32
    %dma_start3A_102 = arith.constant 0 : i32
    %dma_start3A_103 = tpu.memref_slice %arg7[%dma_start3A_94, %dma_start3A_101, %dma_start3A_102] : memref<2x4x128xi32, #tpu.memory_space<vmem>> -> memref<1x4x128xi32, #tpu.memory_space<vmem>>
    %dma_start3A_104 = tpu.memref_squeeze %dma_start3A_103 : memref<1x4x128xi32, #tpu.memory_space<vmem>> -> memref<4x128xi32, #tpu.memory_space<vmem>>
    %dma_start3A_105 = arith.constant 0 : i32
    %dma_start3A_106 = tpu.memref_slice %dma_start3A_104[%dma_start3A_95, %dma_start3A_105] : memref<4x128xi32, #tpu.memory_space<vmem>> -> memref<1x128xi32, #tpu.memory_space<vmem>>
    %dma_start3A_107 = tpu.memref_squeeze %dma_start3A_106 : memref<1x128xi32, #tpu.memory_space<vmem>> -> memref<128xi32, #tpu.memory_space<vmem>>
    %dma_start3A_108 = arith.constant 0 : i32
    %dma_start3A_109 = arith.constant 0 : i32
    %dma_start3A_110 = tpu.memref_slice %arg2[%dma_start3A_108, %dma_start3A_109] : memref<100352x16xf32, #tpu.memory_space<hbm>> -> memref<100352x16xf32, #tpu.memory_space<hbm>>
    tpu.enqueue_indirect_dma source(%dma_start3A_110 : memref<100352x16xf32, #tpu.memory_space<hbm>>) target(%dma_start3A_100 : memref<128x16xf32, #tpu.memory_space<vmem>>) offsets(%dma_start3A_107 : memref<128xi32, #tpu.memory_space<vmem>>) semaphore(%arg14 : memref<!tpu.dma_semaphore, #tpu.memory_space<semaphore_mem>>)
    %dma_start3A_111 = arith.constant 0 : i32
    %dma_start3A_112 = arith.constant 1 : i32
    %dma_start3A_113 = arith.constant 0 : i32
    %dma_start3A_114 = arith.constant 128 : i32
    %dma_start3A_115 = arith.constant 0 : i32
    %dma_start3A_116 = tpu.memref_slice %arg9[%dma_start3A_113, %dma_start3A_114, %dma_start3A_115] : memref<2x512x16xf32, #tpu.memory_space<vmem>> -> memref<1x128x16xf32, #tpu.memory_space<vmem>>
    %dma_start3A_117 = tpu.memref_squeeze %dma_start3A_116 : memref<1x128x16xf32, #tpu.memory_space<vmem>> -> memref<128x16xf32, #tpu.memory_space<vmem>>
    %dma_start3A_118 = arith.constant 0 : i32
    %dma_start3A_119 = arith.constant 0 : i32
    %dma_start3A_120 = tpu.memref_slice %arg7[%dma_start3A_111, %dma_start3A_118, %dma_start3A_119] : memref<2x4x128xi32, #tpu.memory_space<vmem>> -> memref<1x4x128xi32, #tpu.memory_space<vmem>>
    %dma_start3A_121 = tpu.memref_squeeze %dma_start3A_120 : memref<1x4x128xi32, #tpu.memory_space<vmem>> -> memref<4x128xi32, #tpu.memory_space<vmem>>
    %dma_start3A_122 = arith.constant 0 : i32
    %dma_start3A_123 = tpu.memref_slice %dma_start3A_121[%dma_start3A_112, %dma_start3A_122] : memref<4x128xi32, #tpu.memory_space<vmem>> -> memref<1x128xi32, #tpu.memory_space<vmem>>
    %dma_start3A_124 = tpu.memref_squeeze %dma_start3A_123 : memref<1x128xi32, #tpu.memory_space<vmem>> -> memref<128xi32, #tpu.memory_space<vmem>>
    %dma_start3A_125 = arith.constant 0 : i32
    %dma_start3A_126 = arith.constant 0 : i32
    %dma_start3A_127 = tpu.memref_slice %arg2[%dma_start3A_125, %dma_start3A_126] : memref<100352x16xf32, #tpu.memory_space<hbm>> -> memref<100352x16xf32, #tpu.memory_space<hbm>>
    tpu.enqueue_indirect_dma source(%dma_start3A_127 : memref<100352x16xf32, #tpu.memory_space<hbm>>) target(%dma_start3A_117 : memref<128x16xf32, #tpu.memory_space<vmem>>) offsets(%dma_start3A_124 : memref<128xi32, #tpu.memory_space<vmem>>) semaphore(%arg14 : memref<!tpu.dma_semaphore, #tpu.memory_space<semaphore_mem>>)
    %dma_start3A_128 = arith.constant 0 : i32
    %dma_start3A_129 = arith.constant 2 : i32
    %dma_start3A_130 = arith.constant 0 : i32
    %dma_start3A_131 = arith.constant 256 : i32
    %dma_start3A_132 = arith.constant 0 : i32
    %dma_start3A_133 = tpu.memref_slice %arg9[%dma_start3A_130, %dma_start3A_131, %dma_start3A_132] : memref<2x512x16xf32, #tpu.memory_space<vmem>> -> memref<1x128x16xf32, #tpu.memory_space<vmem>>
    %dma_start3A_134 = tpu.memref_squeeze %dma_start3A_133 : memref<1x128x16xf32, #tpu.memory_space<vmem>> -> memref<128x16xf32, #tpu.memory_space<vmem>>
    %dma_start3A_135 = arith.constant 0 : i32
    %dma_start3A_136 = arith.constant 0 : i32
    %dma_start3A_137 = tpu.memref_slice %arg7[%dma_start3A_128, %dma_start3A_135, %dma_start3A_136] : memref<2x4x128xi32, #tpu.memory_space<vmem>> -> memref<1x4x128xi32, #tpu.memory_space<vmem>>
    %dma_start3A_138 = tpu.memref_squeeze %dma_start3A_137 : memref<1x4x128xi32, #tpu.memory_space<vmem>> -> memref<4x128xi32, #tpu.memory_space<vmem>>
    %dma_start3A_139 = arith.constant 0 : i32
    %dma_start3A_140 = tpu.memref_slice %dma_start3A_138[%dma_start3A_129, %dma_start3A_139] : memref<4x128xi32, #tpu.memory_space<vmem>> -> memref<1x128xi32, #tpu.memory_space<vmem>>
    %dma_start3A_141 = tpu.memref_squeeze %dma_start3A_140 : memref<1x128xi32, #tpu.memory_space<vmem>> -> memref<128xi32, #tpu.memory_space<vmem>>
    %dma_start3A_142 = arith.constant 0 : i32
    %dma_start3A_143 = arith.constant 0 : i32
    %dma_start3A_144 = tpu.memref_slice %arg2[%dma_start3A_142, %dma_start3A_143] : memref<100352x16xf32, #tpu.memory_space<hbm>> -> memref<100352x16xf32, #tpu.memory_space<hbm>>
    tpu.enqueue_indirect_dma source(%dma_start3A_144 : memref<100352x16xf32, #tpu.memory_space<hbm>>) target(%dma_start3A_134 : memref<128x16xf32, #tpu.memory_space<vmem>>) offsets(%dma_start3A_141 : memref<128xi32, #tpu.memory_space<vmem>>) semaphore(%arg14 : memref<!tpu.dma_semaphore, #tpu.memory_space<semaphore_mem>>)
    %dma_start3A_145 = arith.constant 0 : i32
    %dma_start3A_146 = arith.constant 3 : i32
    %dma_start3A_147 = arith.constant 0 : i32
    %dma_start3A_148 = arith.constant 384 : i32
    %dma_start3A_149 = arith.constant 0 : i32
    %dma_start3A_150 = tpu.memref_slice %arg9[%dma_start3A_147, %dma_start3A_148, %dma_start3A_149] : memref<2x512x16xf32, #tpu.memory_space<vmem>> -> memref<1x128x16xf32, #tpu.memory_space<vmem>>
    %dma_start3A_151 = tpu.memref_squeeze %dma_start3A_150 : memref<1x128x16xf32, #tpu.memory_space<vmem>> -> memref<128x16xf32, #tpu.memory_space<vmem>>
    %dma_start3A_152 = arith.constant 0 : i32
    %dma_start3A_153 = arith.constant 0 : i32
    %dma_start3A_154 = tpu.memref_slice %arg7[%dma_start3A_145, %dma_start3A_152, %dma_start3A_153] : memref<2x4x128xi32, #tpu.memory_space<vmem>> -> memref<1x4x128xi32, #tpu.memory_space<vmem>>
    %dma_start3A_155 = tpu.memref_squeeze %dma_start3A_154 : memref<1x4x128xi32, #tpu.memory_space<vmem>> -> memref<4x128xi32, #tpu.memory_space<vmem>>
    %dma_start3A_156 = arith.constant 0 : i32
    %dma_start3A_157 = tpu.memref_slice %dma_start3A_155[%dma_start3A_146, %dma_start3A_156] : memref<4x128xi32, #tpu.memory_space<vmem>> -> memref<1x128xi32, #tpu.memory_space<vmem>>
    %dma_start3A_158 = tpu.memref_squeeze %dma_start3A_157 : memref<1x128xi32, #tpu.memory_space<vmem>> -> memref<128xi32, #tpu.memory_space<vmem>>
    %dma_start3A_159 = arith.constant 0 : i32
    %dma_start3A_160 = arith.constant 0 : i32
    %dma_start3A_161 = tpu.memref_slice %arg2[%dma_start3A_159, %dma_start3A_160] : memref<100352x16xf32, #tpu.memory_space<hbm>> -> memref<100352x16xf32, #tpu.memory_space<hbm>>
    tpu.enqueue_indirect_dma source(%dma_start3A_161 : memref<100352x16xf32, #tpu.memory_space<hbm>>) target(%dma_start3A_151 : memref<128x16xf32, #tpu.memory_space<vmem>>) offsets(%dma_start3A_158 : memref<128xi32, #tpu.memory_space<vmem>>) semaphore(%arg14 : memref<!tpu.dma_semaphore, #tpu.memory_space<semaphore_mem>>)
    %barrier3A = arith.constant 0 : index
    tpu.barrier barrier_id(%barrier3A)
    %jit3A_162 = arith.constant 2 : i32
    %div3A = arith.divsi %select_n3A, %jit3A_162 : i32
    %sign3A = arith.constant 0 : i32
    %sign3A_163 = arith.cmpi sgt, %select_n3A, %sign3A : i32
    %sign3A_164 = arith.extui %sign3A_163 : i1 to i32
    %sign3A_165 = arith.constant 0 : i32
    %sign3A_166 = arith.cmpi slt, %select_n3A, %sign3A_165 : i32
    %sign3A_167 = arith.extui %sign3A_166 : i1 to i32
    %sign3A_168 = arith.subi %sign3A_164, %sign3A_167 : i32
    %sign3A_169 = arith.constant 0 : i32
    %sign3A_170 = arith.cmpi sgt, %jit3A_162, %sign3A_169 : i32
    %sign3A_171 = arith.extui %sign3A_170 : i1 to i32
    %sign3A_172 = arith.constant 0 : i32
    %sign3A_173 = arith.cmpi slt, %jit3A_162, %sign3A_172 : i32
    %sign3A_174 = arith.extui %sign3A_173 : i1 to i32
    %sign3A_175 = arith.subi %sign3A_171, %sign3A_174 : i32
    %ne3A = arith.cmpi ne, %sign3A_168, %sign3A_175 : i32
    %rem3A = arith.remsi %select_n3A, %jit3A_162 : i32
    %ne3A_176 = arith.constant 0 : i32
    %ne3A_177 = arith.cmpi ne, %rem3A, %ne3A_176 : i32
    %and3A = arith.andi %ne3A, %ne3A_177 : i1
    %sub3A = arith.constant 1 : i32
    %sub3A_178 = arith.subi %div3A, %sub3A : i32
    %select_n3A_179 = arith.select %and3A, %sub3A_178, %div3A : i32
    %while3A = arith.constant 0 : i32
    %while3A_180 = arith.constant 0 : i32
    %while3A_181 = arith.subi %select_n3A_179, %while3A_180 : i32
    %while3A_182 = arith.addi %while3A_180, %while3A_181 : i32
    %while3A_183 = arith.constant 1 : i32
    %while3A_184 = arith.divsi %while3A_181, %while3A_183 : i32
    %while3A_185 = arith.muli %while3A_184, %while3A_183 : i32
    %while3A_186 = arith.addi %while3A_180, %while3A_185 : i32
    %while3A_187 = arith.constant 1 : i32
    scf.for %while3A_198 = %while3A_180 to %while3A_186 step %while3A_187  : i32 {
      %mul3A_199 = arith.constant 2 : i32
      %mul3A_200 = arith.muli %while3A_198, %mul3A_199 : i32
      %add3A_201 = arith.constant 0 : i32
      %add3A_202 = arith.addi %mul3A_200, %add3A_201 : i32
      %add3A_203 = arith.constant 1 : i32
      %add3A_204 = arith.addi %add3A_202, %add3A_203 : i32
      %mul3A_205 = arith.constant 4 : i32
      %mul3A_206 = arith.muli %add3A_204, %mul3A_205 : i32
      %add3A_207 = arith.addi %mul3A_10, %mul3A_206 : i32
      %lt3A = arith.cmpi slt, %add3A_204, %select_n3A : i32
      %convert_element_type3A_208 = arith.extui %lt3A : i1 to i32
      %cond3A_209 = arith.constant 0 : i32
      %cond3A_210 = arith.cmpi ne, %convert_element_type3A_208, %cond3A_209 : i32
      scf.if %cond3A_210 {
        %dma_start3A_428 = arith.constant 1 : i32
        %dma_start3A_429 = arith.constant 0 : i32
        %dma_start3A_430 = arith.constant 0 : i32
        %dma_start3A_431 = tpu.memref_slice %arg7[%dma_start3A_428, %dma_start3A_429, %dma_start3A_430] : memref<2x4x128xi32, #tpu.memory_space<vmem>> -> memref<1x4x128xi32, #tpu.memory_space<vmem>>
        %dma_start3A_432 = tpu.memref_squeeze %dma_start3A_431 : memref<1x4x128xi32, #tpu.memory_space<vmem>> -> memref<4x128xi32, #tpu.memory_space<vmem>>
        %dma_start3A_433 = arith.constant 0 : i32
        %dma_start3A_434 = tpu.memref_slice %arg3[%add3A_207, %dma_start3A_433] : memref<25088x128xi32, #tpu.memory_space<hbm>> -> memref<4x128xi32, #tpu.memory_space<hbm>>
        %dma_start3A_435 = arith.constant 0 : i32
        %dma_start3A_436 = arith.constant 0 : i32
        %dma_start3A_437 = tpu.memref_slice %arg7[%dma_start3A_428, %dma_start3A_435, %dma_start3A_436] : memref<2x4x128xi32, #tpu.memory_space<vmem>> -> memref<1x4x128xi32, #tpu.memory_space<vmem>>
        %dma_start3A_438 = tpu.memref_squeeze %dma_start3A_437 : memref<1x4x128xi32, #tpu.memory_space<vmem>> -> memref<4x128xi32, #tpu.memory_space<vmem>>
        %dma_start3A_439 = arith.constant 0 : i32
        %dma_start3A_440 = tpu.memref_slice %arg3[%add3A_207, %dma_start3A_439] : memref<25088x128xi32, #tpu.memory_space<hbm>> -> memref<4x128xi32, #tpu.memory_space<hbm>>
        tpu.enqueue_dma source(%dma_start3A_440 : memref<4x128xi32, #tpu.memory_space<hbm>>) target(%dma_start3A_438 : memref<4x128xi32, #tpu.memory_space<vmem>>) target_semaphore(%arg13 : memref<!tpu.dma_semaphore, #tpu.memory_space<semaphore_mem>>)
        %dma_start3A_441 = arith.constant 1 : i32
        %dma_start3A_442 = arith.constant 0 : i32
        %dma_start3A_443 = arith.constant 0 : i32
        %dma_start3A_444 = tpu.memref_slice %arg8[%dma_start3A_441, %dma_start3A_442, %dma_start3A_443] : memref<2x4x128xi32, #tpu.memory_space<vmem>> -> memref<1x4x128xi32, #tpu.memory_space<vmem>>
        %dma_start3A_445 = tpu.memref_squeeze %dma_start3A_444 : memref<1x4x128xi32, #tpu.memory_space<vmem>> -> memref<4x128xi32, #tpu.memory_space<vmem>>
        %dma_start3A_446 = arith.constant 0 : i32
        %dma_start3A_447 = tpu.memref_slice %arg4[%add3A_207, %dma_start3A_446] : memref<25088x128xi32, #tpu.memory_space<hbm>> -> memref<4x128xi32, #tpu.memory_space<hbm>>
        %dma_start3A_448 = arith.constant 0 : i32
        %dma_start3A_449 = arith.constant 0 : i32
        %dma_start3A_450 = tpu.memref_slice %arg8[%dma_start3A_441, %dma_start3A_448, %dma_start3A_449] : memref<2x4x128xi32, #tpu.memory_space<vmem>> -> memref<1x4x128xi32, #tpu.memory_space<vmem>>
        %dma_start3A_451 = tpu.memref_squeeze %dma_start3A_450 : memref<1x4x128xi32, #tpu.memory_space<vmem>> -> memref<4x128xi32, #tpu.memory_space<vmem>>
        %dma_start3A_452 = arith.constant 0 : i32
        %dma_start3A_453 = tpu.memref_slice %arg4[%add3A_207, %dma_start3A_452] : memref<25088x128xi32, #tpu.memory_space<hbm>> -> memref<4x128xi32, #tpu.memory_space<hbm>>
        tpu.enqueue_dma source(%dma_start3A_453 : memref<4x128xi32, #tpu.memory_space<hbm>>) target(%dma_start3A_451 : memref<4x128xi32, #tpu.memory_space<vmem>>) target_semaphore(%arg13 : memref<!tpu.dma_semaphore, #tpu.memory_space<semaphore_mem>>)
      } else {
      }
      %dma_wait3A_211 = arith.constant 0 : i32
      %dma_wait3A_212 = arith.constant 0 : i32
      %dma_wait3A_213 = arith.constant 0 : i32
      %dma_wait3A_214 = tpu.memref_slice %arg9[%dma_wait3A_211, %dma_wait3A_212, %dma_wait3A_213] : memref<2x512x16xf32, #tpu.memory_space<vmem>> -> memref<1x512x16xf32, #tpu.memory_space<vmem>>
      %dma_wait3A_215 = tpu.memref_squeeze %dma_wait3A_214 : memref<1x512x16xf32, #tpu.memory_space<vmem>> -> memref<512x16xf32, #tpu.memory_space<vmem>>
      %dma_wait3A_216 = arith.constant 0 : i32
      %dma_wait3A_217 = arith.constant 0 : i32
      %dma_wait3A_218 = tpu.memref_slice %arg5[%dma_wait3A_216, %dma_wait3A_217] : memref<100352x16xf32, #tpu.memory_space<hbm>> -> memref<512x16xf32, #tpu.memory_space<hbm>>
      %dma_wait3A_219 = arith.constant 0 : i32
      %dma_wait3A_220 = arith.constant 0 : i32
      %dma_wait3A_221 = tpu.memref_slice %arg9[%dma_wait3A_211, %dma_wait3A_219, %dma_wait3A_220] : memref<2x512x16xf32, #tpu.memory_space<vmem>> -> memref<1x512x16xf32, #tpu.memory_space<vmem>>
      %dma_wait3A_222 = tpu.memref_squeeze %dma_wait3A_221 : memref<1x512x16xf32, #tpu.memory_space<vmem>> -> memref<512x16xf32, #tpu.memory_space<vmem>>
      %dma_wait3A_223 = arith.constant 0 : i32
      %dma_wait3A_224 = arith.constant 0 : i32
      %dma_wait3A_225 = tpu.memref_slice %arg5[%dma_wait3A_223, %dma_wait3A_224] : memref<100352x16xf32, #tpu.memory_space<hbm>> -> memref<512x16xf32, #tpu.memory_space<hbm>>
      tpu.wait_dma2 semaphore(%arg14 : memref<!tpu.dma_semaphore, #tpu.memory_space<semaphore_mem>>) src(%dma_wait3A_225 : memref<512x16xf32, #tpu.memory_space<hbm>>) dst(%dma_wait3A_222 : memref<512x16xf32, #tpu.memory_space<vmem>>)
      %dma_start3A_226 = arith.constant 0 : i32
      %dma_start3A_227 = arith.constant 0 : i32
      %dma_start3A_228 = arith.constant 0 : i32
      %dma_start3A_229 = arith.constant 0 : i32
      %dma_start3A_230 = arith.constant 0 : i32
      %dma_start3A_231 = tpu.memref_slice %arg9[%dma_start3A_226, %dma_start3A_229, %dma_start3A_230] : memref<2x512x16xf32, #tpu.memory_space<vmem>> -> memref<1x128x16xf32, #tpu.memory_space<vmem>>
      %dma_start3A_232 = tpu.memref_squeeze %dma_start3A_231 : memref<1x128x16xf32, #tpu.memory_space<vmem>> -> memref<128x16xf32, #tpu.memory_space<vmem>>
      %dma_start3A_233 = arith.constant 0 : i32
      %dma_start3A_234 = arith.constant 0 : i32
      %dma_start3A_235 = tpu.memref_slice %arg8[%dma_start3A_227, %dma_start3A_233, %dma_start3A_234] : memref<2x4x128xi32, #tpu.memory_space<vmem>> -> memref<1x4x128xi32, #tpu.memory_space<vmem>>
      %dma_start3A_236 = tpu.memref_squeeze %dma_start3A_235 : memref<1x4x128xi32, #tpu.memory_space<vmem>> -> memref<4x128xi32, #tpu.memory_space<vmem>>
      %dma_start3A_237 = arith.constant 0 : i32
      %dma_start3A_238 = tpu.memref_slice %dma_start3A_236[%dma_start3A_228, %dma_start3A_237] : memref<4x128xi32, #tpu.memory_space<vmem>> -> memref<1x128xi32, #tpu.memory_space<vmem>>
      %dma_start3A_239 = tpu.memref_squeeze %dma_start3A_238 : memref<1x128xi32, #tpu.memory_space<vmem>> -> memref<128xi32, #tpu.memory_space<vmem>>
      %dma_start3A_240 = arith.constant 0 : i32
      %dma_start3A_241 = arith.constant 0 : i32
      %dma_start3A_242 = tpu.memref_slice %arg11[%dma_start3A_240, %dma_start3A_241] : memref<100352x16xf32, #tpu.memory_space<vmem_shared>> -> memref<100352x16xf32, #tpu.memory_space<vmem_shared>>
      tpu.enqueue_indirect_dma source(%dma_start3A_232 : memref<128x16xf32, #tpu.memory_space<vmem>>) target(%dma_start3A_242 : memref<100352x16xf32, #tpu.memory_space<vmem_shared>>) offsets(%dma_start3A_239 : memref<128xi32, #tpu.memory_space<vmem>>) semaphore(%arg16 : memref<!tpu.dma_semaphore, #tpu.memory_space<semaphore_mem>>) {add = true}
      %dma_start3A_243 = arith.constant 0 : i32
      %dma_start3A_244 = arith.constant 0 : i32
      %dma_start3A_245 = arith.constant 1 : i32
      %dma_start3A_246 = arith.constant 128 : i32
      %dma_start3A_247 = arith.constant 0 : i32
      %dma_start3A_248 = tpu.memref_slice %arg9[%dma_start3A_243, %dma_start3A_246, %dma_start3A_247] : memref<2x512x16xf32, #tpu.memory_space<vmem>> -> memref<1x128x16xf32, #tpu.memory_space<vmem>>
      %dma_start3A_249 = tpu.memref_squeeze %dma_start3A_248 : memref<1x128x16xf32, #tpu.memory_space<vmem>> -> memref<128x16xf32, #tpu.memory_space<vmem>>
      %dma_start3A_250 = arith.constant 0 : i32
      %dma_start3A_251 = arith.constant 0 : i32
      %dma_start3A_252 = tpu.memref_slice %arg8[%dma_start3A_244, %dma_start3A_250, %dma_start3A_251] : memref<2x4x128xi32, #tpu.memory_space<vmem>> -> memref<1x4x128xi32, #tpu.memory_space<vmem>>
      %dma_start3A_253 = tpu.memref_squeeze %dma_start3A_252 : memref<1x4x128xi32, #tpu.memory_space<vmem>> -> memref<4x128xi32, #tpu.memory_space<vmem>>
      %dma_start3A_254 = arith.constant 0 : i32
      %dma_start3A_255 = tpu.memref_slice %dma_start3A_253[%dma_start3A_245, %dma_start3A_254] : memref<4x128xi32, #tpu.memory_space<vmem>> -> memref<1x128xi32, #tpu.memory_space<vmem>>
      %dma_start3A_256 = tpu.memref_squeeze %dma_start3A_255 : memref<1x128xi32, #tpu.memory_space<vmem>> -> memref<128xi32, #tpu.memory_space<vmem>>
      %dma_start3A_257 = arith.constant 0 : i32
      %dma_start3A_258 = arith.constant 0 : i32
      %dma_start3A_259 = tpu.memref_slice %arg11[%dma_start3A_257, %dma_start3A_258] : memref<100352x16xf32, #tpu.memory_space<vmem_shared>> -> memref<100352x16xf32, #tpu.memory_space<vmem_shared>>
      tpu.enqueue_indirect_dma source(%dma_start3A_249 : memref<128x16xf32, #tpu.memory_space<vmem>>) target(%dma_start3A_259 : memref<100352x16xf32, #tpu.memory_space<vmem_shared>>) offsets(%dma_start3A_256 : memref<128xi32, #tpu.memory_space<vmem>>) semaphore(%arg16 : memref<!tpu.dma_semaphore, #tpu.memory_space<semaphore_mem>>) {add = true}
      %dma_start3A_260 = arith.constant 0 : i32
      %dma_start3A_261 = arith.constant 0 : i32
      %dma_start3A_262 = arith.constant 2 : i32
      %dma_start3A_263 = arith.constant 256 : i32
      %dma_start3A_264 = arith.constant 0 : i32
      %dma_start3A_265 = tpu.memref_slice %arg9[%dma_start3A_260, %dma_start3A_263, %dma_start3A_264] : memref<2x512x16xf32, #tpu.memory_space<vmem>> -> memref<1x128x16xf32, #tpu.memory_space<vmem>>
      %dma_start3A_266 = tpu.memref_squeeze %dma_start3A_265 : memref<1x128x16xf32, #tpu.memory_space<vmem>> -> memref<128x16xf32, #tpu.memory_space<vmem>>
      %dma_start3A_267 = arith.constant 0 : i32
      %dma_start3A_268 = arith.constant 0 : i32
      %dma_start3A_269 = tpu.memref_slice %arg8[%dma_start3A_261, %dma_start3A_267, %dma_start3A_268] : memref<2x4x128xi32, #tpu.memory_space<vmem>> -> memref<1x4x128xi32, #tpu.memory_space<vmem>>
      %dma_start3A_270 = tpu.memref_squeeze %dma_start3A_269 : memref<1x4x128xi32, #tpu.memory_space<vmem>> -> memref<4x128xi32, #tpu.memory_space<vmem>>
      %dma_start3A_271 = arith.constant 0 : i32
      %dma_start3A_272 = tpu.memref_slice %dma_start3A_270[%dma_start3A_262, %dma_start3A_271] : memref<4x128xi32, #tpu.memory_space<vmem>> -> memref<1x128xi32, #tpu.memory_space<vmem>>
      %dma_start3A_273 = tpu.memref_squeeze %dma_start3A_272 : memref<1x128xi32, #tpu.memory_space<vmem>> -> memref<128xi32, #tpu.memory_space<vmem>>
      %dma_start3A_274 = arith.constant 0 : i32
      %dma_start3A_275 = arith.constant 0 : i32
      %dma_start3A_276 = tpu.memref_slice %arg11[%dma_start3A_274, %dma_start3A_275] : memref<100352x16xf32, #tpu.memory_space<vmem_shared>> -> memref<100352x16xf32, #tpu.memory_space<vmem_shared>>
      tpu.enqueue_indirect_dma source(%dma_start3A_266 : memref<128x16xf32, #tpu.memory_space<vmem>>) target(%dma_start3A_276 : memref<100352x16xf32, #tpu.memory_space<vmem_shared>>) offsets(%dma_start3A_273 : memref<128xi32, #tpu.memory_space<vmem>>) semaphore(%arg16 : memref<!tpu.dma_semaphore, #tpu.memory_space<semaphore_mem>>) {add = true}
      %dma_start3A_277 = arith.constant 0 : i32
      %dma_start3A_278 = arith.constant 0 : i32
      %dma_start3A_279 = arith.constant 3 : i32
      %dma_start3A_280 = arith.constant 384 : i32
      %dma_start3A_281 = arith.constant 0 : i32
      %dma_start3A_282 = tpu.memref_slice %arg9[%dma_start3A_277, %dma_start3A_280, %dma_start3A_281] : memref<2x512x16xf32, #tpu.memory_space<vmem>> -> memref<1x128x16xf32, #tpu.memory_space<vmem>>
      %dma_start3A_283 = tpu.memref_squeeze %dma_start3A_282 : memref<1x128x16xf32, #tpu.memory_space<vmem>> -> memref<128x16xf32, #tpu.memory_space<vmem>>
      %dma_start3A_284 = arith.constant 0 : i32
      %dma_start3A_285 = arith.constant 0 : i32
      %dma_start3A_286 = tpu.memref_slice %arg8[%dma_start3A_278, %dma_start3A_284, %dma_start3A_285] : memref<2x4x128xi32, #tpu.memory_space<vmem>> -> memref<1x4x128xi32, #tpu.memory_space<vmem>>
      %dma_start3A_287 = tpu.memref_squeeze %dma_start3A_286 : memref<1x4x128xi32, #tpu.memory_space<vmem>> -> memref<4x128xi32, #tpu.memory_space<vmem>>
      %dma_start3A_288 = arith.constant 0 : i32
      %dma_start3A_289 = tpu.memref_slice %dma_start3A_287[%dma_start3A_279, %dma_start3A_288] : memref<4x128xi32, #tpu.memory_space<vmem>> -> memref<1x128xi32, #tpu.memory_space<vmem>>
      %dma_start3A_290 = tpu.memref_squeeze %dma_start3A_289 : memref<1x128xi32, #tpu.memory_space<vmem>> -> memref<128xi32, #tpu.memory_space<vmem>>
      %dma_start3A_291 = arith.constant 0 : i32
      %dma_start3A_292 = arith.constant 0 : i32
      %dma_start3A_293 = tpu.memref_slice %arg11[%dma_start3A_291, %dma_start3A_292] : memref<100352x16xf32, #tpu.memory_space<vmem_shared>> -> memref<100352x16xf32, #tpu.memory_space<vmem_shared>>
      tpu.enqueue_indirect_dma source(%dma_start3A_283 : memref<128x16xf32, #tpu.memory_space<vmem>>) target(%dma_start3A_293 : memref<100352x16xf32, #tpu.memory_space<vmem_shared>>) offsets(%dma_start3A_290 : memref<128xi32, #tpu.memory_space<vmem>>) semaphore(%arg16 : memref<!tpu.dma_semaphore, #tpu.memory_space<semaphore_mem>>) {add = true}
      %lt3A_294 = arith.cmpi slt, %add3A_204, %select_n3A : i32
      %convert_element_type3A_295 = arith.extui %lt3A_294 : i1 to i32
      %cond3A_296 = arith.constant 0 : i32
      %cond3A_297 = arith.cmpi ne, %convert_element_type3A_295, %cond3A_296 : i32
      scf.if %cond3A_297 {
        %dma_wait3A_428 = arith.constant 1 : i32
        %dma_wait3A_429 = arith.constant 0 : i32
        %dma_wait3A_430 = arith.constant 0 : i32
        %dma_wait3A_431 = tpu.memref_slice %arg7[%dma_wait3A_428, %dma_wait3A_429, %dma_wait3A_430] : memref<2x4x128xi32, #tpu.memory_space<vmem>> -> memref<1x4x128xi32, #tpu.memory_space<vmem>>
        %dma_wait3A_432 = tpu.memref_squeeze %dma_wait3A_431 : memref<1x4x128xi32, #tpu.memory_space<vmem>> -> memref<4x128xi32, #tpu.memory_space<vmem>>
        %dma_wait3A_433 = arith.constant 0 : i32
        %dma_wait3A_434 = tpu.memref_slice %arg3[%add3A_207, %dma_wait3A_433] : memref<25088x128xi32, #tpu.memory_space<hbm>> -> memref<4x128xi32, #tpu.memory_space<hbm>>
        %dma_wait3A_435 = arith.constant 0 : i32
        %dma_wait3A_436 = arith.constant 0 : i32
        %dma_wait3A_437 = tpu.memref_slice %arg7[%dma_wait3A_428, %dma_wait3A_435, %dma_wait3A_436] : memref<2x4x128xi32, #tpu.memory_space<vmem>> -> memref<1x4x128xi32, #tpu.memory_space<vmem>>
        %dma_wait3A_438 = tpu.memref_squeeze %dma_wait3A_437 : memref<1x4x128xi32, #tpu.memory_space<vmem>> -> memref<4x128xi32, #tpu.memory_space<vmem>>
        %dma_wait3A_439 = arith.constant 0 : i32
        %dma_wait3A_440 = tpu.memref_slice %arg3[%add3A_207, %dma_wait3A_439] : memref<25088x128xi32, #tpu.memory_space<hbm>> -> memref<4x128xi32, #tpu.memory_space<hbm>>
        tpu.wait_dma2 semaphore(%arg13 : memref<!tpu.dma_semaphore, #tpu.memory_space<semaphore_mem>>) src(%dma_wait3A_440 : memref<4x128xi32, #tpu.memory_space<hbm>>) dst(%dma_wait3A_438 : memref<4x128xi32, #tpu.memory_space<vmem>>)
        %dma_wait3A_441 = arith.constant 1 : i32
        %dma_wait3A_442 = arith.constant 0 : i32
        %dma_wait3A_443 = arith.constant 0 : i32
        %dma_wait3A_444 = tpu.memref_slice %arg8[%dma_wait3A_441, %dma_wait3A_442, %dma_wait3A_443] : memref<2x4x128xi32, #tpu.memory_space<vmem>> -> memref<1x4x128xi32, #tpu.memory_space<vmem>>
        %dma_wait3A_445 = tpu.memref_squeeze %dma_wait3A_444 : memref<1x4x128xi32, #tpu.memory_space<vmem>> -> memref<4x128xi32, #tpu.memory_space<vmem>>
        %dma_wait3A_446 = arith.constant 0 : i32
        %dma_wait3A_447 = tpu.memref_slice %arg4[%add3A_207, %dma_wait3A_446] : memref<25088x128xi32, #tpu.memory_space<hbm>> -> memref<4x128xi32, #tpu.memory_space<hbm>>
        %dma_wait3A_448 = arith.constant 0 : i32
        %dma_wait3A_449 = arith.constant 0 : i32
        %dma_wait3A_450 = tpu.memref_slice %arg8[%dma_wait3A_441, %dma_wait3A_448, %dma_wait3A_449] : memref<2x4x128xi32, #tpu.memory_space<vmem>> -> memref<1x4x128xi32, #tpu.memory_space<vmem>>
        %dma_wait3A_451 = tpu.memref_squeeze %dma_wait3A_450 : memref<1x4x128xi32, #tpu.memory_space<vmem>> -> memref<4x128xi32, #tpu.memory_space<vmem>>
        %dma_wait3A_452 = arith.constant 0 : i32
        %dma_wait3A_453 = tpu.memref_slice %arg4[%add3A_207, %dma_wait3A_452] : memref<25088x128xi32, #tpu.memory_space<hbm>> -> memref<4x128xi32, #tpu.memory_space<hbm>>
        tpu.wait_dma2 semaphore(%arg13 : memref<!tpu.dma_semaphore, #tpu.memory_space<semaphore_mem>>) src(%dma_wait3A_453 : memref<4x128xi32, #tpu.memory_space<hbm>>) dst(%dma_wait3A_451 : memref<4x128xi32, #tpu.memory_space<vmem>>)
        %dma_start3A_454 = arith.constant 1 : i32
        %dma_start3A_455 = arith.constant 0 : i32
        %dma_start3A_456 = arith.constant 1 : i32
        %dma_start3A_457 = arith.constant 0 : i32
        %dma_start3A_458 = arith.constant 0 : i32
        %dma_start3A_459 = tpu.memref_slice %arg9[%dma_start3A_456, %dma_start3A_457, %dma_start3A_458] : memref<2x512x16xf32, #tpu.memory_space<vmem>> -> memref<1x128x16xf32, #tpu.memory_space<vmem>>
        %dma_start3A_460 = tpu.memref_squeeze %dma_start3A_459 : memref<1x128x16xf32, #tpu.memory_space<vmem>> -> memref<128x16xf32, #tpu.memory_space<vmem>>
        %dma_start3A_461 = arith.constant 0 : i32
        %dma_start3A_462 = arith.constant 0 : i32
        %dma_start3A_463 = tpu.memref_slice %arg7[%dma_start3A_454, %dma_start3A_461, %dma_start3A_462] : memref<2x4x128xi32, #tpu.memory_space<vmem>> -> memref<1x4x128xi32, #tpu.memory_space<vmem>>
        %dma_start3A_464 = tpu.memref_squeeze %dma_start3A_463 : memref<1x4x128xi32, #tpu.memory_space<vmem>> -> memref<4x128xi32, #tpu.memory_space<vmem>>
        %dma_start3A_465 = arith.constant 0 : i32
        %dma_start3A_466 = tpu.memref_slice %dma_start3A_464[%dma_start3A_455, %dma_start3A_465] : memref<4x128xi32, #tpu.memory_space<vmem>> -> memref<1x128xi32, #tpu.memory_space<vmem>>
        %dma_start3A_467 = tpu.memref_squeeze %dma_start3A_466 : memref<1x128xi32, #tpu.memory_space<vmem>> -> memref<128xi32, #tpu.memory_space<vmem>>
        %dma_start3A_468 = arith.constant 0 : i32
        %dma_start3A_469 = arith.constant 0 : i32
        %dma_start3A_470 = tpu.memref_slice %arg2[%dma_start3A_468, %dma_start3A_469] : memref<100352x16xf32, #tpu.memory_space<hbm>> -> memref<100352x16xf32, #tpu.memory_space<hbm>>
        tpu.enqueue_indirect_dma source(%dma_start3A_470 : memref<100352x16xf32, #tpu.memory_space<hbm>>) target(%dma_start3A_460 : memref<128x16xf32, #tpu.memory_space<vmem>>) offsets(%dma_start3A_467 : memref<128xi32, #tpu.memory_space<vmem>>) semaphore(%arg15 : memref<!tpu.dma_semaphore, #tpu.memory_space<semaphore_mem>>)
        %dma_start3A_471 = arith.constant 1 : i32
        %dma_start3A_472 = arith.constant 1 : i32
        %dma_start3A_473 = arith.constant 1 : i32
        %dma_start3A_474 = arith.constant 128 : i32
        %dma_start3A_475 = arith.constant 0 : i32
        %dma_start3A_476 = tpu.memref_slice %arg9[%dma_start3A_473, %dma_start3A_474, %dma_start3A_475] : memref<2x512x16xf32, #tpu.memory_space<vmem>> -> memref<1x128x16xf32, #tpu.memory_space<vmem>>
        %dma_start3A_477 = tpu.memref_squeeze %dma_start3A_476 : memref<1x128x16xf32, #tpu.memory_space<vmem>> -> memref<128x16xf32, #tpu.memory_space<vmem>>
        %dma_start3A_478 = arith.constant 0 : i32
        %dma_start3A_479 = arith.constant 0 : i32
        %dma_start3A_480 = tpu.memref_slice %arg7[%dma_start3A_471, %dma_start3A_478, %dma_start3A_479] : memref<2x4x128xi32, #tpu.memory_space<vmem>> -> memref<1x4x128xi32, #tpu.memory_space<vmem>>
        %dma_start3A_481 = tpu.memref_squeeze %dma_start3A_480 : memref<1x4x128xi32, #tpu.memory_space<vmem>> -> memref<4x128xi32, #tpu.memory_space<vmem>>
        %dma_start3A_482 = arith.constant 0 : i32
        %dma_start3A_483 = tpu.memref_slice %dma_start3A_481[%dma_start3A_472, %dma_start3A_482] : memref<4x128xi32, #tpu.memory_space<vmem>> -> memref<1x128xi32, #tpu.memory_space<vmem>>
        %dma_start3A_484 = tpu.memref_squeeze %dma_start3A_483 : memref<1x128xi32, #tpu.memory_space<vmem>> -> memref<128xi32, #tpu.memory_space<vmem>>
        %dma_start3A_485 = arith.constant 0 : i32
        %dma_start3A_486 = arith.constant 0 : i32
        %dma_start3A_487 = tpu.memref_slice %arg2[%dma_start3A_485, %dma_start3A_486] : memref<100352x16xf32, #tpu.memory_space<hbm>> -> memref<100352x16xf32, #tpu.memory_space<hbm>>
        tpu.enqueue_indirect_dma source(%dma_start3A_487 : memref<100352x16xf32, #tpu.memory_space<hbm>>) target(%dma_start3A_477 : memref<128x16xf32, #tpu.memory_space<vmem>>) offsets(%dma_start3A_484 : memref<128xi32, #tpu.memory_space<vmem>>) semaphore(%arg15 : memref<!tpu.dma_semaphore, #tpu.memory_space<semaphore_mem>>)
        %dma_start3A_488 = arith.constant 1 : i32
        %dma_start3A_489 = arith.constant 2 : i32
        %dma_start3A_490 = arith.constant 1 : i32
        %dma_start3A_491 = arith.constant 256 : i32
        %dma_start3A_492 = arith.constant 0 : i32
        %dma_start3A_493 = tpu.memref_slice %arg9[%dma_start3A_490, %dma_start3A_491, %dma_start3A_492] : memref<2x512x16xf32, #tpu.memory_space<vmem>> -> memref<1x128x16xf32, #tpu.memory_space<vmem>>
        %dma_start3A_494 = tpu.memref_squeeze %dma_start3A_493 : memref<1x128x16xf32, #tpu.memory_space<vmem>> -> memref<128x16xf32, #tpu.memory_space<vmem>>
        %dma_start3A_495 = arith.constant 0 : i32
        %dma_start3A_496 = arith.constant 0 : i32
        %dma_start3A_497 = tpu.memref_slice %arg7[%dma_start3A_488, %dma_start3A_495, %dma_start3A_496] : memref<2x4x128xi32, #tpu.memory_space<vmem>> -> memref<1x4x128xi32, #tpu.memory_space<vmem>>
        %dma_start3A_498 = tpu.memref_squeeze %dma_start3A_497 : memref<1x4x128xi32, #tpu.memory_space<vmem>> -> memref<4x128xi32, #tpu.memory_space<vmem>>
        %dma_start3A_499 = arith.constant 0 : i32
        %dma_start3A_500 = tpu.memref_slice %dma_start3A_498[%dma_start3A_489, %dma_start3A_499] : memref<4x128xi32, #tpu.memory_space<vmem>> -> memref<1x128xi32, #tpu.memory_space<vmem>>
        %dma_start3A_501 = tpu.memref_squeeze %dma_start3A_500 : memref<1x128xi32, #tpu.memory_space<vmem>> -> memref<128xi32, #tpu.memory_space<vmem>>
        %dma_start3A_502 = arith.constant 0 : i32
        %dma_start3A_503 = arith.constant 0 : i32
        %dma_start3A_504 = tpu.memref_slice %arg2[%dma_start3A_502, %dma_start3A_503] : memref<100352x16xf32, #tpu.memory_space<hbm>> -> memref<100352x16xf32, #tpu.memory_space<hbm>>
        tpu.enqueue_indirect_dma source(%dma_start3A_504 : memref<100352x16xf32, #tpu.memory_space<hbm>>) target(%dma_start3A_494 : memref<128x16xf32, #tpu.memory_space<vmem>>) offsets(%dma_start3A_501 : memref<128xi32, #tpu.memory_space<vmem>>) semaphore(%arg15 : memref<!tpu.dma_semaphore, #tpu.memory_space<semaphore_mem>>)
        %dma_start3A_505 = arith.constant 1 : i32
        %dma_start3A_506 = arith.constant 3 : i32
        %dma_start3A_507 = arith.constant 1 : i32
        %dma_start3A_508 = arith.constant 384 : i32
        %dma_start3A_509 = arith.constant 0 : i32
        %dma_start3A_510 = tpu.memref_slice %arg9[%dma_start3A_507, %dma_start3A_508, %dma_start3A_509] : memref<2x512x16xf32, #tpu.memory_space<vmem>> -> memref<1x128x16xf32, #tpu.memory_space<vmem>>
        %dma_start3A_511 = tpu.memref_squeeze %dma_start3A_510 : memref<1x128x16xf32, #tpu.memory_space<vmem>> -> memref<128x16xf32, #tpu.memory_space<vmem>>
        %dma_start3A_512 = arith.constant 0 : i32
        %dma_start3A_513 = arith.constant 0 : i32
        %dma_start3A_514 = tpu.memref_slice %arg7[%dma_start3A_505, %dma_start3A_512, %dma_start3A_513] : memref<2x4x128xi32, #tpu.memory_space<vmem>> -> memref<1x4x128xi32, #tpu.memory_space<vmem>>
        %dma_start3A_515 = tpu.memref_squeeze %dma_start3A_514 : memref<1x4x128xi32, #tpu.memory_space<vmem>> -> memref<4x128xi32, #tpu.memory_space<vmem>>
        %dma_start3A_516 = arith.constant 0 : i32
        %dma_start3A_517 = tpu.memref_slice %dma_start3A_515[%dma_start3A_506, %dma_start3A_516] : memref<4x128xi32, #tpu.memory_space<vmem>> -> memref<1x128xi32, #tpu.memory_space<vmem>>
        %dma_start3A_518 = tpu.memref_squeeze %dma_start3A_517 : memref<1x128xi32, #tpu.memory_space<vmem>> -> memref<128xi32, #tpu.memory_space<vmem>>
        %dma_start3A_519 = arith.constant 0 : i32
        %dma_start3A_520 = arith.constant 0 : i32
        %dma_start3A_521 = tpu.memref_slice %arg2[%dma_start3A_519, %dma_start3A_520] : memref<100352x16xf32, #tpu.memory_space<hbm>> -> memref<100352x16xf32, #tpu.memory_space<hbm>>
        tpu.enqueue_indirect_dma source(%dma_start3A_521 : memref<100352x16xf32, #tpu.memory_space<hbm>>) target(%dma_start3A_511 : memref<128x16xf32, #tpu.memory_space<vmem>>) offsets(%dma_start3A_518 : memref<128xi32, #tpu.memory_space<vmem>>) semaphore(%arg15 : memref<!tpu.dma_semaphore, #tpu.memory_space<semaphore_mem>>)
      } else {
      }
      %dma_wait3A_298 = arith.constant 0 : i32
      %dma_wait3A_299 = arith.constant 0 : i32
      %dma_wait3A_300 = arith.constant 0 : i32
      %dma_wait3A_301 = tpu.memref_slice %arg9[%dma_wait3A_298, %dma_wait3A_299, %dma_wait3A_300] : memref<2x512x16xf32, #tpu.memory_space<vmem>> -> memref<1x512x16xf32, #tpu.memory_space<vmem>>
      %dma_wait3A_302 = tpu.memref_squeeze %dma_wait3A_301 : memref<1x512x16xf32, #tpu.memory_space<vmem>> -> memref<512x16xf32, #tpu.memory_space<vmem>>
      %dma_wait3A_303 = arith.constant 0 : i32
      %dma_wait3A_304 = arith.constant 0 : i32
      %dma_wait3A_305 = tpu.memref_slice %arg11[%dma_wait3A_303, %dma_wait3A_304] : memref<100352x16xf32, #tpu.memory_space<vmem_shared>> -> memref<512x16xf32, #tpu.memory_space<vmem_shared>>
      %dma_wait3A_306 = arith.constant 0 : i32
      %dma_wait3A_307 = arith.constant 0 : i32
      %dma_wait3A_308 = tpu.memref_slice %arg11[%dma_wait3A_306, %dma_wait3A_307] : memref<100352x16xf32, #tpu.memory_space<vmem_shared>> -> memref<512x16xf32, #tpu.memory_space<vmem_shared>>
      %dma_wait3A_309 = arith.constant 0 : i32
      %dma_wait3A_310 = arith.constant 0 : i32
      %dma_wait3A_311 = tpu.memref_slice %arg9[%dma_wait3A_298, %dma_wait3A_309, %dma_wait3A_310] : memref<2x512x16xf32, #tpu.memory_space<vmem>> -> memref<1x512x16xf32, #tpu.memory_space<vmem>>
      %dma_wait3A_312 = tpu.memref_squeeze %dma_wait3A_311 : memref<1x512x16xf32, #tpu.memory_space<vmem>> -> memref<512x16xf32, #tpu.memory_space<vmem>>
      tpu.wait_dma2 semaphore(%arg16 : memref<!tpu.dma_semaphore, #tpu.memory_space<semaphore_mem>>) src(%dma_wait3A_312 : memref<512x16xf32, #tpu.memory_space<vmem>>) dst(%dma_wait3A_308 : memref<512x16xf32, #tpu.memory_space<vmem_shared>>)
      %mul3A_313 = arith.constant 2 : i32
      %mul3A_314 = arith.muli %while3A_198, %mul3A_313 : i32
      %add3A_315 = arith.constant 1 : i32
      %add3A_316 = arith.addi %mul3A_314, %add3A_315 : i32
      %add3A_317 = arith.constant 1 : i32
      %add3A_318 = arith.addi %add3A_316, %add3A_317 : i32
      %mul3A_319 = arith.constant 4 : i32
      %mul3A_320 = arith.muli %add3A_318, %mul3A_319 : i32
      %add3A_321 = arith.addi %mul3A_10, %mul3A_320 : i32
      %lt3A_322 = arith.cmpi slt, %add3A_318, %select_n3A : i32
      %convert_element_type3A_323 = arith.extui %lt3A_322 : i1 to i32
      %cond3A_324 = arith.constant 0 : i32
      %cond3A_325 = arith.cmpi ne, %convert_element_type3A_323, %cond3A_324 : i32
      scf.if %cond3A_325 {
        %dma_start3A_428 = arith.constant 0 : i32
        %dma_start3A_429 = arith.constant 0 : i32
        %dma_start3A_430 = arith.constant 0 : i32
        %dma_start3A_431 = tpu.memref_slice %arg7[%dma_start3A_428, %dma_start3A_429, %dma_start3A_430] : memref<2x4x128xi32, #tpu.memory_space<vmem>> -> memref<1x4x128xi32, #tpu.memory_space<vmem>>
        %dma_start3A_432 = tpu.memref_squeeze %dma_start3A_431 : memref<1x4x128xi32, #tpu.memory_space<vmem>> -> memref<4x128xi32, #tpu.memory_space<vmem>>
        %dma_start3A_433 = arith.constant 0 : i32
        %dma_start3A_434 = tpu.memref_slice %arg3[%add3A_321, %dma_start3A_433] : memref<25088x128xi32, #tpu.memory_space<hbm>> -> memref<4x128xi32, #tpu.memory_space<hbm>>
        %dma_start3A_435 = arith.constant 0 : i32
        %dma_start3A_436 = arith.constant 0 : i32
        %dma_start3A_437 = tpu.memref_slice %arg7[%dma_start3A_428, %dma_start3A_435, %dma_start3A_436] : memref<2x4x128xi32, #tpu.memory_space<vmem>> -> memref<1x4x128xi32, #tpu.memory_space<vmem>>
        %dma_start3A_438 = tpu.memref_squeeze %dma_start3A_437 : memref<1x4x128xi32, #tpu.memory_space<vmem>> -> memref<4x128xi32, #tpu.memory_space<vmem>>
        %dma_start3A_439 = arith.constant 0 : i32
        %dma_start3A_440 = tpu.memref_slice %arg3[%add3A_321, %dma_start3A_439] : memref<25088x128xi32, #tpu.memory_space<hbm>> -> memref<4x128xi32, #tpu.memory_space<hbm>>
        tpu.enqueue_dma source(%dma_start3A_440 : memref<4x128xi32, #tpu.memory_space<hbm>>) target(%dma_start3A_438 : memref<4x128xi32, #tpu.memory_space<vmem>>) target_semaphore(%arg12 : memref<!tpu.dma_semaphore, #tpu.memory_space<semaphore_mem>>)
        %dma_start3A_441 = arith.constant 0 : i32
        %dma_start3A_442 = arith.constant 0 : i32
        %dma_start3A_443 = arith.constant 0 : i32
        %dma_start3A_444 = tpu.memref_slice %arg8[%dma_start3A_441, %dma_start3A_442, %dma_start3A_443] : memref<2x4x128xi32, #tpu.memory_space<vmem>> -> memref<1x4x128xi32, #tpu.memory_space<vmem>>
        %dma_start3A_445 = tpu.memref_squeeze %dma_start3A_444 : memref<1x4x128xi32, #tpu.memory_space<vmem>> -> memref<4x128xi32, #tpu.memory_space<vmem>>
        %dma_start3A_446 = arith.constant 0 : i32
        %dma_start3A_447 = tpu.memref_slice %arg4[%add3A_321, %dma_start3A_446] : memref<25088x128xi32, #tpu.memory_space<hbm>> -> memref<4x128xi32, #tpu.memory_space<hbm>>
        %dma_start3A_448 = arith.constant 0 : i32
        %dma_start3A_449 = arith.constant 0 : i32
        %dma_start3A_450 = tpu.memref_slice %arg8[%dma_start3A_441, %dma_start3A_448, %dma_start3A_449] : memref<2x4x128xi32, #tpu.memory_space<vmem>> -> memref<1x4x128xi32, #tpu.memory_space<vmem>>
        %dma_start3A_451 = tpu.memref_squeeze %dma_start3A_450 : memref<1x4x128xi32, #tpu.memory_space<vmem>> -> memref<4x128xi32, #tpu.memory_space<vmem>>
        %dma_start3A_452 = arith.constant 0 : i32
        %dma_start3A_453 = tpu.memref_slice %arg4[%add3A_321, %dma_start3A_452] : memref<25088x128xi32, #tpu.memory_space<hbm>> -> memref<4x128xi32, #tpu.memory_space<hbm>>
        tpu.enqueue_dma source(%dma_start3A_453 : memref<4x128xi32, #tpu.memory_space<hbm>>) target(%dma_start3A_451 : memref<4x128xi32, #tpu.memory_space<vmem>>) target_semaphore(%arg12 : memref<!tpu.dma_semaphore, #tpu.memory_space<semaphore_mem>>)
      } else {
      }
      %dma_wait3A_326 = arith.constant 1 : i32
      %dma_wait3A_327 = arith.constant 0 : i32
      %dma_wait3A_328 = arith.constant 0 : i32
      %dma_wait3A_329 = tpu.memref_slice %arg9[%dma_wait3A_326, %dma_wait3A_327, %dma_wait3A_328] : memref<2x512x16xf32, #tpu.memory_space<vmem>> -> memref<1x512x16xf32, #tpu.memory_space<vmem>>
      %dma_wait3A_330 = tpu.memref_squeeze %dma_wait3A_329 : memref<1x512x16xf32, #tpu.memory_space<vmem>> -> memref<512x16xf32, #tpu.memory_space<vmem>>
      %dma_wait3A_331 = arith.constant 0 : i32
      %dma_wait3A_332 = arith.constant 0 : i32
      %dma_wait3A_333 = tpu.memref_slice %arg5[%dma_wait3A_331, %dma_wait3A_332] : memref<100352x16xf32, #tpu.memory_space<hbm>> -> memref<512x16xf32, #tpu.memory_space<hbm>>
      %dma_wait3A_334 = arith.constant 0 : i32
      %dma_wait3A_335 = arith.constant 0 : i32
      %dma_wait3A_336 = tpu.memref_slice %arg9[%dma_wait3A_326, %dma_wait3A_334, %dma_wait3A_335] : memref<2x512x16xf32, #tpu.memory_space<vmem>> -> memref<1x512x16xf32, #tpu.memory_space<vmem>>
      %dma_wait3A_337 = tpu.memref_squeeze %dma_wait3A_336 : memref<1x512x16xf32, #tpu.memory_space<vmem>> -> memref<512x16xf32, #tpu.memory_space<vmem>>
      %dma_wait3A_338 = arith.constant 0 : i32
      %dma_wait3A_339 = arith.constant 0 : i32
      %dma_wait3A_340 = tpu.memref_slice %arg5[%dma_wait3A_338, %dma_wait3A_339] : memref<100352x16xf32, #tpu.memory_space<hbm>> -> memref<512x16xf32, #tpu.memory_space<hbm>>
      tpu.wait_dma2 semaphore(%arg15 : memref<!tpu.dma_semaphore, #tpu.memory_space<semaphore_mem>>) src(%dma_wait3A_340 : memref<512x16xf32, #tpu.memory_space<hbm>>) dst(%dma_wait3A_337 : memref<512x16xf32, #tpu.memory_space<vmem>>)
      %dma_start3A_341 = arith.constant 1 : i32
      %dma_start3A_342 = arith.constant 1 : i32
      %dma_start3A_343 = arith.constant 0 : i32
      %dma_start3A_344 = arith.constant 0 : i32
      %dma_start3A_345 = arith.constant 0 : i32
      %dma_start3A_346 = tpu.memref_slice %arg9[%dma_start3A_341, %dma_start3A_344, %dma_start3A_345] : memref<2x512x16xf32, #tpu.memory_space<vmem>> -> memref<1x128x16xf32, #tpu.memory_space<vmem>>
      %dma_start3A_347 = tpu.memref_squeeze %dma_start3A_346 : memref<1x128x16xf32, #tpu.memory_space<vmem>> -> memref<128x16xf32, #tpu.memory_space<vmem>>
      %dma_start3A_348 = arith.constant 0 : i32
      %dma_start3A_349 = arith.constant 0 : i32
      %dma_start3A_350 = tpu.memref_slice %arg8[%dma_start3A_342, %dma_start3A_348, %dma_start3A_349] : memref<2x4x128xi32, #tpu.memory_space<vmem>> -> memref<1x4x128xi32, #tpu.memory_space<vmem>>
      %dma_start3A_351 = tpu.memref_squeeze %dma_start3A_350 : memref<1x4x128xi32, #tpu.memory_space<vmem>> -> memref<4x128xi32, #tpu.memory_space<vmem>>
      %dma_start3A_352 = arith.constant 0 : i32
      %dma_start3A_353 = tpu.memref_slice %dma_start3A_351[%dma_start3A_343, %dma_start3A_352] : memref<4x128xi32, #tpu.memory_space<vmem>> -> memref<1x128xi32, #tpu.memory_space<vmem>>
      %dma_start3A_354 = tpu.memref_squeeze %dma_start3A_353 : memref<1x128xi32, #tpu.memory_space<vmem>> -> memref<128xi32, #tpu.memory_space<vmem>>
      %dma_start3A_355 = arith.constant 0 : i32
      %dma_start3A_356 = arith.constant 0 : i32
      %dma_start3A_357 = tpu.memref_slice %arg11[%dma_start3A_355, %dma_start3A_356] : memref<100352x16xf32, #tpu.memory_space<vmem_shared>> -> memref<100352x16xf32, #tpu.memory_space<vmem_shared>>
      tpu.enqueue_indirect_dma source(%dma_start3A_347 : memref<128x16xf32, #tpu.memory_space<vmem>>) target(%dma_start3A_357 : memref<100352x16xf32, #tpu.memory_space<vmem_shared>>) offsets(%dma_start3A_354 : memref<128xi32, #tpu.memory_space<vmem>>) semaphore(%arg17 : memref<!tpu.dma_semaphore, #tpu.memory_space<semaphore_mem>>) {add = true}
      %dma_start3A_358 = arith.constant 1 : i32
      %dma_start3A_359 = arith.constant 1 : i32
      %dma_start3A_360 = arith.constant 1 : i32
      %dma_start3A_361 = arith.constant 128 : i32
      %dma_start3A_362 = arith.constant 0 : i32
      %dma_start3A_363 = tpu.memref_slice %arg9[%dma_start3A_358, %dma_start3A_361, %dma_start3A_362] : memref<2x512x16xf32, #tpu.memory_space<vmem>> -> memref<1x128x16xf32, #tpu.memory_space<vmem>>
      %dma_start3A_364 = tpu.memref_squeeze %dma_start3A_363 : memref<1x128x16xf32, #tpu.memory_space<vmem>> -> memref<128x16xf32, #tpu.memory_space<vmem>>
      %dma_start3A_365 = arith.constant 0 : i32
      %dma_start3A_366 = arith.constant 0 : i32
      %dma_start3A_367 = tpu.memref_slice %arg8[%dma_start3A_359, %dma_start3A_365, %dma_start3A_366] : memref<2x4x128xi32, #tpu.memory_space<vmem>> -> memref<1x4x128xi32, #tpu.memory_space<vmem>>
      %dma_start3A_368 = tpu.memref_squeeze %dma_start3A_367 : memref<1x4x128xi32, #tpu.memory_space<vmem>> -> memref<4x128xi32, #tpu.memory_space<vmem>>
      %dma_start3A_369 = arith.constant 0 : i32
      %dma_start3A_370 = tpu.memref_slice %dma_start3A_368[%dma_start3A_360, %dma_start3A_369] : memref<4x128xi32, #tpu.memory_space<vmem>> -> memref<1x128xi32, #tpu.memory_space<vmem>>
      %dma_start3A_371 = tpu.memref_squeeze %dma_start3A_370 : memref<1x128xi32, #tpu.memory_space<vmem>> -> memref<128xi32, #tpu.memory_space<vmem>>
      %dma_start3A_372 = arith.constant 0 : i32
      %dma_start3A_373 = arith.constant 0 : i32
      %dma_start3A_374 = tpu.memref_slice %arg11[%dma_start3A_372, %dma_start3A_373] : memref<100352x16xf32, #tpu.memory_space<vmem_shared>> -> memref<100352x16xf32, #tpu.memory_space<vmem_shared>>
      tpu.enqueue_indirect_dma source(%dma_start3A_364 : memref<128x16xf32, #tpu.memory_space<vmem>>) target(%dma_start3A_374 : memref<100352x16xf32, #tpu.memory_space<vmem_shared>>) offsets(%dma_start3A_371 : memref<128xi32, #tpu.memory_space<vmem>>) semaphore(%arg17 : memref<!tpu.dma_semaphore, #tpu.memory_space<semaphore_mem>>) {add = true}
      %dma_start3A_375 = arith.constant 1 : i32
      %dma_start3A_376 = arith.constant 1 : i32
      %dma_start3A_377 = arith.constant 2 : i32
      %dma_start3A_378 = arith.constant 256 : i32
      %dma_start3A_379 = arith.constant 0 : i32
      %dma_start3A_380 = tpu.memref_slice %arg9[%dma_start3A_375, %dma_start3A_378, %dma_start3A_379] : memref<2x512x16xf32, #tpu.memory_space<vmem>> -> memref<1x128x16xf32, #tpu.memory_space<vmem>>
      %dma_start3A_381 = tpu.memref_squeeze %dma_start3A_380 : memref<1x128x16xf32, #tpu.memory_space<vmem>> -> memref<128x16xf32, #tpu.memory_space<vmem>>
      %dma_start3A_382 = arith.constant 0 : i32
      %dma_start3A_383 = arith.constant 0 : i32
      %dma_start3A_384 = tpu.memref_slice %arg8[%dma_start3A_376, %dma_start3A_382, %dma_start3A_383] : memref<2x4x128xi32, #tpu.memory_space<vmem>> -> memref<1x4x128xi32, #tpu.memory_space<vmem>>
      %dma_start3A_385 = tpu.memref_squeeze %dma_start3A_384 : memref<1x4x128xi32, #tpu.memory_space<vmem>> -> memref<4x128xi32, #tpu.memory_space<vmem>>
      %dma_start3A_386 = arith.constant 0 : i32
      %dma_start3A_387 = tpu.memref_slice %dma_start3A_385[%dma_start3A_377, %dma_start3A_386] : memref<4x128xi32, #tpu.memory_space<vmem>> -> memref<1x128xi32, #tpu.memory_space<vmem>>
      %dma_start3A_388 = tpu.memref_squeeze %dma_start3A_387 : memref<1x128xi32, #tpu.memory_space<vmem>> -> memref<128xi32, #tpu.memory_space<vmem>>
      %dma_start3A_389 = arith.constant 0 : i32
      %dma_start3A_390 = arith.constant 0 : i32
      %dma_start3A_391 = tpu.memref_slice %arg11[%dma_start3A_389, %dma_start3A_390] : memref<100352x16xf32, #tpu.memory_space<vmem_shared>> -> memref<100352x16xf32, #tpu.memory_space<vmem_shared>>
      tpu.enqueue_indirect_dma source(%dma_start3A_381 : memref<128x16xf32, #tpu.memory_space<vmem>>) target(%dma_start3A_391 : memref<100352x16xf32, #tpu.memory_space<vmem_shared>>) offsets(%dma_start3A_388 : memref<128xi32, #tpu.memory_space<vmem>>) semaphore(%arg17 : memref<!tpu.dma_semaphore, #tpu.memory_space<semaphore_mem>>) {add = true}
      %dma_start3A_392 = arith.constant 1 : i32
      %dma_start3A_393 = arith.constant 1 : i32
      %dma_start3A_394 = arith.constant 3 : i32
      %dma_start3A_395 = arith.constant 384 : i32
      %dma_start3A_396 = arith.constant 0 : i32
      %dma_start3A_397 = tpu.memref_slice %arg9[%dma_start3A_392, %dma_start3A_395, %dma_start3A_396] : memref<2x512x16xf32, #tpu.memory_space<vmem>> -> memref<1x128x16xf32, #tpu.memory_space<vmem>>
      %dma_start3A_398 = tpu.memref_squeeze %dma_start3A_397 : memref<1x128x16xf32, #tpu.memory_space<vmem>> -> memref<128x16xf32, #tpu.memory_space<vmem>>
      %dma_start3A_399 = arith.constant 0 : i32
      %dma_start3A_400 = arith.constant 0 : i32
      %dma_start3A_401 = tpu.memref_slice %arg8[%dma_start3A_393, %dma_start3A_399, %dma_start3A_400] : memref<2x4x128xi32, #tpu.memory_space<vmem>> -> memref<1x4x128xi32, #tpu.memory_space<vmem>>
      %dma_start3A_402 = tpu.memref_squeeze %dma_start3A_401 : memref<1x4x128xi32, #tpu.memory_space<vmem>> -> memref<4x128xi32, #tpu.memory_space<vmem>>
      %dma_start3A_403 = arith.constant 0 : i32
      %dma_start3A_404 = tpu.memref_slice %dma_start3A_402[%dma_start3A_394, %dma_start3A_403] : memref<4x128xi32, #tpu.memory_space<vmem>> -> memref<1x128xi32, #tpu.memory_space<vmem>>
      %dma_start3A_405 = tpu.memref_squeeze %dma_start3A_404 : memref<1x128xi32, #tpu.memory_space<vmem>> -> memref<128xi32, #tpu.memory_space<vmem>>
      %dma_start3A_406 = arith.constant 0 : i32
      %dma_start3A_407 = arith.constant 0 : i32
      %dma_start3A_408 = tpu.memref_slice %arg11[%dma_start3A_406, %dma_start3A_407] : memref<100352x16xf32, #tpu.memory_space<vmem_shared>> -> memref<100352x16xf32, #tpu.memory_space<vmem_shared>>
      tpu.enqueue_indirect_dma source(%dma_start3A_398 : memref<128x16xf32, #tpu.memory_space<vmem>>) target(%dma_start3A_408 : memref<100352x16xf32, #tpu.memory_space<vmem_shared>>) offsets(%dma_start3A_405 : memref<128xi32, #tpu.memory_space<vmem>>) semaphore(%arg17 : memref<!tpu.dma_semaphore, #tpu.memory_space<semaphore_mem>>) {add = true}
      %lt3A_409 = arith.cmpi slt, %add3A_318, %select_n3A : i32
      %convert_element_type3A_410 = arith.extui %lt3A_409 : i1 to i32
      %cond3A_411 = arith.constant 0 : i32
      %cond3A_412 = arith.cmpi ne, %convert_element_type3A_410, %cond3A_411 : i32
      scf.if %cond3A_412 {
        %dma_wait3A_428 = arith.constant 0 : i32
        %dma_wait3A_429 = arith.constant 0 : i32
        %dma_wait3A_430 = arith.constant 0 : i32
        %dma_wait3A_431 = tpu.memref_slice %arg7[%dma_wait3A_428, %dma_wait3A_429, %dma_wait3A_430] : memref<2x4x128xi32, #tpu.memory_space<vmem>> -> memref<1x4x128xi32, #tpu.memory_space<vmem>>
        %dma_wait3A_432 = tpu.memref_squeeze %dma_wait3A_431 : memref<1x4x128xi32, #tpu.memory_space<vmem>> -> memref<4x128xi32, #tpu.memory_space<vmem>>
        %dma_wait3A_433 = arith.constant 0 : i32
        %dma_wait3A_434 = tpu.memref_slice %arg3[%add3A_321, %dma_wait3A_433] : memref<25088x128xi32, #tpu.memory_space<hbm>> -> memref<4x128xi32, #tpu.memory_space<hbm>>
        %dma_wait3A_435 = arith.constant 0 : i32
        %dma_wait3A_436 = arith.constant 0 : i32
        %dma_wait3A_437 = tpu.memref_slice %arg7[%dma_wait3A_428, %dma_wait3A_435, %dma_wait3A_436] : memref<2x4x128xi32, #tpu.memory_space<vmem>> -> memref<1x4x128xi32, #tpu.memory_space<vmem>>
        %dma_wait3A_438 = tpu.memref_squeeze %dma_wait3A_437 : memref<1x4x128xi32, #tpu.memory_space<vmem>> -> memref<4x128xi32, #tpu.memory_space<vmem>>
        %dma_wait3A_439 = arith.constant 0 : i32
        %dma_wait3A_440 = tpu.memref_slice %arg3[%add3A_321, %dma_wait3A_439] : memref<25088x128xi32, #tpu.memory_space<hbm>> -> memref<4x128xi32, #tpu.memory_space<hbm>>
        tpu.wait_dma2 semaphore(%arg12 : memref<!tpu.dma_semaphore, #tpu.memory_space<semaphore_mem>>) src(%dma_wait3A_440 : memref<4x128xi32, #tpu.memory_space<hbm>>) dst(%dma_wait3A_438 : memref<4x128xi32, #tpu.memory_space<vmem>>)
        %dma_wait3A_441 = arith.constant 0 : i32
        %dma_wait3A_442 = arith.constant 0 : i32
        %dma_wait3A_443 = arith.constant 0 : i32
        %dma_wait3A_444 = tpu.memref_slice %arg8[%dma_wait3A_441, %dma_wait3A_442, %dma_wait3A_443] : memref<2x4x128xi32, #tpu.memory_space<vmem>> -> memref<1x4x128xi32, #tpu.memory_space<vmem>>
        %dma_wait3A_445 = tpu.memref_squeeze %dma_wait3A_444 : memref<1x4x128xi32, #tpu.memory_space<vmem>> -> memref<4x128xi32, #tpu.memory_space<vmem>>
        %dma_wait3A_446 = arith.constant 0 : i32
        %dma_wait3A_447 = tpu.memref_slice %arg4[%add3A_321, %dma_wait3A_446] : memref<25088x128xi32, #tpu.memory_space<hbm>> -> memref<4x128xi32, #tpu.memory_space<hbm>>
        %dma_wait3A_448 = arith.constant 0 : i32
        %dma_wait3A_449 = arith.constant 0 : i32
        %dma_wait3A_450 = tpu.memref_slice %arg8[%dma_wait3A_441, %dma_wait3A_448, %dma_wait3A_449] : memref<2x4x128xi32, #tpu.memory_space<vmem>> -> memref<1x4x128xi32, #tpu.memory_space<vmem>>
        %dma_wait3A_451 = tpu.memref_squeeze %dma_wait3A_450 : memref<1x4x128xi32, #tpu.memory_space<vmem>> -> memref<4x128xi32, #tpu.memory_space<vmem>>
        %dma_wait3A_452 = arith.constant 0 : i32
        %dma_wait3A_453 = tpu.memref_slice %arg4[%add3A_321, %dma_wait3A_452] : memref<25088x128xi32, #tpu.memory_space<hbm>> -> memref<4x128xi32, #tpu.memory_space<hbm>>
        tpu.wait_dma2 semaphore(%arg12 : memref<!tpu.dma_semaphore, #tpu.memory_space<semaphore_mem>>) src(%dma_wait3A_453 : memref<4x128xi32, #tpu.memory_space<hbm>>) dst(%dma_wait3A_451 : memref<4x128xi32, #tpu.memory_space<vmem>>)
        %dma_start3A_454 = arith.constant 0 : i32
        %dma_start3A_455 = arith.constant 0 : i32
        %dma_start3A_456 = arith.constant 0 : i32
        %dma_start3A_457 = arith.constant 0 : i32
        %dma_start3A_458 = arith.constant 0 : i32
        %dma_start3A_459 = tpu.memref_slice %arg9[%dma_start3A_456, %dma_start3A_457, %dma_start3A_458] : memref<2x512x16xf32, #tpu.memory_space<vmem>> -> memref<1x128x16xf32, #tpu.memory_space<vmem>>
        %dma_start3A_460 = tpu.memref_squeeze %dma_start3A_459 : memref<1x128x16xf32, #tpu.memory_space<vmem>> -> memref<128x16xf32, #tpu.memory_space<vmem>>
        %dma_start3A_461 = arith.constant 0 : i32
        %dma_start3A_462 = arith.constant 0 : i32
        %dma_start3A_463 = tpu.memref_slice %arg7[%dma_start3A_454, %dma_start3A_461, %dma_start3A_462] : memref<2x4x128xi32, #tpu.memory_space<vmem>> -> memref<1x4x128xi32, #tpu.memory_space<vmem>>
        %dma_start3A_464 = tpu.memref_squeeze %dma_start3A_463 : memref<1x4x128xi32, #tpu.memory_space<vmem>> -> memref<4x128xi32, #tpu.memory_space<vmem>>
        %dma_start3A_465 = arith.constant 0 : i32
        %dma_start3A_466 = tpu.memref_slice %dma_start3A_464[%dma_start3A_455, %dma_start3A_465] : memref<4x128xi32, #tpu.memory_space<vmem>> -> memref<1x128xi32, #tpu.memory_space<vmem>>
        %dma_start3A_467 = tpu.memref_squeeze %dma_start3A_466 : memref<1x128xi32, #tpu.memory_space<vmem>> -> memref<128xi32, #tpu.memory_space<vmem>>
        %dma_start3A_468 = arith.constant 0 : i32
        %dma_start3A_469 = arith.constant 0 : i32
        %dma_start3A_470 = tpu.memref_slice %arg2[%dma_start3A_468, %dma_start3A_469] : memref<100352x16xf32, #tpu.memory_space<hbm>> -> memref<100352x16xf32, #tpu.memory_space<hbm>>
        tpu.enqueue_indirect_dma source(%dma_start3A_470 : memref<100352x16xf32, #tpu.memory_space<hbm>>) target(%dma_start3A_460 : memref<128x16xf32, #tpu.memory_space<vmem>>) offsets(%dma_start3A_467 : memref<128xi32, #tpu.memory_space<vmem>>) semaphore(%arg14 : memref<!tpu.dma_semaphore, #tpu.memory_space<semaphore_mem>>)
        %dma_start3A_471 = arith.constant 0 : i32
        %dma_start3A_472 = arith.constant 1 : i32
        %dma_start3A_473 = arith.constant 0 : i32
        %dma_start3A_474 = arith.constant 128 : i32
        %dma_start3A_475 = arith.constant 0 : i32
        %dma_start3A_476 = tpu.memref_slice %arg9[%dma_start3A_473, %dma_start3A_474, %dma_start3A_475] : memref<2x512x16xf32, #tpu.memory_space<vmem>> -> memref<1x128x16xf32, #tpu.memory_space<vmem>>
        %dma_start3A_477 = tpu.memref_squeeze %dma_start3A_476 : memref<1x128x16xf32, #tpu.memory_space<vmem>> -> memref<128x16xf32, #tpu.memory_space<vmem>>
        %dma_start3A_478 = arith.constant 0 : i32
        %dma_start3A_479 = arith.constant 0 : i32
        %dma_start3A_480 = tpu.memref_slice %arg7[%dma_start3A_471, %dma_start3A_478, %dma_start3A_479] : memref<2x4x128xi32, #tpu.memory_space<vmem>> -> memref<1x4x128xi32, #tpu.memory_space<vmem>>
        %dma_start3A_481 = tpu.memref_squeeze %dma_start3A_480 : memref<1x4x128xi32, #tpu.memory_space<vmem>> -> memref<4x128xi32, #tpu.memory_space<vmem>>
        %dma_start3A_482 = arith.constant 0 : i32
        %dma_start3A_483 = tpu.memref_slice %dma_start3A_481[%dma_start3A_472, %dma_start3A_482] : memref<4x128xi32, #tpu.memory_space<vmem>> -> memref<1x128xi32, #tpu.memory_space<vmem>>
        %dma_start3A_484 = tpu.memref_squeeze %dma_start3A_483 : memref<1x128xi32, #tpu.memory_space<vmem>> -> memref<128xi32, #tpu.memory_space<vmem>>
        %dma_start3A_485 = arith.constant 0 : i32
        %dma_start3A_486 = arith.constant 0 : i32
        %dma_start3A_487 = tpu.memref_slice %arg2[%dma_start3A_485, %dma_start3A_486] : memref<100352x16xf32, #tpu.memory_space<hbm>> -> memref<100352x16xf32, #tpu.memory_space<hbm>>
        tpu.enqueue_indirect_dma source(%dma_start3A_487 : memref<100352x16xf32, #tpu.memory_space<hbm>>) target(%dma_start3A_477 : memref<128x16xf32, #tpu.memory_space<vmem>>) offsets(%dma_start3A_484 : memref<128xi32, #tpu.memory_space<vmem>>) semaphore(%arg14 : memref<!tpu.dma_semaphore, #tpu.memory_space<semaphore_mem>>)
        %dma_start3A_488 = arith.constant 0 : i32
        %dma_start3A_489 = arith.constant 2 : i32
        %dma_start3A_490 = arith.constant 0 : i32
        %dma_start3A_491 = arith.constant 256 : i32
        %dma_start3A_492 = arith.constant 0 : i32
        %dma_start3A_493 = tpu.memref_slice %arg9[%dma_start3A_490, %dma_start3A_491, %dma_start3A_492] : memref<2x512x16xf32, #tpu.memory_space<vmem>> -> memref<1x128x16xf32, #tpu.memory_space<vmem>>
        %dma_start3A_494 = tpu.memref_squeeze %dma_start3A_493 : memref<1x128x16xf32, #tpu.memory_space<vmem>> -> memref<128x16xf32, #tpu.memory_space<vmem>>
        %dma_start3A_495 = arith.constant 0 : i32
        %dma_start3A_496 = arith.constant 0 : i32
        %dma_start3A_497 = tpu.memref_slice %arg7[%dma_start3A_488, %dma_start3A_495, %dma_start3A_496] : memref<2x4x128xi32, #tpu.memory_space<vmem>> -> memref<1x4x128xi32, #tpu.memory_space<vmem>>
        %dma_start3A_498 = tpu.memref_squeeze %dma_start3A_497 : memref<1x4x128xi32, #tpu.memory_space<vmem>> -> memref<4x128xi32, #tpu.memory_space<vmem>>
        %dma_start3A_499 = arith.constant 0 : i32
        %dma_start3A_500 = tpu.memref_slice %dma_start3A_498[%dma_start3A_489, %dma_start3A_499] : memref<4x128xi32, #tpu.memory_space<vmem>> -> memref<1x128xi32, #tpu.memory_space<vmem>>
        %dma_start3A_501 = tpu.memref_squeeze %dma_start3A_500 : memref<1x128xi32, #tpu.memory_space<vmem>> -> memref<128xi32, #tpu.memory_space<vmem>>
        %dma_start3A_502 = arith.constant 0 : i32
        %dma_start3A_503 = arith.constant 0 : i32
        %dma_start3A_504 = tpu.memref_slice %arg2[%dma_start3A_502, %dma_start3A_503] : memref<100352x16xf32, #tpu.memory_space<hbm>> -> memref<100352x16xf32, #tpu.memory_space<hbm>>
        tpu.enqueue_indirect_dma source(%dma_start3A_504 : memref<100352x16xf32, #tpu.memory_space<hbm>>) target(%dma_start3A_494 : memref<128x16xf32, #tpu.memory_space<vmem>>) offsets(%dma_start3A_501 : memref<128xi32, #tpu.memory_space<vmem>>) semaphore(%arg14 : memref<!tpu.dma_semaphore, #tpu.memory_space<semaphore_mem>>)
        %dma_start3A_505 = arith.constant 0 : i32
        %dma_start3A_506 = arith.constant 3 : i32
        %dma_start3A_507 = arith.constant 0 : i32
        %dma_start3A_508 = arith.constant 384 : i32
        %dma_start3A_509 = arith.constant 0 : i32
        %dma_start3A_510 = tpu.memref_slice %arg9[%dma_start3A_507, %dma_start3A_508, %dma_start3A_509] : memref<2x512x16xf32, #tpu.memory_space<vmem>> -> memref<1x128x16xf32, #tpu.memory_space<vmem>>
        %dma_start3A_511 = tpu.memref_squeeze %dma_start3A_510 : memref<1x128x16xf32, #tpu.memory_space<vmem>> -> memref<128x16xf32, #tpu.memory_space<vmem>>
        %dma_start3A_512 = arith.constant 0 : i32
        %dma_start3A_513 = arith.constant 0 : i32
        %dma_start3A_514 = tpu.memref_slice %arg7[%dma_start3A_505, %dma_start3A_512, %dma_start3A_513] : memref<2x4x128xi32, #tpu.memory_space<vmem>> -> memref<1x4x128xi32, #tpu.memory_space<vmem>>
        %dma_start3A_515 = tpu.memref_squeeze %dma_start3A_514 : memref<1x4x128xi32, #tpu.memory_space<vmem>> -> memref<4x128xi32, #tpu.memory_space<vmem>>
        %dma_start3A_516 = arith.constant 0 : i32
        %dma_start3A_517 = tpu.memref_slice %dma_start3A_515[%dma_start3A_506, %dma_start3A_516] : memref<4x128xi32, #tpu.memory_space<vmem>> -> memref<1x128xi32, #tpu.memory_space<vmem>>
        %dma_start3A_518 = tpu.memref_squeeze %dma_start3A_517 : memref<1x128xi32, #tpu.memory_space<vmem>> -> memref<128xi32, #tpu.memory_space<vmem>>
        %dma_start3A_519 = arith.constant 0 : i32
        %dma_start3A_520 = arith.constant 0 : i32
        %dma_start3A_521 = tpu.memref_slice %arg2[%dma_start3A_519, %dma_start3A_520] : memref<100352x16xf32, #tpu.memory_space<hbm>> -> memref<100352x16xf32, #tpu.memory_space<hbm>>
        tpu.enqueue_indirect_dma source(%dma_start3A_521 : memref<100352x16xf32, #tpu.memory_space<hbm>>) target(%dma_start3A_511 : memref<128x16xf32, #tpu.memory_space<vmem>>) offsets(%dma_start3A_518 : memref<128xi32, #tpu.memory_space<vmem>>) semaphore(%arg14 : memref<!tpu.dma_semaphore, #tpu.memory_space<semaphore_mem>>)
      } else {
      }
      %dma_wait3A_413 = arith.constant 1 : i32
      %dma_wait3A_414 = arith.constant 0 : i32
      %dma_wait3A_415 = arith.constant 0 : i32
      %dma_wait3A_416 = tpu.memref_slice %arg9[%dma_wait3A_413, %dma_wait3A_414, %dma_wait3A_415] : memref<2x512x16xf32, #tpu.memory_space<vmem>> -> memref<1x512x16xf32, #tpu.memory_space<vmem>>
      %dma_wait3A_417 = tpu.memref_squeeze %dma_wait3A_416 : memref<1x512x16xf32, #tpu.memory_space<vmem>> -> memref<512x16xf32, #tpu.memory_space<vmem>>
      %dma_wait3A_418 = arith.constant 0 : i32
      %dma_wait3A_419 = arith.constant 0 : i32
      %dma_wait3A_420 = tpu.memref_slice %arg11[%dma_wait3A_418, %dma_wait3A_419] : memref<100352x16xf32, #tpu.memory_space<vmem_shared>> -> memref<512x16xf32, #tpu.memory_space<vmem_shared>>
      %dma_wait3A_421 = arith.constant 0 : i32
      %dma_wait3A_422 = arith.constant 0 : i32
      %dma_wait3A_423 = tpu.memref_slice %arg11[%dma_wait3A_421, %dma_wait3A_422] : memref<100352x16xf32, #tpu.memory_space<vmem_shared>> -> memref<512x16xf32, #tpu.memory_space<vmem_shared>>
      %dma_wait3A_424 = arith.constant 0 : i32
      %dma_wait3A_425 = arith.constant 0 : i32
      %dma_wait3A_426 = tpu.memref_slice %arg9[%dma_wait3A_413, %dma_wait3A_424, %dma_wait3A_425] : memref<2x512x16xf32, #tpu.memory_space<vmem>> -> memref<1x512x16xf32, #tpu.memory_space<vmem>>
      %dma_wait3A_427 = tpu.memref_squeeze %dma_wait3A_426 : memref<1x512x16xf32, #tpu.memory_space<vmem>> -> memref<512x16xf32, #tpu.memory_space<vmem>>
      tpu.wait_dma2 semaphore(%arg17 : memref<!tpu.dma_semaphore, #tpu.memory_space<semaphore_mem>>) src(%dma_wait3A_427 : memref<512x16xf32, #tpu.memory_space<vmem>>) dst(%dma_wait3A_423 : memref<512x16xf32, #tpu.memory_space<vmem_shared>>)
    }
    %while3A_188 = arith.constant 1 : i32
    scf.for %while3A_198 = %while3A_186 to %while3A_182 step %while3A_188  : i32 {
      %mul3A_199 = arith.constant 2 : i32
      %mul3A_200 = arith.muli %while3A_198, %mul3A_199 : i32
      %add3A_201 = arith.constant 0 : i32
      %add3A_202 = arith.addi %mul3A_200, %add3A_201 : i32
      %add3A_203 = arith.constant 1 : i32
      %add3A_204 = arith.addi %add3A_202, %add3A_203 : i32
      %mul3A_205 = arith.constant 4 : i32
      %mul3A_206 = arith.muli %add3A_204, %mul3A_205 : i32
      %add3A_207 = arith.addi %mul3A_10, %mul3A_206 : i32
      %lt3A = arith.cmpi slt, %add3A_204, %select_n3A : i32
      %convert_element_type3A_208 = arith.extui %lt3A : i1 to i32
      %cond3A_209 = arith.constant 0 : i32
      %cond3A_210 = arith.cmpi ne, %convert_element_type3A_208, %cond3A_209 : i32
      scf.if %cond3A_210 {
        %dma_start3A_428 = arith.constant 1 : i32
        %dma_start3A_429 = arith.constant 0 : i32
        %dma_start3A_430 = arith.constant 0 : i32
        %dma_start3A_431 = tpu.memref_slice %arg7[%dma_start3A_428, %dma_start3A_429, %dma_start3A_430] : memref<2x4x128xi32, #tpu.memory_space<vmem>> -> memref<1x4x128xi32, #tpu.memory_space<vmem>>
        %dma_start3A_432 = tpu.memref_squeeze %dma_start3A_431 : memref<1x4x128xi32, #tpu.memory_space<vmem>> -> memref<4x128xi32, #tpu.memory_space<vmem>>
        %dma_start3A_433 = arith.constant 0 : i32
        %dma_start3A_434 = tpu.memref_slice %arg3[%add3A_207, %dma_start3A_433] : memref<25088x128xi32, #tpu.memory_space<hbm>> -> memref<4x128xi32, #tpu.memory_space<hbm>>
        %dma_start3A_435 = arith.constant 0 : i32
        %dma_start3A_436 = arith.constant 0 : i32
        %dma_start3A_437 = tpu.memref_slice %arg7[%dma_start3A_428, %dma_start3A_435, %dma_start3A_436] : memref<2x4x128xi32, #tpu.memory_space<vmem>> -> memref<1x4x128xi32, #tpu.memory_space<vmem>>
        %dma_start3A_438 = tpu.memref_squeeze %dma_start3A_437 : memref<1x4x128xi32, #tpu.memory_space<vmem>> -> memref<4x128xi32, #tpu.memory_space<vmem>>
        %dma_start3A_439 = arith.constant 0 : i32
        %dma_start3A_440 = tpu.memref_slice %arg3[%add3A_207, %dma_start3A_439] : memref<25088x128xi32, #tpu.memory_space<hbm>> -> memref<4x128xi32, #tpu.memory_space<hbm>>
        tpu.enqueue_dma source(%dma_start3A_440 : memref<4x128xi32, #tpu.memory_space<hbm>>) target(%dma_start3A_438 : memref<4x128xi32, #tpu.memory_space<vmem>>) target_semaphore(%arg13 : memref<!tpu.dma_semaphore, #tpu.memory_space<semaphore_mem>>)
        %dma_start3A_441 = arith.constant 1 : i32
        %dma_start3A_442 = arith.constant 0 : i32
        %dma_start3A_443 = arith.constant 0 : i32
        %dma_start3A_444 = tpu.memref_slice %arg8[%dma_start3A_441, %dma_start3A_442, %dma_start3A_443] : memref<2x4x128xi32, #tpu.memory_space<vmem>> -> memref<1x4x128xi32, #tpu.memory_space<vmem>>
        %dma_start3A_445 = tpu.memref_squeeze %dma_start3A_444 : memref<1x4x128xi32, #tpu.memory_space<vmem>> -> memref<4x128xi32, #tpu.memory_space<vmem>>
        %dma_start3A_446 = arith.constant 0 : i32
        %dma_start3A_447 = tpu.memref_slice %arg4[%add3A_207, %dma_start3A_446] : memref<25088x128xi32, #tpu.memory_space<hbm>> -> memref<4x128xi32, #tpu.memory_space<hbm>>
        %dma_start3A_448 = arith.constant 0 : i32
        %dma_start3A_449 = arith.constant 0 : i32
        %dma_start3A_450 = tpu.memref_slice %arg8[%dma_start3A_441, %dma_start3A_448, %dma_start3A_449] : memref<2x4x128xi32, #tpu.memory_space<vmem>> -> memref<1x4x128xi32, #tpu.memory_space<vmem>>
        %dma_start3A_451 = tpu.memref_squeeze %dma_start3A_450 : memref<1x4x128xi32, #tpu.memory_space<vmem>> -> memref<4x128xi32, #tpu.memory_space<vmem>>
        %dma_start3A_452 = arith.constant 0 : i32
        %dma_start3A_453 = tpu.memref_slice %arg4[%add3A_207, %dma_start3A_452] : memref<25088x128xi32, #tpu.memory_space<hbm>> -> memref<4x128xi32, #tpu.memory_space<hbm>>
        tpu.enqueue_dma source(%dma_start3A_453 : memref<4x128xi32, #tpu.memory_space<hbm>>) target(%dma_start3A_451 : memref<4x128xi32, #tpu.memory_space<vmem>>) target_semaphore(%arg13 : memref<!tpu.dma_semaphore, #tpu.memory_space<semaphore_mem>>)
      } else {
      }
      %dma_wait3A_211 = arith.constant 0 : i32
      %dma_wait3A_212 = arith.constant 0 : i32
      %dma_wait3A_213 = arith.constant 0 : i32
      %dma_wait3A_214 = tpu.memref_slice %arg9[%dma_wait3A_211, %dma_wait3A_212, %dma_wait3A_213] : memref<2x512x16xf32, #tpu.memory_space<vmem>> -> memref<1x512x16xf32, #tpu.memory_space<vmem>>
      %dma_wait3A_215 = tpu.memref_squeeze %dma_wait3A_214 : memref<1x512x16xf32, #tpu.memory_space<vmem>> -> memref<512x16xf32, #tpu.memory_space<vmem>>
      %dma_wait3A_216 = arith.constant 0 : i32
      %dma_wait3A_217 = arith.constant 0 : i32
      %dma_wait3A_218 = tpu.memref_slice %arg5[%dma_wait3A_216, %dma_wait3A_217] : memref<100352x16xf32, #tpu.memory_space<hbm>> -> memref<512x16xf32, #tpu.memory_space<hbm>>
      %dma_wait3A_219 = arith.constant 0 : i32
      %dma_wait3A_220 = arith.constant 0 : i32
      %dma_wait3A_221 = tpu.memref_slice %arg9[%dma_wait3A_211, %dma_wait3A_219, %dma_wait3A_220] : memref<2x512x16xf32, #tpu.memory_space<vmem>> -> memref<1x512x16xf32, #tpu.memory_space<vmem>>
      %dma_wait3A_222 = tpu.memref_squeeze %dma_wait3A_221 : memref<1x512x16xf32, #tpu.memory_space<vmem>> -> memref<512x16xf32, #tpu.memory_space<vmem>>
      %dma_wait3A_223 = arith.constant 0 : i32
      %dma_wait3A_224 = arith.constant 0 : i32
      %dma_wait3A_225 = tpu.memref_slice %arg5[%dma_wait3A_223, %dma_wait3A_224] : memref<100352x16xf32, #tpu.memory_space<hbm>> -> memref<512x16xf32, #tpu.memory_space<hbm>>
      tpu.wait_dma2 semaphore(%arg14 : memref<!tpu.dma_semaphore, #tpu.memory_space<semaphore_mem>>) src(%dma_wait3A_225 : memref<512x16xf32, #tpu.memory_space<hbm>>) dst(%dma_wait3A_222 : memref<512x16xf32, #tpu.memory_space<vmem>>)
      %dma_start3A_226 = arith.constant 0 : i32
      %dma_start3A_227 = arith.constant 0 : i32
      %dma_start3A_228 = arith.constant 0 : i32
      %dma_start3A_229 = arith.constant 0 : i32
      %dma_start3A_230 = arith.constant 0 : i32
      %dma_start3A_231 = tpu.memref_slice %arg9[%dma_start3A_226, %dma_start3A_229, %dma_start3A_230] : memref<2x512x16xf32, #tpu.memory_space<vmem>> -> memref<1x128x16xf32, #tpu.memory_space<vmem>>
      %dma_start3A_232 = tpu.memref_squeeze %dma_start3A_231 : memref<1x128x16xf32, #tpu.memory_space<vmem>> -> memref<128x16xf32, #tpu.memory_space<vmem>>
      %dma_start3A_233 = arith.constant 0 : i32
      %dma_start3A_234 = arith.constant 0 : i32
      %dma_start3A_235 = tpu.memref_slice %arg8[%dma_start3A_227, %dma_start3A_233, %dma_start3A_234] : memref<2x4x128xi32, #tpu.memory_space<vmem>> -> memref<1x4x128xi32, #tpu.memory_space<vmem>>
      %dma_start3A_236 = tpu.memref_squeeze %dma_start3A_235 : memref<1x4x128xi32, #tpu.memory_space<vmem>> -> memref<4x128xi32, #tpu.memory_space<vmem>>
      %dma_start3A_237 = arith.constant 0 : i32
      %dma_start3A_238 = tpu.memref_slice %dma_start3A_236[%dma_start3A_228, %dma_start3A_237] : memref<4x128xi32, #tpu.memory_space<vmem>> -> memref<1x128xi32, #tpu.memory_space<vmem>>
      %dma_start3A_239 = tpu.memref_squeeze %dma_start3A_238 : memref<1x128xi32, #tpu.memory_space<vmem>> -> memref<128xi32, #tpu.memory_space<vmem>>
      %dma_start3A_240 = arith.constant 0 : i32
      %dma_start3A_241 = arith.constant 0 : i32
      %dma_start3A_242 = tpu.memref_slice %arg11[%dma_start3A_240, %dma_start3A_241] : memref<100352x16xf32, #tpu.memory_space<vmem_shared>> -> memref<100352x16xf32, #tpu.memory_space<vmem_shared>>
      tpu.enqueue_indirect_dma source(%dma_start3A_232 : memref<128x16xf32, #tpu.memory_space<vmem>>) target(%dma_start3A_242 : memref<100352x16xf32, #tpu.memory_space<vmem_shared>>) offsets(%dma_start3A_239 : memref<128xi32, #tpu.memory_space<vmem>>) semaphore(%arg16 : memref<!tpu.dma_semaphore, #tpu.memory_space<semaphore_mem>>) {add = true}
      %dma_start3A_243 = arith.constant 0 : i32
      %dma_start3A_244 = arith.constant 0 : i32
      %dma_start3A_245 = arith.constant 1 : i32
      %dma_start3A_246 = arith.constant 128 : i32
      %dma_start3A_247 = arith.constant 0 : i32
      %dma_start3A_248 = tpu.memref_slice %arg9[%dma_start3A_243, %dma_start3A_246, %dma_start3A_247] : memref<2x512x16xf32, #tpu.memory_space<vmem>> -> memref<1x128x16xf32, #tpu.memory_space<vmem>>
      %dma_start3A_249 = tpu.memref_squeeze %dma_start3A_248 : memref<1x128x16xf32, #tpu.memory_space<vmem>> -> memref<128x16xf32, #tpu.memory_space<vmem>>
      %dma_start3A_250 = arith.constant 0 : i32
      %dma_start3A_251 = arith.constant 0 : i32
      %dma_start3A_252 = tpu.memref_slice %arg8[%dma_start3A_244, %dma_start3A_250, %dma_start3A_251] : memref<2x4x128xi32, #tpu.memory_space<vmem>> -> memref<1x4x128xi32, #tpu.memory_space<vmem>>
      %dma_start3A_253 = tpu.memref_squeeze %dma_start3A_252 : memref<1x4x128xi32, #tpu.memory_space<vmem>> -> memref<4x128xi32, #tpu.memory_space<vmem>>
      %dma_start3A_254 = arith.constant 0 : i32
      %dma_start3A_255 = tpu.memref_slice %dma_start3A_253[%dma_start3A_245, %dma_start3A_254] : memref<4x128xi32, #tpu.memory_space<vmem>> -> memref<1x128xi32, #tpu.memory_space<vmem>>
      %dma_start3A_256 = tpu.memref_squeeze %dma_start3A_255 : memref<1x128xi32, #tpu.memory_space<vmem>> -> memref<128xi32, #tpu.memory_space<vmem>>
      %dma_start3A_257 = arith.constant 0 : i32
      %dma_start3A_258 = arith.constant 0 : i32
      %dma_start3A_259 = tpu.memref_slice %arg11[%dma_start3A_257, %dma_start3A_258] : memref<100352x16xf32, #tpu.memory_space<vmem_shared>> -> memref<100352x16xf32, #tpu.memory_space<vmem_shared>>
      tpu.enqueue_indirect_dma source(%dma_start3A_249 : memref<128x16xf32, #tpu.memory_space<vmem>>) target(%dma_start3A_259 : memref<100352x16xf32, #tpu.memory_space<vmem_shared>>) offsets(%dma_start3A_256 : memref<128xi32, #tpu.memory_space<vmem>>) semaphore(%arg16 : memref<!tpu.dma_semaphore, #tpu.memory_space<semaphore_mem>>) {add = true}
      %dma_start3A_260 = arith.constant 0 : i32
      %dma_start3A_261 = arith.constant 0 : i32
      %dma_start3A_262 = arith.constant 2 : i32
      %dma_start3A_263 = arith.constant 256 : i32
      %dma_start3A_264 = arith.constant 0 : i32
      %dma_start3A_265 = tpu.memref_slice %arg9[%dma_start3A_260, %dma_start3A_263, %dma_start3A_264] : memref<2x512x16xf32, #tpu.memory_space<vmem>> -> memref<1x128x16xf32, #tpu.memory_space<vmem>>
      %dma_start3A_266 = tpu.memref_squeeze %dma_start3A_265 : memref<1x128x16xf32, #tpu.memory_space<vmem>> -> memref<128x16xf32, #tpu.memory_space<vmem>>
      %dma_start3A_267 = arith.constant 0 : i32
      %dma_start3A_268 = arith.constant 0 : i32
      %dma_start3A_269 = tpu.memref_slice %arg8[%dma_start3A_261, %dma_start3A_267, %dma_start3A_268] : memref<2x4x128xi32, #tpu.memory_space<vmem>> -> memref<1x4x128xi32, #tpu.memory_space<vmem>>
      %dma_start3A_270 = tpu.memref_squeeze %dma_start3A_269 : memref<1x4x128xi32, #tpu.memory_space<vmem>> -> memref<4x128xi32, #tpu.memory_space<vmem>>
      %dma_start3A_271 = arith.constant 0 : i32
      %dma_start3A_272 = tpu.memref_slice %dma_start3A_270[%dma_start3A_262, %dma_start3A_271] : memref<4x128xi32, #tpu.memory_space<vmem>> -> memref<1x128xi32, #tpu.memory_space<vmem>>
      %dma_start3A_273 = tpu.memref_squeeze %dma_start3A_272 : memref<1x128xi32, #tpu.memory_space<vmem>> -> memref<128xi32, #tpu.memory_space<vmem>>
      %dma_start3A_274 = arith.constant 0 : i32
      %dma_start3A_275 = arith.constant 0 : i32
      %dma_start3A_276 = tpu.memref_slice %arg11[%dma_start3A_274, %dma_start3A_275] : memref<100352x16xf32, #tpu.memory_space<vmem_shared>> -> memref<100352x16xf32, #tpu.memory_space<vmem_shared>>
      tpu.enqueue_indirect_dma source(%dma_start3A_266 : memref<128x16xf32, #tpu.memory_space<vmem>>) target(%dma_start3A_276 : memref<100352x16xf32, #tpu.memory_space<vmem_shared>>) offsets(%dma_start3A_273 : memref<128xi32, #tpu.memory_space<vmem>>) semaphore(%arg16 : memref<!tpu.dma_semaphore, #tpu.memory_space<semaphore_mem>>) {add = true}
      %dma_start3A_277 = arith.constant 0 : i32
      %dma_start3A_278 = arith.constant 0 : i32
      %dma_start3A_279 = arith.constant 3 : i32
      %dma_start3A_280 = arith.constant 384 : i32
      %dma_start3A_281 = arith.constant 0 : i32
      %dma_start3A_282 = tpu.memref_slice %arg9[%dma_start3A_277, %dma_start3A_280, %dma_start3A_281] : memref<2x512x16xf32, #tpu.memory_space<vmem>> -> memref<1x128x16xf32, #tpu.memory_space<vmem>>
      %dma_start3A_283 = tpu.memref_squeeze %dma_start3A_282 : memref<1x128x16xf32, #tpu.memory_space<vmem>> -> memref<128x16xf32, #tpu.memory_space<vmem>>
      %dma_start3A_284 = arith.constant 0 : i32
      %dma_start3A_285 = arith.constant 0 : i32
      %dma_start3A_286 = tpu.memref_slice %arg8[%dma_start3A_278, %dma_start3A_284, %dma_start3A_285] : memref<2x4x128xi32, #tpu.memory_space<vmem>> -> memref<1x4x128xi32, #tpu.memory_space<vmem>>
      %dma_start3A_287 = tpu.memref_squeeze %dma_start3A_286 : memref<1x4x128xi32, #tpu.memory_space<vmem>> -> memref<4x128xi32, #tpu.memory_space<vmem>>
      %dma_start3A_288 = arith.constant 0 : i32
      %dma_start3A_289 = tpu.memref_slice %dma_start3A_287[%dma_start3A_279, %dma_start3A_288] : memref<4x128xi32, #tpu.memory_space<vmem>> -> memref<1x128xi32, #tpu.memory_space<vmem>>
      %dma_start3A_290 = tpu.memref_squeeze %dma_start3A_289 : memref<1x128xi32, #tpu.memory_space<vmem>> -> memref<128xi32, #tpu.memory_space<vmem>>
      %dma_start3A_291 = arith.constant 0 : i32
      %dma_start3A_292 = arith.constant 0 : i32
      %dma_start3A_293 = tpu.memref_slice %arg11[%dma_start3A_291, %dma_start3A_292] : memref<100352x16xf32, #tpu.memory_space<vmem_shared>> -> memref<100352x16xf32, #tpu.memory_space<vmem_shared>>
      tpu.enqueue_indirect_dma source(%dma_start3A_283 : memref<128x16xf32, #tpu.memory_space<vmem>>) target(%dma_start3A_293 : memref<100352x16xf32, #tpu.memory_space<vmem_shared>>) offsets(%dma_start3A_290 : memref<128xi32, #tpu.memory_space<vmem>>) semaphore(%arg16 : memref<!tpu.dma_semaphore, #tpu.memory_space<semaphore_mem>>) {add = true}
      %lt3A_294 = arith.cmpi slt, %add3A_204, %select_n3A : i32
      %convert_element_type3A_295 = arith.extui %lt3A_294 : i1 to i32
      %cond3A_296 = arith.constant 0 : i32
      %cond3A_297 = arith.cmpi ne, %convert_element_type3A_295, %cond3A_296 : i32
      scf.if %cond3A_297 {
        %dma_wait3A_428 = arith.constant 1 : i32
        %dma_wait3A_429 = arith.constant 0 : i32
        %dma_wait3A_430 = arith.constant 0 : i32
        %dma_wait3A_431 = tpu.memref_slice %arg7[%dma_wait3A_428, %dma_wait3A_429, %dma_wait3A_430] : memref<2x4x128xi32, #tpu.memory_space<vmem>> -> memref<1x4x128xi32, #tpu.memory_space<vmem>>
        %dma_wait3A_432 = tpu.memref_squeeze %dma_wait3A_431 : memref<1x4x128xi32, #tpu.memory_space<vmem>> -> memref<4x128xi32, #tpu.memory_space<vmem>>
        %dma_wait3A_433 = arith.constant 0 : i32
        %dma_wait3A_434 = tpu.memref_slice %arg3[%add3A_207, %dma_wait3A_433] : memref<25088x128xi32, #tpu.memory_space<hbm>> -> memref<4x128xi32, #tpu.memory_space<hbm>>
        %dma_wait3A_435 = arith.constant 0 : i32
        %dma_wait3A_436 = arith.constant 0 : i32
        %dma_wait3A_437 = tpu.memref_slice %arg7[%dma_wait3A_428, %dma_wait3A_435, %dma_wait3A_436] : memref<2x4x128xi32, #tpu.memory_space<vmem>> -> memref<1x4x128xi32, #tpu.memory_space<vmem>>
        %dma_wait3A_438 = tpu.memref_squeeze %dma_wait3A_437 : memref<1x4x128xi32, #tpu.memory_space<vmem>> -> memref<4x128xi32, #tpu.memory_space<vmem>>
        %dma_wait3A_439 = arith.constant 0 : i32
        %dma_wait3A_440 = tpu.memref_slice %arg3[%add3A_207, %dma_wait3A_439] : memref<25088x128xi32, #tpu.memory_space<hbm>> -> memref<4x128xi32, #tpu.memory_space<hbm>>
        tpu.wait_dma2 semaphore(%arg13 : memref<!tpu.dma_semaphore, #tpu.memory_space<semaphore_mem>>) src(%dma_wait3A_440 : memref<4x128xi32, #tpu.memory_space<hbm>>) dst(%dma_wait3A_438 : memref<4x128xi32, #tpu.memory_space<vmem>>)
        %dma_wait3A_441 = arith.constant 1 : i32
        %dma_wait3A_442 = arith.constant 0 : i32
        %dma_wait3A_443 = arith.constant 0 : i32
        %dma_wait3A_444 = tpu.memref_slice %arg8[%dma_wait3A_441, %dma_wait3A_442, %dma_wait3A_443] : memref<2x4x128xi32, #tpu.memory_space<vmem>> -> memref<1x4x128xi32, #tpu.memory_space<vmem>>
        %dma_wait3A_445 = tpu.memref_squeeze %dma_wait3A_444 : memref<1x4x128xi32, #tpu.memory_space<vmem>> -> memref<4x128xi32, #tpu.memory_space<vmem>>
        %dma_wait3A_446 = arith.constant 0 : i32
        %dma_wait3A_447 = tpu.memref_slice %arg4[%add3A_207, %dma_wait3A_446] : memref<25088x128xi32, #tpu.memory_space<hbm>> -> memref<4x128xi32, #tpu.memory_space<hbm>>
        %dma_wait3A_448 = arith.constant 0 : i32
        %dma_wait3A_449 = arith.constant 0 : i32
        %dma_wait3A_450 = tpu.memref_slice %arg8[%dma_wait3A_441, %dma_wait3A_448, %dma_wait3A_449] : memref<2x4x128xi32, #tpu.memory_space<vmem>> -> memref<1x4x128xi32, #tpu.memory_space<vmem>>
        %dma_wait3A_451 = tpu.memref_squeeze %dma_wait3A_450 : memref<1x4x128xi32, #tpu.memory_space<vmem>> -> memref<4x128xi32, #tpu.memory_space<vmem>>
        %dma_wait3A_452 = arith.constant 0 : i32
        %dma_wait3A_453 = tpu.memref_slice %arg4[%add3A_207, %dma_wait3A_452] : memref<25088x128xi32, #tpu.memory_space<hbm>> -> memref<4x128xi32, #tpu.memory_space<hbm>>
        tpu.wait_dma2 semaphore(%arg13 : memref<!tpu.dma_semaphore, #tpu.memory_space<semaphore_mem>>) src(%dma_wait3A_453 : memref<4x128xi32, #tpu.memory_space<hbm>>) dst(%dma_wait3A_451 : memref<4x128xi32, #tpu.memory_space<vmem>>)
        %dma_start3A_454 = arith.constant 1 : i32
        %dma_start3A_455 = arith.constant 0 : i32
        %dma_start3A_456 = arith.constant 1 : i32
        %dma_start3A_457 = arith.constant 0 : i32
        %dma_start3A_458 = arith.constant 0 : i32
        %dma_start3A_459 = tpu.memref_slice %arg9[%dma_start3A_456, %dma_start3A_457, %dma_start3A_458] : memref<2x512x16xf32, #tpu.memory_space<vmem>> -> memref<1x128x16xf32, #tpu.memory_space<vmem>>
        %dma_start3A_460 = tpu.memref_squeeze %dma_start3A_459 : memref<1x128x16xf32, #tpu.memory_space<vmem>> -> memref<128x16xf32, #tpu.memory_space<vmem>>
        %dma_start3A_461 = arith.constant 0 : i32
        %dma_start3A_462 = arith.constant 0 : i32
        %dma_start3A_463 = tpu.memref_slice %arg7[%dma_start3A_454, %dma_start3A_461, %dma_start3A_462] : memref<2x4x128xi32, #tpu.memory_space<vmem>> -> memref<1x4x128xi32, #tpu.memory_space<vmem>>
        %dma_start3A_464 = tpu.memref_squeeze %dma_start3A_463 : memref<1x4x128xi32, #tpu.memory_space<vmem>> -> memref<4x128xi32, #tpu.memory_space<vmem>>
        %dma_start3A_465 = arith.constant 0 : i32
        %dma_start3A_466 = tpu.memref_slice %dma_start3A_464[%dma_start3A_455, %dma_start3A_465] : memref<4x128xi32, #tpu.memory_space<vmem>> -> memref<1x128xi32, #tpu.memory_space<vmem>>
        %dma_start3A_467 = tpu.memref_squeeze %dma_start3A_466 : memref<1x128xi32, #tpu.memory_space<vmem>> -> memref<128xi32, #tpu.memory_space<vmem>>
        %dma_start3A_468 = arith.constant 0 : i32
        %dma_start3A_469 = arith.constant 0 : i32
        %dma_start3A_470 = tpu.memref_slice %arg2[%dma_start3A_468, %dma_start3A_469] : memref<100352x16xf32, #tpu.memory_space<hbm>> -> memref<100352x16xf32, #tpu.memory_space<hbm>>
        tpu.enqueue_indirect_dma source(%dma_start3A_470 : memref<100352x16xf32, #tpu.memory_space<hbm>>) target(%dma_start3A_460 : memref<128x16xf32, #tpu.memory_space<vmem>>) offsets(%dma_start3A_467 : memref<128xi32, #tpu.memory_space<vmem>>) semaphore(%arg15 : memref<!tpu.dma_semaphore, #tpu.memory_space<semaphore_mem>>)
        %dma_start3A_471 = arith.constant 1 : i32
        %dma_start3A_472 = arith.constant 1 : i32
        %dma_start3A_473 = arith.constant 1 : i32
        %dma_start3A_474 = arith.constant 128 : i32
        %dma_start3A_475 = arith.constant 0 : i32
        %dma_start3A_476 = tpu.memref_slice %arg9[%dma_start3A_473, %dma_start3A_474, %dma_start3A_475] : memref<2x512x16xf32, #tpu.memory_space<vmem>> -> memref<1x128x16xf32, #tpu.memory_space<vmem>>
        %dma_start3A_477 = tpu.memref_squeeze %dma_start3A_476 : memref<1x128x16xf32, #tpu.memory_space<vmem>> -> memref<128x16xf32, #tpu.memory_space<vmem>>
        %dma_start3A_478 = arith.constant 0 : i32
        %dma_start3A_479 = arith.constant 0 : i32
        %dma_start3A_480 = tpu.memref_slice %arg7[%dma_start3A_471, %dma_start3A_478, %dma_start3A_479] : memref<2x4x128xi32, #tpu.memory_space<vmem>> -> memref<1x4x128xi32, #tpu.memory_space<vmem>>
        %dma_start3A_481 = tpu.memref_squeeze %dma_start3A_480 : memref<1x4x128xi32, #tpu.memory_space<vmem>> -> memref<4x128xi32, #tpu.memory_space<vmem>>
        %dma_start3A_482 = arith.constant 0 : i32
        %dma_start3A_483 = tpu.memref_slice %dma_start3A_481[%dma_start3A_472, %dma_start3A_482] : memref<4x128xi32, #tpu.memory_space<vmem>> -> memref<1x128xi32, #tpu.memory_space<vmem>>
        %dma_start3A_484 = tpu.memref_squeeze %dma_start3A_483 : memref<1x128xi32, #tpu.memory_space<vmem>> -> memref<128xi32, #tpu.memory_space<vmem>>
        %dma_start3A_485 = arith.constant 0 : i32
        %dma_start3A_486 = arith.constant 0 : i32
        %dma_start3A_487 = tpu.memref_slice %arg2[%dma_start3A_485, %dma_start3A_486] : memref<100352x16xf32, #tpu.memory_space<hbm>> -> memref<100352x16xf32, #tpu.memory_space<hbm>>
        tpu.enqueue_indirect_dma source(%dma_start3A_487 : memref<100352x16xf32, #tpu.memory_space<hbm>>) target(%dma_start3A_477 : memref<128x16xf32, #tpu.memory_space<vmem>>) offsets(%dma_start3A_484 : memref<128xi32, #tpu.memory_space<vmem>>) semaphore(%arg15 : memref<!tpu.dma_semaphore, #tpu.memory_space<semaphore_mem>>)
        %dma_start3A_488 = arith.constant 1 : i32
        %dma_start3A_489 = arith.constant 2 : i32
        %dma_start3A_490 = arith.constant 1 : i32
        %dma_start3A_491 = arith.constant 256 : i32
        %dma_start3A_492 = arith.constant 0 : i32
        %dma_start3A_493 = tpu.memref_slice %arg9[%dma_start3A_490, %dma_start3A_491, %dma_start3A_492] : memref<2x512x16xf32, #tpu.memory_space<vmem>> -> memref<1x128x16xf32, #tpu.memory_space<vmem>>
        %dma_start3A_494 = tpu.memref_squeeze %dma_start3A_493 : memref<1x128x16xf32, #tpu.memory_space<vmem>> -> memref<128x16xf32, #tpu.memory_space<vmem>>
        %dma_start3A_495 = arith.constant 0 : i32
        %dma_start3A_496 = arith.constant 0 : i32
        %dma_start3A_497 = tpu.memref_slice %arg7[%dma_start3A_488, %dma_start3A_495, %dma_start3A_496] : memref<2x4x128xi32, #tpu.memory_space<vmem>> -> memref<1x4x128xi32, #tpu.memory_space<vmem>>
        %dma_start3A_498 = tpu.memref_squeeze %dma_start3A_497 : memref<1x4x128xi32, #tpu.memory_space<vmem>> -> memref<4x128xi32, #tpu.memory_space<vmem>>
        %dma_start3A_499 = arith.constant 0 : i32
        %dma_start3A_500 = tpu.memref_slice %dma_start3A_498[%dma_start3A_489, %dma_start3A_499] : memref<4x128xi32, #tpu.memory_space<vmem>> -> memref<1x128xi32, #tpu.memory_space<vmem>>
        %dma_start3A_501 = tpu.memref_squeeze %dma_start3A_500 : memref<1x128xi32, #tpu.memory_space<vmem>> -> memref<128xi32, #tpu.memory_space<vmem>>
        %dma_start3A_502 = arith.constant 0 : i32
        %dma_start3A_503 = arith.constant 0 : i32
        %dma_start3A_504 = tpu.memref_slice %arg2[%dma_start3A_502, %dma_start3A_503] : memref<100352x16xf32, #tpu.memory_space<hbm>> -> memref<100352x16xf32, #tpu.memory_space<hbm>>
        tpu.enqueue_indirect_dma source(%dma_start3A_504 : memref<100352x16xf32, #tpu.memory_space<hbm>>) target(%dma_start3A_494 : memref<128x16xf32, #tpu.memory_space<vmem>>) offsets(%dma_start3A_501 : memref<128xi32, #tpu.memory_space<vmem>>) semaphore(%arg15 : memref<!tpu.dma_semaphore, #tpu.memory_space<semaphore_mem>>)
        %dma_start3A_505 = arith.constant 1 : i32
        %dma_start3A_506 = arith.constant 3 : i32
        %dma_start3A_507 = arith.constant 1 : i32
        %dma_start3A_508 = arith.constant 384 : i32
        %dma_start3A_509 = arith.constant 0 : i32
        %dma_start3A_510 = tpu.memref_slice %arg9[%dma_start3A_507, %dma_start3A_508, %dma_start3A_509] : memref<2x512x16xf32, #tpu.memory_space<vmem>> -> memref<1x128x16xf32, #tpu.memory_space<vmem>>
        %dma_start3A_511 = tpu.memref_squeeze %dma_start3A_510 : memref<1x128x16xf32, #tpu.memory_space<vmem>> -> memref<128x16xf32, #tpu.memory_space<vmem>>
        %dma_start3A_512 = arith.constant 0 : i32
        %dma_start3A_513 = arith.constant 0 : i32
        %dma_start3A_514 = tpu.memref_slice %arg7[%dma_start3A_505, %dma_start3A_512, %dma_start3A_513] : memref<2x4x128xi32, #tpu.memory_space<vmem>> -> memref<1x4x128xi32, #tpu.memory_space<vmem>>
        %dma_start3A_515 = tpu.memref_squeeze %dma_start3A_514 : memref<1x4x128xi32, #tpu.memory_space<vmem>> -> memref<4x128xi32, #tpu.memory_space<vmem>>
        %dma_start3A_516 = arith.constant 0 : i32
        %dma_start3A_517 = tpu.memref_slice %dma_start3A_515[%dma_start3A_506, %dma_start3A_516] : memref<4x128xi32, #tpu.memory_space<vmem>> -> memref<1x128xi32, #tpu.memory_space<vmem>>
        %dma_start3A_518 = tpu.memref_squeeze %dma_start3A_517 : memref<1x128xi32, #tpu.memory_space<vmem>> -> memref<128xi32, #tpu.memory_space<vmem>>
        %dma_start3A_519 = arith.constant 0 : i32
        %dma_start3A_520 = arith.constant 0 : i32
        %dma_start3A_521 = tpu.memref_slice %arg2[%dma_start3A_519, %dma_start3A_520] : memref<100352x16xf32, #tpu.memory_space<hbm>> -> memref<100352x16xf32, #tpu.memory_space<hbm>>
        tpu.enqueue_indirect_dma source(%dma_start3A_521 : memref<100352x16xf32, #tpu.memory_space<hbm>>) target(%dma_start3A_511 : memref<128x16xf32, #tpu.memory_space<vmem>>) offsets(%dma_start3A_518 : memref<128xi32, #tpu.memory_space<vmem>>) semaphore(%arg15 : memref<!tpu.dma_semaphore, #tpu.memory_space<semaphore_mem>>)
      } else {
      }
      %dma_wait3A_298 = arith.constant 0 : i32
      %dma_wait3A_299 = arith.constant 0 : i32
      %dma_wait3A_300 = arith.constant 0 : i32
      %dma_wait3A_301 = tpu.memref_slice %arg9[%dma_wait3A_298, %dma_wait3A_299, %dma_wait3A_300] : memref<2x512x16xf32, #tpu.memory_space<vmem>> -> memref<1x512x16xf32, #tpu.memory_space<vmem>>
      %dma_wait3A_302 = tpu.memref_squeeze %dma_wait3A_301 : memref<1x512x16xf32, #tpu.memory_space<vmem>> -> memref<512x16xf32, #tpu.memory_space<vmem>>
      %dma_wait3A_303 = arith.constant 0 : i32
      %dma_wait3A_304 = arith.constant 0 : i32
      %dma_wait3A_305 = tpu.memref_slice %arg11[%dma_wait3A_303, %dma_wait3A_304] : memref<100352x16xf32, #tpu.memory_space<vmem_shared>> -> memref<512x16xf32, #tpu.memory_space<vmem_shared>>
      %dma_wait3A_306 = arith.constant 0 : i32
      %dma_wait3A_307 = arith.constant 0 : i32
      %dma_wait3A_308 = tpu.memref_slice %arg11[%dma_wait3A_306, %dma_wait3A_307] : memref<100352x16xf32, #tpu.memory_space<vmem_shared>> -> memref<512x16xf32, #tpu.memory_space<vmem_shared>>
      %dma_wait3A_309 = arith.constant 0 : i32
      %dma_wait3A_310 = arith.constant 0 : i32
      %dma_wait3A_311 = tpu.memref_slice %arg9[%dma_wait3A_298, %dma_wait3A_309, %dma_wait3A_310] : memref<2x512x16xf32, #tpu.memory_space<vmem>> -> memref<1x512x16xf32, #tpu.memory_space<vmem>>
      %dma_wait3A_312 = tpu.memref_squeeze %dma_wait3A_311 : memref<1x512x16xf32, #tpu.memory_space<vmem>> -> memref<512x16xf32, #tpu.memory_space<vmem>>
      tpu.wait_dma2 semaphore(%arg16 : memref<!tpu.dma_semaphore, #tpu.memory_space<semaphore_mem>>) src(%dma_wait3A_312 : memref<512x16xf32, #tpu.memory_space<vmem>>) dst(%dma_wait3A_308 : memref<512x16xf32, #tpu.memory_space<vmem_shared>>)
      %mul3A_313 = arith.constant 2 : i32
      %mul3A_314 = arith.muli %while3A_198, %mul3A_313 : i32
      %add3A_315 = arith.constant 1 : i32
      %add3A_316 = arith.addi %mul3A_314, %add3A_315 : i32
      %add3A_317 = arith.constant 1 : i32
      %add3A_318 = arith.addi %add3A_316, %add3A_317 : i32
      %mul3A_319 = arith.constant 4 : i32
      %mul3A_320 = arith.muli %add3A_318, %mul3A_319 : i32
      %add3A_321 = arith.addi %mul3A_10, %mul3A_320 : i32
      %lt3A_322 = arith.cmpi slt, %add3A_318, %select_n3A : i32
      %convert_element_type3A_323 = arith.extui %lt3A_322 : i1 to i32
      %cond3A_324 = arith.constant 0 : i32
      %cond3A_325 = arith.cmpi ne, %convert_element_type3A_323, %cond3A_324 : i32
      scf.if %cond3A_325 {
        %dma_start3A_428 = arith.constant 0 : i32
        %dma_start3A_429 = arith.constant 0 : i32
        %dma_start3A_430 = arith.constant 0 : i32
        %dma_start3A_431 = tpu.memref_slice %arg7[%dma_start3A_428, %dma_start3A_429, %dma_start3A_430] : memref<2x4x128xi32, #tpu.memory_space<vmem>> -> memref<1x4x128xi32, #tpu.memory_space<vmem>>
        %dma_start3A_432 = tpu.memref_squeeze %dma_start3A_431 : memref<1x4x128xi32, #tpu.memory_space<vmem>> -> memref<4x128xi32, #tpu.memory_space<vmem>>
        %dma_start3A_433 = arith.constant 0 : i32
        %dma_start3A_434 = tpu.memref_slice %arg3[%add3A_321, %dma_start3A_433] : memref<25088x128xi32, #tpu.memory_space<hbm>> -> memref<4x128xi32, #tpu.memory_space<hbm>>
        %dma_start3A_435 = arith.constant 0 : i32
        %dma_start3A_436 = arith.constant 0 : i32
        %dma_start3A_437 = tpu.memref_slice %arg7[%dma_start3A_428, %dma_start3A_435, %dma_start3A_436] : memref<2x4x128xi32, #tpu.memory_space<vmem>> -> memref<1x4x128xi32, #tpu.memory_space<vmem>>
        %dma_start3A_438 = tpu.memref_squeeze %dma_start3A_437 : memref<1x4x128xi32, #tpu.memory_space<vmem>> -> memref<4x128xi32, #tpu.memory_space<vmem>>
        %dma_start3A_439 = arith.constant 0 : i32
        %dma_start3A_440 = tpu.memref_slice %arg3[%add3A_321, %dma_start3A_439] : memref<25088x128xi32, #tpu.memory_space<hbm>> -> memref<4x128xi32, #tpu.memory_space<hbm>>
        tpu.enqueue_dma source(%dma_start3A_440 : memref<4x128xi32, #tpu.memory_space<hbm>>) target(%dma_start3A_438 : memref<4x128xi32, #tpu.memory_space<vmem>>) target_semaphore(%arg12 : memref<!tpu.dma_semaphore, #tpu.memory_space<semaphore_mem>>)
        %dma_start3A_441 = arith.constant 0 : i32
        %dma_start3A_442 = arith.constant 0 : i32
        %dma_start3A_443 = arith.constant 0 : i32
        %dma_start3A_444 = tpu.memref_slice %arg8[%dma_start3A_441, %dma_start3A_442, %dma_start3A_443] : memref<2x4x128xi32, #tpu.memory_space<vmem>> -> memref<1x4x128xi32, #tpu.memory_space<vmem>>
        %dma_start3A_445 = tpu.memref_squeeze %dma_start3A_444 : memref<1x4x128xi32, #tpu.memory_space<vmem>> -> memref<4x128xi32, #tpu.memory_space<vmem>>
        %dma_start3A_446 = arith.constant 0 : i32
        %dma_start3A_447 = tpu.memref_slice %arg4[%add3A_321, %dma_start3A_446] : memref<25088x128xi32, #tpu.memory_space<hbm>> -> memref<4x128xi32, #tpu.memory_space<hbm>>
        %dma_start3A_448 = arith.constant 0 : i32
        %dma_start3A_449 = arith.constant 0 : i32
        %dma_start3A_450 = tpu.memref_slice %arg8[%dma_start3A_441, %dma_start3A_448, %dma_start3A_449] : memref<2x4x128xi32, #tpu.memory_space<vmem>> -> memref<1x4x128xi32, #tpu.memory_space<vmem>>
        %dma_start3A_451 = tpu.memref_squeeze %dma_start3A_450 : memref<1x4x128xi32, #tpu.memory_space<vmem>> -> memref<4x128xi32, #tpu.memory_space<vmem>>
        %dma_start3A_452 = arith.constant 0 : i32
        %dma_start3A_453 = tpu.memref_slice %arg4[%add3A_321, %dma_start3A_452] : memref<25088x128xi32, #tpu.memory_space<hbm>> -> memref<4x128xi32, #tpu.memory_space<hbm>>
        tpu.enqueue_dma source(%dma_start3A_453 : memref<4x128xi32, #tpu.memory_space<hbm>>) target(%dma_start3A_451 : memref<4x128xi32, #tpu.memory_space<vmem>>) target_semaphore(%arg12 : memref<!tpu.dma_semaphore, #tpu.memory_space<semaphore_mem>>)
      } else {
      }
      %dma_wait3A_326 = arith.constant 1 : i32
      %dma_wait3A_327 = arith.constant 0 : i32
      %dma_wait3A_328 = arith.constant 0 : i32
      %dma_wait3A_329 = tpu.memref_slice %arg9[%dma_wait3A_326, %dma_wait3A_327, %dma_wait3A_328] : memref<2x512x16xf32, #tpu.memory_space<vmem>> -> memref<1x512x16xf32, #tpu.memory_space<vmem>>
      %dma_wait3A_330 = tpu.memref_squeeze %dma_wait3A_329 : memref<1x512x16xf32, #tpu.memory_space<vmem>> -> memref<512x16xf32, #tpu.memory_space<vmem>>
      %dma_wait3A_331 = arith.constant 0 : i32
      %dma_wait3A_332 = arith.constant 0 : i32
      %dma_wait3A_333 = tpu.memref_slice %arg5[%dma_wait3A_331, %dma_wait3A_332] : memref<100352x16xf32, #tpu.memory_space<hbm>> -> memref<512x16xf32, #tpu.memory_space<hbm>>
      %dma_wait3A_334 = arith.constant 0 : i32
      %dma_wait3A_335 = arith.constant 0 : i32
      %dma_wait3A_336 = tpu.memref_slice %arg9[%dma_wait3A_326, %dma_wait3A_334, %dma_wait3A_335] : memref<2x512x16xf32, #tpu.memory_space<vmem>> -> memref<1x512x16xf32, #tpu.memory_space<vmem>>
      %dma_wait3A_337 = tpu.memref_squeeze %dma_wait3A_336 : memref<1x512x16xf32, #tpu.memory_space<vmem>> -> memref<512x16xf32, #tpu.memory_space<vmem>>
      %dma_wait3A_338 = arith.constant 0 : i32
      %dma_wait3A_339 = arith.constant 0 : i32
      %dma_wait3A_340 = tpu.memref_slice %arg5[%dma_wait3A_338, %dma_wait3A_339] : memref<100352x16xf32, #tpu.memory_space<hbm>> -> memref<512x16xf32, #tpu.memory_space<hbm>>
      tpu.wait_dma2 semaphore(%arg15 : memref<!tpu.dma_semaphore, #tpu.memory_space<semaphore_mem>>) src(%dma_wait3A_340 : memref<512x16xf32, #tpu.memory_space<hbm>>) dst(%dma_wait3A_337 : memref<512x16xf32, #tpu.memory_space<vmem>>)
      %dma_start3A_341 = arith.constant 1 : i32
      %dma_start3A_342 = arith.constant 1 : i32
      %dma_start3A_343 = arith.constant 0 : i32
      %dma_start3A_344 = arith.constant 0 : i32
      %dma_start3A_345 = arith.constant 0 : i32
      %dma_start3A_346 = tpu.memref_slice %arg9[%dma_start3A_341, %dma_start3A_344, %dma_start3A_345] : memref<2x512x16xf32, #tpu.memory_space<vmem>> -> memref<1x128x16xf32, #tpu.memory_space<vmem>>
      %dma_start3A_347 = tpu.memref_squeeze %dma_start3A_346 : memref<1x128x16xf32, #tpu.memory_space<vmem>> -> memref<128x16xf32, #tpu.memory_space<vmem>>
      %dma_start3A_348 = arith.constant 0 : i32
      %dma_start3A_349 = arith.constant 0 : i32
      %dma_start3A_350 = tpu.memref_slice %arg8[%dma_start3A_342, %dma_start3A_348, %dma_start3A_349] : memref<2x4x128xi32, #tpu.memory_space<vmem>> -> memref<1x4x128xi32, #tpu.memory_space<vmem>>
      %dma_start3A_351 = tpu.memref_squeeze %dma_start3A_350 : memref<1x4x128xi32, #tpu.memory_space<vmem>> -> memref<4x128xi32, #tpu.memory_space<vmem>>
      %dma_start3A_352 = arith.constant 0 : i32
      %dma_start3A_353 = tpu.memref_slice %dma_start3A_351[%dma_start3A_343, %dma_start3A_352] : memref<4x128xi32, #tpu.memory_space<vmem>> -> memref<1x128xi32, #tpu.memory_space<vmem>>
      %dma_start3A_354 = tpu.memref_squeeze %dma_start3A_353 : memref<1x128xi32, #tpu.memory_space<vmem>> -> memref<128xi32, #tpu.memory_space<vmem>>
      %dma_start3A_355 = arith.constant 0 : i32
      %dma_start3A_356 = arith.constant 0 : i32
      %dma_start3A_357 = tpu.memref_slice %arg11[%dma_start3A_355, %dma_start3A_356] : memref<100352x16xf32, #tpu.memory_space<vmem_shared>> -> memref<100352x16xf32, #tpu.memory_space<vmem_shared>>
      tpu.enqueue_indirect_dma source(%dma_start3A_347 : memref<128x16xf32, #tpu.memory_space<vmem>>) target(%dma_start3A_357 : memref<100352x16xf32, #tpu.memory_space<vmem_shared>>) offsets(%dma_start3A_354 : memref<128xi32, #tpu.memory_space<vmem>>) semaphore(%arg17 : memref<!tpu.dma_semaphore, #tpu.memory_space<semaphore_mem>>) {add = true}
      %dma_start3A_358 = arith.constant 1 : i32
      %dma_start3A_359 = arith.constant 1 : i32
      %dma_start3A_360 = arith.constant 1 : i32
      %dma_start3A_361 = arith.constant 128 : i32
      %dma_start3A_362 = arith.constant 0 : i32
      %dma_start3A_363 = tpu.memref_slice %arg9[%dma_start3A_358, %dma_start3A_361, %dma_start3A_362] : memref<2x512x16xf32, #tpu.memory_space<vmem>> -> memref<1x128x16xf32, #tpu.memory_space<vmem>>
      %dma_start3A_364 = tpu.memref_squeeze %dma_start3A_363 : memref<1x128x16xf32, #tpu.memory_space<vmem>> -> memref<128x16xf32, #tpu.memory_space<vmem>>
      %dma_start3A_365 = arith.constant 0 : i32
      %dma_start3A_366 = arith.constant 0 : i32
      %dma_start3A_367 = tpu.memref_slice %arg8[%dma_start3A_359, %dma_start3A_365, %dma_start3A_366] : memref<2x4x128xi32, #tpu.memory_space<vmem>> -> memref<1x4x128xi32, #tpu.memory_space<vmem>>
      %dma_start3A_368 = tpu.memref_squeeze %dma_start3A_367 : memref<1x4x128xi32, #tpu.memory_space<vmem>> -> memref<4x128xi32, #tpu.memory_space<vmem>>
      %dma_start3A_369 = arith.constant 0 : i32
      %dma_start3A_370 = tpu.memref_slice %dma_start3A_368[%dma_start3A_360, %dma_start3A_369] : memref<4x128xi32, #tpu.memory_space<vmem>> -> memref<1x128xi32, #tpu.memory_space<vmem>>
      %dma_start3A_371 = tpu.memref_squeeze %dma_start3A_370 : memref<1x128xi32, #tpu.memory_space<vmem>> -> memref<128xi32, #tpu.memory_space<vmem>>
      %dma_start3A_372 = arith.constant 0 : i32
      %dma_start3A_373 = arith.constant 0 : i32
      %dma_start3A_374 = tpu.memref_slice %arg11[%dma_start3A_372, %dma_start3A_373] : memref<100352x16xf32, #tpu.memory_space<vmem_shared>> -> memref<100352x16xf32, #tpu.memory_space<vmem_shared>>
      tpu.enqueue_indirect_dma source(%dma_start3A_364 : memref<128x16xf32, #tpu.memory_space<vmem>>) target(%dma_start3A_374 : memref<100352x16xf32, #tpu.memory_space<vmem_shared>>) offsets(%dma_start3A_371 : memref<128xi32, #tpu.memory_space<vmem>>) semaphore(%arg17 : memref<!tpu.dma_semaphore, #tpu.memory_space<semaphore_mem>>) {add = true}
      %dma_start3A_375 = arith.constant 1 : i32
      %dma_start3A_376 = arith.constant 1 : i32
      %dma_start3A_377 = arith.constant 2 : i32
      %dma_start3A_378 = arith.constant 256 : i32
      %dma_start3A_379 = arith.constant 0 : i32
      %dma_start3A_380 = tpu.memref_slice %arg9[%dma_start3A_375, %dma_start3A_378, %dma_start3A_379] : memref<2x512x16xf32, #tpu.memory_space<vmem>> -> memref<1x128x16xf32, #tpu.memory_space<vmem>>
      %dma_start3A_381 = tpu.memref_squeeze %dma_start3A_380 : memref<1x128x16xf32, #tpu.memory_space<vmem>> -> memref<128x16xf32, #tpu.memory_space<vmem>>
      %dma_start3A_382 = arith.constant 0 : i32
      %dma_start3A_383 = arith.constant 0 : i32
      %dma_start3A_384 = tpu.memref_slice %arg8[%dma_start3A_376, %dma_start3A_382, %dma_start3A_383] : memref<2x4x128xi32, #tpu.memory_space<vmem>> -> memref<1x4x128xi32, #tpu.memory_space<vmem>>
      %dma_start3A_385 = tpu.memref_squeeze %dma_start3A_384 : memref<1x4x128xi32, #tpu.memory_space<vmem>> -> memref<4x128xi32, #tpu.memory_space<vmem>>
      %dma_start3A_386 = arith.constant 0 : i32
      %dma_start3A_387 = tpu.memref_slice %dma_start3A_385[%dma_start3A_377, %dma_start3A_386] : memref<4x128xi32, #tpu.memory_space<vmem>> -> memref<1x128xi32, #tpu.memory_space<vmem>>
      %dma_start3A_388 = tpu.memref_squeeze %dma_start3A_387 : memref<1x128xi32, #tpu.memory_space<vmem>> -> memref<128xi32, #tpu.memory_space<vmem>>
      %dma_start3A_389 = arith.constant 0 : i32
      %dma_start3A_390 = arith.constant 0 : i32
      %dma_start3A_391 = tpu.memref_slice %arg11[%dma_start3A_389, %dma_start3A_390] : memref<100352x16xf32, #tpu.memory_space<vmem_shared>> -> memref<100352x16xf32, #tpu.memory_space<vmem_shared>>
      tpu.enqueue_indirect_dma source(%dma_start3A_381 : memref<128x16xf32, #tpu.memory_space<vmem>>) target(%dma_start3A_391 : memref<100352x16xf32, #tpu.memory_space<vmem_shared>>) offsets(%dma_start3A_388 : memref<128xi32, #tpu.memory_space<vmem>>) semaphore(%arg17 : memref<!tpu.dma_semaphore, #tpu.memory_space<semaphore_mem>>) {add = true}
      %dma_start3A_392 = arith.constant 1 : i32
      %dma_start3A_393 = arith.constant 1 : i32
      %dma_start3A_394 = arith.constant 3 : i32
      %dma_start3A_395 = arith.constant 384 : i32
      %dma_start3A_396 = arith.constant 0 : i32
      %dma_start3A_397 = tpu.memref_slice %arg9[%dma_start3A_392, %dma_start3A_395, %dma_start3A_396] : memref<2x512x16xf32, #tpu.memory_space<vmem>> -> memref<1x128x16xf32, #tpu.memory_space<vmem>>
      %dma_start3A_398 = tpu.memref_squeeze %dma_start3A_397 : memref<1x128x16xf32, #tpu.memory_space<vmem>> -> memref<128x16xf32, #tpu.memory_space<vmem>>
      %dma_start3A_399 = arith.constant 0 : i32
      %dma_start3A_400 = arith.constant 0 : i32
      %dma_start3A_401 = tpu.memref_slice %arg8[%dma_start3A_393, %dma_start3A_399, %dma_start3A_400] : memref<2x4x128xi32, #tpu.memory_space<vmem>> -> memref<1x4x128xi32, #tpu.memory_space<vmem>>
      %dma_start3A_402 = tpu.memref_squeeze %dma_start3A_401 : memref<1x4x128xi32, #tpu.memory_space<vmem>> -> memref<4x128xi32, #tpu.memory_space<vmem>>
      %dma_start3A_403 = arith.constant 0 : i32
      %dma_start3A_404 = tpu.memref_slice %dma_start3A_402[%dma_start3A_394, %dma_start3A_403] : memref<4x128xi32, #tpu.memory_space<vmem>> -> memref<1x128xi32, #tpu.memory_space<vmem>>
      %dma_start3A_405 = tpu.memref_squeeze %dma_start3A_404 : memref<1x128xi32, #tpu.memory_space<vmem>> -> memref<128xi32, #tpu.memory_space<vmem>>
      %dma_start3A_406 = arith.constant 0 : i32
      %dma_start3A_407 = arith.constant 0 : i32
      %dma_start3A_408 = tpu.memref_slice %arg11[%dma_start3A_406, %dma_start3A_407] : memref<100352x16xf32, #tpu.memory_space<vmem_shared>> -> memref<100352x16xf32, #tpu.memory_space<vmem_shared>>
      tpu.enqueue_indirect_dma source(%dma_start3A_398 : memref<128x16xf32, #tpu.memory_space<vmem>>) target(%dma_start3A_408 : memref<100352x16xf32, #tpu.memory_space<vmem_shared>>) offsets(%dma_start3A_405 : memref<128xi32, #tpu.memory_space<vmem>>) semaphore(%arg17 : memref<!tpu.dma_semaphore, #tpu.memory_space<semaphore_mem>>) {add = true}
      %lt3A_409 = arith.cmpi slt, %add3A_318, %select_n3A : i32
      %convert_element_type3A_410 = arith.extui %lt3A_409 : i1 to i32
      %cond3A_411 = arith.constant 0 : i32
      %cond3A_412 = arith.cmpi ne, %convert_element_type3A_410, %cond3A_411 : i32
      scf.if %cond3A_412 {
        %dma_wait3A_428 = arith.constant 0 : i32
        %dma_wait3A_429 = arith.constant 0 : i32
        %dma_wait3A_430 = arith.constant 0 : i32
        %dma_wait3A_431 = tpu.memref_slice %arg7[%dma_wait3A_428, %dma_wait3A_429, %dma_wait3A_430] : memref<2x4x128xi32, #tpu.memory_space<vmem>> -> memref<1x4x128xi32, #tpu.memory_space<vmem>>
        %dma_wait3A_432 = tpu.memref_squeeze %dma_wait3A_431 : memref<1x4x128xi32, #tpu.memory_space<vmem>> -> memref<4x128xi32, #tpu.memory_space<vmem>>
        %dma_wait3A_433 = arith.constant 0 : i32
        %dma_wait3A_434 = tpu.memref_slice %arg3[%add3A_321, %dma_wait3A_433] : memref<25088x128xi32, #tpu.memory_space<hbm>> -> memref<4x128xi32, #tpu.memory_space<hbm>>
        %dma_wait3A_435 = arith.constant 0 : i32
        %dma_wait3A_436 = arith.constant 0 : i32
        %dma_wait3A_437 = tpu.memref_slice %arg7[%dma_wait3A_428, %dma_wait3A_435, %dma_wait3A_436] : memref<2x4x128xi32, #tpu.memory_space<vmem>> -> memref<1x4x128xi32, #tpu.memory_space<vmem>>
        %dma_wait3A_438 = tpu.memref_squeeze %dma_wait3A_437 : memref<1x4x128xi32, #tpu.memory_space<vmem>> -> memref<4x128xi32, #tpu.memory_space<vmem>>
        %dma_wait3A_439 = arith.constant 0 : i32
        %dma_wait3A_440 = tpu.memref_slice %arg3[%add3A_321, %dma_wait3A_439] : memref<25088x128xi32, #tpu.memory_space<hbm>> -> memref<4x128xi32, #tpu.memory_space<hbm>>
        tpu.wait_dma2 semaphore(%arg12 : memref<!tpu.dma_semaphore, #tpu.memory_space<semaphore_mem>>) src(%dma_wait3A_440 : memref<4x128xi32, #tpu.memory_space<hbm>>) dst(%dma_wait3A_438 : memref<4x128xi32, #tpu.memory_space<vmem>>)
        %dma_wait3A_441 = arith.constant 0 : i32
        %dma_wait3A_442 = arith.constant 0 : i32
        %dma_wait3A_443 = arith.constant 0 : i32
        %dma_wait3A_444 = tpu.memref_slice %arg8[%dma_wait3A_441, %dma_wait3A_442, %dma_wait3A_443] : memref<2x4x128xi32, #tpu.memory_space<vmem>> -> memref<1x4x128xi32, #tpu.memory_space<vmem>>
        %dma_wait3A_445 = tpu.memref_squeeze %dma_wait3A_444 : memref<1x4x128xi32, #tpu.memory_space<vmem>> -> memref<4x128xi32, #tpu.memory_space<vmem>>
        %dma_wait3A_446 = arith.constant 0 : i32
        %dma_wait3A_447 = tpu.memref_slice %arg4[%add3A_321, %dma_wait3A_446] : memref<25088x128xi32, #tpu.memory_space<hbm>> -> memref<4x128xi32, #tpu.memory_space<hbm>>
        %dma_wait3A_448 = arith.constant 0 : i32
        %dma_wait3A_449 = arith.constant 0 : i32
        %dma_wait3A_450 = tpu.memref_slice %arg8[%dma_wait3A_441, %dma_wait3A_448, %dma_wait3A_449] : memref<2x4x128xi32, #tpu.memory_space<vmem>> -> memref<1x4x128xi32, #tpu.memory_space<vmem>>
        %dma_wait3A_451 = tpu.memref_squeeze %dma_wait3A_450 : memref<1x4x128xi32, #tpu.memory_space<vmem>> -> memref<4x128xi32, #tpu.memory_space<vmem>>
        %dma_wait3A_452 = arith.constant 0 : i32
        %dma_wait3A_453 = tpu.memref_slice %arg4[%add3A_321, %dma_wait3A_452] : memref<25088x128xi32, #tpu.memory_space<hbm>> -> memref<4x128xi32, #tpu.memory_space<hbm>>
        tpu.wait_dma2 semaphore(%arg12 : memref<!tpu.dma_semaphore, #tpu.memory_space<semaphore_mem>>) src(%dma_wait3A_453 : memref<4x128xi32, #tpu.memory_space<hbm>>) dst(%dma_wait3A_451 : memref<4x128xi32, #tpu.memory_space<vmem>>)
        %dma_start3A_454 = arith.constant 0 : i32
        %dma_start3A_455 = arith.constant 0 : i32
        %dma_start3A_456 = arith.constant 0 : i32
        %dma_start3A_457 = arith.constant 0 : i32
        %dma_start3A_458 = arith.constant 0 : i32
        %dma_start3A_459 = tpu.memref_slice %arg9[%dma_start3A_456, %dma_start3A_457, %dma_start3A_458] : memref<2x512x16xf32, #tpu.memory_space<vmem>> -> memref<1x128x16xf32, #tpu.memory_space<vmem>>
        %dma_start3A_460 = tpu.memref_squeeze %dma_start3A_459 : memref<1x128x16xf32, #tpu.memory_space<vmem>> -> memref<128x16xf32, #tpu.memory_space<vmem>>
        %dma_start3A_461 = arith.constant 0 : i32
        %dma_start3A_462 = arith.constant 0 : i32
        %dma_start3A_463 = tpu.memref_slice %arg7[%dma_start3A_454, %dma_start3A_461, %dma_start3A_462] : memref<2x4x128xi32, #tpu.memory_space<vmem>> -> memref<1x4x128xi32, #tpu.memory_space<vmem>>
        %dma_start3A_464 = tpu.memref_squeeze %dma_start3A_463 : memref<1x4x128xi32, #tpu.memory_space<vmem>> -> memref<4x128xi32, #tpu.memory_space<vmem>>
        %dma_start3A_465 = arith.constant 0 : i32
        %dma_start3A_466 = tpu.memref_slice %dma_start3A_464[%dma_start3A_455, %dma_start3A_465] : memref<4x128xi32, #tpu.memory_space<vmem>> -> memref<1x128xi32, #tpu.memory_space<vmem>>
        %dma_start3A_467 = tpu.memref_squeeze %dma_start3A_466 : memref<1x128xi32, #tpu.memory_space<vmem>> -> memref<128xi32, #tpu.memory_space<vmem>>
        %dma_start3A_468 = arith.constant 0 : i32
        %dma_start3A_469 = arith.constant 0 : i32
        %dma_start3A_470 = tpu.memref_slice %arg2[%dma_start3A_468, %dma_start3A_469] : memref<100352x16xf32, #tpu.memory_space<hbm>> -> memref<100352x16xf32, #tpu.memory_space<hbm>>
        tpu.enqueue_indirect_dma source(%dma_start3A_470 : memref<100352x16xf32, #tpu.memory_space<hbm>>) target(%dma_start3A_460 : memref<128x16xf32, #tpu.memory_space<vmem>>) offsets(%dma_start3A_467 : memref<128xi32, #tpu.memory_space<vmem>>) semaphore(%arg14 : memref<!tpu.dma_semaphore, #tpu.memory_space<semaphore_mem>>)
        %dma_start3A_471 = arith.constant 0 : i32
        %dma_start3A_472 = arith.constant 1 : i32
        %dma_start3A_473 = arith.constant 0 : i32
        %dma_start3A_474 = arith.constant 128 : i32
        %dma_start3A_475 = arith.constant 0 : i32
        %dma_start3A_476 = tpu.memref_slice %arg9[%dma_start3A_473, %dma_start3A_474, %dma_start3A_475] : memref<2x512x16xf32, #tpu.memory_space<vmem>> -> memref<1x128x16xf32, #tpu.memory_space<vmem>>
        %dma_start3A_477 = tpu.memref_squeeze %dma_start3A_476 : memref<1x128x16xf32, #tpu.memory_space<vmem>> -> memref<128x16xf32, #tpu.memory_space<vmem>>
        %dma_start3A_478 = arith.constant 0 : i32
        %dma_start3A_479 = arith.constant 0 : i32
        %dma_start3A_480 = tpu.memref_slice %arg7[%dma_start3A_471, %dma_start3A_478, %dma_start3A_479] : memref<2x4x128xi32, #tpu.memory_space<vmem>> -> memref<1x4x128xi32, #tpu.memory_space<vmem>>
        %dma_start3A_481 = tpu.memref_squeeze %dma_start3A_480 : memref<1x4x128xi32, #tpu.memory_space<vmem>> -> memref<4x128xi32, #tpu.memory_space<vmem>>
        %dma_start3A_482 = arith.constant 0 : i32
        %dma_start3A_483 = tpu.memref_slice %dma_start3A_481[%dma_start3A_472, %dma_start3A_482] : memref<4x128xi32, #tpu.memory_space<vmem>> -> memref<1x128xi32, #tpu.memory_space<vmem>>
        %dma_start3A_484 = tpu.memref_squeeze %dma_start3A_483 : memref<1x128xi32, #tpu.memory_space<vmem>> -> memref<128xi32, #tpu.memory_space<vmem>>
        %dma_start3A_485 = arith.constant 0 : i32
        %dma_start3A_486 = arith.constant 0 : i32
        %dma_start3A_487 = tpu.memref_slice %arg2[%dma_start3A_485, %dma_start3A_486] : memref<100352x16xf32, #tpu.memory_space<hbm>> -> memref<100352x16xf32, #tpu.memory_space<hbm>>
        tpu.enqueue_indirect_dma source(%dma_start3A_487 : memref<100352x16xf32, #tpu.memory_space<hbm>>) target(%dma_start3A_477 : memref<128x16xf32, #tpu.memory_space<vmem>>) offsets(%dma_start3A_484 : memref<128xi32, #tpu.memory_space<vmem>>) semaphore(%arg14 : memref<!tpu.dma_semaphore, #tpu.memory_space<semaphore_mem>>)
        %dma_start3A_488 = arith.constant 0 : i32
        %dma_start3A_489 = arith.constant 2 : i32
        %dma_start3A_490 = arith.constant 0 : i32
        %dma_start3A_491 = arith.constant 256 : i32
        %dma_start3A_492 = arith.constant 0 : i32
        %dma_start3A_493 = tpu.memref_slice %arg9[%dma_start3A_490, %dma_start3A_491, %dma_start3A_492] : memref<2x512x16xf32, #tpu.memory_space<vmem>> -> memref<1x128x16xf32, #tpu.memory_space<vmem>>
        %dma_start3A_494 = tpu.memref_squeeze %dma_start3A_493 : memref<1x128x16xf32, #tpu.memory_space<vmem>> -> memref<128x16xf32, #tpu.memory_space<vmem>>
        %dma_start3A_495 = arith.constant 0 : i32
        %dma_start3A_496 = arith.constant 0 : i32
        %dma_start3A_497 = tpu.memref_slice %arg7[%dma_start3A_488, %dma_start3A_495, %dma_start3A_496] : memref<2x4x128xi32, #tpu.memory_space<vmem>> -> memref<1x4x128xi32, #tpu.memory_space<vmem>>
        %dma_start3A_498 = tpu.memref_squeeze %dma_start3A_497 : memref<1x4x128xi32, #tpu.memory_space<vmem>> -> memref<4x128xi32, #tpu.memory_space<vmem>>
        %dma_start3A_499 = arith.constant 0 : i32
        %dma_start3A_500 = tpu.memref_slice %dma_start3A_498[%dma_start3A_489, %dma_start3A_499] : memref<4x128xi32, #tpu.memory_space<vmem>> -> memref<1x128xi32, #tpu.memory_space<vmem>>
        %dma_start3A_501 = tpu.memref_squeeze %dma_start3A_500 : memref<1x128xi32, #tpu.memory_space<vmem>> -> memref<128xi32, #tpu.memory_space<vmem>>
        %dma_start3A_502 = arith.constant 0 : i32
        %dma_start3A_503 = arith.constant 0 : i32
        %dma_start3A_504 = tpu.memref_slice %arg2[%dma_start3A_502, %dma_start3A_503] : memref<100352x16xf32, #tpu.memory_space<hbm>> -> memref<100352x16xf32, #tpu.memory_space<hbm>>
        tpu.enqueue_indirect_dma source(%dma_start3A_504 : memref<100352x16xf32, #tpu.memory_space<hbm>>) target(%dma_start3A_494 : memref<128x16xf32, #tpu.memory_space<vmem>>) offsets(%dma_start3A_501 : memref<128xi32, #tpu.memory_space<vmem>>) semaphore(%arg14 : memref<!tpu.dma_semaphore, #tpu.memory_space<semaphore_mem>>)
        %dma_start3A_505 = arith.constant 0 : i32
        %dma_start3A_506 = arith.constant 3 : i32
        %dma_start3A_507 = arith.constant 0 : i32
        %dma_start3A_508 = arith.constant 384 : i32
        %dma_start3A_509 = arith.constant 0 : i32
        %dma_start3A_510 = tpu.memref_slice %arg9[%dma_start3A_507, %dma_start3A_508, %dma_start3A_509] : memref<2x512x16xf32, #tpu.memory_space<vmem>> -> memref<1x128x16xf32, #tpu.memory_space<vmem>>
        %dma_start3A_511 = tpu.memref_squeeze %dma_start3A_510 : memref<1x128x16xf32, #tpu.memory_space<vmem>> -> memref<128x16xf32, #tpu.memory_space<vmem>>
        %dma_start3A_512 = arith.constant 0 : i32
        %dma_start3A_513 = arith.constant 0 : i32
        %dma_start3A_514 = tpu.memref_slice %arg7[%dma_start3A_505, %dma_start3A_512, %dma_start3A_513] : memref<2x4x128xi32, #tpu.memory_space<vmem>> -> memref<1x4x128xi32, #tpu.memory_space<vmem>>
        %dma_start3A_515 = tpu.memref_squeeze %dma_start3A_514 : memref<1x4x128xi32, #tpu.memory_space<vmem>> -> memref<4x128xi32, #tpu.memory_space<vmem>>
        %dma_start3A_516 = arith.constant 0 : i32
        %dma_start3A_517 = tpu.memref_slice %dma_start3A_515[%dma_start3A_506, %dma_start3A_516] : memref<4x128xi32, #tpu.memory_space<vmem>> -> memref<1x128xi32, #tpu.memory_space<vmem>>
        %dma_start3A_518 = tpu.memref_squeeze %dma_start3A_517 : memref<1x128xi32, #tpu.memory_space<vmem>> -> memref<128xi32, #tpu.memory_space<vmem>>
        %dma_start3A_519 = arith.constant 0 : i32
        %dma_start3A_520 = arith.constant 0 : i32
        %dma_start3A_521 = tpu.memref_slice %arg2[%dma_start3A_519, %dma_start3A_520] : memref<100352x16xf32, #tpu.memory_space<hbm>> -> memref<100352x16xf32, #tpu.memory_space<hbm>>
        tpu.enqueue_indirect_dma source(%dma_start3A_521 : memref<100352x16xf32, #tpu.memory_space<hbm>>) target(%dma_start3A_511 : memref<128x16xf32, #tpu.memory_space<vmem>>) offsets(%dma_start3A_518 : memref<128xi32, #tpu.memory_space<vmem>>) semaphore(%arg14 : memref<!tpu.dma_semaphore, #tpu.memory_space<semaphore_mem>>)
      } else {
      }
      %dma_wait3A_413 = arith.constant 1 : i32
      %dma_wait3A_414 = arith.constant 0 : i32
      %dma_wait3A_415 = arith.constant 0 : i32
      %dma_wait3A_416 = tpu.memref_slice %arg9[%dma_wait3A_413, %dma_wait3A_414, %dma_wait3A_415] : memref<2x512x16xf32, #tpu.memory_space<vmem>> -> memref<1x512x16xf32, #tpu.memory_space<vmem>>
      %dma_wait3A_417 = tpu.memref_squeeze %dma_wait3A_416 : memref<1x512x16xf32, #tpu.memory_space<vmem>> -> memref<512x16xf32, #tpu.memory_space<vmem>>
      %dma_wait3A_418 = arith.constant 0 : i32
      %dma_wait3A_419 = arith.constant 0 : i32
      %dma_wait3A_420 = tpu.memref_slice %arg11[%dma_wait3A_418, %dma_wait3A_419] : memref<100352x16xf32, #tpu.memory_space<vmem_shared>> -> memref<512x16xf32, #tpu.memory_space<vmem_shared>>
      %dma_wait3A_421 = arith.constant 0 : i32
      %dma_wait3A_422 = arith.constant 0 : i32
      %dma_wait3A_423 = tpu.memref_slice %arg11[%dma_wait3A_421, %dma_wait3A_422] : memref<100352x16xf32, #tpu.memory_space<vmem_shared>> -> memref<512x16xf32, #tpu.memory_space<vmem_shared>>
      %dma_wait3A_424 = arith.constant 0 : i32
      %dma_wait3A_425 = arith.constant 0 : i32
      %dma_wait3A_426 = tpu.memref_slice %arg9[%dma_wait3A_413, %dma_wait3A_424, %dma_wait3A_425] : memref<2x512x16xf32, #tpu.memory_space<vmem>> -> memref<1x512x16xf32, #tpu.memory_space<vmem>>
      %dma_wait3A_427 = tpu.memref_squeeze %dma_wait3A_426 : memref<1x512x16xf32, #tpu.memory_space<vmem>> -> memref<512x16xf32, #tpu.memory_space<vmem>>
      tpu.wait_dma2 semaphore(%arg17 : memref<!tpu.dma_semaphore, #tpu.memory_space<semaphore_mem>>) src(%dma_wait3A_427 : memref<512x16xf32, #tpu.memory_space<vmem>>) dst(%dma_wait3A_423 : memref<512x16xf32, #tpu.memory_space<vmem_shared>>)
    }
    %barrier3A_189 = arith.constant 0 : index
    tpu.barrier barrier_id(%barrier3A_189)
    %eq3A_190 = arith.constant 0 : i32
    %eq3A_191 = arith.cmpi eq, %arg0, %eq3A_190 : i32
    %convert_element_type3A = arith.extui %eq3A_191 : i1 to i32
    %cond3A = arith.constant 0 : i32
    %cond3A_192 = arith.cmpi ne, %convert_element_type3A, %cond3A : i32
    scf.if %cond3A_192 {
      %mul3A_198 = arith.constant 6272 : i32
      %mul3A_199 = arith.muli %arg1, %mul3A_198 : i32
      %mul3A_200 = arith.constant 6272 : i32
      %mul3A_201 = arith.muli %arg1, %mul3A_200 : i32
      "tpu.region"() ({
        %run_scoped3A = tpu.sem_alloc : memref<!tpu.dma_semaphore, #tpu.memory_space<semaphore_mem>>
        %dma_start3A_202 = arith.constant 0 : i32
        %dma_start3A_203 = tpu.memref_slice %arg5[%mul3A_201, %dma_start3A_202] : memref<100352x16xf32, #tpu.memory_space<hbm>> -> memref<6272x16xf32, #tpu.memory_space<hbm>>
        %dma_start3A_204 = arith.constant 0 : i32
        %dma_start3A_205 = tpu.memref_slice %arg11[%mul3A_199, %dma_start3A_204] : memref<100352x16xf32, #tpu.memory_space<vmem_shared>> -> memref<6272x16xf32, #tpu.memory_space<vmem_shared>>
        tpu.enqueue_dma source(%dma_start3A_205 : memref<6272x16xf32, #tpu.memory_space<vmem_shared>>) target(%dma_start3A_203 : memref<6272x16xf32, #tpu.memory_space<hbm>>) target_semaphore(%run_scoped3A : memref<!tpu.dma_semaphore, #tpu.memory_space<semaphore_mem>>)
        %dma_wait3A_206 = arith.constant 0 : i32
        %dma_wait3A_207 = tpu.memref_slice %arg5[%mul3A_201, %dma_wait3A_206] : memref<100352x16xf32, #tpu.memory_space<hbm>> -> memref<6272x16xf32, #tpu.memory_space<hbm>>
        %dma_wait3A_208 = arith.constant 0 : i32
        %dma_wait3A_209 = tpu.memref_slice %arg11[%mul3A_199, %dma_wait3A_208] : memref<100352x16xf32, #tpu.memory_space<vmem_shared>> -> memref<6272x16xf32, #tpu.memory_space<vmem_shared>>
        tpu.wait_dma2 semaphore(%run_scoped3A : memref<!tpu.dma_semaphore, #tpu.memory_space<semaphore_mem>>) src(%dma_wait3A_209 : memref<6272x16xf32, #tpu.memory_space<vmem_shared>>) dst(%dma_wait3A_207 : memref<6272x16xf32, #tpu.memory_space<hbm>>)
        tpu.yield
      }) : () -> ()
    } else {
    }
    %eq3A_193 = arith.constant 1 : i32
    %eq3A_194 = arith.cmpi eq, %arg0, %eq3A_193 : i32
    %convert_element_type3A_195 = arith.extui %eq3A_194 : i1 to i32
    %cond3A_196 = arith.constant 0 : i32
    %cond3A_197 = arith.cmpi ne, %convert_element_type3A_195, %cond3A_196 : i32
    scf.if %cond3A_197 {
      %mul3A_198 = arith.constant 6272 : i32
      %mul3A_199 = arith.muli %arg1, %mul3A_198 : i32
      %mul3A_200 = arith.constant 6272 : i32
      %mul3A_201 = arith.muli %arg1, %mul3A_200 : i32
      "tpu.region"() ({
        %run_scoped3A = tpu.sem_alloc : memref<!tpu.dma_semaphore, #tpu.memory_space<semaphore_mem>>
        %dma_start3A_202 = arith.constant 0 : i32
        %dma_start3A_203 = tpu.memref_slice %arg6[%mul3A_201, %dma_start3A_202] : memref<100352x16xf32, #tpu.memory_space<hbm>> -> memref<6272x16xf32, #tpu.memory_space<hbm>>
        %dma_start3A_204 = arith.constant 0 : i32
        %dma_start3A_205 = tpu.memref_slice %arg11[%mul3A_199, %dma_start3A_204] : memref<100352x16xf32, #tpu.memory_space<vmem_shared>> -> memref<6272x16xf32, #tpu.memory_space<vmem_shared>>
        tpu.enqueue_dma source(%dma_start3A_205 : memref<6272x16xf32, #tpu.memory_space<vmem_shared>>) target(%dma_start3A_203 : memref<6272x16xf32, #tpu.memory_space<hbm>>) target_semaphore(%run_scoped3A : memref<!tpu.dma_semaphore, #tpu.memory_space<semaphore_mem>>)
        %dma_wait3A_206 = arith.constant 0 : i32
        %dma_wait3A_207 = tpu.memref_slice %arg6[%mul3A_201, %dma_wait3A_206] : memref<100352x16xf32, #tpu.memory_space<hbm>> -> memref<6272x16xf32, #tpu.memory_space<hbm>>
        %dma_wait3A_208 = arith.constant 0 : i32
        %dma_wait3A_209 = tpu.memref_slice %arg11[%mul3A_199, %dma_wait3A_208] : memref<100352x16xf32, #tpu.memory_space<vmem_shared>> -> memref<6272x16xf32, #tpu.memory_space<vmem_shared>>
        tpu.wait_dma2 semaphore(%run_scoped3A : memref<!tpu.dma_semaphore, #tpu.memory_space<semaphore_mem>>) src(%dma_wait3A_209 : memref<6272x16xf32, #tpu.memory_space<vmem_shared>>) dst(%dma_wait3A_207 : memref<6272x16xf32, #tpu.memory_space<hbm>>)
        tpu.yield
      }) : () -> ()
    } else {
    }
    return
  }
}

#map = affine_map<(d0, d1) -> (0, 0)>
#map1 = affine_map<(d0, d1) -> (0)>
module attributes {stable_mosaic.version = 14 : i64} {
  func.func @body(%arg0: i32, %arg1: i32, %arg2: memref<25088x128xi32, #tpu.memory_space<hbm>>, %arg3: memref<100352xf32, #tpu.memory_space<hbm>>, %arg4: memref<100352xf32, #tpu.memory_space<hbm>>, %arg5: memref<2x8x128xi32, #tpu.memory_space<vmem>>, %arg6: memref<128xf32, #tpu.memory_space<vmem>>, %arg7: memref<512xf32, #tpu.memory_space<vmem>>, %arg8: memref<100352xf32, #tpu.memory_space<vmem_shared>>, %arg9: memref<!tpu.dma_semaphore, #tpu.memory_space<semaphore_mem>>, %arg10: memref<!tpu.dma_semaphore, #tpu.memory_space<semaphore_mem>>, %arg11: memref<!tpu.dma_semaphore, #tpu.memory_space<semaphore_mem>>, %arg12: memref<!tpu.dma_semaphore, #tpu.memory_space<semaphore_mem>>) attributes {dimension_semantics = [#tpu.dimension_semantics<core_parallel>, #tpu.dimension_semantics<subcore_parallel>], iteration_bounds = array<i64: 2, 16>, scalar_prefetch = 0 : i64, scratch_operands = 8 : i64, tpu.core_type = #tpu.core_type<sc_vector_subcore>, window_params = [{transform_indices = #map}, {transform_indices = #map1}, {transform_indices = #map1}]} {
    %mul3A = arith.constant 16 : i32
    %mul3A_0 = arith.muli %arg0, %mul3A : i32
    %add3A = arith.addi %mul3A_0, %arg1 : i32
    %mul3A_1 = arith.constant 98 : i32
    %mul3A_2 = arith.muli %add3A, %mul3A_1 : i32
    %mul3A_3 = arith.constant 8 : i32
    %mul3A_4 = arith.muli %mul3A_2, %mul3A_3 : i32
    %dma_start3A = arith.constant 0 : i32
    %dma_start3A_5 = arith.constant 0 : i32
    %dma_start3A_6 = arith.constant 0 : i32
    %dma_start3A_7 = tpu.memref_slice %arg5[%dma_start3A, %dma_start3A_5, %dma_start3A_6] : memref<2x8x128xi32, #tpu.memory_space<vmem>> -> memref<1x8x128xi32, #tpu.memory_space<vmem>>
    %dma_start3A_8 = tpu.memref_squeeze %dma_start3A_7 : memref<1x8x128xi32, #tpu.memory_space<vmem>> -> memref<8x128xi32, #tpu.memory_space<vmem>>
    %dma_start3A_9 = arith.constant 0 : i32
    %dma_start3A_10 = tpu.memref_slice %arg2[%mul3A_4, %dma_start3A_9] : memref<25088x128xi32, #tpu.memory_space<hbm>> -> memref<8x128xi32, #tpu.memory_space<hbm>>
    %dma_start3A_11 = arith.constant 0 : i32
    %dma_start3A_12 = arith.constant 0 : i32
    %dma_start3A_13 = tpu.memref_slice %arg5[%dma_start3A, %dma_start3A_11, %dma_start3A_12] : memref<2x8x128xi32, #tpu.memory_space<vmem>> -> memref<1x8x128xi32, #tpu.memory_space<vmem>>
    %dma_start3A_14 = tpu.memref_squeeze %dma_start3A_13 : memref<1x8x128xi32, #tpu.memory_space<vmem>> -> memref<8x128xi32, #tpu.memory_space<vmem>>
    %dma_start3A_15 = arith.constant 0 : i32
    %dma_start3A_16 = tpu.memref_slice %arg2[%mul3A_4, %dma_start3A_15] : memref<25088x128xi32, #tpu.memory_space<hbm>> -> memref<8x128xi32, #tpu.memory_space<hbm>>
    tpu.enqueue_dma source(%dma_start3A_16 : memref<8x128xi32, #tpu.memory_space<hbm>>) target(%dma_start3A_14 : memref<8x128xi32, #tpu.memory_space<vmem>>) target_semaphore(%arg9 : memref<!tpu.dma_semaphore, #tpu.memory_space<semaphore_mem>>)
    %broadcast_in_dim3A = arith.constant 1.000000e+00 : f32
    %broadcast_in_dim3A_17 = vector.broadcast %broadcast_in_dim3A : f32 to vector<16xf32>
    %swap3A = arith.constant 0 : index
    %swap3A_18 = tpu.vector_load %arg6[%swap3A] {strides = array<i32>} : memref<128xf32, #tpu.memory_space<vmem>>, vector<16xf32>,
    %swap3A_19 = vector.shape_cast %swap3A_18 : vector<16xf32> to vector<16xf32>
    %swap3A_20 = vector.shape_cast %broadcast_in_dim3A_17 : vector<16xf32> to vector<16xf32>
    tpu.vector_store %arg6[%swap3A], %swap3A_20 {strides = array<i32>} : memref<128xf32, #tpu.memory_space<vmem>>, vector<16xf32>,
    %broadcast_in_dim3A_21 = arith.constant 1.000000e+00 : f32
    %broadcast_in_dim3A_22 = vector.broadcast %broadcast_in_dim3A_21 : f32 to vector<16xf32>
    %swap3A_23 = arith.constant 16 : index
    %swap3A_24 = tpu.vector_load %arg6[%swap3A_23] {strides = array<i32>} : memref<128xf32, #tpu.memory_space<vmem>>, vector<16xf32>,
    %swap3A_25 = vector.shape_cast %swap3A_24 : vector<16xf32> to vector<16xf32>
    %swap3A_26 = vector.shape_cast %broadcast_in_dim3A_22 : vector<16xf32> to vector<16xf32>
    tpu.vector_store %arg6[%swap3A_23], %swap3A_26 {strides = array<i32>} : memref<128xf32, #tpu.memory_space<vmem>>, vector<16xf32>,
    %broadcast_in_dim3A_27 = arith.constant 1.000000e+00 : f32
    %broadcast_in_dim3A_28 = vector.broadcast %broadcast_in_dim3A_27 : f32 to vector<16xf32>
    %swap3A_29 = arith.constant 32 : index
    %swap3A_30 = tpu.vector_load %arg6[%swap3A_29] {strides = array<i32>} : memref<128xf32, #tpu.memory_space<vmem>>, vector<16xf32>,
    %swap3A_31 = vector.shape_cast %swap3A_30 : vector<16xf32> to vector<16xf32>
    %swap3A_32 = vector.shape_cast %broadcast_in_dim3A_28 : vector<16xf32> to vector<16xf32>
    tpu.vector_store %arg6[%swap3A_29], %swap3A_32 {strides = array<i32>} : memref<128xf32, #tpu.memory_space<vmem>>, vector<16xf32>,
    %broadcast_in_dim3A_33 = arith.constant 1.000000e+00 : f32
    %broadcast_in_dim3A_34 = vector.broadcast %broadcast_in_dim3A_33 : f32 to vector<16xf32>
    %swap3A_35 = arith.constant 48 : index
    %swap3A_36 = tpu.vector_load %arg6[%swap3A_35] {strides = array<i32>} : memref<128xf32, #tpu.memory_space<vmem>>, vector<16xf32>,
    %swap3A_37 = vector.shape_cast %swap3A_36 : vector<16xf32> to vector<16xf32>
    %swap3A_38 = vector.shape_cast %broadcast_in_dim3A_34 : vector<16xf32> to vector<16xf32>
    tpu.vector_store %arg6[%swap3A_35], %swap3A_38 {strides = array<i32>} : memref<128xf32, #tpu.memory_space<vmem>>, vector<16xf32>,
    %broadcast_in_dim3A_39 = arith.constant 1.000000e+00 : f32
    %broadcast_in_dim3A_40 = vector.broadcast %broadcast_in_dim3A_39 : f32 to vector<16xf32>
    %swap3A_41 = arith.constant 64 : index
    %swap3A_42 = tpu.vector_load %arg6[%swap3A_41] {strides = array<i32>} : memref<128xf32, #tpu.memory_space<vmem>>, vector<16xf32>,
    %swap3A_43 = vector.shape_cast %swap3A_42 : vector<16xf32> to vector<16xf32>
    %swap3A_44 = vector.shape_cast %broadcast_in_dim3A_40 : vector<16xf32> to vector<16xf32>
    tpu.vector_store %arg6[%swap3A_41], %swap3A_44 {strides = array<i32>} : memref<128xf32, #tpu.memory_space<vmem>>, vector<16xf32>,
    %broadcast_in_dim3A_45 = arith.constant 1.000000e+00 : f32
    %broadcast_in_dim3A_46 = vector.broadcast %broadcast_in_dim3A_45 : f32 to vector<16xf32>
    %swap3A_47 = arith.constant 80 : index
    %swap3A_48 = tpu.vector_load %arg6[%swap3A_47] {strides = array<i32>} : memref<128xf32, #tpu.memory_space<vmem>>, vector<16xf32>,
    %swap3A_49 = vector.shape_cast %swap3A_48 : vector<16xf32> to vector<16xf32>
    %swap3A_50 = vector.shape_cast %broadcast_in_dim3A_46 : vector<16xf32> to vector<16xf32>
    tpu.vector_store %arg6[%swap3A_47], %swap3A_50 {strides = array<i32>} : memref<128xf32, #tpu.memory_space<vmem>>, vector<16xf32>,
    %broadcast_in_dim3A_51 = arith.constant 1.000000e+00 : f32
    %broadcast_in_dim3A_52 = vector.broadcast %broadcast_in_dim3A_51 : f32 to vector<16xf32>
    %swap3A_53 = arith.constant 96 : index
    %swap3A_54 = tpu.vector_load %arg6[%swap3A_53] {strides = array<i32>} : memref<128xf32, #tpu.memory_space<vmem>>, vector<16xf32>,
    %swap3A_55 = vector.shape_cast %swap3A_54 : vector<16xf32> to vector<16xf32>
    %swap3A_56 = vector.shape_cast %broadcast_in_dim3A_52 : vector<16xf32> to vector<16xf32>
    tpu.vector_store %arg6[%swap3A_53], %swap3A_56 {strides = array<i32>} : memref<128xf32, #tpu.memory_space<vmem>>, vector<16xf32>,
    %broadcast_in_dim3A_57 = arith.constant 1.000000e+00 : f32
    %broadcast_in_dim3A_58 = vector.broadcast %broadcast_in_dim3A_57 : f32 to vector<16xf32>
    %swap3A_59 = arith.constant 112 : index
    %swap3A_60 = tpu.vector_load %arg6[%swap3A_59] {strides = array<i32>} : memref<128xf32, #tpu.memory_space<vmem>>, vector<16xf32>,
    %swap3A_61 = vector.shape_cast %swap3A_60 : vector<16xf32> to vector<16xf32>
    %swap3A_62 = vector.shape_cast %broadcast_in_dim3A_58 : vector<16xf32> to vector<16xf32>
    tpu.vector_store %arg6[%swap3A_59], %swap3A_62 {strides = array<i32>} : memref<128xf32, #tpu.memory_space<vmem>>, vector<16xf32>,
    %scan3A = arith.constant 0 : i32
    %scan3A_63 = arith.constant 0 : i32
    %scan3A_64 = arith.constant 32 : i32
    %scan3A_65 = arith.addi %scan3A_63, %scan3A_64 : i32
    %scan3A_66 = arith.constant 1 : i32
    scf.for %scan3A_122 = %scan3A_63 to %scan3A_65 step %scan3A_66  : i32 {
      %broadcast_in_dim3A_123 = arith.constant 0.000000e+00 : f32
      %broadcast_in_dim3A_124 = vector.broadcast %broadcast_in_dim3A_123 : f32 to vector<16xf32>
      %mul3A_125 = arith.constant 16 : i32
      %mul3A_126 = arith.muli %scan3A_122, %mul3A_125 : i32
      %swap3A_127 = arith.index_cast %mul3A_126 : i32 to index
      %swap3A_128 = tpu.vector_load %arg7[%swap3A_127] {strides = array<i32>} : memref<512xf32, #tpu.memory_space<vmem>>, vector<16xf32>,
      %swap3A_129 = vector.shape_cast %swap3A_128 : vector<16xf32> to vector<16xf32>
      %swap3A_130 = vector.shape_cast %broadcast_in_dim3A_124 : vector<16xf32> to vector<16xf32>
      tpu.vector_store %arg7[%swap3A_127], %swap3A_130 {strides = array<i32>} : memref<512xf32, #tpu.memory_space<vmem>>, vector<16xf32>,
    }
    %scan3A_67 = arith.constant 32 : i32
    %mul3A_68 = arith.constant 6272 : i32
    %mul3A_69 = arith.muli %arg1, %mul3A_68 : i32
    %add3A_70 = arith.constant 0 : i32
    %add3A_71 = arith.addi %mul3A_69, %add3A_70 : i32
    "tpu.region"() ({
      %run_scoped3A = tpu.sem_alloc : memref<!tpu.dma_semaphore, #tpu.memory_space<semaphore_mem>>
      %dma_start3A_122 = tpu.memref_slice %arg8[%add3A_71] : memref<100352xf32, #tpu.memory_space<vmem_shared>> -> memref<512xf32, #tpu.memory_space<vmem_shared>>
      %dma_start3A_123 = tpu.memref_slice %arg8[%add3A_71] : memref<100352xf32, #tpu.memory_space<vmem_shared>> -> memref<512xf32, #tpu.memory_space<vmem_shared>>
      tpu.enqueue_dma source(%arg7 : memref<512xf32, #tpu.memory_space<vmem>>) target(%dma_start3A_123 : memref<512xf32, #tpu.memory_space<vmem_shared>>) target_semaphore(%run_scoped3A : memref<!tpu.dma_semaphore, #tpu.memory_space<semaphore_mem>>)
      %dma_wait3A_124 = tpu.memref_slice %arg8[%add3A_71] : memref<100352xf32, #tpu.memory_space<vmem_shared>> -> memref<512xf32, #tpu.memory_space<vmem_shared>>
      %dma_wait3A_125 = tpu.memref_slice %arg8[%add3A_71] : memref<100352xf32, #tpu.memory_space<vmem_shared>> -> memref<512xf32, #tpu.memory_space<vmem_shared>>
      tpu.wait_dma2 semaphore(%run_scoped3A : memref<!tpu.dma_semaphore, #tpu.memory_space<semaphore_mem>>) src(%arg7 : memref<512xf32, #tpu.memory_space<vmem>>) dst(%dma_wait3A_125 : memref<512xf32, #tpu.memory_space<vmem_shared>>)
      tpu.yield
    }) : () -> ()
    %add3A_72 = arith.constant 512 : i32
    %add3A_73 = arith.addi %mul3A_69, %add3A_72 : i32
    "tpu.region"() ({
      %run_scoped3A = tpu.sem_alloc : memref<!tpu.dma_semaphore, #tpu.memory_space<semaphore_mem>>
      %dma_start3A_122 = tpu.memref_slice %arg8[%add3A_73] : memref<100352xf32, #tpu.memory_space<vmem_shared>> -> memref<512xf32, #tpu.memory_space<vmem_shared>>
      %dma_start3A_123 = tpu.memref_slice %arg8[%add3A_73] : memref<100352xf32, #tpu.memory_space<vmem_shared>> -> memref<512xf32, #tpu.memory_space<vmem_shared>>
      tpu.enqueue_dma source(%arg7 : memref<512xf32, #tpu.memory_space<vmem>>) target(%dma_start3A_123 : memref<512xf32, #tpu.memory_space<vmem_shared>>) target_semaphore(%run_scoped3A : memref<!tpu.dma_semaphore, #tpu.memory_space<semaphore_mem>>)
      %dma_wait3A_124 = tpu.memref_slice %arg8[%add3A_73] : memref<100352xf32, #tpu.memory_space<vmem_shared>> -> memref<512xf32, #tpu.memory_space<vmem_shared>>
      %dma_wait3A_125 = tpu.memref_slice %arg8[%add3A_73] : memref<100352xf32, #tpu.memory_space<vmem_shared>> -> memref<512xf32, #tpu.memory_space<vmem_shared>>
      tpu.wait_dma2 semaphore(%run_scoped3A : memref<!tpu.dma_semaphore, #tpu.memory_space<semaphore_mem>>) src(%arg7 : memref<512xf32, #tpu.memory_space<vmem>>) dst(%dma_wait3A_125 : memref<512xf32, #tpu.memory_space<vmem_shared>>)
      tpu.yield
    }) : () -> ()
    %add3A_74 = arith.constant 1024 : i32
    %add3A_75 = arith.addi %mul3A_69, %add3A_74 : i32
    "tpu.region"() ({
      %run_scoped3A = tpu.sem_alloc : memref<!tpu.dma_semaphore, #tpu.memory_space<semaphore_mem>>
      %dma_start3A_122 = tpu.memref_slice %arg8[%add3A_75] : memref<100352xf32, #tpu.memory_space<vmem_shared>> -> memref<512xf32, #tpu.memory_space<vmem_shared>>
      %dma_start3A_123 = tpu.memref_slice %arg8[%add3A_75] : memref<100352xf32, #tpu.memory_space<vmem_shared>> -> memref<512xf32, #tpu.memory_space<vmem_shared>>
      tpu.enqueue_dma source(%arg7 : memref<512xf32, #tpu.memory_space<vmem>>) target(%dma_start3A_123 : memref<512xf32, #tpu.memory_space<vmem_shared>>) target_semaphore(%run_scoped3A : memref<!tpu.dma_semaphore, #tpu.memory_space<semaphore_mem>>)
      %dma_wait3A_124 = tpu.memref_slice %arg8[%add3A_75] : memref<100352xf32, #tpu.memory_space<vmem_shared>> -> memref<512xf32, #tpu.memory_space<vmem_shared>>
      %dma_wait3A_125 = tpu.memref_slice %arg8[%add3A_75] : memref<100352xf32, #tpu.memory_space<vmem_shared>> -> memref<512xf32, #tpu.memory_space<vmem_shared>>
      tpu.wait_dma2 semaphore(%run_scoped3A : memref<!tpu.dma_semaphore, #tpu.memory_space<semaphore_mem>>) src(%arg7 : memref<512xf32, #tpu.memory_space<vmem>>) dst(%dma_wait3A_125 : memref<512xf32, #tpu.memory_space<vmem_shared>>)
      tpu.yield
    }) : () -> ()
    %add3A_76 = arith.constant 1536 : i32
    %add3A_77 = arith.addi %mul3A_69, %add3A_76 : i32
    "tpu.region"() ({
      %run_scoped3A = tpu.sem_alloc : memref<!tpu.dma_semaphore, #tpu.memory_space<semaphore_mem>>
      %dma_start3A_122 = tpu.memref_slice %arg8[%add3A_77] : memref<100352xf32, #tpu.memory_space<vmem_shared>> -> memref<512xf32, #tpu.memory_space<vmem_shared>>
      %dma_start3A_123 = tpu.memref_slice %arg8[%add3A_77] : memref<100352xf32, #tpu.memory_space<vmem_shared>> -> memref<512xf32, #tpu.memory_space<vmem_shared>>
      tpu.enqueue_dma source(%arg7 : memref<512xf32, #tpu.memory_space<vmem>>) target(%dma_start3A_123 : memref<512xf32, #tpu.memory_space<vmem_shared>>) target_semaphore(%run_scoped3A : memref<!tpu.dma_semaphore, #tpu.memory_space<semaphore_mem>>)
      %dma_wait3A_124 = tpu.memref_slice %arg8[%add3A_77] : memref<100352xf32, #tpu.memory_space<vmem_shared>> -> memref<512xf32, #tpu.memory_space<vmem_shared>>
      %dma_wait3A_125 = tpu.memref_slice %arg8[%add3A_77] : memref<100352xf32, #tpu.memory_space<vmem_shared>> -> memref<512xf32, #tpu.memory_space<vmem_shared>>
      tpu.wait_dma2 semaphore(%run_scoped3A : memref<!tpu.dma_semaphore, #tpu.memory_space<semaphore_mem>>) src(%arg7 : memref<512xf32, #tpu.memory_space<vmem>>) dst(%dma_wait3A_125 : memref<512xf32, #tpu.memory_space<vmem_shared>>)
      tpu.yield
    }) : () -> ()
    %add3A_78 = arith.constant 2048 : i32
    %add3A_79 = arith.addi %mul3A_69, %add3A_78 : i32
    "tpu.region"() ({
      %run_scoped3A = tpu.sem_alloc : memref<!tpu.dma_semaphore, #tpu.memory_space<semaphore_mem>>
      %dma_start3A_122 = tpu.memref_slice %arg8[%add3A_79] : memref<100352xf32, #tpu.memory_space<vmem_shared>> -> memref<512xf32, #tpu.memory_space<vmem_shared>>
      %dma_start3A_123 = tpu.memref_slice %arg8[%add3A_79] : memref<100352xf32, #tpu.memory_space<vmem_shared>> -> memref<512xf32, #tpu.memory_space<vmem_shared>>
      tpu.enqueue_dma source(%arg7 : memref<512xf32, #tpu.memory_space<vmem>>) target(%dma_start3A_123 : memref<512xf32, #tpu.memory_space<vmem_shared>>) target_semaphore(%run_scoped3A : memref<!tpu.dma_semaphore, #tpu.memory_space<semaphore_mem>>)
      %dma_wait3A_124 = tpu.memref_slice %arg8[%add3A_79] : memref<100352xf32, #tpu.memory_space<vmem_shared>> -> memref<512xf32, #tpu.memory_space<vmem_shared>>
      %dma_wait3A_125 = tpu.memref_slice %arg8[%add3A_79] : memref<100352xf32, #tpu.memory_space<vmem_shared>> -> memref<512xf32, #tpu.memory_space<vmem_shared>>
      tpu.wait_dma2 semaphore(%run_scoped3A : memref<!tpu.dma_semaphore, #tpu.memory_space<semaphore_mem>>) src(%arg7 : memref<512xf32, #tpu.memory_space<vmem>>) dst(%dma_wait3A_125 : memref<512xf32, #tpu.memory_space<vmem_shared>>)
      tpu.yield
    }) : () -> ()
    %add3A_80 = arith.constant 2560 : i32
    %add3A_81 = arith.addi %mul3A_69, %add3A_80 : i32
    "tpu.region"() ({
      %run_scoped3A = tpu.sem_alloc : memref<!tpu.dma_semaphore, #tpu.memory_space<semaphore_mem>>
      %dma_start3A_122 = tpu.memref_slice %arg8[%add3A_81] : memref<100352xf32, #tpu.memory_space<vmem_shared>> -> memref<512xf32, #tpu.memory_space<vmem_shared>>
      %dma_start3A_123 = tpu.memref_slice %arg8[%add3A_81] : memref<100352xf32, #tpu.memory_space<vmem_shared>> -> memref<512xf32, #tpu.memory_space<vmem_shared>>
      tpu.enqueue_dma source(%arg7 : memref<512xf32, #tpu.memory_space<vmem>>) target(%dma_start3A_123 : memref<512xf32, #tpu.memory_space<vmem_shared>>) target_semaphore(%run_scoped3A : memref<!tpu.dma_semaphore, #tpu.memory_space<semaphore_mem>>)
      %dma_wait3A_124 = tpu.memref_slice %arg8[%add3A_81] : memref<100352xf32, #tpu.memory_space<vmem_shared>> -> memref<512xf32, #tpu.memory_space<vmem_shared>>
      %dma_wait3A_125 = tpu.memref_slice %arg8[%add3A_81] : memref<100352xf32, #tpu.memory_space<vmem_shared>> -> memref<512xf32, #tpu.memory_space<vmem_shared>>
      tpu.wait_dma2 semaphore(%run_scoped3A : memref<!tpu.dma_semaphore, #tpu.memory_space<semaphore_mem>>) src(%arg7 : memref<512xf32, #tpu.memory_space<vmem>>) dst(%dma_wait3A_125 : memref<512xf32, #tpu.memory_space<vmem_shared>>)
      tpu.yield
    }) : () -> ()
    %add3A_82 = arith.constant 3072 : i32
    %add3A_83 = arith.addi %mul3A_69, %add3A_82 : i32
    "tpu.region"() ({
      %run_scoped3A = tpu.sem_alloc : memref<!tpu.dma_semaphore, #tpu.memory_space<semaphore_mem>>
      %dma_start3A_122 = tpu.memref_slice %arg8[%add3A_83] : memref<100352xf32, #tpu.memory_space<vmem_shared>> -> memref<512xf32, #tpu.memory_space<vmem_shared>>
      %dma_start3A_123 = tpu.memref_slice %arg8[%add3A_83] : memref<100352xf32, #tpu.memory_space<vmem_shared>> -> memref<512xf32, #tpu.memory_space<vmem_shared>>
      tpu.enqueue_dma source(%arg7 : memref<512xf32, #tpu.memory_space<vmem>>) target(%dma_start3A_123 : memref<512xf32, #tpu.memory_space<vmem_shared>>) target_semaphore(%run_scoped3A : memref<!tpu.dma_semaphore, #tpu.memory_space<semaphore_mem>>)
      %dma_wait3A_124 = tpu.memref_slice %arg8[%add3A_83] : memref<100352xf32, #tpu.memory_space<vmem_shared>> -> memref<512xf32, #tpu.memory_space<vmem_shared>>
      %dma_wait3A_125 = tpu.memref_slice %arg8[%add3A_83] : memref<100352xf32, #tpu.memory_space<vmem_shared>> -> memref<512xf32, #tpu.memory_space<vmem_shared>>
      tpu.wait_dma2 semaphore(%run_scoped3A : memref<!tpu.dma_semaphore, #tpu.memory_space<semaphore_mem>>) src(%arg7 : memref<512xf32, #tpu.memory_space<vmem>>) dst(%dma_wait3A_125 : memref<512xf32, #tpu.memory_space<vmem_shared>>)
      tpu.yield
    }) : () -> ()
    %add3A_84 = arith.constant 3584 : i32
    %add3A_85 = arith.addi %mul3A_69, %add3A_84 : i32
    "tpu.region"() ({
      %run_scoped3A = tpu.sem_alloc : memref<!tpu.dma_semaphore, #tpu.memory_space<semaphore_mem>>
      %dma_start3A_122 = tpu.memref_slice %arg8[%add3A_85] : memref<100352xf32, #tpu.memory_space<vmem_shared>> -> memref<512xf32, #tpu.memory_space<vmem_shared>>
      %dma_start3A_123 = tpu.memref_slice %arg8[%add3A_85] : memref<100352xf32, #tpu.memory_space<vmem_shared>> -> memref<512xf32, #tpu.memory_space<vmem_shared>>
      tpu.enqueue_dma source(%arg7 : memref<512xf32, #tpu.memory_space<vmem>>) target(%dma_start3A_123 : memref<512xf32, #tpu.memory_space<vmem_shared>>) target_semaphore(%run_scoped3A : memref<!tpu.dma_semaphore, #tpu.memory_space<semaphore_mem>>)
      %dma_wait3A_124 = tpu.memref_slice %arg8[%add3A_85] : memref<100352xf32, #tpu.memory_space<vmem_shared>> -> memref<512xf32, #tpu.memory_space<vmem_shared>>
      %dma_wait3A_125 = tpu.memref_slice %arg8[%add3A_85] : memref<100352xf32, #tpu.memory_space<vmem_shared>> -> memref<512xf32, #tpu.memory_space<vmem_shared>>
      tpu.wait_dma2 semaphore(%run_scoped3A : memref<!tpu.dma_semaphore, #tpu.memory_space<semaphore_mem>>) src(%arg7 : memref<512xf32, #tpu.memory_space<vmem>>) dst(%dma_wait3A_125 : memref<512xf32, #tpu.memory_space<vmem_shared>>)
      tpu.yield
    }) : () -> ()
    %add3A_86 = arith.constant 4096 : i32
    %add3A_87 = arith.addi %mul3A_69, %add3A_86 : i32
    "tpu.region"() ({
      %run_scoped3A = tpu.sem_alloc : memref<!tpu.dma_semaphore, #tpu.memory_space<semaphore_mem>>
      %dma_start3A_122 = tpu.memref_slice %arg8[%add3A_87] : memref<100352xf32, #tpu.memory_space<vmem_shared>> -> memref<512xf32, #tpu.memory_space<vmem_shared>>
      %dma_start3A_123 = tpu.memref_slice %arg8[%add3A_87] : memref<100352xf32, #tpu.memory_space<vmem_shared>> -> memref<512xf32, #tpu.memory_space<vmem_shared>>
      tpu.enqueue_dma source(%arg7 : memref<512xf32, #tpu.memory_space<vmem>>) target(%dma_start3A_123 : memref<512xf32, #tpu.memory_space<vmem_shared>>) target_semaphore(%run_scoped3A : memref<!tpu.dma_semaphore, #tpu.memory_space<semaphore_mem>>)
      %dma_wait3A_124 = tpu.memref_slice %arg8[%add3A_87] : memref<100352xf32, #tpu.memory_space<vmem_shared>> -> memref<512xf32, #tpu.memory_space<vmem_shared>>
      %dma_wait3A_125 = tpu.memref_slice %arg8[%add3A_87] : memref<100352xf32, #tpu.memory_space<vmem_shared>> -> memref<512xf32, #tpu.memory_space<vmem_shared>>
      tpu.wait_dma2 semaphore(%run_scoped3A : memref<!tpu.dma_semaphore, #tpu.memory_space<semaphore_mem>>) src(%arg7 : memref<512xf32, #tpu.memory_space<vmem>>) dst(%dma_wait3A_125 : memref<512xf32, #tpu.memory_space<vmem_shared>>)
      tpu.yield
    }) : () -> ()
    %add3A_88 = arith.constant 4608 : i32
    %add3A_89 = arith.addi %mul3A_69, %add3A_88 : i32
    "tpu.region"() ({
      %run_scoped3A = tpu.sem_alloc : memref<!tpu.dma_semaphore, #tpu.memory_space<semaphore_mem>>
      %dma_start3A_122 = tpu.memref_slice %arg8[%add3A_89] : memref<100352xf32, #tpu.memory_space<vmem_shared>> -> memref<512xf32, #tpu.memory_space<vmem_shared>>
      %dma_start3A_123 = tpu.memref_slice %arg8[%add3A_89] : memref<100352xf32, #tpu.memory_space<vmem_shared>> -> memref<512xf32, #tpu.memory_space<vmem_shared>>
      tpu.enqueue_dma source(%arg7 : memref<512xf32, #tpu.memory_space<vmem>>) target(%dma_start3A_123 : memref<512xf32, #tpu.memory_space<vmem_shared>>) target_semaphore(%run_scoped3A : memref<!tpu.dma_semaphore, #tpu.memory_space<semaphore_mem>>)
      %dma_wait3A_124 = tpu.memref_slice %arg8[%add3A_89] : memref<100352xf32, #tpu.memory_space<vmem_shared>> -> memref<512xf32, #tpu.memory_space<vmem_shared>>
      %dma_wait3A_125 = tpu.memref_slice %arg8[%add3A_89] : memref<100352xf32, #tpu.memory_space<vmem_shared>> -> memref<512xf32, #tpu.memory_space<vmem_shared>>
      tpu.wait_dma2 semaphore(%run_scoped3A : memref<!tpu.dma_semaphore, #tpu.memory_space<semaphore_mem>>) src(%arg7 : memref<512xf32, #tpu.memory_space<vmem>>) dst(%dma_wait3A_125 : memref<512xf32, #tpu.memory_space<vmem_shared>>)
      tpu.yield
    }) : () -> ()
    %add3A_90 = arith.constant 5120 : i32
    %add3A_91 = arith.addi %mul3A_69, %add3A_90 : i32
    "tpu.region"() ({
      %run_scoped3A = tpu.sem_alloc : memref<!tpu.dma_semaphore, #tpu.memory_space<semaphore_mem>>
      %dma_start3A_122 = tpu.memref_slice %arg8[%add3A_91] : memref<100352xf32, #tpu.memory_space<vmem_shared>> -> memref<512xf32, #tpu.memory_space<vmem_shared>>
      %dma_start3A_123 = tpu.memref_slice %arg8[%add3A_91] : memref<100352xf32, #tpu.memory_space<vmem_shared>> -> memref<512xf32, #tpu.memory_space<vmem_shared>>
      tpu.enqueue_dma source(%arg7 : memref<512xf32, #tpu.memory_space<vmem>>) target(%dma_start3A_123 : memref<512xf32, #tpu.memory_space<vmem_shared>>) target_semaphore(%run_scoped3A : memref<!tpu.dma_semaphore, #tpu.memory_space<semaphore_mem>>)
      %dma_wait3A_124 = tpu.memref_slice %arg8[%add3A_91] : memref<100352xf32, #tpu.memory_space<vmem_shared>> -> memref<512xf32, #tpu.memory_space<vmem_shared>>
      %dma_wait3A_125 = tpu.memref_slice %arg8[%add3A_91] : memref<100352xf32, #tpu.memory_space<vmem_shared>> -> memref<512xf32, #tpu.memory_space<vmem_shared>>
      tpu.wait_dma2 semaphore(%run_scoped3A : memref<!tpu.dma_semaphore, #tpu.memory_space<semaphore_mem>>) src(%arg7 : memref<512xf32, #tpu.memory_space<vmem>>) dst(%dma_wait3A_125 : memref<512xf32, #tpu.memory_space<vmem_shared>>)
      tpu.yield
    }) : () -> ()
    %add3A_92 = arith.constant 5632 : i32
    %add3A_93 = arith.addi %mul3A_69, %add3A_92 : i32
    "tpu.region"() ({
      %run_scoped3A = tpu.sem_alloc : memref<!tpu.dma_semaphore, #tpu.memory_space<semaphore_mem>>
      %dma_start3A_122 = tpu.memref_slice %arg8[%add3A_93] : memref<100352xf32, #tpu.memory_space<vmem_shared>> -> memref<512xf32, #tpu.memory_space<vmem_shared>>
      %dma_start3A_123 = tpu.memref_slice %arg8[%add3A_93] : memref<100352xf32, #tpu.memory_space<vmem_shared>> -> memref<512xf32, #tpu.memory_space<vmem_shared>>
      tpu.enqueue_dma source(%arg7 : memref<512xf32, #tpu.memory_space<vmem>>) target(%dma_start3A_123 : memref<512xf32, #tpu.memory_space<vmem_shared>>) target_semaphore(%run_scoped3A : memref<!tpu.dma_semaphore, #tpu.memory_space<semaphore_mem>>)
      %dma_wait3A_124 = tpu.memref_slice %arg8[%add3A_93] : memref<100352xf32, #tpu.memory_space<vmem_shared>> -> memref<512xf32, #tpu.memory_space<vmem_shared>>
      %dma_wait3A_125 = tpu.memref_slice %arg8[%add3A_93] : memref<100352xf32, #tpu.memory_space<vmem_shared>> -> memref<512xf32, #tpu.memory_space<vmem_shared>>
      tpu.wait_dma2 semaphore(%run_scoped3A : memref<!tpu.dma_semaphore, #tpu.memory_space<semaphore_mem>>) src(%arg7 : memref<512xf32, #tpu.memory_space<vmem>>) dst(%dma_wait3A_125 : memref<512xf32, #tpu.memory_space<vmem_shared>>)
      tpu.yield
    }) : () -> ()
    %add3A_94 = arith.constant 6144 : i32
    %add3A_95 = arith.addi %mul3A_69, %add3A_94 : i32
    "tpu.region"() ({
      %run_scoped3A = tpu.sem_alloc : memref<!tpu.dma_semaphore, #tpu.memory_space<semaphore_mem>>
      %dma_start3A_122 = arith.constant 0 : i32
      %dma_start3A_123 = tpu.memref_slice %arg7[%dma_start3A_122] : memref<512xf32, #tpu.memory_space<vmem>> -> memref<128xf32, #tpu.memory_space<vmem>>
      %dma_start3A_124 = tpu.memref_slice %arg8[%add3A_95] : memref<100352xf32, #tpu.memory_space<vmem_shared>> -> memref<128xf32, #tpu.memory_space<vmem_shared>>
      %dma_start3A_125 = tpu.memref_slice %arg8[%add3A_95] : memref<100352xf32, #tpu.memory_space<vmem_shared>> -> memref<128xf32, #tpu.memory_space<vmem_shared>>
      %dma_start3A_126 = arith.constant 0 : i32
      %dma_start3A_127 = tpu.memref_slice %arg7[%dma_start3A_126] : memref<512xf32, #tpu.memory_space<vmem>> -> memref<128xf32, #tpu.memory_space<vmem>>
      tpu.enqueue_dma source(%dma_start3A_127 : memref<128xf32, #tpu.memory_space<vmem>>) target(%dma_start3A_125 : memref<128xf32, #tpu.memory_space<vmem_shared>>) target_semaphore(%run_scoped3A : memref<!tpu.dma_semaphore, #tpu.memory_space<semaphore_mem>>)
      %dma_wait3A_128 = arith.constant 0 : i32
      %dma_wait3A_129 = tpu.memref_slice %arg7[%dma_wait3A_128] : memref<512xf32, #tpu.memory_space<vmem>> -> memref<128xf32, #tpu.memory_space<vmem>>
      %dma_wait3A_130 = tpu.memref_slice %arg8[%add3A_95] : memref<100352xf32, #tpu.memory_space<vmem_shared>> -> memref<128xf32, #tpu.memory_space<vmem_shared>>
      %dma_wait3A_131 = tpu.memref_slice %arg8[%add3A_95] : memref<100352xf32, #tpu.memory_space<vmem_shared>> -> memref<128xf32, #tpu.memory_space<vmem_shared>>
      %dma_wait3A_132 = arith.constant 0 : i32
      %dma_wait3A_133 = tpu.memref_slice %arg7[%dma_wait3A_132] : memref<512xf32, #tpu.memory_space<vmem>> -> memref<128xf32, #tpu.memory_space<vmem>>
      tpu.wait_dma2 semaphore(%run_scoped3A : memref<!tpu.dma_semaphore, #tpu.memory_space<semaphore_mem>>) src(%dma_wait3A_133 : memref<128xf32, #tpu.memory_space<vmem>>) dst(%dma_wait3A_131 : memref<128xf32, #tpu.memory_space<vmem_shared>>)
      tpu.yield
    }) : () -> ()
    %dma_wait3A = arith.constant 0 : i32
    %dma_wait3A_96 = arith.constant 0 : i32
    %dma_wait3A_97 = arith.constant 0 : i32
    %dma_wait3A_98 = tpu.memref_slice %arg5[%dma_wait3A, %dma_wait3A_96, %dma_wait3A_97] : memref<2x8x128xi32, #tpu.memory_space<vmem>> -> memref<1x8x128xi32, #tpu.memory_space<vmem>>
    %dma_wait3A_99 = tpu.memref_squeeze %dma_wait3A_98 : memref<1x8x128xi32, #tpu.memory_space<vmem>> -> memref<8x128xi32, #tpu.memory_space<vmem>>
    %dma_wait3A_100 = arith.constant 0 : i32
    %dma_wait3A_101 = tpu.memref_slice %arg2[%mul3A_4, %dma_wait3A_100] : memref<25088x128xi32, #tpu.memory_space<hbm>> -> memref<8x128xi32, #tpu.memory_space<hbm>>
    %dma_wait3A_102 = arith.constant 0 : i32
    %dma_wait3A_103 = arith.constant 0 : i32
    %dma_wait3A_104 = tpu.memref_slice %arg5[%dma_wait3A, %dma_wait3A_102, %dma_wait3A_103] : memref<2x8x128xi32, #tpu.memory_space<vmem>> -> memref<1x8x128xi32, #tpu.memory_space<vmem>>
    %dma_wait3A_105 = tpu.memref_squeeze %dma_wait3A_104 : memref<1x8x128xi32, #tpu.memory_space<vmem>> -> memref<8x128xi32, #tpu.memory_space<vmem>>
    %dma_wait3A_106 = arith.constant 0 : i32
    %dma_wait3A_107 = tpu.memref_slice %arg2[%mul3A_4, %dma_wait3A_106] : memref<25088x128xi32, #tpu.memory_space<hbm>> -> memref<8x128xi32, #tpu.memory_space<hbm>>
    tpu.wait_dma2 semaphore(%arg9 : memref<!tpu.dma_semaphore, #tpu.memory_space<semaphore_mem>>) src(%dma_wait3A_107 : memref<8x128xi32, #tpu.memory_space<hbm>>) dst(%dma_wait3A_105 : memref<8x128xi32, #tpu.memory_space<vmem>>)
    %barrier3A = arith.constant 0 : index
    tpu.barrier barrier_id(%barrier3A)
    %scan3A_108 = arith.constant 0 : i32
    %scan3A_109 = arith.constant 0 : i32
    %scan3A_110 = arith.constant 49 : i32
    %scan3A_111 = arith.addi %scan3A_109, %scan3A_110 : i32
    %scan3A_112 = arith.constant 1 : i32
    scf.for %scan3A_122 = %scan3A_109 to %scan3A_111 step %scan3A_112  : i32 {
      %mul3A_123 = arith.constant 2 : i32
      %mul3A_124 = arith.muli %scan3A_122, %mul3A_123 : i32
      %add3A_125 = arith.constant 0 : i32
      %add3A_126 = arith.addi %mul3A_124, %add3A_125 : i32
      %add3A_127 = arith.constant 1 : i32
      %add3A_128 = arith.addi %add3A_126, %add3A_127 : i32
      %lt3A = arith.constant 98 : i32
      %lt3A_129 = arith.cmpi slt, %add3A_128, %lt3A : i32
      %convert_element_type3A_130 = arith.extui %lt3A_129 : i1 to i32
      %cond3A_131 = arith.constant 0 : i32
      %cond3A_132 = arith.cmpi ne, %convert_element_type3A_130, %cond3A_131 : i32
      scf.if %cond3A_132 {
        %mul3A_506 = arith.constant 8 : i32
        %mul3A_507 = arith.muli %add3A_128, %mul3A_506 : i32
        %add3A_508 = arith.addi %mul3A_4, %mul3A_507 : i32
        %dma_start3A_509 = arith.constant 1 : i32
        %dma_start3A_510 = arith.constant 0 : i32
        %dma_start3A_511 = arith.constant 0 : i32
        %dma_start3A_512 = tpu.memref_slice %arg5[%dma_start3A_509, %dma_start3A_510, %dma_start3A_511] : memref<2x8x128xi32, #tpu.memory_space<vmem>> -> memref<1x8x128xi32, #tpu.memory_space<vmem>>
        %dma_start3A_513 = tpu.memref_squeeze %dma_start3A_512 : memref<1x8x128xi32, #tpu.memory_space<vmem>> -> memref<8x128xi32, #tpu.memory_space<vmem>>
        %dma_start3A_514 = arith.constant 0 : i32
        %dma_start3A_515 = tpu.memref_slice %arg2[%add3A_508, %dma_start3A_514] : memref<25088x128xi32, #tpu.memory_space<hbm>> -> memref<8x128xi32, #tpu.memory_space<hbm>>
        %dma_start3A_516 = arith.constant 0 : i32
        %dma_start3A_517 = arith.constant 0 : i32
        %dma_start3A_518 = tpu.memref_slice %arg5[%dma_start3A_509, %dma_start3A_516, %dma_start3A_517] : memref<2x8x128xi32, #tpu.memory_space<vmem>> -> memref<1x8x128xi32, #tpu.memory_space<vmem>>
        %dma_start3A_519 = tpu.memref_squeeze %dma_start3A_518 : memref<1x8x128xi32, #tpu.memory_space<vmem>> -> memref<8x128xi32, #tpu.memory_space<vmem>>
        %dma_start3A_520 = arith.constant 0 : i32
        %dma_start3A_521 = tpu.memref_slice %arg2[%add3A_508, %dma_start3A_520] : memref<25088x128xi32, #tpu.memory_space<hbm>> -> memref<8x128xi32, #tpu.memory_space<hbm>>
        tpu.enqueue_dma source(%dma_start3A_521 : memref<8x128xi32, #tpu.memory_space<hbm>>) target(%dma_start3A_519 : memref<8x128xi32, #tpu.memory_space<vmem>>) target_semaphore(%arg10 : memref<!tpu.dma_semaphore, #tpu.memory_space<semaphore_mem>>)
      } else {
      }
      %dma_start3A_133 = arith.constant 0 : i32
      %dma_start3A_134 = arith.constant 0 : i32
      %dma_start3A_135 = arith.constant 0 : i32
      %dma_start3A_136 = arith.constant 0 : i32
      %dma_start3A_137 = tpu.memref_slice %arg5[%dma_start3A_133, %dma_start3A_135, %dma_start3A_136] : memref<2x8x128xi32, #tpu.memory_space<vmem>> -> memref<1x8x128xi32, #tpu.memory_space<vmem>>
      %dma_start3A_138 = tpu.memref_squeeze %dma_start3A_137 : memref<1x8x128xi32, #tpu.memory_space<vmem>> -> memref<8x128xi32, #tpu.memory_space<vmem>>
      %dma_start3A_139 = arith.constant 0 : i32
      %dma_start3A_140 = tpu.memref_slice %dma_start3A_138[%dma_start3A_134, %dma_start3A_139] : memref<8x128xi32, #tpu.memory_space<vmem>> -> memref<1x128xi32, #tpu.memory_space<vmem>>
      %dma_start3A_141 = tpu.memref_squeeze %dma_start3A_140 : memref<1x128xi32, #tpu.memory_space<vmem>> -> memref<128xi32, #tpu.memory_space<vmem>>
      %dma_start3A_142 = arith.constant 0 : i32
      %dma_start3A_143 = tpu.memref_slice %arg8[%dma_start3A_142] : memref<100352xf32, #tpu.memory_space<vmem_shared>> -> memref<100352xf32, #tpu.memory_space<vmem_shared>>
      tpu.enqueue_indirect_dma source(%arg6 : memref<128xf32, #tpu.memory_space<vmem>>) target(%dma_start3A_143 : memref<100352xf32, #tpu.memory_space<vmem_shared>>) offsets(%dma_start3A_141 : memref<128xi32, #tpu.memory_space<vmem>>) semaphore(%arg11 : memref<!tpu.dma_semaphore, #tpu.memory_space<semaphore_mem>>) {add = true}
      %dma_start3A_144 = arith.constant 0 : i32
      %dma_start3A_145 = arith.constant 1 : i32
      %dma_start3A_146 = arith.constant 0 : i32
      %dma_start3A_147 = arith.constant 0 : i32
      %dma_start3A_148 = tpu.memref_slice %arg5[%dma_start3A_144, %dma_start3A_146, %dma_start3A_147] : memref<2x8x128xi32, #tpu.memory_space<vmem>> -> memref<1x8x128xi32, #tpu.memory_space<vmem>>
      %dma_start3A_149 = tpu.memref_squeeze %dma_start3A_148 : memref<1x8x128xi32, #tpu.memory_space<vmem>> -> memref<8x128xi32, #tpu.memory_space<vmem>>
      %dma_start3A_150 = arith.constant 0 : i32
      %dma_start3A_151 = tpu.memref_slice %dma_start3A_149[%dma_start3A_145, %dma_start3A_150] : memref<8x128xi32, #tpu.memory_space<vmem>> -> memref<1x128xi32, #tpu.memory_space<vmem>>
      %dma_start3A_152 = tpu.memref_squeeze %dma_start3A_151 : memref<1x128xi32, #tpu.memory_space<vmem>> -> memref<128xi32, #tpu.memory_space<vmem>>
      %dma_start3A_153 = arith.constant 0 : i32
      %dma_start3A_154 = tpu.memref_slice %arg8[%dma_start3A_153] : memref<100352xf32, #tpu.memory_space<vmem_shared>> -> memref<100352xf32, #tpu.memory_space<vmem_shared>>
      tpu.enqueue_indirect_dma source(%arg6 : memref<128xf32, #tpu.memory_space<vmem>>) target(%dma_start3A_154 : memref<100352xf32, #tpu.memory_space<vmem_shared>>) offsets(%dma_start3A_152 : memref<128xi32, #tpu.memory_space<vmem>>) semaphore(%arg11 : memref<!tpu.dma_semaphore, #tpu.memory_space<semaphore_mem>>) {add = true}
      %dma_start3A_155 = arith.constant 0 : i32
      %dma_start3A_156 = arith.constant 2 : i32
      %dma_start3A_157 = arith.constant 0 : i32
      %dma_start3A_158 = arith.constant 0 : i32
      %dma_start3A_159 = tpu.memref_slice %arg5[%dma_start3A_155, %dma_start3A_157, %dma_start3A_158] : memref<2x8x128xi32, #tpu.memory_space<vmem>> -> memref<1x8x128xi32, #tpu.memory_space<vmem>>
      %dma_start3A_160 = tpu.memref_squeeze %dma_start3A_159 : memref<1x8x128xi32, #tpu.memory_space<vmem>> -> memref<8x128xi32, #tpu.memory_space<vmem>>
      %dma_start3A_161 = arith.constant 0 : i32
      %dma_start3A_162 = tpu.memref_slice %dma_start3A_160[%dma_start3A_156, %dma_start3A_161] : memref<8x128xi32, #tpu.memory_space<vmem>> -> memref<1x128xi32, #tpu.memory_space<vmem>>
      %dma_start3A_163 = tpu.memref_squeeze %dma_start3A_162 : memref<1x128xi32, #tpu.memory_space<vmem>> -> memref<128xi32, #tpu.memory_space<vmem>>
      %dma_start3A_164 = arith.constant 0 : i32
      %dma_start3A_165 = tpu.memref_slice %arg8[%dma_start3A_164] : memref<100352xf32, #tpu.memory_space<vmem_shared>> -> memref<100352xf32, #tpu.memory_space<vmem_shared>>
      tpu.enqueue_indirect_dma source(%arg6 : memref<128xf32, #tpu.memory_space<vmem>>) target(%dma_start3A_165 : memref<100352xf32, #tpu.memory_space<vmem_shared>>) offsets(%dma_start3A_163 : memref<128xi32, #tpu.memory_space<vmem>>) semaphore(%arg11 : memref<!tpu.dma_semaphore, #tpu.memory_space<semaphore_mem>>) {add = true}
      %dma_start3A_166 = arith.constant 0 : i32
      %dma_start3A_167 = arith.constant 3 : i32
      %dma_start3A_168 = arith.constant 0 : i32
      %dma_start3A_169 = arith.constant 0 : i32
      %dma_start3A_170 = tpu.memref_slice %arg5[%dma_start3A_166, %dma_start3A_168, %dma_start3A_169] : memref<2x8x128xi32, #tpu.memory_space<vmem>> -> memref<1x8x128xi32, #tpu.memory_space<vmem>>
      %dma_start3A_171 = tpu.memref_squeeze %dma_start3A_170 : memref<1x8x128xi32, #tpu.memory_space<vmem>> -> memref<8x128xi32, #tpu.memory_space<vmem>>
      %dma_start3A_172 = arith.constant 0 : i32
      %dma_start3A_173 = tpu.memref_slice %dma_start3A_171[%dma_start3A_167, %dma_start3A_172] : memref<8x128xi32, #tpu.memory_space<vmem>> -> memref<1x128xi32, #tpu.memory_space<vmem>>
      %dma_start3A_174 = tpu.memref_squeeze %dma_start3A_173 : memref<1x128xi32, #tpu.memory_space<vmem>> -> memref<128xi32, #tpu.memory_space<vmem>>
      %dma_start3A_175 = arith.constant 0 : i32
      %dma_start3A_176 = tpu.memref_slice %arg8[%dma_start3A_175] : memref<100352xf32, #tpu.memory_space<vmem_shared>> -> memref<100352xf32, #tpu.memory_space<vmem_shared>>
      tpu.enqueue_indirect_dma source(%arg6 : memref<128xf32, #tpu.memory_space<vmem>>) target(%dma_start3A_176 : memref<100352xf32, #tpu.memory_space<vmem_shared>>) offsets(%dma_start3A_174 : memref<128xi32, #tpu.memory_space<vmem>>) semaphore(%arg11 : memref<!tpu.dma_semaphore, #tpu.memory_space<semaphore_mem>>) {add = true}
      %dma_start3A_177 = arith.constant 0 : i32
      %dma_start3A_178 = arith.constant 4 : i32
      %dma_start3A_179 = arith.constant 0 : i32
      %dma_start3A_180 = arith.constant 0 : i32
      %dma_start3A_181 = tpu.memref_slice %arg5[%dma_start3A_177, %dma_start3A_179, %dma_start3A_180] : memref<2x8x128xi32, #tpu.memory_space<vmem>> -> memref<1x8x128xi32, #tpu.memory_space<vmem>>
      %dma_start3A_182 = tpu.memref_squeeze %dma_start3A_181 : memref<1x8x128xi32, #tpu.memory_space<vmem>> -> memref<8x128xi32, #tpu.memory_space<vmem>>
      %dma_start3A_183 = arith.constant 0 : i32
      %dma_start3A_184 = tpu.memref_slice %dma_start3A_182[%dma_start3A_178, %dma_start3A_183] : memref<8x128xi32, #tpu.memory_space<vmem>> -> memref<1x128xi32, #tpu.memory_space<vmem>>
      %dma_start3A_185 = tpu.memref_squeeze %dma_start3A_184 : memref<1x128xi32, #tpu.memory_space<vmem>> -> memref<128xi32, #tpu.memory_space<vmem>>
      %dma_start3A_186 = arith.constant 0 : i32
      %dma_start3A_187 = tpu.memref_slice %arg8[%dma_start3A_186] : memref<100352xf32, #tpu.memory_space<vmem_shared>> -> memref<100352xf32, #tpu.memory_space<vmem_shared>>
      tpu.enqueue_indirect_dma source(%arg6 : memref<128xf32, #tpu.memory_space<vmem>>) target(%dma_start3A_187 : memref<100352xf32, #tpu.memory_space<vmem_shared>>) offsets(%dma_start3A_185 : memref<128xi32, #tpu.memory_space<vmem>>) semaphore(%arg11 : memref<!tpu.dma_semaphore, #tpu.memory_space<semaphore_mem>>) {add = true}
      %dma_start3A_188 = arith.constant 0 : i32
      %dma_start3A_189 = arith.constant 5 : i32
      %dma_start3A_190 = arith.constant 0 : i32
      %dma_start3A_191 = arith.constant 0 : i32
      %dma_start3A_192 = tpu.memref_slice %arg5[%dma_start3A_188, %dma_start3A_190, %dma_start3A_191] : memref<2x8x128xi32, #tpu.memory_space<vmem>> -> memref<1x8x128xi32, #tpu.memory_space<vmem>>
      %dma_start3A_193 = tpu.memref_squeeze %dma_start3A_192 : memref<1x8x128xi32, #tpu.memory_space<vmem>> -> memref<8x128xi32, #tpu.memory_space<vmem>>
      %dma_start3A_194 = arith.constant 0 : i32
      %dma_start3A_195 = tpu.memref_slice %dma_start3A_193[%dma_start3A_189, %dma_start3A_194] : memref<8x128xi32, #tpu.memory_space<vmem>> -> memref<1x128xi32, #tpu.memory_space<vmem>>
      %dma_start3A_196 = tpu.memref_squeeze %dma_start3A_195 : memref<1x128xi32, #tpu.memory_space<vmem>> -> memref<128xi32, #tpu.memory_space<vmem>>
      %dma_start3A_197 = arith.constant 0 : i32
      %dma_start3A_198 = tpu.memref_slice %arg8[%dma_start3A_197] : memref<100352xf32, #tpu.memory_space<vmem_shared>> -> memref<100352xf32, #tpu.memory_space<vmem_shared>>
      tpu.enqueue_indirect_dma source(%arg6 : memref<128xf32, #tpu.memory_space<vmem>>) target(%dma_start3A_198 : memref<100352xf32, #tpu.memory_space<vmem_shared>>) offsets(%dma_start3A_196 : memref<128xi32, #tpu.memory_space<vmem>>) semaphore(%arg11 : memref<!tpu.dma_semaphore, #tpu.memory_space<semaphore_mem>>) {add = true}
      %dma_start3A_199 = arith.constant 0 : i32
      %dma_start3A_200 = arith.constant 6 : i32
      %dma_start3A_201 = arith.constant 0 : i32
      %dma_start3A_202 = arith.constant 0 : i32
      %dma_start3A_203 = tpu.memref_slice %arg5[%dma_start3A_199, %dma_start3A_201, %dma_start3A_202] : memref<2x8x128xi32, #tpu.memory_space<vmem>> -> memref<1x8x128xi32, #tpu.memory_space<vmem>>
      %dma_start3A_204 = tpu.memref_squeeze %dma_start3A_203 : memref<1x8x128xi32, #tpu.memory_space<vmem>> -> memref<8x128xi32, #tpu.memory_space<vmem>>
      %dma_start3A_205 = arith.constant 0 : i32
      %dma_start3A_206 = tpu.memref_slice %dma_start3A_204[%dma_start3A_200, %dma_start3A_205] : memref<8x128xi32, #tpu.memory_space<vmem>> -> memref<1x128xi32, #tpu.memory_space<vmem>>
      %dma_start3A_207 = tpu.memref_squeeze %dma_start3A_206 : memref<1x128xi32, #tpu.memory_space<vmem>> -> memref<128xi32, #tpu.memory_space<vmem>>
      %dma_start3A_208 = arith.constant 0 : i32
      %dma_start3A_209 = tpu.memref_slice %arg8[%dma_start3A_208] : memref<100352xf32, #tpu.memory_space<vmem_shared>> -> memref<100352xf32, #tpu.memory_space<vmem_shared>>
      tpu.enqueue_indirect_dma source(%arg6 : memref<128xf32, #tpu.memory_space<vmem>>) target(%dma_start3A_209 : memref<100352xf32, #tpu.memory_space<vmem_shared>>) offsets(%dma_start3A_207 : memref<128xi32, #tpu.memory_space<vmem>>) semaphore(%arg11 : memref<!tpu.dma_semaphore, #tpu.memory_space<semaphore_mem>>) {add = true}
      %dma_start3A_210 = arith.constant 0 : i32
      %dma_start3A_211 = arith.constant 7 : i32
      %dma_start3A_212 = arith.constant 0 : i32
      %dma_start3A_213 = arith.constant 0 : i32
      %dma_start3A_214 = tpu.memref_slice %arg5[%dma_start3A_210, %dma_start3A_212, %dma_start3A_213] : memref<2x8x128xi32, #tpu.memory_space<vmem>> -> memref<1x8x128xi32, #tpu.memory_space<vmem>>
      %dma_start3A_215 = tpu.memref_squeeze %dma_start3A_214 : memref<1x8x128xi32, #tpu.memory_space<vmem>> -> memref<8x128xi32, #tpu.memory_space<vmem>>
      %dma_start3A_216 = arith.constant 0 : i32
      %dma_start3A_217 = tpu.memref_slice %dma_start3A_215[%dma_start3A_211, %dma_start3A_216] : memref<8x128xi32, #tpu.memory_space<vmem>> -> memref<1x128xi32, #tpu.memory_space<vmem>>
      %dma_start3A_218 = tpu.memref_squeeze %dma_start3A_217 : memref<1x128xi32, #tpu.memory_space<vmem>> -> memref<128xi32, #tpu.memory_space<vmem>>
      %dma_start3A_219 = arith.constant 0 : i32
      %dma_start3A_220 = tpu.memref_slice %arg8[%dma_start3A_219] : memref<100352xf32, #tpu.memory_space<vmem_shared>> -> memref<100352xf32, #tpu.memory_space<vmem_shared>>
      tpu.enqueue_indirect_dma source(%arg6 : memref<128xf32, #tpu.memory_space<vmem>>) target(%dma_start3A_220 : memref<100352xf32, #tpu.memory_space<vmem_shared>>) offsets(%dma_start3A_218 : memref<128xi32, #tpu.memory_space<vmem>>) semaphore(%arg11 : memref<!tpu.dma_semaphore, #tpu.memory_space<semaphore_mem>>) {add = true}
      %lt3A_221 = arith.constant 98 : i32
      %lt3A_222 = arith.cmpi slt, %add3A_128, %lt3A_221 : i32
      %convert_element_type3A_223 = arith.extui %lt3A_222 : i1 to i32
      %cond3A_224 = arith.constant 0 : i32
      %cond3A_225 = arith.cmpi ne, %convert_element_type3A_223, %cond3A_224 : i32
      scf.if %cond3A_225 {
        %mul3A_506 = arith.constant 8 : i32
        %mul3A_507 = arith.muli %add3A_128, %mul3A_506 : i32
        %add3A_508 = arith.addi %mul3A_4, %mul3A_507 : i32
        %dma_wait3A_509 = arith.constant 1 : i32
        %dma_wait3A_510 = arith.constant 0 : i32
        %dma_wait3A_511 = arith.constant 0 : i32
        %dma_wait3A_512 = tpu.memref_slice %arg5[%dma_wait3A_509, %dma_wait3A_510, %dma_wait3A_511] : memref<2x8x128xi32, #tpu.memory_space<vmem>> -> memref<1x8x128xi32, #tpu.memory_space<vmem>>
        %dma_wait3A_513 = tpu.memref_squeeze %dma_wait3A_512 : memref<1x8x128xi32, #tpu.memory_space<vmem>> -> memref<8x128xi32, #tpu.memory_space<vmem>>
        %dma_wait3A_514 = arith.constant 0 : i32
        %dma_wait3A_515 = tpu.memref_slice %arg2[%add3A_508, %dma_wait3A_514] : memref<25088x128xi32, #tpu.memory_space<hbm>> -> memref<8x128xi32, #tpu.memory_space<hbm>>
        %dma_wait3A_516 = arith.constant 0 : i32
        %dma_wait3A_517 = arith.constant 0 : i32
        %dma_wait3A_518 = tpu.memref_slice %arg5[%dma_wait3A_509, %dma_wait3A_516, %dma_wait3A_517] : memref<2x8x128xi32, #tpu.memory_space<vmem>> -> memref<1x8x128xi32, #tpu.memory_space<vmem>>
        %dma_wait3A_519 = tpu.memref_squeeze %dma_wait3A_518 : memref<1x8x128xi32, #tpu.memory_space<vmem>> -> memref<8x128xi32, #tpu.memory_space<vmem>>
        %dma_wait3A_520 = arith.constant 0 : i32
        %dma_wait3A_521 = tpu.memref_slice %arg2[%add3A_508, %dma_wait3A_520] : memref<25088x128xi32, #tpu.memory_space<hbm>> -> memref<8x128xi32, #tpu.memory_space<hbm>>
        tpu.wait_dma2 semaphore(%arg10 : memref<!tpu.dma_semaphore, #tpu.memory_space<semaphore_mem>>) src(%dma_wait3A_521 : memref<8x128xi32, #tpu.memory_space<hbm>>) dst(%dma_wait3A_519 : memref<8x128xi32, #tpu.memory_space<vmem>>)
      } else {
      }
      %dma_wait3A_226 = arith.constant 0 : i32
      %dma_wait3A_227 = arith.constant 0 : i32
      %dma_wait3A_228 = arith.constant 0 : i32
      %dma_wait3A_229 = arith.constant 0 : i32
      %dma_wait3A_230 = tpu.memref_slice %arg5[%dma_wait3A_226, %dma_wait3A_228, %dma_wait3A_229] : memref<2x8x128xi32, #tpu.memory_space<vmem>> -> memref<1x8x128xi32, #tpu.memory_space<vmem>>
      %dma_wait3A_231 = tpu.memref_squeeze %dma_wait3A_230 : memref<1x8x128xi32, #tpu.memory_space<vmem>> -> memref<8x128xi32, #tpu.memory_space<vmem>>
      %dma_wait3A_232 = arith.constant 0 : i32
      %dma_wait3A_233 = tpu.memref_slice %dma_wait3A_231[%dma_wait3A_227, %dma_wait3A_232] : memref<8x128xi32, #tpu.memory_space<vmem>> -> memref<1x128xi32, #tpu.memory_space<vmem>>
      %dma_wait3A_234 = tpu.memref_squeeze %dma_wait3A_233 : memref<1x128xi32, #tpu.memory_space<vmem>> -> memref<128xi32, #tpu.memory_space<vmem>>
      %dma_wait3A_235 = arith.constant 0 : i32
      %dma_wait3A_236 = tpu.memref_slice %arg8[%dma_wait3A_235] : memref<100352xf32, #tpu.memory_space<vmem_shared>> -> memref<100352xf32, #tpu.memory_space<vmem_shared>>
      tpu.wait_indirect_dma semaphore(%arg11 : memref<!tpu.dma_semaphore, #tpu.memory_space<semaphore_mem>>) src(%arg6 : memref<128xf32, #tpu.memory_space<vmem>>) dst(%dma_wait3A_236 : memref<100352xf32, #tpu.memory_space<vmem_shared>>)
      %dma_wait3A_237 = arith.constant 0 : i32
      %dma_wait3A_238 = arith.constant 1 : i32
      %dma_wait3A_239 = arith.constant 0 : i32
      %dma_wait3A_240 = arith.constant 0 : i32
      %dma_wait3A_241 = tpu.memref_slice %arg5[%dma_wait3A_237, %dma_wait3A_239, %dma_wait3A_240] : memref<2x8x128xi32, #tpu.memory_space<vmem>> -> memref<1x8x128xi32, #tpu.memory_space<vmem>>
      %dma_wait3A_242 = tpu.memref_squeeze %dma_wait3A_241 : memref<1x8x128xi32, #tpu.memory_space<vmem>> -> memref<8x128xi32, #tpu.memory_space<vmem>>
      %dma_wait3A_243 = arith.constant 0 : i32
      %dma_wait3A_244 = tpu.memref_slice %dma_wait3A_242[%dma_wait3A_238, %dma_wait3A_243] : memref<8x128xi32, #tpu.memory_space<vmem>> -> memref<1x128xi32, #tpu.memory_space<vmem>>
      %dma_wait3A_245 = tpu.memref_squeeze %dma_wait3A_244 : memref<1x128xi32, #tpu.memory_space<vmem>> -> memref<128xi32, #tpu.memory_space<vmem>>
      %dma_wait3A_246 = arith.constant 0 : i32
      %dma_wait3A_247 = tpu.memref_slice %arg8[%dma_wait3A_246] : memref<100352xf32, #tpu.memory_space<vmem_shared>> -> memref<100352xf32, #tpu.memory_space<vmem_shared>>
      tpu.wait_indirect_dma semaphore(%arg11 : memref<!tpu.dma_semaphore, #tpu.memory_space<semaphore_mem>>) src(%arg6 : memref<128xf32, #tpu.memory_space<vmem>>) dst(%dma_wait3A_247 : memref<100352xf32, #tpu.memory_space<vmem_shared>>)
      %dma_wait3A_248 = arith.constant 0 : i32
      %dma_wait3A_249 = arith.constant 2 : i32
      %dma_wait3A_250 = arith.constant 0 : i32
      %dma_wait3A_251 = arith.constant 0 : i32
      %dma_wait3A_252 = tpu.memref_slice %arg5[%dma_wait3A_248, %dma_wait3A_250, %dma_wait3A_251] : memref<2x8x128xi32, #tpu.memory_space<vmem>> -> memref<1x8x128xi32, #tpu.memory_space<vmem>>
      %dma_wait3A_253 = tpu.memref_squeeze %dma_wait3A_252 : memref<1x8x128xi32, #tpu.memory_space<vmem>> -> memref<8x128xi32, #tpu.memory_space<vmem>>
      %dma_wait3A_254 = arith.constant 0 : i32
      %dma_wait3A_255 = tpu.memref_slice %dma_wait3A_253[%dma_wait3A_249, %dma_wait3A_254] : memref<8x128xi32, #tpu.memory_space<vmem>> -> memref<1x128xi32, #tpu.memory_space<vmem>>
      %dma_wait3A_256 = tpu.memref_squeeze %dma_wait3A_255 : memref<1x128xi32, #tpu.memory_space<vmem>> -> memref<128xi32, #tpu.memory_space<vmem>>
      %dma_wait3A_257 = arith.constant 0 : i32
      %dma_wait3A_258 = tpu.memref_slice %arg8[%dma_wait3A_257] : memref<100352xf32, #tpu.memory_space<vmem_shared>> -> memref<100352xf32, #tpu.memory_space<vmem_shared>>
      tpu.wait_indirect_dma semaphore(%arg11 : memref<!tpu.dma_semaphore, #tpu.memory_space<semaphore_mem>>) src(%arg6 : memref<128xf32, #tpu.memory_space<vmem>>) dst(%dma_wait3A_258 : memref<100352xf32, #tpu.memory_space<vmem_shared>>)
      %dma_wait3A_259 = arith.constant 0 : i32
      %dma_wait3A_260 = arith.constant 3 : i32
      %dma_wait3A_261 = arith.constant 0 : i32
      %dma_wait3A_262 = arith.constant 0 : i32
      %dma_wait3A_263 = tpu.memref_slice %arg5[%dma_wait3A_259, %dma_wait3A_261, %dma_wait3A_262] : memref<2x8x128xi32, #tpu.memory_space<vmem>> -> memref<1x8x128xi32, #tpu.memory_space<vmem>>
      %dma_wait3A_264 = tpu.memref_squeeze %dma_wait3A_263 : memref<1x8x128xi32, #tpu.memory_space<vmem>> -> memref<8x128xi32, #tpu.memory_space<vmem>>
      %dma_wait3A_265 = arith.constant 0 : i32
      %dma_wait3A_266 = tpu.memref_slice %dma_wait3A_264[%dma_wait3A_260, %dma_wait3A_265] : memref<8x128xi32, #tpu.memory_space<vmem>> -> memref<1x128xi32, #tpu.memory_space<vmem>>
      %dma_wait3A_267 = tpu.memref_squeeze %dma_wait3A_266 : memref<1x128xi32, #tpu.memory_space<vmem>> -> memref<128xi32, #tpu.memory_space<vmem>>
      %dma_wait3A_268 = arith.constant 0 : i32
      %dma_wait3A_269 = tpu.memref_slice %arg8[%dma_wait3A_268] : memref<100352xf32, #tpu.memory_space<vmem_shared>> -> memref<100352xf32, #tpu.memory_space<vmem_shared>>
      tpu.wait_indirect_dma semaphore(%arg11 : memref<!tpu.dma_semaphore, #tpu.memory_space<semaphore_mem>>) src(%arg6 : memref<128xf32, #tpu.memory_space<vmem>>) dst(%dma_wait3A_269 : memref<100352xf32, #tpu.memory_space<vmem_shared>>)
      %dma_wait3A_270 = arith.constant 0 : i32
      %dma_wait3A_271 = arith.constant 4 : i32
      %dma_wait3A_272 = arith.constant 0 : i32
      %dma_wait3A_273 = arith.constant 0 : i32
      %dma_wait3A_274 = tpu.memref_slice %arg5[%dma_wait3A_270, %dma_wait3A_272, %dma_wait3A_273] : memref<2x8x128xi32, #tpu.memory_space<vmem>> -> memref<1x8x128xi32, #tpu.memory_space<vmem>>
      %dma_wait3A_275 = tpu.memref_squeeze %dma_wait3A_274 : memref<1x8x128xi32, #tpu.memory_space<vmem>> -> memref<8x128xi32, #tpu.memory_space<vmem>>
      %dma_wait3A_276 = arith.constant 0 : i32
      %dma_wait3A_277 = tpu.memref_slice %dma_wait3A_275[%dma_wait3A_271, %dma_wait3A_276] : memref<8x128xi32, #tpu.memory_space<vmem>> -> memref<1x128xi32, #tpu.memory_space<vmem>>
      %dma_wait3A_278 = tpu.memref_squeeze %dma_wait3A_277 : memref<1x128xi32, #tpu.memory_space<vmem>> -> memref<128xi32, #tpu.memory_space<vmem>>
      %dma_wait3A_279 = arith.constant 0 : i32
      %dma_wait3A_280 = tpu.memref_slice %arg8[%dma_wait3A_279] : memref<100352xf32, #tpu.memory_space<vmem_shared>> -> memref<100352xf32, #tpu.memory_space<vmem_shared>>
      tpu.wait_indirect_dma semaphore(%arg11 : memref<!tpu.dma_semaphore, #tpu.memory_space<semaphore_mem>>) src(%arg6 : memref<128xf32, #tpu.memory_space<vmem>>) dst(%dma_wait3A_280 : memref<100352xf32, #tpu.memory_space<vmem_shared>>)
      %dma_wait3A_281 = arith.constant 0 : i32
      %dma_wait3A_282 = arith.constant 5 : i32
      %dma_wait3A_283 = arith.constant 0 : i32
      %dma_wait3A_284 = arith.constant 0 : i32
      %dma_wait3A_285 = tpu.memref_slice %arg5[%dma_wait3A_281, %dma_wait3A_283, %dma_wait3A_284] : memref<2x8x128xi32, #tpu.memory_space<vmem>> -> memref<1x8x128xi32, #tpu.memory_space<vmem>>
      %dma_wait3A_286 = tpu.memref_squeeze %dma_wait3A_285 : memref<1x8x128xi32, #tpu.memory_space<vmem>> -> memref<8x128xi32, #tpu.memory_space<vmem>>
      %dma_wait3A_287 = arith.constant 0 : i32
      %dma_wait3A_288 = tpu.memref_slice %dma_wait3A_286[%dma_wait3A_282, %dma_wait3A_287] : memref<8x128xi32, #tpu.memory_space<vmem>> -> memref<1x128xi32, #tpu.memory_space<vmem>>
      %dma_wait3A_289 = tpu.memref_squeeze %dma_wait3A_288 : memref<1x128xi32, #tpu.memory_space<vmem>> -> memref<128xi32, #tpu.memory_space<vmem>>
      %dma_wait3A_290 = arith.constant 0 : i32
      %dma_wait3A_291 = tpu.memref_slice %arg8[%dma_wait3A_290] : memref<100352xf32, #tpu.memory_space<vmem_shared>> -> memref<100352xf32, #tpu.memory_space<vmem_shared>>
      tpu.wait_indirect_dma semaphore(%arg11 : memref<!tpu.dma_semaphore, #tpu.memory_space<semaphore_mem>>) src(%arg6 : memref<128xf32, #tpu.memory_space<vmem>>) dst(%dma_wait3A_291 : memref<100352xf32, #tpu.memory_space<vmem_shared>>)
      %dma_wait3A_292 = arith.constant 0 : i32
      %dma_wait3A_293 = arith.constant 6 : i32
      %dma_wait3A_294 = arith.constant 0 : i32
      %dma_wait3A_295 = arith.constant 0 : i32
      %dma_wait3A_296 = tpu.memref_slice %arg5[%dma_wait3A_292, %dma_wait3A_294, %dma_wait3A_295] : memref<2x8x128xi32, #tpu.memory_space<vmem>> -> memref<1x8x128xi32, #tpu.memory_space<vmem>>
      %dma_wait3A_297 = tpu.memref_squeeze %dma_wait3A_296 : memref<1x8x128xi32, #tpu.memory_space<vmem>> -> memref<8x128xi32, #tpu.memory_space<vmem>>
      %dma_wait3A_298 = arith.constant 0 : i32
      %dma_wait3A_299 = tpu.memref_slice %dma_wait3A_297[%dma_wait3A_293, %dma_wait3A_298] : memref<8x128xi32, #tpu.memory_space<vmem>> -> memref<1x128xi32, #tpu.memory_space<vmem>>
      %dma_wait3A_300 = tpu.memref_squeeze %dma_wait3A_299 : memref<1x128xi32, #tpu.memory_space<vmem>> -> memref<128xi32, #tpu.memory_space<vmem>>
      %dma_wait3A_301 = arith.constant 0 : i32
      %dma_wait3A_302 = tpu.memref_slice %arg8[%dma_wait3A_301] : memref<100352xf32, #tpu.memory_space<vmem_shared>> -> memref<100352xf32, #tpu.memory_space<vmem_shared>>
      tpu.wait_indirect_dma semaphore(%arg11 : memref<!tpu.dma_semaphore, #tpu.memory_space<semaphore_mem>>) src(%arg6 : memref<128xf32, #tpu.memory_space<vmem>>) dst(%dma_wait3A_302 : memref<100352xf32, #tpu.memory_space<vmem_shared>>)
      %dma_wait3A_303 = arith.constant 0 : i32
      %dma_wait3A_304 = arith.constant 7 : i32
      %dma_wait3A_305 = arith.constant 0 : i32
      %dma_wait3A_306 = arith.constant 0 : i32
      %dma_wait3A_307 = tpu.memref_slice %arg5[%dma_wait3A_303, %dma_wait3A_305, %dma_wait3A_306] : memref<2x8x128xi32, #tpu.memory_space<vmem>> -> memref<1x8x128xi32, #tpu.memory_space<vmem>>
      %dma_wait3A_308 = tpu.memref_squeeze %dma_wait3A_307 : memref<1x8x128xi32, #tpu.memory_space<vmem>> -> memref<8x128xi32, #tpu.memory_space<vmem>>
      %dma_wait3A_309 = arith.constant 0 : i32
      %dma_wait3A_310 = tpu.memref_slice %dma_wait3A_308[%dma_wait3A_304, %dma_wait3A_309] : memref<8x128xi32, #tpu.memory_space<vmem>> -> memref<1x128xi32, #tpu.memory_space<vmem>>
      %dma_wait3A_311 = tpu.memref_squeeze %dma_wait3A_310 : memref<1x128xi32, #tpu.memory_space<vmem>> -> memref<128xi32, #tpu.memory_space<vmem>>
      %dma_wait3A_312 = arith.constant 0 : i32
      %dma_wait3A_313 = tpu.memref_slice %arg8[%dma_wait3A_312] : memref<100352xf32, #tpu.memory_space<vmem_shared>> -> memref<100352xf32, #tpu.memory_space<vmem_shared>>
      tpu.wait_indirect_dma semaphore(%arg11 : memref<!tpu.dma_semaphore, #tpu.memory_space<semaphore_mem>>) src(%arg6 : memref<128xf32, #tpu.memory_space<vmem>>) dst(%dma_wait3A_313 : memref<100352xf32, #tpu.memory_space<vmem_shared>>)
      %mul3A_314 = arith.constant 2 : i32
      %mul3A_315 = arith.muli %scan3A_122, %mul3A_314 : i32
      %add3A_316 = arith.constant 1 : i32
      %add3A_317 = arith.addi %mul3A_315, %add3A_316 : i32
      %add3A_318 = arith.constant 1 : i32
      %add3A_319 = arith.addi %add3A_317, %add3A_318 : i32
      %lt3A_320 = arith.constant 98 : i32
      %lt3A_321 = arith.cmpi slt, %add3A_319, %lt3A_320 : i32
      %convert_element_type3A_322 = arith.extui %lt3A_321 : i1 to i32
      %cond3A_323 = arith.constant 0 : i32
      %cond3A_324 = arith.cmpi ne, %convert_element_type3A_322, %cond3A_323 : i32
      scf.if %cond3A_324 {
        %mul3A_506 = arith.constant 8 : i32
        %mul3A_507 = arith.muli %add3A_319, %mul3A_506 : i32
        %add3A_508 = arith.addi %mul3A_4, %mul3A_507 : i32
        %dma_start3A_509 = arith.constant 0 : i32
        %dma_start3A_510 = arith.constant 0 : i32
        %dma_start3A_511 = arith.constant 0 : i32
        %dma_start3A_512 = tpu.memref_slice %arg5[%dma_start3A_509, %dma_start3A_510, %dma_start3A_511] : memref<2x8x128xi32, #tpu.memory_space<vmem>> -> memref<1x8x128xi32, #tpu.memory_space<vmem>>
        %dma_start3A_513 = tpu.memref_squeeze %dma_start3A_512 : memref<1x8x128xi32, #tpu.memory_space<vmem>> -> memref<8x128xi32, #tpu.memory_space<vmem>>
        %dma_start3A_514 = arith.constant 0 : i32
        %dma_start3A_515 = tpu.memref_slice %arg2[%add3A_508, %dma_start3A_514] : memref<25088x128xi32, #tpu.memory_space<hbm>> -> memref<8x128xi32, #tpu.memory_space<hbm>>
        %dma_start3A_516 = arith.constant 0 : i32
        %dma_start3A_517 = arith.constant 0 : i32
        %dma_start3A_518 = tpu.memref_slice %arg5[%dma_start3A_509, %dma_start3A_516, %dma_start3A_517] : memref<2x8x128xi32, #tpu.memory_space<vmem>> -> memref<1x8x128xi32, #tpu.memory_space<vmem>>
        %dma_start3A_519 = tpu.memref_squeeze %dma_start3A_518 : memref<1x8x128xi32, #tpu.memory_space<vmem>> -> memref<8x128xi32, #tpu.memory_space<vmem>>
        %dma_start3A_520 = arith.constant 0 : i32
        %dma_start3A_521 = tpu.memref_slice %arg2[%add3A_508, %dma_start3A_520] : memref<25088x128xi32, #tpu.memory_space<hbm>> -> memref<8x128xi32, #tpu.memory_space<hbm>>
        tpu.enqueue_dma source(%dma_start3A_521 : memref<8x128xi32, #tpu.memory_space<hbm>>) target(%dma_start3A_519 : memref<8x128xi32, #tpu.memory_space<vmem>>) target_semaphore(%arg9 : memref<!tpu.dma_semaphore, #tpu.memory_space<semaphore_mem>>)
      } else {
      }
      %dma_start3A_325 = arith.constant 1 : i32
      %dma_start3A_326 = arith.constant 0 : i32
      %dma_start3A_327 = arith.constant 0 : i32
      %dma_start3A_328 = arith.constant 0 : i32
      %dma_start3A_329 = tpu.memref_slice %arg5[%dma_start3A_325, %dma_start3A_327, %dma_start3A_328] : memref<2x8x128xi32, #tpu.memory_space<vmem>> -> memref<1x8x128xi32, #tpu.memory_space<vmem>>
      %dma_start3A_330 = tpu.memref_squeeze %dma_start3A_329 : memref<1x8x128xi32, #tpu.memory_space<vmem>> -> memref<8x128xi32, #tpu.memory_space<vmem>>
      %dma_start3A_331 = arith.constant 0 : i32
      %dma_start3A_332 = tpu.memref_slice %dma_start3A_330[%dma_start3A_326, %dma_start3A_331] : memref<8x128xi32, #tpu.memory_space<vmem>> -> memref<1x128xi32, #tpu.memory_space<vmem>>
      %dma_start3A_333 = tpu.memref_squeeze %dma_start3A_332 : memref<1x128xi32, #tpu.memory_space<vmem>> -> memref<128xi32, #tpu.memory_space<vmem>>
      %dma_start3A_334 = arith.constant 0 : i32
      %dma_start3A_335 = tpu.memref_slice %arg8[%dma_start3A_334] : memref<100352xf32, #tpu.memory_space<vmem_shared>> -> memref<100352xf32, #tpu.memory_space<vmem_shared>>
      tpu.enqueue_indirect_dma source(%arg6 : memref<128xf32, #tpu.memory_space<vmem>>) target(%dma_start3A_335 : memref<100352xf32, #tpu.memory_space<vmem_shared>>) offsets(%dma_start3A_333 : memref<128xi32, #tpu.memory_space<vmem>>) semaphore(%arg12 : memref<!tpu.dma_semaphore, #tpu.memory_space<semaphore_mem>>) {add = true}
      %dma_start3A_336 = arith.constant 1 : i32
      %dma_start3A_337 = arith.constant 1 : i32
      %dma_start3A_338 = arith.constant 0 : i32
      %dma_start3A_339 = arith.constant 0 : i32
      %dma_start3A_340 = tpu.memref_slice %arg5[%dma_start3A_336, %dma_start3A_338, %dma_start3A_339] : memref<2x8x128xi32, #tpu.memory_space<vmem>> -> memref<1x8x128xi32, #tpu.memory_space<vmem>>
      %dma_start3A_341 = tpu.memref_squeeze %dma_start3A_340 : memref<1x8x128xi32, #tpu.memory_space<vmem>> -> memref<8x128xi32, #tpu.memory_space<vmem>>
      %dma_start3A_342 = arith.constant 0 : i32
      %dma_start3A_343 = tpu.memref_slice %dma_start3A_341[%dma_start3A_337, %dma_start3A_342] : memref<8x128xi32, #tpu.memory_space<vmem>> -> memref<1x128xi32, #tpu.memory_space<vmem>>
      %dma_start3A_344 = tpu.memref_squeeze %dma_start3A_343 : memref<1x128xi32, #tpu.memory_space<vmem>> -> memref<128xi32, #tpu.memory_space<vmem>>
      %dma_start3A_345 = arith.constant 0 : i32
      %dma_start3A_346 = tpu.memref_slice %arg8[%dma_start3A_345] : memref<100352xf32, #tpu.memory_space<vmem_shared>> -> memref<100352xf32, #tpu.memory_space<vmem_shared>>
      tpu.enqueue_indirect_dma source(%arg6 : memref<128xf32, #tpu.memory_space<vmem>>) target(%dma_start3A_346 : memref<100352xf32, #tpu.memory_space<vmem_shared>>) offsets(%dma_start3A_344 : memref<128xi32, #tpu.memory_space<vmem>>) semaphore(%arg12 : memref<!tpu.dma_semaphore, #tpu.memory_space<semaphore_mem>>) {add = true}
      %dma_start3A_347 = arith.constant 1 : i32
      %dma_start3A_348 = arith.constant 2 : i32
      %dma_start3A_349 = arith.constant 0 : i32
      %dma_start3A_350 = arith.constant 0 : i32
      %dma_start3A_351 = tpu.memref_slice %arg5[%dma_start3A_347, %dma_start3A_349, %dma_start3A_350] : memref<2x8x128xi32, #tpu.memory_space<vmem>> -> memref<1x8x128xi32, #tpu.memory_space<vmem>>
      %dma_start3A_352 = tpu.memref_squeeze %dma_start3A_351 : memref<1x8x128xi32, #tpu.memory_space<vmem>> -> memref<8x128xi32, #tpu.memory_space<vmem>>
      %dma_start3A_353 = arith.constant 0 : i32
      %dma_start3A_354 = tpu.memref_slice %dma_start3A_352[%dma_start3A_348, %dma_start3A_353] : memref<8x128xi32, #tpu.memory_space<vmem>> -> memref<1x128xi32, #tpu.memory_space<vmem>>
      %dma_start3A_355 = tpu.memref_squeeze %dma_start3A_354 : memref<1x128xi32, #tpu.memory_space<vmem>> -> memref<128xi32, #tpu.memory_space<vmem>>
      %dma_start3A_356 = arith.constant 0 : i32
      %dma_start3A_357 = tpu.memref_slice %arg8[%dma_start3A_356] : memref<100352xf32, #tpu.memory_space<vmem_shared>> -> memref<100352xf32, #tpu.memory_space<vmem_shared>>
      tpu.enqueue_indirect_dma source(%arg6 : memref<128xf32, #tpu.memory_space<vmem>>) target(%dma_start3A_357 : memref<100352xf32, #tpu.memory_space<vmem_shared>>) offsets(%dma_start3A_355 : memref<128xi32, #tpu.memory_space<vmem>>) semaphore(%arg12 : memref<!tpu.dma_semaphore, #tpu.memory_space<semaphore_mem>>) {add = true}
      %dma_start3A_358 = arith.constant 1 : i32
      %dma_start3A_359 = arith.constant 3 : i32
      %dma_start3A_360 = arith.constant 0 : i32
      %dma_start3A_361 = arith.constant 0 : i32
      %dma_start3A_362 = tpu.memref_slice %arg5[%dma_start3A_358, %dma_start3A_360, %dma_start3A_361] : memref<2x8x128xi32, #tpu.memory_space<vmem>> -> memref<1x8x128xi32, #tpu.memory_space<vmem>>
      %dma_start3A_363 = tpu.memref_squeeze %dma_start3A_362 : memref<1x8x128xi32, #tpu.memory_space<vmem>> -> memref<8x128xi32, #tpu.memory_space<vmem>>
      %dma_start3A_364 = arith.constant 0 : i32
      %dma_start3A_365 = tpu.memref_slice %dma_start3A_363[%dma_start3A_359, %dma_start3A_364] : memref<8x128xi32, #tpu.memory_space<vmem>> -> memref<1x128xi32, #tpu.memory_space<vmem>>
      %dma_start3A_366 = tpu.memref_squeeze %dma_start3A_365 : memref<1x128xi32, #tpu.memory_space<vmem>> -> memref<128xi32, #tpu.memory_space<vmem>>
      %dma_start3A_367 = arith.constant 0 : i32
      %dma_start3A_368 = tpu.memref_slice %arg8[%dma_start3A_367] : memref<100352xf32, #tpu.memory_space<vmem_shared>> -> memref<100352xf32, #tpu.memory_space<vmem_shared>>
      tpu.enqueue_indirect_dma source(%arg6 : memref<128xf32, #tpu.memory_space<vmem>>) target(%dma_start3A_368 : memref<100352xf32, #tpu.memory_space<vmem_shared>>) offsets(%dma_start3A_366 : memref<128xi32, #tpu.memory_space<vmem>>) semaphore(%arg12 : memref<!tpu.dma_semaphore, #tpu.memory_space<semaphore_mem>>) {add = true}
      %dma_start3A_369 = arith.constant 1 : i32
      %dma_start3A_370 = arith.constant 4 : i32
      %dma_start3A_371 = arith.constant 0 : i32
      %dma_start3A_372 = arith.constant 0 : i32
      %dma_start3A_373 = tpu.memref_slice %arg5[%dma_start3A_369, %dma_start3A_371, %dma_start3A_372] : memref<2x8x128xi32, #tpu.memory_space<vmem>> -> memref<1x8x128xi32, #tpu.memory_space<vmem>>
      %dma_start3A_374 = tpu.memref_squeeze %dma_start3A_373 : memref<1x8x128xi32, #tpu.memory_space<vmem>> -> memref<8x128xi32, #tpu.memory_space<vmem>>
      %dma_start3A_375 = arith.constant 0 : i32
      %dma_start3A_376 = tpu.memref_slice %dma_start3A_374[%dma_start3A_370, %dma_start3A_375] : memref<8x128xi32, #tpu.memory_space<vmem>> -> memref<1x128xi32, #tpu.memory_space<vmem>>
      %dma_start3A_377 = tpu.memref_squeeze %dma_start3A_376 : memref<1x128xi32, #tpu.memory_space<vmem>> -> memref<128xi32, #tpu.memory_space<vmem>>
      %dma_start3A_378 = arith.constant 0 : i32
      %dma_start3A_379 = tpu.memref_slice %arg8[%dma_start3A_378] : memref<100352xf32, #tpu.memory_space<vmem_shared>> -> memref<100352xf32, #tpu.memory_space<vmem_shared>>
      tpu.enqueue_indirect_dma source(%arg6 : memref<128xf32, #tpu.memory_space<vmem>>) target(%dma_start3A_379 : memref<100352xf32, #tpu.memory_space<vmem_shared>>) offsets(%dma_start3A_377 : memref<128xi32, #tpu.memory_space<vmem>>) semaphore(%arg12 : memref<!tpu.dma_semaphore, #tpu.memory_space<semaphore_mem>>) {add = true}
      %dma_start3A_380 = arith.constant 1 : i32
      %dma_start3A_381 = arith.constant 5 : i32
      %dma_start3A_382 = arith.constant 0 : i32
      %dma_start3A_383 = arith.constant 0 : i32
      %dma_start3A_384 = tpu.memref_slice %arg5[%dma_start3A_380, %dma_start3A_382, %dma_start3A_383] : memref<2x8x128xi32, #tpu.memory_space<vmem>> -> memref<1x8x128xi32, #tpu.memory_space<vmem>>
      %dma_start3A_385 = tpu.memref_squeeze %dma_start3A_384 : memref<1x8x128xi32, #tpu.memory_space<vmem>> -> memref<8x128xi32, #tpu.memory_space<vmem>>
      %dma_start3A_386 = arith.constant 0 : i32
      %dma_start3A_387 = tpu.memref_slice %dma_start3A_385[%dma_start3A_381, %dma_start3A_386] : memref<8x128xi32, #tpu.memory_space<vmem>> -> memref<1x128xi32, #tpu.memory_space<vmem>>
      %dma_start3A_388 = tpu.memref_squeeze %dma_start3A_387 : memref<1x128xi32, #tpu.memory_space<vmem>> -> memref<128xi32, #tpu.memory_space<vmem>>
      %dma_start3A_389 = arith.constant 0 : i32
      %dma_start3A_390 = tpu.memref_slice %arg8[%dma_start3A_389] : memref<100352xf32, #tpu.memory_space<vmem_shared>> -> memref<100352xf32, #tpu.memory_space<vmem_shared>>
      tpu.enqueue_indirect_dma source(%arg6 : memref<128xf32, #tpu.memory_space<vmem>>) target(%dma_start3A_390 : memref<100352xf32, #tpu.memory_space<vmem_shared>>) offsets(%dma_start3A_388 : memref<128xi32, #tpu.memory_space<vmem>>) semaphore(%arg12 : memref<!tpu.dma_semaphore, #tpu.memory_space<semaphore_mem>>) {add = true}
      %dma_start3A_391 = arith.constant 1 : i32
      %dma_start3A_392 = arith.constant 6 : i32
      %dma_start3A_393 = arith.constant 0 : i32
      %dma_start3A_394 = arith.constant 0 : i32
      %dma_start3A_395 = tpu.memref_slice %arg5[%dma_start3A_391, %dma_start3A_393, %dma_start3A_394] : memref<2x8x128xi32, #tpu.memory_space<vmem>> -> memref<1x8x128xi32, #tpu.memory_space<vmem>>
      %dma_start3A_396 = tpu.memref_squeeze %dma_start3A_395 : memref<1x8x128xi32, #tpu.memory_space<vmem>> -> memref<8x128xi32, #tpu.memory_space<vmem>>
      %dma_start3A_397 = arith.constant 0 : i32
      %dma_start3A_398 = tpu.memref_slice %dma_start3A_396[%dma_start3A_392, %dma_start3A_397] : memref<8x128xi32, #tpu.memory_space<vmem>> -> memref<1x128xi32, #tpu.memory_space<vmem>>
      %dma_start3A_399 = tpu.memref_squeeze %dma_start3A_398 : memref<1x128xi32, #tpu.memory_space<vmem>> -> memref<128xi32, #tpu.memory_space<vmem>>
      %dma_start3A_400 = arith.constant 0 : i32
      %dma_start3A_401 = tpu.memref_slice %arg8[%dma_start3A_400] : memref<100352xf32, #tpu.memory_space<vmem_shared>> -> memref<100352xf32, #tpu.memory_space<vmem_shared>>
      tpu.enqueue_indirect_dma source(%arg6 : memref<128xf32, #tpu.memory_space<vmem>>) target(%dma_start3A_401 : memref<100352xf32, #tpu.memory_space<vmem_shared>>) offsets(%dma_start3A_399 : memref<128xi32, #tpu.memory_space<vmem>>) semaphore(%arg12 : memref<!tpu.dma_semaphore, #tpu.memory_space<semaphore_mem>>) {add = true}
      %dma_start3A_402 = arith.constant 1 : i32
      %dma_start3A_403 = arith.constant 7 : i32
      %dma_start3A_404 = arith.constant 0 : i32
      %dma_start3A_405 = arith.constant 0 : i32
      %dma_start3A_406 = tpu.memref_slice %arg5[%dma_start3A_402, %dma_start3A_404, %dma_start3A_405] : memref<2x8x128xi32, #tpu.memory_space<vmem>> -> memref<1x8x128xi32, #tpu.memory_space<vmem>>
      %dma_start3A_407 = tpu.memref_squeeze %dma_start3A_406 : memref<1x8x128xi32, #tpu.memory_space<vmem>> -> memref<8x128xi32, #tpu.memory_space<vmem>>
      %dma_start3A_408 = arith.constant 0 : i32
      %dma_start3A_409 = tpu.memref_slice %dma_start3A_407[%dma_start3A_403, %dma_start3A_408] : memref<8x128xi32, #tpu.memory_space<vmem>> -> memref<1x128xi32, #tpu.memory_space<vmem>>
      %dma_start3A_410 = tpu.memref_squeeze %dma_start3A_409 : memref<1x128xi32, #tpu.memory_space<vmem>> -> memref<128xi32, #tpu.memory_space<vmem>>
      %dma_start3A_411 = arith.constant 0 : i32
      %dma_start3A_412 = tpu.memref_slice %arg8[%dma_start3A_411] : memref<100352xf32, #tpu.memory_space<vmem_shared>> -> memref<100352xf32, #tpu.memory_space<vmem_shared>>
      tpu.enqueue_indirect_dma source(%arg6 : memref<128xf32, #tpu.memory_space<vmem>>) target(%dma_start3A_412 : memref<100352xf32, #tpu.memory_space<vmem_shared>>) offsets(%dma_start3A_410 : memref<128xi32, #tpu.memory_space<vmem>>) semaphore(%arg12 : memref<!tpu.dma_semaphore, #tpu.memory_space<semaphore_mem>>) {add = true}
      %lt3A_413 = arith.constant 98 : i32
      %lt3A_414 = arith.cmpi slt, %add3A_319, %lt3A_413 : i32
      %convert_element_type3A_415 = arith.extui %lt3A_414 : i1 to i32
      %cond3A_416 = arith.constant 0 : i32
      %cond3A_417 = arith.cmpi ne, %convert_element_type3A_415, %cond3A_416 : i32
      scf.if %cond3A_417 {
        %mul3A_506 = arith.constant 8 : i32
        %mul3A_507 = arith.muli %add3A_319, %mul3A_506 : i32
        %add3A_508 = arith.addi %mul3A_4, %mul3A_507 : i32
        %dma_wait3A_509 = arith.constant 0 : i32
        %dma_wait3A_510 = arith.constant 0 : i32
        %dma_wait3A_511 = arith.constant 0 : i32
        %dma_wait3A_512 = tpu.memref_slice %arg5[%dma_wait3A_509, %dma_wait3A_510, %dma_wait3A_511] : memref<2x8x128xi32, #tpu.memory_space<vmem>> -> memref<1x8x128xi32, #tpu.memory_space<vmem>>
        %dma_wait3A_513 = tpu.memref_squeeze %dma_wait3A_512 : memref<1x8x128xi32, #tpu.memory_space<vmem>> -> memref<8x128xi32, #tpu.memory_space<vmem>>
        %dma_wait3A_514 = arith.constant 0 : i32
        %dma_wait3A_515 = tpu.memref_slice %arg2[%add3A_508, %dma_wait3A_514] : memref<25088x128xi32, #tpu.memory_space<hbm>> -> memref<8x128xi32, #tpu.memory_space<hbm>>
        %dma_wait3A_516 = arith.constant 0 : i32
        %dma_wait3A_517 = arith.constant 0 : i32
        %dma_wait3A_518 = tpu.memref_slice %arg5[%dma_wait3A_509, %dma_wait3A_516, %dma_wait3A_517] : memref<2x8x128xi32, #tpu.memory_space<vmem>> -> memref<1x8x128xi32, #tpu.memory_space<vmem>>
        %dma_wait3A_519 = tpu.memref_squeeze %dma_wait3A_518 : memref<1x8x128xi32, #tpu.memory_space<vmem>> -> memref<8x128xi32, #tpu.memory_space<vmem>>
        %dma_wait3A_520 = arith.constant 0 : i32
        %dma_wait3A_521 = tpu.memref_slice %arg2[%add3A_508, %dma_wait3A_520] : memref<25088x128xi32, #tpu.memory_space<hbm>> -> memref<8x128xi32, #tpu.memory_space<hbm>>
        tpu.wait_dma2 semaphore(%arg9 : memref<!tpu.dma_semaphore, #tpu.memory_space<semaphore_mem>>) src(%dma_wait3A_521 : memref<8x128xi32, #tpu.memory_space<hbm>>) dst(%dma_wait3A_519 : memref<8x128xi32, #tpu.memory_space<vmem>>)
      } else {
      }
      %dma_wait3A_418 = arith.constant 1 : i32
      %dma_wait3A_419 = arith.constant 0 : i32
      %dma_wait3A_420 = arith.constant 0 : i32
      %dma_wait3A_421 = arith.constant 0 : i32
      %dma_wait3A_422 = tpu.memref_slice %arg5[%dma_wait3A_418, %dma_wait3A_420, %dma_wait3A_421] : memref<2x8x128xi32, #tpu.memory_space<vmem>> -> memref<1x8x128xi32, #tpu.memory_space<vmem>>
      %dma_wait3A_423 = tpu.memref_squeeze %dma_wait3A_422 : memref<1x8x128xi32, #tpu.memory_space<vmem>> -> memref<8x128xi32, #tpu.memory_space<vmem>>
      %dma_wait3A_424 = arith.constant 0 : i32
      %dma_wait3A_425 = tpu.memref_slice %dma_wait3A_423[%dma_wait3A_419, %dma_wait3A_424] : memref<8x128xi32, #tpu.memory_space<vmem>> -> memref<1x128xi32, #tpu.memory_space<vmem>>
      %dma_wait3A_426 = tpu.memref_squeeze %dma_wait3A_425 : memref<1x128xi32, #tpu.memory_space<vmem>> -> memref<128xi32, #tpu.memory_space<vmem>>
      %dma_wait3A_427 = arith.constant 0 : i32
      %dma_wait3A_428 = tpu.memref_slice %arg8[%dma_wait3A_427] : memref<100352xf32, #tpu.memory_space<vmem_shared>> -> memref<100352xf32, #tpu.memory_space<vmem_shared>>
      tpu.wait_indirect_dma semaphore(%arg12 : memref<!tpu.dma_semaphore, #tpu.memory_space<semaphore_mem>>) src(%arg6 : memref<128xf32, #tpu.memory_space<vmem>>) dst(%dma_wait3A_428 : memref<100352xf32, #tpu.memory_space<vmem_shared>>)
      %dma_wait3A_429 = arith.constant 1 : i32
      %dma_wait3A_430 = arith.constant 1 : i32
      %dma_wait3A_431 = arith.constant 0 : i32
      %dma_wait3A_432 = arith.constant 0 : i32
      %dma_wait3A_433 = tpu.memref_slice %arg5[%dma_wait3A_429, %dma_wait3A_431, %dma_wait3A_432] : memref<2x8x128xi32, #tpu.memory_space<vmem>> -> memref<1x8x128xi32, #tpu.memory_space<vmem>>
      %dma_wait3A_434 = tpu.memref_squeeze %dma_wait3A_433 : memref<1x8x128xi32, #tpu.memory_space<vmem>> -> memref<8x128xi32, #tpu.memory_space<vmem>>
      %dma_wait3A_435 = arith.constant 0 : i32
      %dma_wait3A_436 = tpu.memref_slice %dma_wait3A_434[%dma_wait3A_430, %dma_wait3A_435] : memref<8x128xi32, #tpu.memory_space<vmem>> -> memref<1x128xi32, #tpu.memory_space<vmem>>
      %dma_wait3A_437 = tpu.memref_squeeze %dma_wait3A_436 : memref<1x128xi32, #tpu.memory_space<vmem>> -> memref<128xi32, #tpu.memory_space<vmem>>
      %dma_wait3A_438 = arith.constant 0 : i32
      %dma_wait3A_439 = tpu.memref_slice %arg8[%dma_wait3A_438] : memref<100352xf32, #tpu.memory_space<vmem_shared>> -> memref<100352xf32, #tpu.memory_space<vmem_shared>>
      tpu.wait_indirect_dma semaphore(%arg12 : memref<!tpu.dma_semaphore, #tpu.memory_space<semaphore_mem>>) src(%arg6 : memref<128xf32, #tpu.memory_space<vmem>>) dst(%dma_wait3A_439 : memref<100352xf32, #tpu.memory_space<vmem_shared>>)
      %dma_wait3A_440 = arith.constant 1 : i32
      %dma_wait3A_441 = arith.constant 2 : i32
      %dma_wait3A_442 = arith.constant 0 : i32
      %dma_wait3A_443 = arith.constant 0 : i32
      %dma_wait3A_444 = tpu.memref_slice %arg5[%dma_wait3A_440, %dma_wait3A_442, %dma_wait3A_443] : memref<2x8x128xi32, #tpu.memory_space<vmem>> -> memref<1x8x128xi32, #tpu.memory_space<vmem>>
      %dma_wait3A_445 = tpu.memref_squeeze %dma_wait3A_444 : memref<1x8x128xi32, #tpu.memory_space<vmem>> -> memref<8x128xi32, #tpu.memory_space<vmem>>
      %dma_wait3A_446 = arith.constant 0 : i32
      %dma_wait3A_447 = tpu.memref_slice %dma_wait3A_445[%dma_wait3A_441, %dma_wait3A_446] : memref<8x128xi32, #tpu.memory_space<vmem>> -> memref<1x128xi32, #tpu.memory_space<vmem>>
      %dma_wait3A_448 = tpu.memref_squeeze %dma_wait3A_447 : memref<1x128xi32, #tpu.memory_space<vmem>> -> memref<128xi32, #tpu.memory_space<vmem>>
      %dma_wait3A_449 = arith.constant 0 : i32
      %dma_wait3A_450 = tpu.memref_slice %arg8[%dma_wait3A_449] : memref<100352xf32, #tpu.memory_space<vmem_shared>> -> memref<100352xf32, #tpu.memory_space<vmem_shared>>
      tpu.wait_indirect_dma semaphore(%arg12 : memref<!tpu.dma_semaphore, #tpu.memory_space<semaphore_mem>>) src(%arg6 : memref<128xf32, #tpu.memory_space<vmem>>) dst(%dma_wait3A_450 : memref<100352xf32, #tpu.memory_space<vmem_shared>>)
      %dma_wait3A_451 = arith.constant 1 : i32
      %dma_wait3A_452 = arith.constant 3 : i32
      %dma_wait3A_453 = arith.constant 0 : i32
      %dma_wait3A_454 = arith.constant 0 : i32
      %dma_wait3A_455 = tpu.memref_slice %arg5[%dma_wait3A_451, %dma_wait3A_453, %dma_wait3A_454] : memref<2x8x128xi32, #tpu.memory_space<vmem>> -> memref<1x8x128xi32, #tpu.memory_space<vmem>>
      %dma_wait3A_456 = tpu.memref_squeeze %dma_wait3A_455 : memref<1x8x128xi32, #tpu.memory_space<vmem>> -> memref<8x128xi32, #tpu.memory_space<vmem>>
      %dma_wait3A_457 = arith.constant 0 : i32
      %dma_wait3A_458 = tpu.memref_slice %dma_wait3A_456[%dma_wait3A_452, %dma_wait3A_457] : memref<8x128xi32, #tpu.memory_space<vmem>> -> memref<1x128xi32, #tpu.memory_space<vmem>>
      %dma_wait3A_459 = tpu.memref_squeeze %dma_wait3A_458 : memref<1x128xi32, #tpu.memory_space<vmem>> -> memref<128xi32, #tpu.memory_space<vmem>>
      %dma_wait3A_460 = arith.constant 0 : i32
      %dma_wait3A_461 = tpu.memref_slice %arg8[%dma_wait3A_460] : memref<100352xf32, #tpu.memory_space<vmem_shared>> -> memref<100352xf32, #tpu.memory_space<vmem_shared>>
      tpu.wait_indirect_dma semaphore(%arg12 : memref<!tpu.dma_semaphore, #tpu.memory_space<semaphore_mem>>) src(%arg6 : memref<128xf32, #tpu.memory_space<vmem>>) dst(%dma_wait3A_461 : memref<100352xf32, #tpu.memory_space<vmem_shared>>)
      %dma_wait3A_462 = arith.constant 1 : i32
      %dma_wait3A_463 = arith.constant 4 : i32
      %dma_wait3A_464 = arith.constant 0 : i32
      %dma_wait3A_465 = arith.constant 0 : i32
      %dma_wait3A_466 = tpu.memref_slice %arg5[%dma_wait3A_462, %dma_wait3A_464, %dma_wait3A_465] : memref<2x8x128xi32, #tpu.memory_space<vmem>> -> memref<1x8x128xi32, #tpu.memory_space<vmem>>
      %dma_wait3A_467 = tpu.memref_squeeze %dma_wait3A_466 : memref<1x8x128xi32, #tpu.memory_space<vmem>> -> memref<8x128xi32, #tpu.memory_space<vmem>>
      %dma_wait3A_468 = arith.constant 0 : i32
      %dma_wait3A_469 = tpu.memref_slice %dma_wait3A_467[%dma_wait3A_463, %dma_wait3A_468] : memref<8x128xi32, #tpu.memory_space<vmem>> -> memref<1x128xi32, #tpu.memory_space<vmem>>
      %dma_wait3A_470 = tpu.memref_squeeze %dma_wait3A_469 : memref<1x128xi32, #tpu.memory_space<vmem>> -> memref<128xi32, #tpu.memory_space<vmem>>
      %dma_wait3A_471 = arith.constant 0 : i32
      %dma_wait3A_472 = tpu.memref_slice %arg8[%dma_wait3A_471] : memref<100352xf32, #tpu.memory_space<vmem_shared>> -> memref<100352xf32, #tpu.memory_space<vmem_shared>>
      tpu.wait_indirect_dma semaphore(%arg12 : memref<!tpu.dma_semaphore, #tpu.memory_space<semaphore_mem>>) src(%arg6 : memref<128xf32, #tpu.memory_space<vmem>>) dst(%dma_wait3A_472 : memref<100352xf32, #tpu.memory_space<vmem_shared>>)
      %dma_wait3A_473 = arith.constant 1 : i32
      %dma_wait3A_474 = arith.constant 5 : i32
      %dma_wait3A_475 = arith.constant 0 : i32
      %dma_wait3A_476 = arith.constant 0 : i32
      %dma_wait3A_477 = tpu.memref_slice %arg5[%dma_wait3A_473, %dma_wait3A_475, %dma_wait3A_476] : memref<2x8x128xi32, #tpu.memory_space<vmem>> -> memref<1x8x128xi32, #tpu.memory_space<vmem>>
      %dma_wait3A_478 = tpu.memref_squeeze %dma_wait3A_477 : memref<1x8x128xi32, #tpu.memory_space<vmem>> -> memref<8x128xi32, #tpu.memory_space<vmem>>
      %dma_wait3A_479 = arith.constant 0 : i32
      %dma_wait3A_480 = tpu.memref_slice %dma_wait3A_478[%dma_wait3A_474, %dma_wait3A_479] : memref<8x128xi32, #tpu.memory_space<vmem>> -> memref<1x128xi32, #tpu.memory_space<vmem>>
      %dma_wait3A_481 = tpu.memref_squeeze %dma_wait3A_480 : memref<1x128xi32, #tpu.memory_space<vmem>> -> memref<128xi32, #tpu.memory_space<vmem>>
      %dma_wait3A_482 = arith.constant 0 : i32
      %dma_wait3A_483 = tpu.memref_slice %arg8[%dma_wait3A_482] : memref<100352xf32, #tpu.memory_space<vmem_shared>> -> memref<100352xf32, #tpu.memory_space<vmem_shared>>
      tpu.wait_indirect_dma semaphore(%arg12 : memref<!tpu.dma_semaphore, #tpu.memory_space<semaphore_mem>>) src(%arg6 : memref<128xf32, #tpu.memory_space<vmem>>) dst(%dma_wait3A_483 : memref<100352xf32, #tpu.memory_space<vmem_shared>>)
      %dma_wait3A_484 = arith.constant 1 : i32
      %dma_wait3A_485 = arith.constant 6 : i32
      %dma_wait3A_486 = arith.constant 0 : i32
      %dma_wait3A_487 = arith.constant 0 : i32
      %dma_wait3A_488 = tpu.memref_slice %arg5[%dma_wait3A_484, %dma_wait3A_486, %dma_wait3A_487] : memref<2x8x128xi32, #tpu.memory_space<vmem>> -> memref<1x8x128xi32, #tpu.memory_space<vmem>>
      %dma_wait3A_489 = tpu.memref_squeeze %dma_wait3A_488 : memref<1x8x128xi32, #tpu.memory_space<vmem>> -> memref<8x128xi32, #tpu.memory_space<vmem>>
      %dma_wait3A_490 = arith.constant 0 : i32
      %dma_wait3A_491 = tpu.memref_slice %dma_wait3A_489[%dma_wait3A_485, %dma_wait3A_490] : memref<8x128xi32, #tpu.memory_space<vmem>> -> memref<1x128xi32, #tpu.memory_space<vmem>>
      %dma_wait3A_492 = tpu.memref_squeeze %dma_wait3A_491 : memref<1x128xi32, #tpu.memory_space<vmem>> -> memref<128xi32, #tpu.memory_space<vmem>>
      %dma_wait3A_493 = arith.constant 0 : i32
      %dma_wait3A_494 = tpu.memref_slice %arg8[%dma_wait3A_493] : memref<100352xf32, #tpu.memory_space<vmem_shared>> -> memref<100352xf32, #tpu.memory_space<vmem_shared>>
      tpu.wait_indirect_dma semaphore(%arg12 : memref<!tpu.dma_semaphore, #tpu.memory_space<semaphore_mem>>) src(%arg6 : memref<128xf32, #tpu.memory_space<vmem>>) dst(%dma_wait3A_494 : memref<100352xf32, #tpu.memory_space<vmem_shared>>)
      %dma_wait3A_495 = arith.constant 1 : i32
      %dma_wait3A_496 = arith.constant 7 : i32
      %dma_wait3A_497 = arith.constant 0 : i32
      %dma_wait3A_498 = arith.constant 0 : i32
      %dma_wait3A_499 = tpu.memref_slice %arg5[%dma_wait3A_495, %dma_wait3A_497, %dma_wait3A_498] : memref<2x8x128xi32, #tpu.memory_space<vmem>> -> memref<1x8x128xi32, #tpu.memory_space<vmem>>
      %dma_wait3A_500 = tpu.memref_squeeze %dma_wait3A_499 : memref<1x8x128xi32, #tpu.memory_space<vmem>> -> memref<8x128xi32, #tpu.memory_space<vmem>>
      %dma_wait3A_501 = arith.constant 0 : i32
      %dma_wait3A_502 = tpu.memref_slice %dma_wait3A_500[%dma_wait3A_496, %dma_wait3A_501] : memref<8x128xi32, #tpu.memory_space<vmem>> -> memref<1x128xi32, #tpu.memory_space<vmem>>
      %dma_wait3A_503 = tpu.memref_squeeze %dma_wait3A_502 : memref<1x128xi32, #tpu.memory_space<vmem>> -> memref<128xi32, #tpu.memory_space<vmem>>
      %dma_wait3A_504 = arith.constant 0 : i32
      %dma_wait3A_505 = tpu.memref_slice %arg8[%dma_wait3A_504] : memref<100352xf32, #tpu.memory_space<vmem_shared>> -> memref<100352xf32, #tpu.memory_space<vmem_shared>>
      tpu.wait_indirect_dma semaphore(%arg12 : memref<!tpu.dma_semaphore, #tpu.memory_space<semaphore_mem>>) src(%arg6 : memref<128xf32, #tpu.memory_space<vmem>>) dst(%dma_wait3A_505 : memref<100352xf32, #tpu.memory_space<vmem_shared>>)
    }
    %scan3A_113 = arith.constant 49 : i32
    %barrier3A_114 = arith.constant 0 : index
    tpu.barrier barrier_id(%barrier3A_114)
    %eq3A = arith.constant 0 : i32
    %eq3A_115 = arith.cmpi eq, %arg0, %eq3A : i32
    %convert_element_type3A = arith.extui %eq3A_115 : i1 to i32
    %cond3A = arith.constant 0 : i32
    %cond3A_116 = arith.cmpi ne, %convert_element_type3A, %cond3A : i32
    scf.if %cond3A_116 {
      %mul3A_122 = arith.constant 6272 : i32
      %mul3A_123 = arith.muli %arg1, %mul3A_122 : i32
      %mul3A_124 = arith.constant 6272 : i32
      %mul3A_125 = arith.muli %arg1, %mul3A_124 : i32
      "tpu.region"() ({
        %run_scoped3A = tpu.sem_alloc : memref<!tpu.dma_semaphore, #tpu.memory_space<semaphore_mem>>
        %dma_start3A_126 = tpu.memref_slice %arg3[%mul3A_125] : memref<100352xf32, #tpu.memory_space<hbm>> -> memref<6272xf32, #tpu.memory_space<hbm>>
        %dma_start3A_127 = tpu.memref_slice %arg8[%mul3A_123] : memref<100352xf32, #tpu.memory_space<vmem_shared>> -> memref<6272xf32, #tpu.memory_space<vmem_shared>>
        tpu.enqueue_dma source(%dma_start3A_127 : memref<6272xf32, #tpu.memory_space<vmem_shared>>) target(%dma_start3A_126 : memref<6272xf32, #tpu.memory_space<hbm>>) target_semaphore(%run_scoped3A : memref<!tpu.dma_semaphore, #tpu.memory_space<semaphore_mem>>)
        %dma_wait3A_128 = tpu.memref_slice %arg3[%mul3A_125] : memref<100352xf32, #tpu.memory_space<hbm>> -> memref<6272xf32, #tpu.memory_space<hbm>>
        %dma_wait3A_129 = tpu.memref_slice %arg8[%mul3A_123] : memref<100352xf32, #tpu.memory_space<vmem_shared>> -> memref<6272xf32, #tpu.memory_space<vmem_shared>>
        tpu.wait_dma2 semaphore(%run_scoped3A : memref<!tpu.dma_semaphore, #tpu.memory_space<semaphore_mem>>) src(%dma_wait3A_129 : memref<6272xf32, #tpu.memory_space<vmem_shared>>) dst(%dma_wait3A_128 : memref<6272xf32, #tpu.memory_space<hbm>>)
        tpu.yield
      }) : () -> ()
    } else {
    }
    %eq3A_117 = arith.constant 1 : i32
    %eq3A_118 = arith.cmpi eq, %arg0, %eq3A_117 : i32
    %convert_element_type3A_119 = arith.extui %eq3A_118 : i1 to i32
    %cond3A_120 = arith.constant 0 : i32
    %cond3A_121 = arith.cmpi ne, %convert_element_type3A_119, %cond3A_120 : i32
    scf.if %cond3A_121 {
      %mul3A_122 = arith.constant 6272 : i32
      %mul3A_123 = arith.muli %arg1, %mul3A_122 : i32
      %mul3A_124 = arith.constant 6272 : i32
      %mul3A_125 = arith.muli %arg1, %mul3A_124 : i32
      "tpu.region"() ({
        %run_scoped3A = tpu.sem_alloc : memref<!tpu.dma_semaphore, #tpu.memory_space<semaphore_mem>>
        %dma_start3A_126 = tpu.memref_slice %arg4[%mul3A_125] : memref<100352xf32, #tpu.memory_space<hbm>> -> memref<6272xf32, #tpu.memory_space<hbm>>
        %dma_start3A_127 = tpu.memref_slice %arg8[%mul3A_123] : memref<100352xf32, #tpu.memory_space<vmem_shared>> -> memref<6272xf32, #tpu.memory_space<vmem_shared>>
        tpu.enqueue_dma source(%dma_start3A_127 : memref<6272xf32, #tpu.memory_space<vmem_shared>>) target(%dma_start3A_126 : memref<6272xf32, #tpu.memory_space<hbm>>) target_semaphore(%run_scoped3A : memref<!tpu.dma_semaphore, #tpu.memory_space<semaphore_mem>>)
        %dma_wait3A_128 = tpu.memref_slice %arg4[%mul3A_125] : memref<100352xf32, #tpu.memory_space<hbm>> -> memref<6272xf32, #tpu.memory_space<hbm>>
        %dma_wait3A_129 = tpu.memref_slice %arg8[%mul3A_123] : memref<100352xf32, #tpu.memory_space<vmem_shared>> -> memref<6272xf32, #tpu.memory_space<vmem_shared>>
        tpu.wait_dma2 semaphore(%run_scoped3A : memref<!tpu.dma_semaphore, #tpu.memory_space<semaphore_mem>>) src(%dma_wait3A_129 : memref<6272xf32, #tpu.memory_space<vmem_shared>>) dst(%dma_wait3A_128 : memref<6272xf32, #tpu.memory_space<hbm>>)
        tpu.yield
      }) : () -> ()
    } else {
    }
    return
  }
}

#map = affine_map<(d0, d1) -> (0, 0)>
module attributes {stable_mosaic.version = 14 : i64} {
  func.func @body(%arg0: i32, %arg1: i32, %arg2: memref<100352x16xf32, #tpu.memory_space<hbm>>, %arg3: memref<25088x128xi32, #tpu.memory_space<hbm>>, %arg4: memref<25088x128xi32, #tpu.memory_space<hbm>>, %arg5: memref<100352x16xf32, #tpu.memory_space<hbm>>, %arg6: memref<100352x16xf32, #tpu.memory_space<hbm>>, %arg7: memref<2x4x128xi32, #tpu.memory_space<vmem>>, %arg8: memref<2x4x128xi32, #tpu.memory_space<vmem>>, %arg9: memref<2x512x16xf32, #tpu.memory_space<vmem>>, %arg10: memref<512x16xf32, #tpu.memory_space<vmem>>, %arg11: memref<100352x16xf32, #tpu.memory_space<vmem_shared>>, %arg12: memref<!tpu.dma_semaphore, #tpu.memory_space<semaphore_mem>>, %arg13: memref<!tpu.dma_semaphore, #tpu.memory_space<semaphore_mem>>, %arg14: memref<!tpu.dma_semaphore, #tpu.memory_space<semaphore_mem>>, %arg15: memref<!tpu.dma_semaphore, #tpu.memory_space<semaphore_mem>>, %arg16: memref<!tpu.dma_semaphore, #tpu.memory_space<semaphore_mem>>, %arg17: memref<!tpu.dma_semaphore, #tpu.memory_space<semaphore_mem>>) attributes {dimension_semantics = [#tpu.dimension_semantics<core_parallel>, #tpu.dimension_semantics<subcore_parallel>], iteration_bounds = array<i64: 2, 16>, scalar_prefetch = 0 : i64, scratch_operands = 11 : i64, tpu.core_type = #tpu.core_type<sc_vector_subcore>, window_params = [{transform_indices = #map}, {transform_indices = #map}, {transform_indices = #map}, {transform_indices = #map}, {transform_indices = #map}]} {
    %eq3A = arith.constant 0 : i32
    %eq3A_0 = arith.cmpi eq, %arg0, %eq3A : i32
    %jit3A = arith.constant 218 : i32
    %jit3A_1 = arith.constant 174 : i32
    %select_n3A = arith.select %eq3A_0, %jit3A, %jit3A_1 : i32
    %eq3A_2 = arith.constant 0 : i32
    %eq3A_3 = arith.cmpi eq, %arg0, %eq3A_2 : i32
    %mul3A = arith.constant 218 : i32
    %mul3A_4 = arith.muli %arg1, %mul3A : i32
    %mul3A_5 = arith.constant 174 : i32
    %mul3A_6 = arith.muli %arg1, %mul3A_5 : i32
    %add3A = arith.constant 3488 : i32
    %add3A_7 = arith.addi %add3A, %mul3A_6 : i32
    %select_n3A_8 = arith.select %eq3A_3, %mul3A_4, %add3A_7 : i32
    %mul3A_9 = arith.constant 4 : i32
    %mul3A_10 = arith.muli %select_n3A_8, %mul3A_9 : i32
    %dma_start3A = arith.constant 0 : i32
    %dma_start3A_11 = arith.constant 0 : i32
    %dma_start3A_12 = arith.constant 0 : i32
    %dma_start3A_13 = tpu.memref_slice %arg7[%dma_start3A, %dma_start3A_11, %dma_start3A_12] : memref<2x4x128xi32, #tpu.memory_space<vmem>> -> memref<1x4x128xi32, #tpu.memory_space<vmem>>
    %dma_start3A_14 = tpu.memref_squeeze %dma_start3A_13 : memref<1x4x128xi32, #tpu.memory_space<vmem>> -> memref<4x128xi32, #tpu.memory_space<vmem>>
    %dma_start3A_15 = arith.constant 0 : i32
    %dma_start3A_16 = tpu.memref_slice %arg3[%mul3A_10, %dma_start3A_15] : memref<25088x128xi32, #tpu.memory_space<hbm>> -> memref<4x128xi32, #tpu.memory_space<hbm>>
    %dma_start3A_17 = arith.constant 0 : i32
    %dma_start3A_18 = arith.constant 0 : i32
    %dma_start3A_19 = tpu.memref_slice %arg7[%dma_start3A, %dma_start3A_17, %dma_start3A_18] : memref<2x4x128xi32, #tpu.memory_space<vmem>> -> memref<1x4x128xi32, #tpu.memory_space<vmem>>
    %dma_start3A_20 = tpu.memref_squeeze %dma_start3A_19 : memref<1x4x128xi32, #tpu.memory_space<vmem>> -> memref<4x128xi32, #tpu.memory_space<vmem>>
    %dma_start3A_21 = arith.constant 0 : i32
    %dma_start3A_22 = tpu.memref_slice %arg3[%mul3A_10, %dma_start3A_21] : memref<25088x128xi32, #tpu.memory_space<hbm>> -> memref<4x128xi32, #tpu.memory_space<hbm>>
    tpu.enqueue_dma source(%dma_start3A_22 : memref<4x128xi32, #tpu.memory_space<hbm>>) target(%dma_start3A_20 : memref<4x128xi32, #tpu.memory_space<vmem>>) target_semaphore(%arg12 : memref<!tpu.dma_semaphore, #tpu.memory_space<semaphore_mem>>)
    %dma_start3A_23 = arith.constant 0 : i32
    %dma_start3A_24 = arith.constant 0 : i32
    %dma_start3A_25 = arith.constant 0 : i32
    %dma_start3A_26 = tpu.memref_slice %arg8[%dma_start3A_23, %dma_start3A_24, %dma_start3A_25] : memref<2x4x128xi32, #tpu.memory_space<vmem>> -> memref<1x4x128xi32, #tpu.memory_space<vmem>>
    %dma_start3A_27 = tpu.memref_squeeze %dma_start3A_26 : memref<1x4x128xi32, #tpu.memory_space<vmem>> -> memref<4x128xi32, #tpu.memory_space<vmem>>
    %dma_start3A_28 = arith.constant 0 : i32
    %dma_start3A_29 = tpu.memref_slice %arg4[%mul3A_10, %dma_start3A_28] : memref<25088x128xi32, #tpu.memory_space<hbm>> -> memref<4x128xi32, #tpu.memory_space<hbm>>
    %dma_start3A_30 = arith.constant 0 : i32
    %dma_start3A_31 = arith.constant 0 : i32
    %dma_start3A_32 = tpu.memref_slice %arg8[%dma_start3A_23, %dma_start3A_30, %dma_start3A_31] : memref<2x4x128xi32, #tpu.memory_space<vmem>> -> memref<1x4x128xi32, #tpu.memory_space<vmem>>
    %dma_start3A_33 = tpu.memref_squeeze %dma_start3A_32 : memref<1x4x128xi32, #tpu.memory_space<vmem>> -> memref<4x128xi32, #tpu.memory_space<vmem>>
    %dma_start3A_34 = arith.constant 0 : i32
    %dma_start3A_35 = tpu.memref_slice %arg4[%mul3A_10, %dma_start3A_34] : memref<25088x128xi32, #tpu.memory_space<hbm>> -> memref<4x128xi32, #tpu.memory_space<hbm>>
    tpu.enqueue_dma source(%dma_start3A_35 : memref<4x128xi32, #tpu.memory_space<hbm>>) target(%dma_start3A_33 : memref<4x128xi32, #tpu.memory_space<vmem>>) target_semaphore(%arg12 : memref<!tpu.dma_semaphore, #tpu.memory_space<semaphore_mem>>)
    %scan3A = arith.constant 0 : i32
    %scan3A_36 = arith.constant 0 : i32
    %scan3A_37 = arith.constant 512 : i32
    %scan3A_38 = arith.addi %scan3A_36, %scan3A_37 : i32
    %scan3A_39 = arith.constant 1 : i32
    scf.for %scan3A_198 = %scan3A_36 to %scan3A_38 step %scan3A_39  : i32 {
      %broadcast_in_dim3A = arith.constant 0.000000e+00 : f32
      %broadcast_in_dim3A_199 = vector.broadcast %broadcast_in_dim3A : f32 to vector<16xf32>
      %swap3A = arith.index_cast %scan3A_198 : i32 to index
      %swap3A_200 = arith.constant 0 : index
      %swap3A_201 = tpu.vector_load %arg10[%swap3A, %swap3A_200] {strides = array<i32>} : memref<512x16xf32, #tpu.memory_space<vmem>>, vector<1x16xf32>,
      %swap3A_202 = vector.shape_cast %swap3A_201 : vector<1x16xf32> to vector<16xf32>
      %swap3A_203 = vector.shape_cast %broadcast_in_dim3A_199 : vector<16xf32> to vector<1x16xf32>
      tpu.vector_store %arg10[%swap3A, %swap3A_200], %swap3A_203 {strides = array<i32>} : memref<512x16xf32, #tpu.memory_space<vmem>>, vector<1x16xf32>,
    }
    %scan3A_40 = arith.constant 512 : i32
    %mul3A_41 = arith.constant 6272 : i32
    %mul3A_42 = arith.muli %arg1, %mul3A_41 : i32
    %add3A_43 = arith.constant 0 : i32
    %add3A_44 = arith.addi %mul3A_42, %add3A_43 : i32
    "tpu.region"() ({
      %run_scoped3A = tpu.sem_alloc : memref<!tpu.dma_semaphore, #tpu.memory_space<semaphore_mem>>
      %dma_start3A_198 = arith.constant 0 : i32
      %dma_start3A_199 = tpu.memref_slice %arg11[%add3A_44, %dma_start3A_198] : memref<100352x16xf32, #tpu.memory_space<vmem_shared>> -> memref<512x16xf32, #tpu.memory_space<vmem_shared>>
      %dma_start3A_200 = arith.constant 0 : i32
      %dma_start3A_201 = tpu.memref_slice %arg11[%add3A_44, %dma_start3A_200] : memref<100352x16xf32, #tpu.memory_space<vmem_shared>> -> memref<512x16xf32, #tpu.memory_space<vmem_shared>>
      tpu.enqueue_dma source(%arg10 : memref<512x16xf32, #tpu.memory_space<vmem>>) target(%dma_start3A_201 : memref<512x16xf32, #tpu.memory_space<vmem_shared>>) target_semaphore(%run_scoped3A : memref<!tpu.dma_semaphore, #tpu.memory_space<semaphore_mem>>)
      %dma_wait3A_202 = arith.constant 0 : i32
      %dma_wait3A_203 = tpu.memref_slice %arg11[%add3A_44, %dma_wait3A_202] : memref<100352x16xf32, #tpu.memory_space<vmem_shared>> -> memref<512x16xf32, #tpu.memory_space<vmem_shared>>
      %dma_wait3A_204 = arith.constant 0 : i32
      %dma_wait3A_205 = tpu.memref_slice %arg11[%add3A_44, %dma_wait3A_204] : memref<100352x16xf32, #tpu.memory_space<vmem_shared>> -> memref<512x16xf32, #tpu.memory_space<vmem_shared>>
      tpu.wait_dma2 semaphore(%run_scoped3A : memref<!tpu.dma_semaphore, #tpu.memory_space<semaphore_mem>>) src(%arg10 : memref<512x16xf32, #tpu.memory_space<vmem>>) dst(%dma_wait3A_205 : memref<512x16xf32, #tpu.memory_space<vmem_shared>>)
      tpu.yield
    }) : () -> ()
    %add3A_45 = arith.constant 512 : i32
    %add3A_46 = arith.addi %mul3A_42, %add3A_45 : i32
    "tpu.region"() ({
      %run_scoped3A = tpu.sem_alloc : memref<!tpu.dma_semaphore, #tpu.memory_space<semaphore_mem>>
      %dma_start3A_198 = arith.constant 0 : i32
      %dma_start3A_199 = tpu.memref_slice %arg11[%add3A_46, %dma_start3A_198] : memref<100352x16xf32, #tpu.memory_space<vmem_shared>> -> memref<512x16xf32, #tpu.memory_space<vmem_shared>>
      %dma_start3A_200 = arith.constant 0 : i32
      %dma_start3A_201 = tpu.memref_slice %arg11[%add3A_46, %dma_start3A_200] : memref<100352x16xf32, #tpu.memory_space<vmem_shared>> -> memref<512x16xf32, #tpu.memory_space<vmem_shared>>
      tpu.enqueue_dma source(%arg10 : memref<512x16xf32, #tpu.memory_space<vmem>>) target(%dma_start3A_201 : memref<512x16xf32, #tpu.memory_space<vmem_shared>>) target_semaphore(%run_scoped3A : memref<!tpu.dma_semaphore, #tpu.memory_space<semaphore_mem>>)
      %dma_wait3A_202 = arith.constant 0 : i32
      %dma_wait3A_203 = tpu.memref_slice %arg11[%add3A_46, %dma_wait3A_202] : memref<100352x16xf32, #tpu.memory_space<vmem_shared>> -> memref<512x16xf32, #tpu.memory_space<vmem_shared>>
      %dma_wait3A_204 = arith.constant 0 : i32
      %dma_wait3A_205 = tpu.memref_slice %arg11[%add3A_46, %dma_wait3A_204] : memref<100352x16xf32, #tpu.memory_space<vmem_shared>> -> memref<512x16xf32, #tpu.memory_space<vmem_shared>>
      tpu.wait_dma2 semaphore(%run_scoped3A : memref<!tpu.dma_semaphore, #tpu.memory_space<semaphore_mem>>) src(%arg10 : memref<512x16xf32, #tpu.memory_space<vmem>>) dst(%dma_wait3A_205 : memref<512x16xf32, #tpu.memory_space<vmem_shared>>)
      tpu.yield
    }) : () -> ()
    %add3A_47 = arith.constant 1024 : i32
    %add3A_48 = arith.addi %mul3A_42, %add3A_47 : i32
    "tpu.region"() ({
      %run_scoped3A = tpu.sem_alloc : memref<!tpu.dma_semaphore, #tpu.memory_space<semaphore_mem>>
      %dma_start3A_198 = arith.constant 0 : i32
      %dma_start3A_199 = tpu.memref_slice %arg11[%add3A_48, %dma_start3A_198] : memref<100352x16xf32, #tpu.memory_space<vmem_shared>> -> memref<512x16xf32, #tpu.memory_space<vmem_shared>>
      %dma_start3A_200 = arith.constant 0 : i32
      %dma_start3A_201 = tpu.memref_slice %arg11[%add3A_48, %dma_start3A_200] : memref<100352x16xf32, #tpu.memory_space<vmem_shared>> -> memref<512x16xf32, #tpu.memory_space<vmem_shared>>
      tpu.enqueue_dma source(%arg10 : memref<512x16xf32, #tpu.memory_space<vmem>>) target(%dma_start3A_201 : memref<512x16xf32, #tpu.memory_space<vmem_shared>>) target_semaphore(%run_scoped3A : memref<!tpu.dma_semaphore, #tpu.memory_space<semaphore_mem>>)
      %dma_wait3A_202 = arith.constant 0 : i32
      %dma_wait3A_203 = tpu.memref_slice %arg11[%add3A_48, %dma_wait3A_202] : memref<100352x16xf32, #tpu.memory_space<vmem_shared>> -> memref<512x16xf32, #tpu.memory_space<vmem_shared>>
      %dma_wait3A_204 = arith.constant 0 : i32
      %dma_wait3A_205 = tpu.memref_slice %arg11[%add3A_48, %dma_wait3A_204] : memref<100352x16xf32, #tpu.memory_space<vmem_shared>> -> memref<512x16xf32, #tpu.memory_space<vmem_shared>>
      tpu.wait_dma2 semaphore(%run_scoped3A : memref<!tpu.dma_semaphore, #tpu.memory_space<semaphore_mem>>) src(%arg10 : memref<512x16xf32, #tpu.memory_space<vmem>>) dst(%dma_wait3A_205 : memref<512x16xf32, #tpu.memory_space<vmem_shared>>)
      tpu.yield
    }) : () -> ()
    %add3A_49 = arith.constant 1536 : i32
    %add3A_50 = arith.addi %mul3A_42, %add3A_49 : i32
    "tpu.region"() ({
      %run_scoped3A = tpu.sem_alloc : memref<!tpu.dma_semaphore, #tpu.memory_space<semaphore_mem>>
      %dma_start3A_198 = arith.constant 0 : i32
      %dma_start3A_199 = tpu.memref_slice %arg11[%add3A_50, %dma_start3A_198] : memref<100352x16xf32, #tpu.memory_space<vmem_shared>> -> memref<512x16xf32, #tpu.memory_space<vmem_shared>>
      %dma_start3A_200 = arith.constant 0 : i32
      %dma_start3A_201 = tpu.memref_slice %arg11[%add3A_50, %dma_start3A_200] : memref<100352x16xf32, #tpu.memory_space<vmem_shared>> -> memref<512x16xf32, #tpu.memory_space<vmem_shared>>
      tpu.enqueue_dma source(%arg10 : memref<512x16xf32, #tpu.memory_space<vmem>>) target(%dma_start3A_201 : memref<512x16xf32, #tpu.memory_space<vmem_shared>>) target_semaphore(%run_scoped3A : memref<!tpu.dma_semaphore, #tpu.memory_space<semaphore_mem>>)
      %dma_wait3A_202 = arith.constant 0 : i32
      %dma_wait3A_203 = tpu.memref_slice %arg11[%add3A_50, %dma_wait3A_202] : memref<100352x16xf32, #tpu.memory_space<vmem_shared>> -> memref<512x16xf32, #tpu.memory_space<vmem_shared>>
      %dma_wait3A_204 = arith.constant 0 : i32
      %dma_wait3A_205 = tpu.memref_slice %arg11[%add3A_50, %dma_wait3A_204] : memref<100352x16xf32, #tpu.memory_space<vmem_shared>> -> memref<512x16xf32, #tpu.memory_space<vmem_shared>>
      tpu.wait_dma2 semaphore(%run_scoped3A : memref<!tpu.dma_semaphore, #tpu.memory_space<semaphore_mem>>) src(%arg10 : memref<512x16xf32, #tpu.memory_space<vmem>>) dst(%dma_wait3A_205 : memref<512x16xf32, #tpu.memory_space<vmem_shared>>)
      tpu.yield
    }) : () -> ()
    %add3A_51 = arith.constant 2048 : i32
    %add3A_52 = arith.addi %mul3A_42, %add3A_51 : i32
    "tpu.region"() ({
      %run_scoped3A = tpu.sem_alloc : memref<!tpu.dma_semaphore, #tpu.memory_space<semaphore_mem>>
      %dma_start3A_198 = arith.constant 0 : i32
      %dma_start3A_199 = tpu.memref_slice %arg11[%add3A_52, %dma_start3A_198] : memref<100352x16xf32, #tpu.memory_space<vmem_shared>> -> memref<512x16xf32, #tpu.memory_space<vmem_shared>>
      %dma_start3A_200 = arith.constant 0 : i32
      %dma_start3A_201 = tpu.memref_slice %arg11[%add3A_52, %dma_start3A_200] : memref<100352x16xf32, #tpu.memory_space<vmem_shared>> -> memref<512x16xf32, #tpu.memory_space<vmem_shared>>
      tpu.enqueue_dma source(%arg10 : memref<512x16xf32, #tpu.memory_space<vmem>>) target(%dma_start3A_201 : memref<512x16xf32, #tpu.memory_space<vmem_shared>>) target_semaphore(%run_scoped3A : memref<!tpu.dma_semaphore, #tpu.memory_space<semaphore_mem>>)
      %dma_wait3A_202 = arith.constant 0 : i32
      %dma_wait3A_203 = tpu.memref_slice %arg11[%add3A_52, %dma_wait3A_202] : memref<100352x16xf32, #tpu.memory_space<vmem_shared>> -> memref<512x16xf32, #tpu.memory_space<vmem_shared>>
      %dma_wait3A_204 = arith.constant 0 : i32
      %dma_wait3A_205 = tpu.memref_slice %arg11[%add3A_52, %dma_wait3A_204] : memref<100352x16xf32, #tpu.memory_space<vmem_shared>> -> memref<512x16xf32, #tpu.memory_space<vmem_shared>>
      tpu.wait_dma2 semaphore(%run_scoped3A : memref<!tpu.dma_semaphore, #tpu.memory_space<semaphore_mem>>) src(%arg10 : memref<512x16xf32, #tpu.memory_space<vmem>>) dst(%dma_wait3A_205 : memref<512x16xf32, #tpu.memory_space<vmem_shared>>)
      tpu.yield
    }) : () -> ()
    %add3A_53 = arith.constant 2560 : i32
    %add3A_54 = arith.addi %mul3A_42, %add3A_53 : i32
    "tpu.region"() ({
      %run_scoped3A = tpu.sem_alloc : memref<!tpu.dma_semaphore, #tpu.memory_space<semaphore_mem>>
      %dma_start3A_198 = arith.constant 0 : i32
      %dma_start3A_199 = tpu.memref_slice %arg11[%add3A_54, %dma_start3A_198] : memref<100352x16xf32, #tpu.memory_space<vmem_shared>> -> memref<512x16xf32, #tpu.memory_space<vmem_shared>>
      %dma_start3A_200 = arith.constant 0 : i32
      %dma_start3A_201 = tpu.memref_slice %arg11[%add3A_54, %dma_start3A_200] : memref<100352x16xf32, #tpu.memory_space<vmem_shared>> -> memref<512x16xf32, #tpu.memory_space<vmem_shared>>
      tpu.enqueue_dma source(%arg10 : memref<512x16xf32, #tpu.memory_space<vmem>>) target(%dma_start3A_201 : memref<512x16xf32, #tpu.memory_space<vmem_shared>>) target_semaphore(%run_scoped3A : memref<!tpu.dma_semaphore, #tpu.memory_space<semaphore_mem>>)
      %dma_wait3A_202 = arith.constant 0 : i32
      %dma_wait3A_203 = tpu.memref_slice %arg11[%add3A_54, %dma_wait3A_202] : memref<100352x16xf32, #tpu.memory_space<vmem_shared>> -> memref<512x16xf32, #tpu.memory_space<vmem_shared>>
      %dma_wait3A_204 = arith.constant 0 : i32
      %dma_wait3A_205 = tpu.memref_slice %arg11[%add3A_54, %dma_wait3A_204] : memref<100352x16xf32, #tpu.memory_space<vmem_shared>> -> memref<512x16xf32, #tpu.memory_space<vmem_shared>>
      tpu.wait_dma2 semaphore(%run_scoped3A : memref<!tpu.dma_semaphore, #tpu.memory_space<semaphore_mem>>) src(%arg10 : memref<512x16xf32, #tpu.memory_space<vmem>>) dst(%dma_wait3A_205 : memref<512x16xf32, #tpu.memory_space<vmem_shared>>)
      tpu.yield
    }) : () -> ()
    %add3A_55 = arith.constant 3072 : i32
    %add3A_56 = arith.addi %mul3A_42, %add3A_55 : i32
    "tpu.region"() ({
      %run_scoped3A = tpu.sem_alloc : memref<!tpu.dma_semaphore, #tpu.memory_space<semaphore_mem>>
      %dma_start3A_198 = arith.constant 0 : i32
      %dma_start3A_199 = tpu.memref_slice %arg11[%add3A_56, %dma_start3A_198] : memref<100352x16xf32, #tpu.memory_space<vmem_shared>> -> memref<512x16xf32, #tpu.memory_space<vmem_shared>>
      %dma_start3A_200 = arith.constant 0 : i32
      %dma_start3A_201 = tpu.memref_slice %arg11[%add3A_56, %dma_start3A_200] : memref<100352x16xf32, #tpu.memory_space<vmem_shared>> -> memref<512x16xf32, #tpu.memory_space<vmem_shared>>
      tpu.enqueue_dma source(%arg10 : memref<512x16xf32, #tpu.memory_space<vmem>>) target(%dma_start3A_201 : memref<512x16xf32, #tpu.memory_space<vmem_shared>>) target_semaphore(%run_scoped3A : memref<!tpu.dma_semaphore, #tpu.memory_space<semaphore_mem>>)
      %dma_wait3A_202 = arith.constant 0 : i32
      %dma_wait3A_203 = tpu.memref_slice %arg11[%add3A_56, %dma_wait3A_202] : memref<100352x16xf32, #tpu.memory_space<vmem_shared>> -> memref<512x16xf32, #tpu.memory_space<vmem_shared>>
      %dma_wait3A_204 = arith.constant 0 : i32
      %dma_wait3A_205 = tpu.memref_slice %arg11[%add3A_56, %dma_wait3A_204] : memref<100352x16xf32, #tpu.memory_space<vmem_shared>> -> memref<512x16xf32, #tpu.memory_space<vmem_shared>>
      tpu.wait_dma2 semaphore(%run_scoped3A : memref<!tpu.dma_semaphore, #tpu.memory_space<semaphore_mem>>) src(%arg10 : memref<512x16xf32, #tpu.memory_space<vmem>>) dst(%dma_wait3A_205 : memref<512x16xf32, #tpu.memory_space<vmem_shared>>)
      tpu.yield
    }) : () -> ()
    %add3A_57 = arith.constant 3584 : i32
    %add3A_58 = arith.addi %mul3A_42, %add3A_57 : i32
    "tpu.region"() ({
      %run_scoped3A = tpu.sem_alloc : memref<!tpu.dma_semaphore, #tpu.memory_space<semaphore_mem>>
      %dma_start3A_198 = arith.constant 0 : i32
      %dma_start3A_199 = tpu.memref_slice %arg11[%add3A_58, %dma_start3A_198] : memref<100352x16xf32, #tpu.memory_space<vmem_shared>> -> memref<512x16xf32, #tpu.memory_space<vmem_shared>>
      %dma_start3A_200 = arith.constant 0 : i32
      %dma_start3A_201 = tpu.memref_slice %arg11[%add3A_58, %dma_start3A_200] : memref<100352x16xf32, #tpu.memory_space<vmem_shared>> -> memref<512x16xf32, #tpu.memory_space<vmem_shared>>
      tpu.enqueue_dma source(%arg10 : memref<512x16xf32, #tpu.memory_space<vmem>>) target(%dma_start3A_201 : memref<512x16xf32, #tpu.memory_space<vmem_shared>>) target_semaphore(%run_scoped3A : memref<!tpu.dma_semaphore, #tpu.memory_space<semaphore_mem>>)
      %dma_wait3A_202 = arith.constant 0 : i32
      %dma_wait3A_203 = tpu.memref_slice %arg11[%add3A_58, %dma_wait3A_202] : memref<100352x16xf32, #tpu.memory_space<vmem_shared>> -> memref<512x16xf32, #tpu.memory_space<vmem_shared>>
      %dma_wait3A_204 = arith.constant 0 : i32
      %dma_wait3A_205 = tpu.memref_slice %arg11[%add3A_58, %dma_wait3A_204] : memref<100352x16xf32, #tpu.memory_space<vmem_shared>> -> memref<512x16xf32, #tpu.memory_space<vmem_shared>>
      tpu.wait_dma2 semaphore(%run_scoped3A : memref<!tpu.dma_semaphore, #tpu.memory_space<semaphore_mem>>) src(%arg10 : memref<512x16xf32, #tpu.memory_space<vmem>>) dst(%dma_wait3A_205 : memref<512x16xf32, #tpu.memory_space<vmem_shared>>)
      tpu.yield
    }) : () -> ()
    %add3A_59 = arith.constant 4096 : i32
    %add3A_60 = arith.addi %mul3A_42, %add3A_59 : i32
    "tpu.region"() ({
      %run_scoped3A = tpu.sem_alloc : memref<!tpu.dma_semaphore, #tpu.memory_space<semaphore_mem>>
      %dma_start3A_198 = arith.constant 0 : i32
      %dma_start3A_199 = tpu.memref_slice %arg11[%add3A_60, %dma_start3A_198] : memref<100352x16xf32, #tpu.memory_space<vmem_shared>> -> memref<512x16xf32, #tpu.memory_space<vmem_shared>>
      %dma_start3A_200 = arith.constant 0 : i32
      %dma_start3A_201 = tpu.memref_slice %arg11[%add3A_60, %dma_start3A_200] : memref<100352x16xf32, #tpu.memory_space<vmem_shared>> -> memref<512x16xf32, #tpu.memory_space<vmem_shared>>
      tpu.enqueue_dma source(%arg10 : memref<512x16xf32, #tpu.memory_space<vmem>>) target(%dma_start3A_201 : memref<512x16xf32, #tpu.memory_space<vmem_shared>>) target_semaphore(%run_scoped3A : memref<!tpu.dma_semaphore, #tpu.memory_space<semaphore_mem>>)
      %dma_wait3A_202 = arith.constant 0 : i32
      %dma_wait3A_203 = tpu.memref_slice %arg11[%add3A_60, %dma_wait3A_202] : memref<100352x16xf32, #tpu.memory_space<vmem_shared>> -> memref<512x16xf32, #tpu.memory_space<vmem_shared>>
      %dma_wait3A_204 = arith.constant 0 : i32
      %dma_wait3A_205 = tpu.memref_slice %arg11[%add3A_60, %dma_wait3A_204] : memref<100352x16xf32, #tpu.memory_space<vmem_shared>> -> memref<512x16xf32, #tpu.memory_space<vmem_shared>>
      tpu.wait_dma2 semaphore(%run_scoped3A : memref<!tpu.dma_semaphore, #tpu.memory_space<semaphore_mem>>) src(%arg10 : memref<512x16xf32, #tpu.memory_space<vmem>>) dst(%dma_wait3A_205 : memref<512x16xf32, #tpu.memory_space<vmem_shared>>)
      tpu.yield
    }) : () -> ()
    %add3A_61 = arith.constant 4608 : i32
    %add3A_62 = arith.addi %mul3A_42, %add3A_61 : i32
    "tpu.region"() ({
      %run_scoped3A = tpu.sem_alloc : memref<!tpu.dma_semaphore, #tpu.memory_space<semaphore_mem>>
      %dma_start3A_198 = arith.constant 0 : i32
      %dma_start3A_199 = tpu.memref_slice %arg11[%add3A_62, %dma_start3A_198] : memref<100352x16xf32, #tpu.memory_space<vmem_shared>> -> memref<512x16xf32, #tpu.memory_space<vmem_shared>>
      %dma_start3A_200 = arith.constant 0 : i32
      %dma_start3A_201 = tpu.memref_slice %arg11[%add3A_62, %dma_start3A_200] : memref<100352x16xf32, #tpu.memory_space<vmem_shared>> -> memref<512x16xf32, #tpu.memory_space<vmem_shared>>
      tpu.enqueue_dma source(%arg10 : memref<512x16xf32, #tpu.memory_space<vmem>>) target(%dma_start3A_201 : memref<512x16xf32, #tpu.memory_space<vmem_shared>>) target_semaphore(%run_scoped3A : memref<!tpu.dma_semaphore, #tpu.memory_space<semaphore_mem>>)
      %dma_wait3A_202 = arith.constant 0 : i32
      %dma_wait3A_203 = tpu.memref_slice %arg11[%add3A_62, %dma_wait3A_202] : memref<100352x16xf32, #tpu.memory_space<vmem_shared>> -> memref<512x16xf32, #tpu.memory_space<vmem_shared>>
      %dma_wait3A_204 = arith.constant 0 : i32
      %dma_wait3A_205 = tpu.memref_slice %arg11[%add3A_62, %dma_wait3A_204] : memref<100352x16xf32, #tpu.memory_space<vmem_shared>> -> memref<512x16xf32, #tpu.memory_space<vmem_shared>>
      tpu.wait_dma2 semaphore(%run_scoped3A : memref<!tpu.dma_semaphore, #tpu.memory_space<semaphore_mem>>) src(%arg10 : memref<512x16xf32, #tpu.memory_space<vmem>>) dst(%dma_wait3A_205 : memref<512x16xf32, #tpu.memory_space<vmem_shared>>)
      tpu.yield
    }) : () -> ()
    %add3A_63 = arith.constant 5120 : i32
    %add3A_64 = arith.addi %mul3A_42, %add3A_63 : i32
    "tpu.region"() ({
      %run_scoped3A = tpu.sem_alloc : memref<!tpu.dma_semaphore, #tpu.memory_space<semaphore_mem>>
      %dma_start3A_198 = arith.constant 0 : i32
      %dma_start3A_199 = tpu.memref_slice %arg11[%add3A_64, %dma_start3A_198] : memref<100352x16xf32, #tpu.memory_space<vmem_shared>> -> memref<512x16xf32, #tpu.memory_space<vmem_shared>>
      %dma_start3A_200 = arith.constant 0 : i32
      %dma_start3A_201 = tpu.memref_slice %arg11[%add3A_64, %dma_start3A_200] : memref<100352x16xf32, #tpu.memory_space<vmem_shared>> -> memref<512x16xf32, #tpu.memory_space<vmem_shared>>
      tpu.enqueue_dma source(%arg10 : memref<512x16xf32, #tpu.memory_space<vmem>>) target(%dma_start3A_201 : memref<512x16xf32, #tpu.memory_space<vmem_shared>>) target_semaphore(%run_scoped3A : memref<!tpu.dma_semaphore, #tpu.memory_space<semaphore_mem>>)
      %dma_wait3A_202 = arith.constant 0 : i32
      %dma_wait3A_203 = tpu.memref_slice %arg11[%add3A_64, %dma_wait3A_202] : memref<100352x16xf32, #tpu.memory_space<vmem_shared>> -> memref<512x16xf32, #tpu.memory_space<vmem_shared>>
      %dma_wait3A_204 = arith.constant 0 : i32
      %dma_wait3A_205 = tpu.memref_slice %arg11[%add3A_64, %dma_wait3A_204] : memref<100352x16xf32, #tpu.memory_space<vmem_shared>> -> memref<512x16xf32, #tpu.memory_space<vmem_shared>>
      tpu.wait_dma2 semaphore(%run_scoped3A : memref<!tpu.dma_semaphore, #tpu.memory_space<semaphore_mem>>) src(%arg10 : memref<512x16xf32, #tpu.memory_space<vmem>>) dst(%dma_wait3A_205 : memref<512x16xf32, #tpu.memory_space<vmem_shared>>)
      tpu.yield
    }) : () -> ()
    %add3A_65 = arith.constant 5632 : i32
    %add3A_66 = arith.addi %mul3A_42, %add3A_65 : i32
    "tpu.region"() ({
      %run_scoped3A = tpu.sem_alloc : memref<!tpu.dma_semaphore, #tpu.memory_space<semaphore_mem>>
      %dma_start3A_198 = arith.constant 0 : i32
      %dma_start3A_199 = tpu.memref_slice %arg11[%add3A_66, %dma_start3A_198] : memref<100352x16xf32, #tpu.memory_space<vmem_shared>> -> memref<512x16xf32, #tpu.memory_space<vmem_shared>>
      %dma_start3A_200 = arith.constant 0 : i32
      %dma_start3A_201 = tpu.memref_slice %arg11[%add3A_66, %dma_start3A_200] : memref<100352x16xf32, #tpu.memory_space<vmem_shared>> -> memref<512x16xf32, #tpu.memory_space<vmem_shared>>
      tpu.enqueue_dma source(%arg10 : memref<512x16xf32, #tpu.memory_space<vmem>>) target(%dma_start3A_201 : memref<512x16xf32, #tpu.memory_space<vmem_shared>>) target_semaphore(%run_scoped3A : memref<!tpu.dma_semaphore, #tpu.memory_space<semaphore_mem>>)
      %dma_wait3A_202 = arith.constant 0 : i32
      %dma_wait3A_203 = tpu.memref_slice %arg11[%add3A_66, %dma_wait3A_202] : memref<100352x16xf32, #tpu.memory_space<vmem_shared>> -> memref<512x16xf32, #tpu.memory_space<vmem_shared>>
      %dma_wait3A_204 = arith.constant 0 : i32
      %dma_wait3A_205 = tpu.memref_slice %arg11[%add3A_66, %dma_wait3A_204] : memref<100352x16xf32, #tpu.memory_space<vmem_shared>> -> memref<512x16xf32, #tpu.memory_space<vmem_shared>>
      tpu.wait_dma2 semaphore(%run_scoped3A : memref<!tpu.dma_semaphore, #tpu.memory_space<semaphore_mem>>) src(%arg10 : memref<512x16xf32, #tpu.memory_space<vmem>>) dst(%dma_wait3A_205 : memref<512x16xf32, #tpu.memory_space<vmem_shared>>)
      tpu.yield
    }) : () -> ()
    %add3A_67 = arith.constant 6144 : i32
    %add3A_68 = arith.addi %mul3A_42, %add3A_67 : i32
    "tpu.region"() ({
      %run_scoped3A = tpu.sem_alloc : memref<!tpu.dma_semaphore, #tpu.memory_space<semaphore_mem>>
      %dma_start3A_198 = arith.constant 0 : i32
      %dma_start3A_199 = arith.constant 0 : i32
      %dma_start3A_200 = tpu.memref_slice %arg10[%dma_start3A_198, %dma_start3A_199] : memref<512x16xf32, #tpu.memory_space<vmem>> -> memref<128x16xf32, #tpu.memory_space<vmem>>
      %dma_start3A_201 = arith.constant 0 : i32
      %dma_start3A_202 = tpu.memref_slice %arg11[%add3A_68, %dma_start3A_201] : memref<100352x16xf32, #tpu.memory_space<vmem_shared>> -> memref<128x16xf32, #tpu.memory_space<vmem_shared>>
      %dma_start3A_203 = arith.constant 0 : i32
      %dma_start3A_204 = tpu.memref_slice %arg11[%add3A_68, %dma_start3A_203] : memref<100352x16xf32, #tpu.memory_space<vmem_shared>> -> memref<128x16xf32, #tpu.memory_space<vmem_shared>>
      %dma_start3A_205 = arith.constant 0 : i32
      %dma_start3A_206 = arith.constant 0 : i32
      %dma_start3A_207 = tpu.memref_slice %arg10[%dma_start3A_205, %dma_start3A_206] : memref<512x16xf32, #tpu.memory_space<vmem>> -> memref<128x16xf32, #tpu.memory_space<vmem>>
      tpu.enqueue_dma source(%dma_start3A_207 : memref<128x16xf32, #tpu.memory_space<vmem>>) target(%dma_start3A_204 : memref<128x16xf32, #tpu.memory_space<vmem_shared>>) target_semaphore(%run_scoped3A : memref<!tpu.dma_semaphore, #tpu.memory_space<semaphore_mem>>)
      %dma_wait3A_208 = arith.constant 0 : i32
      %dma_wait3A_209 = arith.constant 0 : i32
      %dma_wait3A_210 = tpu.memref_slice %arg10[%dma_wait3A_208, %dma_wait3A_209] : memref<512x16xf32, #tpu.memory_space<vmem>> -> memref<128x16xf32, #tpu.memory_space<vmem>>
      %dma_wait3A_211 = arith.constant 0 : i32
      %dma_wait3A_212 = tpu.memref_slice %arg11[%add3A_68, %dma_wait3A_211] : memref<100352x16xf32, #tpu.memory_space<vmem_shared>> -> memref<128x16xf32, #tpu.memory_space<vmem_shared>>
      %dma_wait3A_213 = arith.constant 0 : i32
      %dma_wait3A_214 = tpu.memref_slice %arg11[%add3A_68, %dma_wait3A_213] : memref<100352x16xf32, #tpu.memory_space<vmem_shared>> -> memref<128x16xf32, #tpu.memory_space<vmem_shared>>
      %dma_wait3A_215 = arith.constant 0 : i32
      %dma_wait3A_216 = arith.constant 0 : i32
      %dma_wait3A_217 = tpu.memref_slice %arg10[%dma_wait3A_215, %dma_wait3A_216] : memref<512x16xf32, #tpu.memory_space<vmem>> -> memref<128x16xf32, #tpu.memory_space<vmem>>
      tpu.wait_dma2 semaphore(%run_scoped3A : memref<!tpu.dma_semaphore, #tpu.memory_space<semaphore_mem>>) src(%dma_wait3A_217 : memref<128x16xf32, #tpu.memory_space<vmem>>) dst(%dma_wait3A_214 : memref<128x16xf32, #tpu.memory_space<vmem_shared>>)
      tpu.yield
    }) : () -> ()
    %dma_wait3A = arith.constant 0 : i32
    %dma_wait3A_69 = arith.constant 0 : i32
    %dma_wait3A_70 = arith.constant 0 : i32
    %dma_wait3A_71 = tpu.memref_slice %arg7[%dma_wait3A, %dma_wait3A_69, %dma_wait3A_70] : memref<2x4x128xi32, #tpu.memory_space<vmem>> -> memref<1x4x128xi32, #tpu.memory_space<vmem>>
    %dma_wait3A_72 = tpu.memref_squeeze %dma_wait3A_71 : memref<1x4x128xi32, #tpu.memory_space<vmem>> -> memref<4x128xi32, #tpu.memory_space<vmem>>
    %dma_wait3A_73 = arith.constant 0 : i32
    %dma_wait3A_74 = tpu.memref_slice %arg3[%mul3A_10, %dma_wait3A_73] : memref<25088x128xi32, #tpu.memory_space<hbm>> -> memref<4x128xi32, #tpu.memory_space<hbm>>
    %dma_wait3A_75 = arith.constant 0 : i32
    %dma_wait3A_76 = arith.constant 0 : i32
    %dma_wait3A_77 = tpu.memref_slice %arg7[%dma_wait3A, %dma_wait3A_75, %dma_wait3A_76] : memref<2x4x128xi32, #tpu.memory_space<vmem>> -> memref<1x4x128xi32, #tpu.memory_space<vmem>>
    %dma_wait3A_78 = tpu.memref_squeeze %dma_wait3A_77 : memref<1x4x128xi32, #tpu.memory_space<vmem>> -> memref<4x128xi32, #tpu.memory_space<vmem>>
    %dma_wait3A_79 = arith.constant 0 : i32
    %dma_wait3A_80 = tpu.memref_slice %arg3[%mul3A_10, %dma_wait3A_79] : memref<25088x128xi32, #tpu.memory_space<hbm>> -> memref<4x128xi32, #tpu.memory_space<hbm>>
    tpu.wait_dma2 semaphore(%arg12 : memref<!tpu.dma_semaphore, #tpu.memory_space<semaphore_mem>>) src(%dma_wait3A_80 : memref<4x128xi32, #tpu.memory_space<hbm>>) dst(%dma_wait3A_78 : memref<4x128xi32, #tpu.memory_space<vmem>>)
    %dma_wait3A_81 = arith.constant 0 : i32
    %dma_wait3A_82 = arith.constant 0 : i32
    %dma_wait3A_83 = arith.constant 0 : i32
    %dma_wait3A_84 = tpu.memref_slice %arg8[%dma_wait3A_81, %dma_wait3A_82, %dma_wait3A_83] : memref<2x4x128xi32, #tpu.memory_space<vmem>> -> memref<1x4x128xi32, #tpu.memory_space<vmem>>
    %dma_wait3A_85 = tpu.memref_squeeze %dma_wait3A_84 : memref<1x4x128xi32, #tpu.memory_space<vmem>> -> memref<4x128xi32, #tpu.memory_space<vmem>>
    %dma_wait3A_86 = arith.constant 0 : i32
    %dma_wait3A_87 = tpu.memref_slice %arg4[%mul3A_10, %dma_wait3A_86] : memref<25088x128xi32, #tpu.memory_space<hbm>> -> memref<4x128xi32, #tpu.memory_space<hbm>>
    %dma_wait3A_88 = arith.constant 0 : i32
    %dma_wait3A_89 = arith.constant 0 : i32
    %dma_wait3A_90 = tpu.memref_slice %arg8[%dma_wait3A_81, %dma_wait3A_88, %dma_wait3A_89] : memref<2x4x128xi32, #tpu.memory_space<vmem>> -> memref<1x4x128xi32, #tpu.memory_space<vmem>>
    %dma_wait3A_91 = tpu.memref_squeeze %dma_wait3A_90 : memref<1x4x128xi32, #tpu.memory_space<vmem>> -> memref<4x128xi32, #tpu.memory_space<vmem>>
    %dma_wait3A_92 = arith.constant 0 : i32
    %dma_wait3A_93 = tpu.memref_slice %arg4[%mul3A_10, %dma_wait3A_92] : memref<25088x128xi32, #tpu.memory_space<hbm>> -> memref<4x128xi32, #tpu.memory_space<hbm>>
    tpu.wait_dma2 semaphore(%arg12 : memref<!tpu.dma_semaphore, #tpu.memory_space<semaphore_mem>>) src(%dma_wait3A_93 : memref<4x128xi32, #tpu.memory_space<hbm>>) dst(%dma_wait3A_91 : memref<4x128xi32, #tpu.memory_space<vmem>>)
    %dma_start3A_94 = arith.constant 0 : i32
    %dma_start3A_95 = arith.constant 0 : i32
    %dma_start3A_96 = arith.constant 0 : i32
    %dma_start3A_97 = arith.constant 0 : i32
    %dma_start3A_98 = arith.constant 0 : i32
    %dma_start3A_99 = tpu.memref_slice %arg9[%dma_start3A_96, %dma_start3A_97, %dma_start3A_98] : memref<2x512x16xf32, #tpu.memory_space<vmem>> -> memref<1x128x16xf32, #tpu.memory_space<vmem>>
    %dma_start3A_100 = tpu.memref_squeeze %dma_start3A_99 : memref<1x128x16xf32, #tpu.memory_space<vmem>> -> memref<128x16xf32, #tpu.memory_space<vmem>>
    %dma_start3A_101 = arith.constant 0 : i32
    %dma_start3A_102 = arith.constant 0 : i32
    %dma_start3A_103 = tpu.memref_slice %arg7[%dma_start3A_94, %dma_start3A_101, %dma_start3A_102] : memref<2x4x128xi32, #tpu.memory_space<vmem>> -> memref<1x4x128xi32, #tpu.memory_space<vmem>>
    %dma_start3A_104 = tpu.memref_squeeze %dma_start3A_103 : memref<1x4x128xi32, #tpu.memory_space<vmem>> -> memref<4x128xi32, #tpu.memory_space<vmem>>
    %dma_start3A_105 = arith.constant 0 : i32
    %dma_start3A_106 = tpu.memref_slice %dma_start3A_104[%dma_start3A_95, %dma_start3A_105] : memref<4x128xi32, #tpu.memory_space<vmem>> -> memref<1x128xi32, #tpu.memory_space<vmem>>
    %dma_start3A_107 = tpu.memref_squeeze %dma_start3A_106 : memref<1x128xi32, #tpu.memory_space<vmem>> -> memref<128xi32, #tpu.memory_space<vmem>>
    %dma_start3A_108 = arith.constant 0 : i32
    %dma_start3A_109 = arith.constant 0 : i32
    %dma_start3A_110 = tpu.memref_slice %arg2[%dma_start3A_108, %dma_start3A_109] : memref<100352x16xf32, #tpu.memory_space<hbm>> -> memref<100352x16xf32, #tpu.memory_space<hbm>>
    tpu.enqueue_indirect_dma source(%dma_start3A_110 : memref<100352x16xf32, #tpu.memory_space<hbm>>) target(%dma_start3A_100 : memref<128x16xf32, #tpu.memory_space<vmem>>) offsets(%dma_start3A_107 : memref<128xi32, #tpu.memory_space<vmem>>) semaphore(%arg14 : memref<!tpu.dma_semaphore, #tpu.memory_space<semaphore_mem>>)
    %dma_start3A_111 = arith.constant 0 : i32
    %dma_start3A_112 = arith.constant 1 : i32
    %dma_start3A_113 = arith.constant 0 : i32
    %dma_start3A_114 = arith.constant 128 : i32
    %dma_start3A_115 = arith.constant 0 : i32
    %dma_start3A_116 = tpu.memref_slice %arg9[%dma_start3A_113, %dma_start3A_114, %dma_start3A_115] : memref<2x512x16xf32, #tpu.memory_space<vmem>> -> memref<1x128x16xf32, #tpu.memory_space<vmem>>
    %dma_start3A_117 = tpu.memref_squeeze %dma_start3A_116 : memref<1x128x16xf32, #tpu.memory_space<vmem>> -> memref<128x16xf32, #tpu.memory_space<vmem>>
    %dma_start3A_118 = arith.constant 0 : i32
    %dma_start3A_119 = arith.constant 0 : i32
    %dma_start3A_120 = tpu.memref_slice %arg7[%dma_start3A_111, %dma_start3A_118, %dma_start3A_119] : memref<2x4x128xi32, #tpu.memory_space<vmem>> -> memref<1x4x128xi32, #tpu.memory_space<vmem>>
    %dma_start3A_121 = tpu.memref_squeeze %dma_start3A_120 : memref<1x4x128xi32, #tpu.memory_space<vmem>> -> memref<4x128xi32, #tpu.memory_space<vmem>>
    %dma_start3A_122 = arith.constant 0 : i32
    %dma_start3A_123 = tpu.memref_slice %dma_start3A_121[%dma_start3A_112, %dma_start3A_122] : memref<4x128xi32, #tpu.memory_space<vmem>> -> memref<1x128xi32, #tpu.memory_space<vmem>>
    %dma_start3A_124 = tpu.memref_squeeze %dma_start3A_123 : memref<1x128xi32, #tpu.memory_space<vmem>> -> memref<128xi32, #tpu.memory_space<vmem>>
    %dma_start3A_125 = arith.constant 0 : i32
    %dma_start3A_126 = arith.constant 0 : i32
    %dma_start3A_127 = tpu.memref_slice %arg2[%dma_start3A_125, %dma_start3A_126] : memref<100352x16xf32, #tpu.memory_space<hbm>> -> memref<100352x16xf32, #tpu.memory_space<hbm>>
    tpu.enqueue_indirect_dma source(%dma_start3A_127 : memref<100352x16xf32, #tpu.memory_space<hbm>>) target(%dma_start3A_117 : memref<128x16xf32, #tpu.memory_space<vmem>>) offsets(%dma_start3A_124 : memref<128xi32, #tpu.memory_space<vmem>>) semaphore(%arg14 : memref<!tpu.dma_semaphore, #tpu.memory_space<semaphore_mem>>)
    %dma_start3A_128 = arith.constant 0 : i32
    %dma_start3A_129 = arith.constant 2 : i32
    %dma_start3A_130 = arith.constant 0 : i32
    %dma_start3A_131 = arith.constant 256 : i32
    %dma_start3A_132 = arith.constant 0 : i32
    %dma_start3A_133 = tpu.memref_slice %arg9[%dma_start3A_130, %dma_start3A_131, %dma_start3A_132] : memref<2x512x16xf32, #tpu.memory_space<vmem>> -> memref<1x128x16xf32, #tpu.memory_space<vmem>>
    %dma_start3A_134 = tpu.memref_squeeze %dma_start3A_133 : memref<1x128x16xf32, #tpu.memory_space<vmem>> -> memref<128x16xf32, #tpu.memory_space<vmem>>
    %dma_start3A_135 = arith.constant 0 : i32
    %dma_start3A_136 = arith.constant 0 : i32
    %dma_start3A_137 = tpu.memref_slice %arg7[%dma_start3A_128, %dma_start3A_135, %dma_start3A_136] : memref<2x4x128xi32, #tpu.memory_space<vmem>> -> memref<1x4x128xi32, #tpu.memory_space<vmem>>
    %dma_start3A_138 = tpu.memref_squeeze %dma_start3A_137 : memref<1x4x128xi32, #tpu.memory_space<vmem>> -> memref<4x128xi32, #tpu.memory_space<vmem>>
    %dma_start3A_139 = arith.constant 0 : i32
    %dma_start3A_140 = tpu.memref_slice %dma_start3A_138[%dma_start3A_129, %dma_start3A_139] : memref<4x128xi32, #tpu.memory_space<vmem>> -> memref<1x128xi32, #tpu.memory_space<vmem>>
    %dma_start3A_141 = tpu.memref_squeeze %dma_start3A_140 : memref<1x128xi32, #tpu.memory_space<vmem>> -> memref<128xi32, #tpu.memory_space<vmem>>
    %dma_start3A_142 = arith.constant 0 : i32
    %dma_start3A_143 = arith.constant 0 : i32
    %dma_start3A_144 = tpu.memref_slice %arg2[%dma_start3A_142, %dma_start3A_143] : memref<100352x16xf32, #tpu.memory_space<hbm>> -> memref<100352x16xf32, #tpu.memory_space<hbm>>
    tpu.enqueue_indirect_dma source(%dma_start3A_144 : memref<100352x16xf32, #tpu.memory_space<hbm>>) target(%dma_start3A_134 : memref<128x16xf32, #tpu.memory_space<vmem>>) offsets(%dma_start3A_141 : memref<128xi32, #tpu.memory_space<vmem>>) semaphore(%arg14 : memref<!tpu.dma_semaphore, #tpu.memory_space<semaphore_mem>>)
    %dma_start3A_145 = arith.constant 0 : i32
    %dma_start3A_146 = arith.constant 3 : i32
    %dma_start3A_147 = arith.constant 0 : i32
    %dma_start3A_148 = arith.constant 384 : i32
    %dma_start3A_149 = arith.constant 0 : i32
    %dma_start3A_150 = tpu.memref_slice %arg9[%dma_start3A_147, %dma_start3A_148, %dma_start3A_149] : memref<2x512x16xf32, #tpu.memory_space<vmem>> -> memref<1x128x16xf32, #tpu.memory_space<vmem>>
    %dma_start3A_151 = tpu.memref_squeeze %dma_start3A_150 : memref<1x128x16xf32, #tpu.memory_space<vmem>> -> memref<128x16xf32, #tpu.memory_space<vmem>>
    %dma_start3A_152 = arith.constant 0 : i32
    %dma_start3A_153 = arith.constant 0 : i32
    %dma_start3A_154 = tpu.memref_slice %arg7[%dma_start3A_145, %dma_start3A_152, %dma_start3A_153] : memref<2x4x128xi32, #tpu.memory_space<vmem>> -> memref<1x4x128xi32, #tpu.memory_space<vmem>>
    %dma_start3A_155 = tpu.memref_squeeze %dma_start3A_154 : memref<1x4x128xi32, #tpu.memory_space<vmem>> -> memref<4x128xi32, #tpu.memory_space<vmem>>
    %dma_start3A_156 = arith.constant 0 : i32
    %dma_start3A_157 = tpu.memref_slice %dma_start3A_155[%dma_start3A_146, %dma_start3A_156] : memref<4x128xi32, #tpu.memory_space<vmem>> -> memref<1x128xi32, #tpu.memory_space<vmem>>
    %dma_start3A_158 = tpu.memref_squeeze %dma_start3A_157 : memref<1x128xi32, #tpu.memory_space<vmem>> -> memref<128xi32, #tpu.memory_space<vmem>>
    %dma_start3A_159 = arith.constant 0 : i32
    %dma_start3A_160 = arith.constant 0 : i32
    %dma_start3A_161 = tpu.memref_slice %arg2[%dma_start3A_159, %dma_start3A_160] : memref<100352x16xf32, #tpu.memory_space<hbm>> -> memref<100352x16xf32, #tpu.memory_space<hbm>>
    tpu.enqueue_indirect_dma source(%dma_start3A_161 : memref<100352x16xf32, #tpu.memory_space<hbm>>) target(%dma_start3A_151 : memref<128x16xf32, #tpu.memory_space<vmem>>) offsets(%dma_start3A_158 : memref<128xi32, #tpu.memory_space<vmem>>) semaphore(%arg14 : memref<!tpu.dma_semaphore, #tpu.memory_space<semaphore_mem>>)
    %barrier3A = arith.constant 0 : index
    tpu.barrier barrier_id(%barrier3A)
    %jit3A_162 = arith.constant 2 : i32
    %div3A = arith.divsi %select_n3A, %jit3A_162 : i32
    %sign3A = arith.constant 0 : i32
    %sign3A_163 = arith.cmpi sgt, %select_n3A, %sign3A : i32
    %sign3A_164 = arith.extui %sign3A_163 : i1 to i32
    %sign3A_165 = arith.constant 0 : i32
    %sign3A_166 = arith.cmpi slt, %select_n3A, %sign3A_165 : i32
    %sign3A_167 = arith.extui %sign3A_166 : i1 to i32
    %sign3A_168 = arith.subi %sign3A_164, %sign3A_167 : i32
    %sign3A_169 = arith.constant 0 : i32
    %sign3A_170 = arith.cmpi sgt, %jit3A_162, %sign3A_169 : i32
    %sign3A_171 = arith.extui %sign3A_170 : i1 to i32
    %sign3A_172 = arith.constant 0 : i32
    %sign3A_173 = arith.cmpi slt, %jit3A_162, %sign3A_172 : i32
    %sign3A_174 = arith.extui %sign3A_173 : i1 to i32
    %sign3A_175 = arith.subi %sign3A_171, %sign3A_174 : i32
    %ne3A = arith.cmpi ne, %sign3A_168, %sign3A_175 : i32
    %rem3A = arith.remsi %select_n3A, %jit3A_162 : i32
    %ne3A_176 = arith.constant 0 : i32
    %ne3A_177 = arith.cmpi ne, %rem3A, %ne3A_176 : i32
    %and3A = arith.andi %ne3A, %ne3A_177 : i1
    %sub3A = arith.constant 1 : i32
    %sub3A_178 = arith.subi %div3A, %sub3A : i32
    %select_n3A_179 = arith.select %and3A, %sub3A_178, %div3A : i32
    %while3A = arith.constant 0 : i32
    %while3A_180 = arith.constant 0 : i32
    %while3A_181 = arith.subi %select_n3A_179, %while3A_180 : i32
    %while3A_182 = arith.addi %while3A_180, %while3A_181 : i32
    %while3A_183 = arith.constant 1 : i32
    %while3A_184 = arith.divsi %while3A_181, %while3A_183 : i32
    %while3A_185 = arith.muli %while3A_184, %while3A_183 : i32
    %while3A_186 = arith.addi %while3A_180, %while3A_185 : i32
    %while3A_187 = arith.constant 1 : i32
    scf.for %while3A_198 = %while3A_180 to %while3A_186 step %while3A_187  : i32 {
      %mul3A_199 = arith.constant 2 : i32
      %mul3A_200 = arith.muli %while3A_198, %mul3A_199 : i32
      %add3A_201 = arith.constant 0 : i32
      %add3A_202 = arith.addi %mul3A_200, %add3A_201 : i32
      %add3A_203 = arith.constant 1 : i32
      %add3A_204 = arith.addi %add3A_202, %add3A_203 : i32
      %mul3A_205 = arith.constant 4 : i32
      %mul3A_206 = arith.muli %add3A_204, %mul3A_205 : i32
      %add3A_207 = arith.addi %mul3A_10, %mul3A_206 : i32
      %lt3A = arith.cmpi slt, %add3A_204, %select_n3A : i32
      %convert_element_type3A_208 = arith.extui %lt3A : i1 to i32
      %cond3A_209 = arith.constant 0 : i32
      %cond3A_210 = arith.cmpi ne, %convert_element_type3A_208, %cond3A_209 : i32
      scf.if %cond3A_210 {
        %dma_start3A_428 = arith.constant 1 : i32
        %dma_start3A_429 = arith.constant 0 : i32
        %dma_start3A_430 = arith.constant 0 : i32
        %dma_start3A_431 = tpu.memref_slice %arg7[%dma_start3A_428, %dma_start3A_429, %dma_start3A_430] : memref<2x4x128xi32, #tpu.memory_space<vmem>> -> memref<1x4x128xi32, #tpu.memory_space<vmem>>
        %dma_start3A_432 = tpu.memref_squeeze %dma_start3A_431 : memref<1x4x128xi32, #tpu.memory_space<vmem>> -> memref<4x128xi32, #tpu.memory_space<vmem>>
        %dma_start3A_433 = arith.constant 0 : i32
        %dma_start3A_434 = tpu.memref_slice %arg3[%add3A_207, %dma_start3A_433] : memref<25088x128xi32, #tpu.memory_space<hbm>> -> memref<4x128xi32, #tpu.memory_space<hbm>>
        %dma_start3A_435 = arith.constant 0 : i32
        %dma_start3A_436 = arith.constant 0 : i32
        %dma_start3A_437 = tpu.memref_slice %arg7[%dma_start3A_428, %dma_start3A_435, %dma_start3A_436] : memref<2x4x128xi32, #tpu.memory_space<vmem>> -> memref<1x4x128xi32, #tpu.memory_space<vmem>>
        %dma_start3A_438 = tpu.memref_squeeze %dma_start3A_437 : memref<1x4x128xi32, #tpu.memory_space<vmem>> -> memref<4x128xi32, #tpu.memory_space<vmem>>
        %dma_start3A_439 = arith.constant 0 : i32
        %dma_start3A_440 = tpu.memref_slice %arg3[%add3A_207, %dma_start3A_439] : memref<25088x128xi32, #tpu.memory_space<hbm>> -> memref<4x128xi32, #tpu.memory_space<hbm>>
        tpu.enqueue_dma source(%dma_start3A_440 : memref<4x128xi32, #tpu.memory_space<hbm>>) target(%dma_start3A_438 : memref<4x128xi32, #tpu.memory_space<vmem>>) target_semaphore(%arg13 : memref<!tpu.dma_semaphore, #tpu.memory_space<semaphore_mem>>)
        %dma_start3A_441 = arith.constant 1 : i32
        %dma_start3A_442 = arith.constant 0 : i32
        %dma_start3A_443 = arith.constant 0 : i32
        %dma_start3A_444 = tpu.memref_slice %arg8[%dma_start3A_441, %dma_start3A_442, %dma_start3A_443] : memref<2x4x128xi32, #tpu.memory_space<vmem>> -> memref<1x4x128xi32, #tpu.memory_space<vmem>>
        %dma_start3A_445 = tpu.memref_squeeze %dma_start3A_444 : memref<1x4x128xi32, #tpu.memory_space<vmem>> -> memref<4x128xi32, #tpu.memory_space<vmem>>
        %dma_start3A_446 = arith.constant 0 : i32
        %dma_start3A_447 = tpu.memref_slice %arg4[%add3A_207, %dma_start3A_446] : memref<25088x128xi32, #tpu.memory_space<hbm>> -> memref<4x128xi32, #tpu.memory_space<hbm>>
        %dma_start3A_448 = arith.constant 0 : i32
        %dma_start3A_449 = arith.constant 0 : i32
        %dma_start3A_450 = tpu.memref_slice %arg8[%dma_start3A_441, %dma_start3A_448, %dma_start3A_449] : memref<2x4x128xi32, #tpu.memory_space<vmem>> -> memref<1x4x128xi32, #tpu.memory_space<vmem>>
        %dma_start3A_451 = tpu.memref_squeeze %dma_start3A_450 : memref<1x4x128xi32, #tpu.memory_space<vmem>> -> memref<4x128xi32, #tpu.memory_space<vmem>>
        %dma_start3A_452 = arith.constant 0 : i32
        %dma_start3A_453 = tpu.memref_slice %arg4[%add3A_207, %dma_start3A_452] : memref<25088x128xi32, #tpu.memory_space<hbm>> -> memref<4x128xi32, #tpu.memory_space<hbm>>
        tpu.enqueue_dma source(%dma_start3A_453 : memref<4x128xi32, #tpu.memory_space<hbm>>) target(%dma_start3A_451 : memref<4x128xi32, #tpu.memory_space<vmem>>) target_semaphore(%arg13 : memref<!tpu.dma_semaphore, #tpu.memory_space<semaphore_mem>>)
      } else {
      }
      %dma_wait3A_211 = arith.constant 0 : i32
      %dma_wait3A_212 = arith.constant 0 : i32
      %dma_wait3A_213 = arith.constant 0 : i32
      %dma_wait3A_214 = tpu.memref_slice %arg9[%dma_wait3A_211, %dma_wait3A_212, %dma_wait3A_213] : memref<2x512x16xf32, #tpu.memory_space<vmem>> -> memref<1x512x16xf32, #tpu.memory_space<vmem>>
      %dma_wait3A_215 = tpu.memref_squeeze %dma_wait3A_214 : memref<1x512x16xf32, #tpu.memory_space<vmem>> -> memref<512x16xf32, #tpu.memory_space<vmem>>
      %dma_wait3A_216 = arith.constant 0 : i32
      %dma_wait3A_217 = arith.constant 0 : i32
      %dma_wait3A_218 = tpu.memref_slice %arg5[%dma_wait3A_216, %dma_wait3A_217] : memref<100352x16xf32, #tpu.memory_space<hbm>> -> memref<512x16xf32, #tpu.memory_space<hbm>>
      %dma_wait3A_219 = arith.constant 0 : i32
      %dma_wait3A_220 = arith.constant 0 : i32
      %dma_wait3A_221 = tpu.memref_slice %arg9[%dma_wait3A_211, %dma_wait3A_219, %dma_wait3A_220] : memref<2x512x16xf32, #tpu.memory_space<vmem>> -> memref<1x512x16xf32, #tpu.memory_space<vmem>>
      %dma_wait3A_222 = tpu.memref_squeeze %dma_wait3A_221 : memref<1x512x16xf32, #tpu.memory_space<vmem>> -> memref<512x16xf32, #tpu.memory_space<vmem>>
      %dma_wait3A_223 = arith.constant 0 : i32
      %dma_wait3A_224 = arith.constant 0 : i32
      %dma_wait3A_225 = tpu.memref_slice %arg5[%dma_wait3A_223, %dma_wait3A_224] : memref<100352x16xf32, #tpu.memory_space<hbm>> -> memref<512x16xf32, #tpu.memory_space<hbm>>
      tpu.wait_dma2 semaphore(%arg14 : memref<!tpu.dma_semaphore, #tpu.memory_space<semaphore_mem>>) src(%dma_wait3A_225 : memref<512x16xf32, #tpu.memory_space<hbm>>) dst(%dma_wait3A_222 : memref<512x16xf32, #tpu.memory_space<vmem>>)
      %dma_start3A_226 = arith.constant 0 : i32
      %dma_start3A_227 = arith.constant 0 : i32
      %dma_start3A_228 = arith.constant 0 : i32
      %dma_start3A_229 = arith.constant 0 : i32
      %dma_start3A_230 = arith.constant 0 : i32
      %dma_start3A_231 = tpu.memref_slice %arg9[%dma_start3A_226, %dma_start3A_229, %dma_start3A_230] : memref<2x512x16xf32, #tpu.memory_space<vmem>> -> memref<1x128x16xf32, #tpu.memory_space<vmem>>
      %dma_start3A_232 = tpu.memref_squeeze %dma_start3A_231 : memref<1x128x16xf32, #tpu.memory_space<vmem>> -> memref<128x16xf32, #tpu.memory_space<vmem>>
      %dma_start3A_233 = arith.constant 0 : i32
      %dma_start3A_234 = arith.constant 0 : i32
      %dma_start3A_235 = tpu.memref_slice %arg8[%dma_start3A_227, %dma_start3A_233, %dma_start3A_234] : memref<2x4x128xi32, #tpu.memory_space<vmem>> -> memref<1x4x128xi32, #tpu.memory_space<vmem>>
      %dma_start3A_236 = tpu.memref_squeeze %dma_start3A_235 : memref<1x4x128xi32, #tpu.memory_space<vmem>> -> memref<4x128xi32, #tpu.memory_space<vmem>>
      %dma_start3A_237 = arith.constant 0 : i32
      %dma_start3A_238 = tpu.memref_slice %dma_start3A_236[%dma_start3A_228, %dma_start3A_237] : memref<4x128xi32, #tpu.memory_space<vmem>> -> memref<1x128xi32, #tpu.memory_space<vmem>>
      %dma_start3A_239 = tpu.memref_squeeze %dma_start3A_238 : memref<1x128xi32, #tpu.memory_space<vmem>> -> memref<128xi32, #tpu.memory_space<vmem>>
      %dma_start3A_240 = arith.constant 0 : i32
      %dma_start3A_241 = arith.constant 0 : i32
      %dma_start3A_242 = tpu.memref_slice %arg11[%dma_start3A_240, %dma_start3A_241] : memref<100352x16xf32, #tpu.memory_space<vmem_shared>> -> memref<100352x16xf32, #tpu.memory_space<vmem_shared>>
      tpu.enqueue_indirect_dma source(%dma_start3A_232 : memref<128x16xf32, #tpu.memory_space<vmem>>) target(%dma_start3A_242 : memref<100352x16xf32, #tpu.memory_space<vmem_shared>>) offsets(%dma_start3A_239 : memref<128xi32, #tpu.memory_space<vmem>>) semaphore(%arg16 : memref<!tpu.dma_semaphore, #tpu.memory_space<semaphore_mem>>) {add = true}
      %dma_start3A_243 = arith.constant 0 : i32
      %dma_start3A_244 = arith.constant 0 : i32
      %dma_start3A_245 = arith.constant 1 : i32
      %dma_start3A_246 = arith.constant 128 : i32
      %dma_start3A_247 = arith.constant 0 : i32
      %dma_start3A_248 = tpu.memref_slice %arg9[%dma_start3A_243, %dma_start3A_246, %dma_start3A_247] : memref<2x512x16xf32, #tpu.memory_space<vmem>> -> memref<1x128x16xf32, #tpu.memory_space<vmem>>
      %dma_start3A_249 = tpu.memref_squeeze %dma_start3A_248 : memref<1x128x16xf32, #tpu.memory_space<vmem>> -> memref<128x16xf32, #tpu.memory_space<vmem>>
      %dma_start3A_250 = arith.constant 0 : i32
      %dma_start3A_251 = arith.constant 0 : i32
      %dma_start3A_252 = tpu.memref_slice %arg8[%dma_start3A_244, %dma_start3A_250, %dma_start3A_251] : memref<2x4x128xi32, #tpu.memory_space<vmem>> -> memref<1x4x128xi32, #tpu.memory_space<vmem>>
      %dma_start3A_253 = tpu.memref_squeeze %dma_start3A_252 : memref<1x4x128xi32, #tpu.memory_space<vmem>> -> memref<4x128xi32, #tpu.memory_space<vmem>>
      %dma_start3A_254 = arith.constant 0 : i32
      %dma_start3A_255 = tpu.memref_slice %dma_start3A_253[%dma_start3A_245, %dma_start3A_254] : memref<4x128xi32, #tpu.memory_space<vmem>> -> memref<1x128xi32, #tpu.memory_space<vmem>>
      %dma_start3A_256 = tpu.memref_squeeze %dma_start3A_255 : memref<1x128xi32, #tpu.memory_space<vmem>> -> memref<128xi32, #tpu.memory_space<vmem>>
      %dma_start3A_257 = arith.constant 0 : i32
      %dma_start3A_258 = arith.constant 0 : i32
      %dma_start3A_259 = tpu.memref_slice %arg11[%dma_start3A_257, %dma_start3A_258] : memref<100352x16xf32, #tpu.memory_space<vmem_shared>> -> memref<100352x16xf32, #tpu.memory_space<vmem_shared>>
      tpu.enqueue_indirect_dma source(%dma_start3A_249 : memref<128x16xf32, #tpu.memory_space<vmem>>) target(%dma_start3A_259 : memref<100352x16xf32, #tpu.memory_space<vmem_shared>>) offsets(%dma_start3A_256 : memref<128xi32, #tpu.memory_space<vmem>>) semaphore(%arg16 : memref<!tpu.dma_semaphore, #tpu.memory_space<semaphore_mem>>) {add = true}
      %dma_start3A_260 = arith.constant 0 : i32
      %dma_start3A_261 = arith.constant 0 : i32
      %dma_start3A_262 = arith.constant 2 : i32
      %dma_start3A_263 = arith.constant 256 : i32
      %dma_start3A_264 = arith.constant 0 : i32
      %dma_start3A_265 = tpu.memref_slice %arg9[%dma_start3A_260, %dma_start3A_263, %dma_start3A_264] : memref<2x512x16xf32, #tpu.memory_space<vmem>> -> memref<1x128x16xf32, #tpu.memory_space<vmem>>
      %dma_start3A_266 = tpu.memref_squeeze %dma_start3A_265 : memref<1x128x16xf32, #tpu.memory_space<vmem>> -> memref<128x16xf32, #tpu.memory_space<vmem>>
      %dma_start3A_267 = arith.constant 0 : i32
      %dma_start3A_268 = arith.constant 0 : i32
      %dma_start3A_269 = tpu.memref_slice %arg8[%dma_start3A_261, %dma_start3A_267, %dma_start3A_268] : memref<2x4x128xi32, #tpu.memory_space<vmem>> -> memref<1x4x128xi32, #tpu.memory_space<vmem>>
      %dma_start3A_270 = tpu.memref_squeeze %dma_start3A_269 : memref<1x4x128xi32, #tpu.memory_space<vmem>> -> memref<4x128xi32, #tpu.memory_space<vmem>>
      %dma_start3A_271 = arith.constant 0 : i32
      %dma_start3A_272 = tpu.memref_slice %dma_start3A_270[%dma_start3A_262, %dma_start3A_271] : memref<4x128xi32, #tpu.memory_space<vmem>> -> memref<1x128xi32, #tpu.memory_space<vmem>>
      %dma_start3A_273 = tpu.memref_squeeze %dma_start3A_272 : memref<1x128xi32, #tpu.memory_space<vmem>> -> memref<128xi32, #tpu.memory_space<vmem>>
      %dma_start3A_274 = arith.constant 0 : i32
      %dma_start3A_275 = arith.constant 0 : i32
      %dma_start3A_276 = tpu.memref_slice %arg11[%dma_start3A_274, %dma_start3A_275] : memref<100352x16xf32, #tpu.memory_space<vmem_shared>> -> memref<100352x16xf32, #tpu.memory_space<vmem_shared>>
      tpu.enqueue_indirect_dma source(%dma_start3A_266 : memref<128x16xf32, #tpu.memory_space<vmem>>) target(%dma_start3A_276 : memref<100352x16xf32, #tpu.memory_space<vmem_shared>>) offsets(%dma_start3A_273 : memref<128xi32, #tpu.memory_space<vmem>>) semaphore(%arg16 : memref<!tpu.dma_semaphore, #tpu.memory_space<semaphore_mem>>) {add = true}
      %dma_start3A_277 = arith.constant 0 : i32
      %dma_start3A_278 = arith.constant 0 : i32
      %dma_start3A_279 = arith.constant 3 : i32
      %dma_start3A_280 = arith.constant 384 : i32
      %dma_start3A_281 = arith.constant 0 : i32
      %dma_start3A_282 = tpu.memref_slice %arg9[%dma_start3A_277, %dma_start3A_280, %dma_start3A_281] : memref<2x512x16xf32, #tpu.memory_space<vmem>> -> memref<1x128x16xf32, #tpu.memory_space<vmem>>
      %dma_start3A_283 = tpu.memref_squeeze %dma_start3A_282 : memref<1x128x16xf32, #tpu.memory_space<vmem>> -> memref<128x16xf32, #tpu.memory_space<vmem>>
      %dma_start3A_284 = arith.constant 0 : i32
      %dma_start3A_285 = arith.constant 0 : i32
      %dma_start3A_286 = tpu.memref_slice %arg8[%dma_start3A_278, %dma_start3A_284, %dma_start3A_285] : memref<2x4x128xi32, #tpu.memory_space<vmem>> -> memref<1x4x128xi32, #tpu.memory_space<vmem>>
      %dma_start3A_287 = tpu.memref_squeeze %dma_start3A_286 : memref<1x4x128xi32, #tpu.memory_space<vmem>> -> memref<4x128xi32, #tpu.memory_space<vmem>>
      %dma_start3A_288 = arith.constant 0 : i32
      %dma_start3A_289 = tpu.memref_slice %dma_start3A_287[%dma_start3A_279, %dma_start3A_288] : memref<4x128xi32, #tpu.memory_space<vmem>> -> memref<1x128xi32, #tpu.memory_space<vmem>>
      %dma_start3A_290 = tpu.memref_squeeze %dma_start3A_289 : memref<1x128xi32, #tpu.memory_space<vmem>> -> memref<128xi32, #tpu.memory_space<vmem>>
      %dma_start3A_291 = arith.constant 0 : i32
      %dma_start3A_292 = arith.constant 0 : i32
      %dma_start3A_293 = tpu.memref_slice %arg11[%dma_start3A_291, %dma_start3A_292] : memref<100352x16xf32, #tpu.memory_space<vmem_shared>> -> memref<100352x16xf32, #tpu.memory_space<vmem_shared>>
      tpu.enqueue_indirect_dma source(%dma_start3A_283 : memref<128x16xf32, #tpu.memory_space<vmem>>) target(%dma_start3A_293 : memref<100352x16xf32, #tpu.memory_space<vmem_shared>>) offsets(%dma_start3A_290 : memref<128xi32, #tpu.memory_space<vmem>>) semaphore(%arg16 : memref<!tpu.dma_semaphore, #tpu.memory_space<semaphore_mem>>) {add = true}
      %lt3A_294 = arith.cmpi slt, %add3A_204, %select_n3A : i32
      %convert_element_type3A_295 = arith.extui %lt3A_294 : i1 to i32
      %cond3A_296 = arith.constant 0 : i32
      %cond3A_297 = arith.cmpi ne, %convert_element_type3A_295, %cond3A_296 : i32
      scf.if %cond3A_297 {
        %dma_wait3A_428 = arith.constant 1 : i32
        %dma_wait3A_429 = arith.constant 0 : i32
        %dma_wait3A_430 = arith.constant 0 : i32
        %dma_wait3A_431 = tpu.memref_slice %arg7[%dma_wait3A_428, %dma_wait3A_429, %dma_wait3A_430] : memref<2x4x128xi32, #tpu.memory_space<vmem>> -> memref<1x4x128xi32, #tpu.memory_space<vmem>>
        %dma_wait3A_432 = tpu.memref_squeeze %dma_wait3A_431 : memref<1x4x128xi32, #tpu.memory_space<vmem>> -> memref<4x128xi32, #tpu.memory_space<vmem>>
        %dma_wait3A_433 = arith.constant 0 : i32
        %dma_wait3A_434 = tpu.memref_slice %arg3[%add3A_207, %dma_wait3A_433] : memref<25088x128xi32, #tpu.memory_space<hbm>> -> memref<4x128xi32, #tpu.memory_space<hbm>>
        %dma_wait3A_435 = arith.constant 0 : i32
        %dma_wait3A_436 = arith.constant 0 : i32
        %dma_wait3A_437 = tpu.memref_slice %arg7[%dma_wait3A_428, %dma_wait3A_435, %dma_wait3A_436] : memref<2x4x128xi32, #tpu.memory_space<vmem>> -> memref<1x4x128xi32, #tpu.memory_space<vmem>>
        %dma_wait3A_438 = tpu.memref_squeeze %dma_wait3A_437 : memref<1x4x128xi32, #tpu.memory_space<vmem>> -> memref<4x128xi32, #tpu.memory_space<vmem>>
        %dma_wait3A_439 = arith.constant 0 : i32
        %dma_wait3A_440 = tpu.memref_slice %arg3[%add3A_207, %dma_wait3A_439] : memref<25088x128xi32, #tpu.memory_space<hbm>> -> memref<4x128xi32, #tpu.memory_space<hbm>>
        tpu.wait_dma2 semaphore(%arg13 : memref<!tpu.dma_semaphore, #tpu.memory_space<semaphore_mem>>) src(%dma_wait3A_440 : memref<4x128xi32, #tpu.memory_space<hbm>>) dst(%dma_wait3A_438 : memref<4x128xi32, #tpu.memory_space<vmem>>)
        %dma_wait3A_441 = arith.constant 1 : i32
        %dma_wait3A_442 = arith.constant 0 : i32
        %dma_wait3A_443 = arith.constant 0 : i32
        %dma_wait3A_444 = tpu.memref_slice %arg8[%dma_wait3A_441, %dma_wait3A_442, %dma_wait3A_443] : memref<2x4x128xi32, #tpu.memory_space<vmem>> -> memref<1x4x128xi32, #tpu.memory_space<vmem>>
        %dma_wait3A_445 = tpu.memref_squeeze %dma_wait3A_444 : memref<1x4x128xi32, #tpu.memory_space<vmem>> -> memref<4x128xi32, #tpu.memory_space<vmem>>
        %dma_wait3A_446 = arith.constant 0 : i32
        %dma_wait3A_447 = tpu.memref_slice %arg4[%add3A_207, %dma_wait3A_446] : memref<25088x128xi32, #tpu.memory_space<hbm>> -> memref<4x128xi32, #tpu.memory_space<hbm>>
        %dma_wait3A_448 = arith.constant 0 : i32
        %dma_wait3A_449 = arith.constant 0 : i32
        %dma_wait3A_450 = tpu.memref_slice %arg8[%dma_wait3A_441, %dma_wait3A_448, %dma_wait3A_449] : memref<2x4x128xi32, #tpu.memory_space<vmem>> -> memref<1x4x128xi32, #tpu.memory_space<vmem>>
        %dma_wait3A_451 = tpu.memref_squeeze %dma_wait3A_450 : memref<1x4x128xi32, #tpu.memory_space<vmem>> -> memref<4x128xi32, #tpu.memory_space<vmem>>
        %dma_wait3A_452 = arith.constant 0 : i32
        %dma_wait3A_453 = tpu.memref_slice %arg4[%add3A_207, %dma_wait3A_452] : memref<25088x128xi32, #tpu.memory_space<hbm>> -> memref<4x128xi32, #tpu.memory_space<hbm>>
        tpu.wait_dma2 semaphore(%arg13 : memref<!tpu.dma_semaphore, #tpu.memory_space<semaphore_mem>>) src(%dma_wait3A_453 : memref<4x128xi32, #tpu.memory_space<hbm>>) dst(%dma_wait3A_451 : memref<4x128xi32, #tpu.memory_space<vmem>>)
        %dma_start3A_454 = arith.constant 1 : i32
        %dma_start3A_455 = arith.constant 0 : i32
        %dma_start3A_456 = arith.constant 1 : i32
        %dma_start3A_457 = arith.constant 0 : i32
        %dma_start3A_458 = arith.constant 0 : i32
        %dma_start3A_459 = tpu.memref_slice %arg9[%dma_start3A_456, %dma_start3A_457, %dma_start3A_458] : memref<2x512x16xf32, #tpu.memory_space<vmem>> -> memref<1x128x16xf32, #tpu.memory_space<vmem>>
        %dma_start3A_460 = tpu.memref_squeeze %dma_start3A_459 : memref<1x128x16xf32, #tpu.memory_space<vmem>> -> memref<128x16xf32, #tpu.memory_space<vmem>>
        %dma_start3A_461 = arith.constant 0 : i32
        %dma_start3A_462 = arith.constant 0 : i32
        %dma_start3A_463 = tpu.memref_slice %arg7[%dma_start3A_454, %dma_start3A_461, %dma_start3A_462] : memref<2x4x128xi32, #tpu.memory_space<vmem>> -> memref<1x4x128xi32, #tpu.memory_space<vmem>>
        %dma_start3A_464 = tpu.memref_squeeze %dma_start3A_463 : memref<1x4x128xi32, #tpu.memory_space<vmem>> -> memref<4x128xi32, #tpu.memory_space<vmem>>
        %dma_start3A_465 = arith.constant 0 : i32
        %dma_start3A_466 = tpu.memref_slice %dma_start3A_464[%dma_start3A_455, %dma_start3A_465] : memref<4x128xi32, #tpu.memory_space<vmem>> -> memref<1x128xi32, #tpu.memory_space<vmem>>
        %dma_start3A_467 = tpu.memref_squeeze %dma_start3A_466 : memref<1x128xi32, #tpu.memory_space<vmem>> -> memref<128xi32, #tpu.memory_space<vmem>>
        %dma_start3A_468 = arith.constant 0 : i32
        %dma_start3A_469 = arith.constant 0 : i32
        %dma_start3A_470 = tpu.memref_slice %arg2[%dma_start3A_468, %dma_start3A_469] : memref<100352x16xf32, #tpu.memory_space<hbm>> -> memref<100352x16xf32, #tpu.memory_space<hbm>>
        tpu.enqueue_indirect_dma source(%dma_start3A_470 : memref<100352x16xf32, #tpu.memory_space<hbm>>) target(%dma_start3A_460 : memref<128x16xf32, #tpu.memory_space<vmem>>) offsets(%dma_start3A_467 : memref<128xi32, #tpu.memory_space<vmem>>) semaphore(%arg15 : memref<!tpu.dma_semaphore, #tpu.memory_space<semaphore_mem>>)
        %dma_start3A_471 = arith.constant 1 : i32
        %dma_start3A_472 = arith.constant 1 : i32
        %dma_start3A_473 = arith.constant 1 : i32
        %dma_start3A_474 = arith.constant 128 : i32
        %dma_start3A_475 = arith.constant 0 : i32
        %dma_start3A_476 = tpu.memref_slice %arg9[%dma_start3A_473, %dma_start3A_474, %dma_start3A_475] : memref<2x512x16xf32, #tpu.memory_space<vmem>> -> memref<1x128x16xf32, #tpu.memory_space<vmem>>
        %dma_start3A_477 = tpu.memref_squeeze %dma_start3A_476 : memref<1x128x16xf32, #tpu.memory_space<vmem>> -> memref<128x16xf32, #tpu.memory_space<vmem>>
        %dma_start3A_478 = arith.constant 0 : i32
        %dma_start3A_479 = arith.constant 0 : i32
        %dma_start3A_480 = tpu.memref_slice %arg7[%dma_start3A_471, %dma_start3A_478, %dma_start3A_479] : memref<2x4x128xi32, #tpu.memory_space<vmem>> -> memref<1x4x128xi32, #tpu.memory_space<vmem>>
        %dma_start3A_481 = tpu.memref_squeeze %dma_start3A_480 : memref<1x4x128xi32, #tpu.memory_space<vmem>> -> memref<4x128xi32, #tpu.memory_space<vmem>>
        %dma_start3A_482 = arith.constant 0 : i32
        %dma_start3A_483 = tpu.memref_slice %dma_start3A_481[%dma_start3A_472, %dma_start3A_482] : memref<4x128xi32, #tpu.memory_space<vmem>> -> memref<1x128xi32, #tpu.memory_space<vmem>>
        %dma_start3A_484 = tpu.memref_squeeze %dma_start3A_483 : memref<1x128xi32, #tpu.memory_space<vmem>> -> memref<128xi32, #tpu.memory_space<vmem>>
        %dma_start3A_485 = arith.constant 0 : i32
        %dma_start3A_486 = arith.constant 0 : i32
        %dma_start3A_487 = tpu.memref_slice %arg2[%dma_start3A_485, %dma_start3A_486] : memref<100352x16xf32, #tpu.memory_space<hbm>> -> memref<100352x16xf32, #tpu.memory_space<hbm>>
        tpu.enqueue_indirect_dma source(%dma_start3A_487 : memref<100352x16xf32, #tpu.memory_space<hbm>>) target(%dma_start3A_477 : memref<128x16xf32, #tpu.memory_space<vmem>>) offsets(%dma_start3A_484 : memref<128xi32, #tpu.memory_space<vmem>>) semaphore(%arg15 : memref<!tpu.dma_semaphore, #tpu.memory_space<semaphore_mem>>)
        %dma_start3A_488 = arith.constant 1 : i32
        %dma_start3A_489 = arith.constant 2 : i32
        %dma_start3A_490 = arith.constant 1 : i32
        %dma_start3A_491 = arith.constant 256 : i32
        %dma_start3A_492 = arith.constant 0 : i32
        %dma_start3A_493 = tpu.memref_slice %arg9[%dma_start3A_490, %dma_start3A_491, %dma_start3A_492] : memref<2x512x16xf32, #tpu.memory_space<vmem>> -> memref<1x128x16xf32, #tpu.memory_space<vmem>>
        %dma_start3A_494 = tpu.memref_squeeze %dma_start3A_493 : memref<1x128x16xf32, #tpu.memory_space<vmem>> -> memref<128x16xf32, #tpu.memory_space<vmem>>
        %dma_start3A_495 = arith.constant 0 : i32
        %dma_start3A_496 = arith.constant 0 : i32
        %dma_start3A_497 = tpu.memref_slice %arg7[%dma_start3A_488, %dma_start3A_495, %dma_start3A_496] : memref<2x4x128xi32, #tpu.memory_space<vmem>> -> memref<1x4x128xi32, #tpu.memory_space<vmem>>
        %dma_start3A_498 = tpu.memref_squeeze %dma_start3A_497 : memref<1x4x128xi32, #tpu.memory_space<vmem>> -> memref<4x128xi32, #tpu.memory_space<vmem>>
        %dma_start3A_499 = arith.constant 0 : i32
        %dma_start3A_500 = tpu.memref_slice %dma_start3A_498[%dma_start3A_489, %dma_start3A_499] : memref<4x128xi32, #tpu.memory_space<vmem>> -> memref<1x128xi32, #tpu.memory_space<vmem>>
        %dma_start3A_501 = tpu.memref_squeeze %dma_start3A_500 : memref<1x128xi32, #tpu.memory_space<vmem>> -> memref<128xi32, #tpu.memory_space<vmem>>
        %dma_start3A_502 = arith.constant 0 : i32
        %dma_start3A_503 = arith.constant 0 : i32
        %dma_start3A_504 = tpu.memref_slice %arg2[%dma_start3A_502, %dma_start3A_503] : memref<100352x16xf32, #tpu.memory_space<hbm>> -> memref<100352x16xf32, #tpu.memory_space<hbm>>
        tpu.enqueue_indirect_dma source(%dma_start3A_504 : memref<100352x16xf32, #tpu.memory_space<hbm>>) target(%dma_start3A_494 : memref<128x16xf32, #tpu.memory_space<vmem>>) offsets(%dma_start3A_501 : memref<128xi32, #tpu.memory_space<vmem>>) semaphore(%arg15 : memref<!tpu.dma_semaphore, #tpu.memory_space<semaphore_mem>>)
        %dma_start3A_505 = arith.constant 1 : i32
        %dma_start3A_506 = arith.constant 3 : i32
        %dma_start3A_507 = arith.constant 1 : i32
        %dma_start3A_508 = arith.constant 384 : i32
        %dma_start3A_509 = arith.constant 0 : i32
        %dma_start3A_510 = tpu.memref_slice %arg9[%dma_start3A_507, %dma_start3A_508, %dma_start3A_509] : memref<2x512x16xf32, #tpu.memory_space<vmem>> -> memref<1x128x16xf32, #tpu.memory_space<vmem>>
        %dma_start3A_511 = tpu.memref_squeeze %dma_start3A_510 : memref<1x128x16xf32, #tpu.memory_space<vmem>> -> memref<128x16xf32, #tpu.memory_space<vmem>>
        %dma_start3A_512 = arith.constant 0 : i32
        %dma_start3A_513 = arith.constant 0 : i32
        %dma_start3A_514 = tpu.memref_slice %arg7[%dma_start3A_505, %dma_start3A_512, %dma_start3A_513] : memref<2x4x128xi32, #tpu.memory_space<vmem>> -> memref<1x4x128xi32, #tpu.memory_space<vmem>>
        %dma_start3A_515 = tpu.memref_squeeze %dma_start3A_514 : memref<1x4x128xi32, #tpu.memory_space<vmem>> -> memref<4x128xi32, #tpu.memory_space<vmem>>
        %dma_start3A_516 = arith.constant 0 : i32
        %dma_start3A_517 = tpu.memref_slice %dma_start3A_515[%dma_start3A_506, %dma_start3A_516] : memref<4x128xi32, #tpu.memory_space<vmem>> -> memref<1x128xi32, #tpu.memory_space<vmem>>
        %dma_start3A_518 = tpu.memref_squeeze %dma_start3A_517 : memref<1x128xi32, #tpu.memory_space<vmem>> -> memref<128xi32, #tpu.memory_space<vmem>>
        %dma_start3A_519 = arith.constant 0 : i32
        %dma_start3A_520 = arith.constant 0 : i32
        %dma_start3A_521 = tpu.memref_slice %arg2[%dma_start3A_519, %dma_start3A_520] : memref<100352x16xf32, #tpu.memory_space<hbm>> -> memref<100352x16xf32, #tpu.memory_space<hbm>>
        tpu.enqueue_indirect_dma source(%dma_start3A_521 : memref<100352x16xf32, #tpu.memory_space<hbm>>) target(%dma_start3A_511 : memref<128x16xf32, #tpu.memory_space<vmem>>) offsets(%dma_start3A_518 : memref<128xi32, #tpu.memory_space<vmem>>) semaphore(%arg15 : memref<!tpu.dma_semaphore, #tpu.memory_space<semaphore_mem>>)
      } else {
      }
      %dma_wait3A_298 = arith.constant 0 : i32
      %dma_wait3A_299 = arith.constant 0 : i32
      %dma_wait3A_300 = arith.constant 0 : i32
      %dma_wait3A_301 = tpu.memref_slice %arg9[%dma_wait3A_298, %dma_wait3A_299, %dma_wait3A_300] : memref<2x512x16xf32, #tpu.memory_space<vmem>> -> memref<1x512x16xf32, #tpu.memory_space<vmem>>
      %dma_wait3A_302 = tpu.memref_squeeze %dma_wait3A_301 : memref<1x512x16xf32, #tpu.memory_space<vmem>> -> memref<512x16xf32, #tpu.memory_space<vmem>>
      %dma_wait3A_303 = arith.constant 0 : i32
      %dma_wait3A_304 = arith.constant 0 : i32
      %dma_wait3A_305 = tpu.memref_slice %arg11[%dma_wait3A_303, %dma_wait3A_304] : memref<100352x16xf32, #tpu.memory_space<vmem_shared>> -> memref<512x16xf32, #tpu.memory_space<vmem_shared>>
      %dma_wait3A_306 = arith.constant 0 : i32
      %dma_wait3A_307 = arith.constant 0 : i32
      %dma_wait3A_308 = tpu.memref_slice %arg11[%dma_wait3A_306, %dma_wait3A_307] : memref<100352x16xf32, #tpu.memory_space<vmem_shared>> -> memref<512x16xf32, #tpu.memory_space<vmem_shared>>
      %dma_wait3A_309 = arith.constant 0 : i32
      %dma_wait3A_310 = arith.constant 0 : i32
      %dma_wait3A_311 = tpu.memref_slice %arg9[%dma_wait3A_298, %dma_wait3A_309, %dma_wait3A_310] : memref<2x512x16xf32, #tpu.memory_space<vmem>> -> memref<1x512x16xf32, #tpu.memory_space<vmem>>
      %dma_wait3A_312 = tpu.memref_squeeze %dma_wait3A_311 : memref<1x512x16xf32, #tpu.memory_space<vmem>> -> memref<512x16xf32, #tpu.memory_space<vmem>>
      tpu.wait_dma2 semaphore(%arg16 : memref<!tpu.dma_semaphore, #tpu.memory_space<semaphore_mem>>) src(%dma_wait3A_312 : memref<512x16xf32, #tpu.memory_space<vmem>>) dst(%dma_wait3A_308 : memref<512x16xf32, #tpu.memory_space<vmem_shared>>)
      %mul3A_313 = arith.constant 2 : i32
      %mul3A_314 = arith.muli %while3A_198, %mul3A_313 : i32
      %add3A_315 = arith.constant 1 : i32
      %add3A_316 = arith.addi %mul3A_314, %add3A_315 : i32
      %add3A_317 = arith.constant 1 : i32
      %add3A_318 = arith.addi %add3A_316, %add3A_317 : i32
      %mul3A_319 = arith.constant 4 : i32
      %mul3A_320 = arith.muli %add3A_318, %mul3A_319 : i32
      %add3A_321 = arith.addi %mul3A_10, %mul3A_320 : i32
      %lt3A_322 = arith.cmpi slt, %add3A_318, %select_n3A : i32
      %convert_element_type3A_323 = arith.extui %lt3A_322 : i1 to i32
      %cond3A_324 = arith.constant 0 : i32
      %cond3A_325 = arith.cmpi ne, %convert_element_type3A_323, %cond3A_324 : i32
      scf.if %cond3A_325 {
        %dma_start3A_428 = arith.constant 0 : i32
        %dma_start3A_429 = arith.constant 0 : i32
        %dma_start3A_430 = arith.constant 0 : i32
        %dma_start3A_431 = tpu.memref_slice %arg7[%dma_start3A_428, %dma_start3A_429, %dma_start3A_430] : memref<2x4x128xi32, #tpu.memory_space<vmem>> -> memref<1x4x128xi32, #tpu.memory_space<vmem>>
        %dma_start3A_432 = tpu.memref_squeeze %dma_start3A_431 : memref<1x4x128xi32, #tpu.memory_space<vmem>> -> memref<4x128xi32, #tpu.memory_space<vmem>>
        %dma_start3A_433 = arith.constant 0 : i32
        %dma_start3A_434 = tpu.memref_slice %arg3[%add3A_321, %dma_start3A_433] : memref<25088x128xi32, #tpu.memory_space<hbm>> -> memref<4x128xi32, #tpu.memory_space<hbm>>
        %dma_start3A_435 = arith.constant 0 : i32
        %dma_start3A_436 = arith.constant 0 : i32
        %dma_start3A_437 = tpu.memref_slice %arg7[%dma_start3A_428, %dma_start3A_435, %dma_start3A_436] : memref<2x4x128xi32, #tpu.memory_space<vmem>> -> memref<1x4x128xi32, #tpu.memory_space<vmem>>
        %dma_start3A_438 = tpu.memref_squeeze %dma_start3A_437 : memref<1x4x128xi32, #tpu.memory_space<vmem>> -> memref<4x128xi32, #tpu.memory_space<vmem>>
        %dma_start3A_439 = arith.constant 0 : i32
        %dma_start3A_440 = tpu.memref_slice %arg3[%add3A_321, %dma_start3A_439] : memref<25088x128xi32, #tpu.memory_space<hbm>> -> memref<4x128xi32, #tpu.memory_space<hbm>>
        tpu.enqueue_dma source(%dma_start3A_440 : memref<4x128xi32, #tpu.memory_space<hbm>>) target(%dma_start3A_438 : memref<4x128xi32, #tpu.memory_space<vmem>>) target_semaphore(%arg12 : memref<!tpu.dma_semaphore, #tpu.memory_space<semaphore_mem>>)
        %dma_start3A_441 = arith.constant 0 : i32
        %dma_start3A_442 = arith.constant 0 : i32
        %dma_start3A_443 = arith.constant 0 : i32
        %dma_start3A_444 = tpu.memref_slice %arg8[%dma_start3A_441, %dma_start3A_442, %dma_start3A_443] : memref<2x4x128xi32, #tpu.memory_space<vmem>> -> memref<1x4x128xi32, #tpu.memory_space<vmem>>
        %dma_start3A_445 = tpu.memref_squeeze %dma_start3A_444 : memref<1x4x128xi32, #tpu.memory_space<vmem>> -> memref<4x128xi32, #tpu.memory_space<vmem>>
        %dma_start3A_446 = arith.constant 0 : i32
        %dma_start3A_447 = tpu.memref_slice %arg4[%add3A_321, %dma_start3A_446] : memref<25088x128xi32, #tpu.memory_space<hbm>> -> memref<4x128xi32, #tpu.memory_space<hbm>>
        %dma_start3A_448 = arith.constant 0 : i32
        %dma_start3A_449 = arith.constant 0 : i32
        %dma_start3A_450 = tpu.memref_slice %arg8[%dma_start3A_441, %dma_start3A_448, %dma_start3A_449] : memref<2x4x128xi32, #tpu.memory_space<vmem>> -> memref<1x4x128xi32, #tpu.memory_space<vmem>>
        %dma_start3A_451 = tpu.memref_squeeze %dma_start3A_450 : memref<1x4x128xi32, #tpu.memory_space<vmem>> -> memref<4x128xi32, #tpu.memory_space<vmem>>
        %dma_start3A_452 = arith.constant 0 : i32
        %dma_start3A_453 = tpu.memref_slice %arg4[%add3A_321, %dma_start3A_452] : memref<25088x128xi32, #tpu.memory_space<hbm>> -> memref<4x128xi32, #tpu.memory_space<hbm>>
        tpu.enqueue_dma source(%dma_start3A_453 : memref<4x128xi32, #tpu.memory_space<hbm>>) target(%dma_start3A_451 : memref<4x128xi32, #tpu.memory_space<vmem>>) target_semaphore(%arg12 : memref<!tpu.dma_semaphore, #tpu.memory_space<semaphore_mem>>)
      } else {
      }
      %dma_wait3A_326 = arith.constant 1 : i32
      %dma_wait3A_327 = arith.constant 0 : i32
      %dma_wait3A_328 = arith.constant 0 : i32
      %dma_wait3A_329 = tpu.memref_slice %arg9[%dma_wait3A_326, %dma_wait3A_327, %dma_wait3A_328] : memref<2x512x16xf32, #tpu.memory_space<vmem>> -> memref<1x512x16xf32, #tpu.memory_space<vmem>>
      %dma_wait3A_330 = tpu.memref_squeeze %dma_wait3A_329 : memref<1x512x16xf32, #tpu.memory_space<vmem>> -> memref<512x16xf32, #tpu.memory_space<vmem>>
      %dma_wait3A_331 = arith.constant 0 : i32
      %dma_wait3A_332 = arith.constant 0 : i32
      %dma_wait3A_333 = tpu.memref_slice %arg5[%dma_wait3A_331, %dma_wait3A_332] : memref<100352x16xf32, #tpu.memory_space<hbm>> -> memref<512x16xf32, #tpu.memory_space<hbm>>
      %dma_wait3A_334 = arith.constant 0 : i32
      %dma_wait3A_335 = arith.constant 0 : i32
      %dma_wait3A_336 = tpu.memref_slice %arg9[%dma_wait3A_326, %dma_wait3A_334, %dma_wait3A_335] : memref<2x512x16xf32, #tpu.memory_space<vmem>> -> memref<1x512x16xf32, #tpu.memory_space<vmem>>
      %dma_wait3A_337 = tpu.memref_squeeze %dma_wait3A_336 : memref<1x512x16xf32, #tpu.memory_space<vmem>> -> memref<512x16xf32, #tpu.memory_space<vmem>>
      %dma_wait3A_338 = arith.constant 0 : i32
      %dma_wait3A_339 = arith.constant 0 : i32
      %dma_wait3A_340 = tpu.memref_slice %arg5[%dma_wait3A_338, %dma_wait3A_339] : memref<100352x16xf32, #tpu.memory_space<hbm>> -> memref<512x16xf32, #tpu.memory_space<hbm>>
      tpu.wait_dma2 semaphore(%arg15 : memref<!tpu.dma_semaphore, #tpu.memory_space<semaphore_mem>>) src(%dma_wait3A_340 : memref<512x16xf32, #tpu.memory_space<hbm>>) dst(%dma_wait3A_337 : memref<512x16xf32, #tpu.memory_space<vmem>>)
      %dma_start3A_341 = arith.constant 1 : i32
      %dma_start3A_342 = arith.constant 1 : i32
      %dma_start3A_343 = arith.constant 0 : i32
      %dma_start3A_344 = arith.constant 0 : i32
      %dma_start3A_345 = arith.constant 0 : i32
      %dma_start3A_346 = tpu.memref_slice %arg9[%dma_start3A_341, %dma_start3A_344, %dma_start3A_345] : memref<2x512x16xf32, #tpu.memory_space<vmem>> -> memref<1x128x16xf32, #tpu.memory_space<vmem>>
      %dma_start3A_347 = tpu.memref_squeeze %dma_start3A_346 : memref<1x128x16xf32, #tpu.memory_space<vmem>> -> memref<128x16xf32, #tpu.memory_space<vmem>>
      %dma_start3A_348 = arith.constant 0 : i32
      %dma_start3A_349 = arith.constant 0 : i32
      %dma_start3A_350 = tpu.memref_slice %arg8[%dma_start3A_342, %dma_start3A_348, %dma_start3A_349] : memref<2x4x128xi32, #tpu.memory_space<vmem>> -> memref<1x4x128xi32, #tpu.memory_space<vmem>>
      %dma_start3A_351 = tpu.memref_squeeze %dma_start3A_350 : memref<1x4x128xi32, #tpu.memory_space<vmem>> -> memref<4x128xi32, #tpu.memory_space<vmem>>
      %dma_start3A_352 = arith.constant 0 : i32
      %dma_start3A_353 = tpu.memref_slice %dma_start3A_351[%dma_start3A_343, %dma_start3A_352] : memref<4x128xi32, #tpu.memory_space<vmem>> -> memref<1x128xi32, #tpu.memory_space<vmem>>
      %dma_start3A_354 = tpu.memref_squeeze %dma_start3A_353 : memref<1x128xi32, #tpu.memory_space<vmem>> -> memref<128xi32, #tpu.memory_space<vmem>>
      %dma_start3A_355 = arith.constant 0 : i32
      %dma_start3A_356 = arith.constant 0 : i32
      %dma_start3A_357 = tpu.memref_slice %arg11[%dma_start3A_355, %dma_start3A_356] : memref<100352x16xf32, #tpu.memory_space<vmem_shared>> -> memref<100352x16xf32, #tpu.memory_space<vmem_shared>>
      tpu.enqueue_indirect_dma source(%dma_start3A_347 : memref<128x16xf32, #tpu.memory_space<vmem>>) target(%dma_start3A_357 : memref<100352x16xf32, #tpu.memory_space<vmem_shared>>) offsets(%dma_start3A_354 : memref<128xi32, #tpu.memory_space<vmem>>) semaphore(%arg17 : memref<!tpu.dma_semaphore, #tpu.memory_space<semaphore_mem>>) {add = true}
      %dma_start3A_358 = arith.constant 1 : i32
      %dma_start3A_359 = arith.constant 1 : i32
      %dma_start3A_360 = arith.constant 1 : i32
      %dma_start3A_361 = arith.constant 128 : i32
      %dma_start3A_362 = arith.constant 0 : i32
      %dma_start3A_363 = tpu.memref_slice %arg9[%dma_start3A_358, %dma_start3A_361, %dma_start3A_362] : memref<2x512x16xf32, #tpu.memory_space<vmem>> -> memref<1x128x16xf32, #tpu.memory_space<vmem>>
      %dma_start3A_364 = tpu.memref_squeeze %dma_start3A_363 : memref<1x128x16xf32, #tpu.memory_space<vmem>> -> memref<128x16xf32, #tpu.memory_space<vmem>>
      %dma_start3A_365 = arith.constant 0 : i32
      %dma_start3A_366 = arith.constant 0 : i32
      %dma_start3A_367 = tpu.memref_slice %arg8[%dma_start3A_359, %dma_start3A_365, %dma_start3A_366] : memref<2x4x128xi32, #tpu.memory_space<vmem>> -> memref<1x4x128xi32, #tpu.memory_space<vmem>>
      %dma_start3A_368 = tpu.memref_squeeze %dma_start3A_367 : memref<1x4x128xi32, #tpu.memory_space<vmem>> -> memref<4x128xi32, #tpu.memory_space<vmem>>
      %dma_start3A_369 = arith.constant 0 : i32
      %dma_start3A_370 = tpu.memref_slice %dma_start3A_368[%dma_start3A_360, %dma_start3A_369] : memref<4x128xi32, #tpu.memory_space<vmem>> -> memref<1x128xi32, #tpu.memory_space<vmem>>
      %dma_start3A_371 = tpu.memref_squeeze %dma_start3A_370 : memref<1x128xi32, #tpu.memory_space<vmem>> -> memref<128xi32, #tpu.memory_space<vmem>>
      %dma_start3A_372 = arith.constant 0 : i32
      %dma_start3A_373 = arith.constant 0 : i32
      %dma_start3A_374 = tpu.memref_slice %arg11[%dma_start3A_372, %dma_start3A_373] : memref<100352x16xf32, #tpu.memory_space<vmem_shared>> -> memref<100352x16xf32, #tpu.memory_space<vmem_shared>>
      tpu.enqueue_indirect_dma source(%dma_start3A_364 : memref<128x16xf32, #tpu.memory_space<vmem>>) target(%dma_start3A_374 : memref<100352x16xf32, #tpu.memory_space<vmem_shared>>) offsets(%dma_start3A_371 : memref<128xi32, #tpu.memory_space<vmem>>) semaphore(%arg17 : memref<!tpu.dma_semaphore, #tpu.memory_space<semaphore_mem>>) {add = true}
      %dma_start3A_375 = arith.constant 1 : i32
      %dma_start3A_376 = arith.constant 1 : i32
      %dma_start3A_377 = arith.constant 2 : i32
      %dma_start3A_378 = arith.constant 256 : i32
      %dma_start3A_379 = arith.constant 0 : i32
      %dma_start3A_380 = tpu.memref_slice %arg9[%dma_start3A_375, %dma_start3A_378, %dma_start3A_379] : memref<2x512x16xf32, #tpu.memory_space<vmem>> -> memref<1x128x16xf32, #tpu.memory_space<vmem>>
      %dma_start3A_381 = tpu.memref_squeeze %dma_start3A_380 : memref<1x128x16xf32, #tpu.memory_space<vmem>> -> memref<128x16xf32, #tpu.memory_space<vmem>>
      %dma_start3A_382 = arith.constant 0 : i32
      %dma_start3A_383 = arith.constant 0 : i32
      %dma_start3A_384 = tpu.memref_slice %arg8[%dma_start3A_376, %dma_start3A_382, %dma_start3A_383] : memref<2x4x128xi32, #tpu.memory_space<vmem>> -> memref<1x4x128xi32, #tpu.memory_space<vmem>>
      %dma_start3A_385 = tpu.memref_squeeze %dma_start3A_384 : memref<1x4x128xi32, #tpu.memory_space<vmem>> -> memref<4x128xi32, #tpu.memory_space<vmem>>
      %dma_start3A_386 = arith.constant 0 : i32
      %dma_start3A_387 = tpu.memref_slice %dma_start3A_385[%dma_start3A_377, %dma_start3A_386] : memref<4x128xi32, #tpu.memory_space<vmem>> -> memref<1x128xi32, #tpu.memory_space<vmem>>
      %dma_start3A_388 = tpu.memref_squeeze %dma_start3A_387 : memref<1x128xi32, #tpu.memory_space<vmem>> -> memref<128xi32, #tpu.memory_space<vmem>>
      %dma_start3A_389 = arith.constant 0 : i32
      %dma_start3A_390 = arith.constant 0 : i32
      %dma_start3A_391 = tpu.memref_slice %arg11[%dma_start3A_389, %dma_start3A_390] : memref<100352x16xf32, #tpu.memory_space<vmem_shared>> -> memref<100352x16xf32, #tpu.memory_space<vmem_shared>>
      tpu.enqueue_indirect_dma source(%dma_start3A_381 : memref<128x16xf32, #tpu.memory_space<vmem>>) target(%dma_start3A_391 : memref<100352x16xf32, #tpu.memory_space<vmem_shared>>) offsets(%dma_start3A_388 : memref<128xi32, #tpu.memory_space<vmem>>) semaphore(%arg17 : memref<!tpu.dma_semaphore, #tpu.memory_space<semaphore_mem>>) {add = true}
      %dma_start3A_392 = arith.constant 1 : i32
      %dma_start3A_393 = arith.constant 1 : i32
      %dma_start3A_394 = arith.constant 3 : i32
      %dma_start3A_395 = arith.constant 384 : i32
      %dma_start3A_396 = arith.constant 0 : i32
      %dma_start3A_397 = tpu.memref_slice %arg9[%dma_start3A_392, %dma_start3A_395, %dma_start3A_396] : memref<2x512x16xf32, #tpu.memory_space<vmem>> -> memref<1x128x16xf32, #tpu.memory_space<vmem>>
      %dma_start3A_398 = tpu.memref_squeeze %dma_start3A_397 : memref<1x128x16xf32, #tpu.memory_space<vmem>> -> memref<128x16xf32, #tpu.memory_space<vmem>>
      %dma_start3A_399 = arith.constant 0 : i32
      %dma_start3A_400 = arith.constant 0 : i32
      %dma_start3A_401 = tpu.memref_slice %arg8[%dma_start3A_393, %dma_start3A_399, %dma_start3A_400] : memref<2x4x128xi32, #tpu.memory_space<vmem>> -> memref<1x4x128xi32, #tpu.memory_space<vmem>>
      %dma_start3A_402 = tpu.memref_squeeze %dma_start3A_401 : memref<1x4x128xi32, #tpu.memory_space<vmem>> -> memref<4x128xi32, #tpu.memory_space<vmem>>
      %dma_start3A_403 = arith.constant 0 : i32
      %dma_start3A_404 = tpu.memref_slice %dma_start3A_402[%dma_start3A_394, %dma_start3A_403] : memref<4x128xi32, #tpu.memory_space<vmem>> -> memref<1x128xi32, #tpu.memory_space<vmem>>
      %dma_start3A_405 = tpu.memref_squeeze %dma_start3A_404 : memref<1x128xi32, #tpu.memory_space<vmem>> -> memref<128xi32, #tpu.memory_space<vmem>>
      %dma_start3A_406 = arith.constant 0 : i32
      %dma_start3A_407 = arith.constant 0 : i32
      %dma_start3A_408 = tpu.memref_slice %arg11[%dma_start3A_406, %dma_start3A_407] : memref<100352x16xf32, #tpu.memory_space<vmem_shared>> -> memref<100352x16xf32, #tpu.memory_space<vmem_shared>>
      tpu.enqueue_indirect_dma source(%dma_start3A_398 : memref<128x16xf32, #tpu.memory_space<vmem>>) target(%dma_start3A_408 : memref<100352x16xf32, #tpu.memory_space<vmem_shared>>) offsets(%dma_start3A_405 : memref<128xi32, #tpu.memory_space<vmem>>) semaphore(%arg17 : memref<!tpu.dma_semaphore, #tpu.memory_space<semaphore_mem>>) {add = true}
      %lt3A_409 = arith.cmpi slt, %add3A_318, %select_n3A : i32
      %convert_element_type3A_410 = arith.extui %lt3A_409 : i1 to i32
      %cond3A_411 = arith.constant 0 : i32
      %cond3A_412 = arith.cmpi ne, %convert_element_type3A_410, %cond3A_411 : i32
      scf.if %cond3A_412 {
        %dma_wait3A_428 = arith.constant 0 : i32
        %dma_wait3A_429 = arith.constant 0 : i32
        %dma_wait3A_430 = arith.constant 0 : i32
        %dma_wait3A_431 = tpu.memref_slice %arg7[%dma_wait3A_428, %dma_wait3A_429, %dma_wait3A_430] : memref<2x4x128xi32, #tpu.memory_space<vmem>> -> memref<1x4x128xi32, #tpu.memory_space<vmem>>
        %dma_wait3A_432 = tpu.memref_squeeze %dma_wait3A_431 : memref<1x4x128xi32, #tpu.memory_space<vmem>> -> memref<4x128xi32, #tpu.memory_space<vmem>>
        %dma_wait3A_433 = arith.constant 0 : i32
        %dma_wait3A_434 = tpu.memref_slice %arg3[%add3A_321, %dma_wait3A_433] : memref<25088x128xi32, #tpu.memory_space<hbm>> -> memref<4x128xi32, #tpu.memory_space<hbm>>
        %dma_wait3A_435 = arith.constant 0 : i32
        %dma_wait3A_436 = arith.constant 0 : i32
        %dma_wait3A_437 = tpu.memref_slice %arg7[%dma_wait3A_428, %dma_wait3A_435, %dma_wait3A_436] : memref<2x4x128xi32, #tpu.memory_space<vmem>> -> memref<1x4x128xi32, #tpu.memory_space<vmem>>
        %dma_wait3A_438 = tpu.memref_squeeze %dma_wait3A_437 : memref<1x4x128xi32, #tpu.memory_space<vmem>> -> memref<4x128xi32, #tpu.memory_space<vmem>>
        %dma_wait3A_439 = arith.constant 0 : i32
        %dma_wait3A_440 = tpu.memref_slice %arg3[%add3A_321, %dma_wait3A_439] : memref<25088x128xi32, #tpu.memory_space<hbm>> -> memref<4x128xi32, #tpu.memory_space<hbm>>
        tpu.wait_dma2 semaphore(%arg12 : memref<!tpu.dma_semaphore, #tpu.memory_space<semaphore_mem>>) src(%dma_wait3A_440 : memref<4x128xi32, #tpu.memory_space<hbm>>) dst(%dma_wait3A_438 : memref<4x128xi32, #tpu.memory_space<vmem>>)
        %dma_wait3A_441 = arith.constant 0 : i32
        %dma_wait3A_442 = arith.constant 0 : i32
        %dma_wait3A_443 = arith.constant 0 : i32
        %dma_wait3A_444 = tpu.memref_slice %arg8[%dma_wait3A_441, %dma_wait3A_442, %dma_wait3A_443] : memref<2x4x128xi32, #tpu.memory_space<vmem>> -> memref<1x4x128xi32, #tpu.memory_space<vmem>>
        %dma_wait3A_445 = tpu.memref_squeeze %dma_wait3A_444 : memref<1x4x128xi32, #tpu.memory_space<vmem>> -> memref<4x128xi32, #tpu.memory_space<vmem>>
        %dma_wait3A_446 = arith.constant 0 : i32
        %dma_wait3A_447 = tpu.memref_slice %arg4[%add3A_321, %dma_wait3A_446] : memref<25088x128xi32, #tpu.memory_space<hbm>> -> memref<4x128xi32, #tpu.memory_space<hbm>>
        %dma_wait3A_448 = arith.constant 0 : i32
        %dma_wait3A_449 = arith.constant 0 : i32
        %dma_wait3A_450 = tpu.memref_slice %arg8[%dma_wait3A_441, %dma_wait3A_448, %dma_wait3A_449] : memref<2x4x128xi32, #tpu.memory_space<vmem>> -> memref<1x4x128xi32, #tpu.memory_space<vmem>>
        %dma_wait3A_451 = tpu.memref_squeeze %dma_wait3A_450 : memref<1x4x128xi32, #tpu.memory_space<vmem>> -> memref<4x128xi32, #tpu.memory_space<vmem>>
        %dma_wait3A_452 = arith.constant 0 : i32
        %dma_wait3A_453 = tpu.memref_slice %arg4[%add3A_321, %dma_wait3A_452] : memref<25088x128xi32, #tpu.memory_space<hbm>> -> memref<4x128xi32, #tpu.memory_space<hbm>>
        tpu.wait_dma2 semaphore(%arg12 : memref<!tpu.dma_semaphore, #tpu.memory_space<semaphore_mem>>) src(%dma_wait3A_453 : memref<4x128xi32, #tpu.memory_space<hbm>>) dst(%dma_wait3A_451 : memref<4x128xi32, #tpu.memory_space<vmem>>)
        %dma_start3A_454 = arith.constant 0 : i32
        %dma_start3A_455 = arith.constant 0 : i32
        %dma_start3A_456 = arith.constant 0 : i32
        %dma_start3A_457 = arith.constant 0 : i32
        %dma_start3A_458 = arith.constant 0 : i32
        %dma_start3A_459 = tpu.memref_slice %arg9[%dma_start3A_456, %dma_start3A_457, %dma_start3A_458] : memref<2x512x16xf32, #tpu.memory_space<vmem>> -> memref<1x128x16xf32, #tpu.memory_space<vmem>>
        %dma_start3A_460 = tpu.memref_squeeze %dma_start3A_459 : memref<1x128x16xf32, #tpu.memory_space<vmem>> -> memref<128x16xf32, #tpu.memory_space<vmem>>
        %dma_start3A_461 = arith.constant 0 : i32
        %dma_start3A_462 = arith.constant 0 : i32
        %dma_start3A_463 = tpu.memref_slice %arg7[%dma_start3A_454, %dma_start3A_461, %dma_start3A_462] : memref<2x4x128xi32, #tpu.memory_space<vmem>> -> memref<1x4x128xi32, #tpu.memory_space<vmem>>
        %dma_start3A_464 = tpu.memref_squeeze %dma_start3A_463 : memref<1x4x128xi32, #tpu.memory_space<vmem>> -> memref<4x128xi32, #tpu.memory_space<vmem>>
        %dma_start3A_465 = arith.constant 0 : i32
        %dma_start3A_466 = tpu.memref_slice %dma_start3A_464[%dma_start3A_455, %dma_start3A_465] : memref<4x128xi32, #tpu.memory_space<vmem>> -> memref<1x128xi32, #tpu.memory_space<vmem>>
        %dma_start3A_467 = tpu.memref_squeeze %dma_start3A_466 : memref<1x128xi32, #tpu.memory_space<vmem>> -> memref<128xi32, #tpu.memory_space<vmem>>
        %dma_start3A_468 = arith.constant 0 : i32
        %dma_start3A_469 = arith.constant 0 : i32
        %dma_start3A_470 = tpu.memref_slice %arg2[%dma_start3A_468, %dma_start3A_469] : memref<100352x16xf32, #tpu.memory_space<hbm>> -> memref<100352x16xf32, #tpu.memory_space<hbm>>
        tpu.enqueue_indirect_dma source(%dma_start3A_470 : memref<100352x16xf32, #tpu.memory_space<hbm>>) target(%dma_start3A_460 : memref<128x16xf32, #tpu.memory_space<vmem>>) offsets(%dma_start3A_467 : memref<128xi32, #tpu.memory_space<vmem>>) semaphore(%arg14 : memref<!tpu.dma_semaphore, #tpu.memory_space<semaphore_mem>>)
        %dma_start3A_471 = arith.constant 0 : i32
        %dma_start3A_472 = arith.constant 1 : i32
        %dma_start3A_473 = arith.constant 0 : i32
        %dma_start3A_474 = arith.constant 128 : i32
        %dma_start3A_475 = arith.constant 0 : i32
        %dma_start3A_476 = tpu.memref_slice %arg9[%dma_start3A_473, %dma_start3A_474, %dma_start3A_475] : memref<2x512x16xf32, #tpu.memory_space<vmem>> -> memref<1x128x16xf32, #tpu.memory_space<vmem>>
        %dma_start3A_477 = tpu.memref_squeeze %dma_start3A_476 : memref<1x128x16xf32, #tpu.memory_space<vmem>> -> memref<128x16xf32, #tpu.memory_space<vmem>>
        %dma_start3A_478 = arith.constant 0 : i32
        %dma_start3A_479 = arith.constant 0 : i32
        %dma_start3A_480 = tpu.memref_slice %arg7[%dma_start3A_471, %dma_start3A_478, %dma_start3A_479] : memref<2x4x128xi32, #tpu.memory_space<vmem>> -> memref<1x4x128xi32, #tpu.memory_space<vmem>>
        %dma_start3A_481 = tpu.memref_squeeze %dma_start3A_480 : memref<1x4x128xi32, #tpu.memory_space<vmem>> -> memref<4x128xi32, #tpu.memory_space<vmem>>
        %dma_start3A_482 = arith.constant 0 : i32
        %dma_start3A_483 = tpu.memref_slice %dma_start3A_481[%dma_start3A_472, %dma_start3A_482] : memref<4x128xi32, #tpu.memory_space<vmem>> -> memref<1x128xi32, #tpu.memory_space<vmem>>
        %dma_start3A_484 = tpu.memref_squeeze %dma_start3A_483 : memref<1x128xi32, #tpu.memory_space<vmem>> -> memref<128xi32, #tpu.memory_space<vmem>>
        %dma_start3A_485 = arith.constant 0 : i32
        %dma_start3A_486 = arith.constant 0 : i32
        %dma_start3A_487 = tpu.memref_slice %arg2[%dma_start3A_485, %dma_start3A_486] : memref<100352x16xf32, #tpu.memory_space<hbm>> -> memref<100352x16xf32, #tpu.memory_space<hbm>>
        tpu.enqueue_indirect_dma source(%dma_start3A_487 : memref<100352x16xf32, #tpu.memory_space<hbm>>) target(%dma_start3A_477 : memref<128x16xf32, #tpu.memory_space<vmem>>) offsets(%dma_start3A_484 : memref<128xi32, #tpu.memory_space<vmem>>) semaphore(%arg14 : memref<!tpu.dma_semaphore, #tpu.memory_space<semaphore_mem>>)
        %dma_start3A_488 = arith.constant 0 : i32
        %dma_start3A_489 = arith.constant 2 : i32
        %dma_start3A_490 = arith.constant 0 : i32
        %dma_start3A_491 = arith.constant 256 : i32
        %dma_start3A_492 = arith.constant 0 : i32
        %dma_start3A_493 = tpu.memref_slice %arg9[%dma_start3A_490, %dma_start3A_491, %dma_start3A_492] : memref<2x512x16xf32, #tpu.memory_space<vmem>> -> memref<1x128x16xf32, #tpu.memory_space<vmem>>
        %dma_start3A_494 = tpu.memref_squeeze %dma_start3A_493 : memref<1x128x16xf32, #tpu.memory_space<vmem>> -> memref<128x16xf32, #tpu.memory_space<vmem>>
        %dma_start3A_495 = arith.constant 0 : i32
        %dma_start3A_496 = arith.constant 0 : i32
        %dma_start3A_497 = tpu.memref_slice %arg7[%dma_start3A_488, %dma_start3A_495, %dma_start3A_496] : memref<2x4x128xi32, #tpu.memory_space<vmem>> -> memref<1x4x128xi32, #tpu.memory_space<vmem>>
        %dma_start3A_498 = tpu.memref_squeeze %dma_start3A_497 : memref<1x4x128xi32, #tpu.memory_space<vmem>> -> memref<4x128xi32, #tpu.memory_space<vmem>>
        %dma_start3A_499 = arith.constant 0 : i32
        %dma_start3A_500 = tpu.memref_slice %dma_start3A_498[%dma_start3A_489, %dma_start3A_499] : memref<4x128xi32, #tpu.memory_space<vmem>> -> memref<1x128xi32, #tpu.memory_space<vmem>>
        %dma_start3A_501 = tpu.memref_squeeze %dma_start3A_500 : memref<1x128xi32, #tpu.memory_space<vmem>> -> memref<128xi32, #tpu.memory_space<vmem>>
        %dma_start3A_502 = arith.constant 0 : i32
        %dma_start3A_503 = arith.constant 0 : i32
        %dma_start3A_504 = tpu.memref_slice %arg2[%dma_start3A_502, %dma_start3A_503] : memref<100352x16xf32, #tpu.memory_space<hbm>> -> memref<100352x16xf32, #tpu.memory_space<hbm>>
        tpu.enqueue_indirect_dma source(%dma_start3A_504 : memref<100352x16xf32, #tpu.memory_space<hbm>>) target(%dma_start3A_494 : memref<128x16xf32, #tpu.memory_space<vmem>>) offsets(%dma_start3A_501 : memref<128xi32, #tpu.memory_space<vmem>>) semaphore(%arg14 : memref<!tpu.dma_semaphore, #tpu.memory_space<semaphore_mem>>)
        %dma_start3A_505 = arith.constant 0 : i32
        %dma_start3A_506 = arith.constant 3 : i32
        %dma_start3A_507 = arith.constant 0 : i32
        %dma_start3A_508 = arith.constant 384 : i32
        %dma_start3A_509 = arith.constant 0 : i32
        %dma_start3A_510 = tpu.memref_slice %arg9[%dma_start3A_507, %dma_start3A_508, %dma_start3A_509] : memref<2x512x16xf32, #tpu.memory_space<vmem>> -> memref<1x128x16xf32, #tpu.memory_space<vmem>>
        %dma_start3A_511 = tpu.memref_squeeze %dma_start3A_510 : memref<1x128x16xf32, #tpu.memory_space<vmem>> -> memref<128x16xf32, #tpu.memory_space<vmem>>
        %dma_start3A_512 = arith.constant 0 : i32
        %dma_start3A_513 = arith.constant 0 : i32
        %dma_start3A_514 = tpu.memref_slice %arg7[%dma_start3A_505, %dma_start3A_512, %dma_start3A_513] : memref<2x4x128xi32, #tpu.memory_space<vmem>> -> memref<1x4x128xi32, #tpu.memory_space<vmem>>
        %dma_start3A_515 = tpu.memref_squeeze %dma_start3A_514 : memref<1x4x128xi32, #tpu.memory_space<vmem>> -> memref<4x128xi32, #tpu.memory_space<vmem>>
        %dma_start3A_516 = arith.constant 0 : i32
        %dma_start3A_517 = tpu.memref_slice %dma_start3A_515[%dma_start3A_506, %dma_start3A_516] : memref<4x128xi32, #tpu.memory_space<vmem>> -> memref<1x128xi32, #tpu.memory_space<vmem>>
        %dma_start3A_518 = tpu.memref_squeeze %dma_start3A_517 : memref<1x128xi32, #tpu.memory_space<vmem>> -> memref<128xi32, #tpu.memory_space<vmem>>
        %dma_start3A_519 = arith.constant 0 : i32
        %dma_start3A_520 = arith.constant 0 : i32
        %dma_start3A_521 = tpu.memref_slice %arg2[%dma_start3A_519, %dma_start3A_520] : memref<100352x16xf32, #tpu.memory_space<hbm>> -> memref<100352x16xf32, #tpu.memory_space<hbm>>
        tpu.enqueue_indirect_dma source(%dma_start3A_521 : memref<100352x16xf32, #tpu.memory_space<hbm>>) target(%dma_start3A_511 : memref<128x16xf32, #tpu.memory_space<vmem>>) offsets(%dma_start3A_518 : memref<128xi32, #tpu.memory_space<vmem>>) semaphore(%arg14 : memref<!tpu.dma_semaphore, #tpu.memory_space<semaphore_mem>>)
      } else {
      }
      %dma_wait3A_413 = arith.constant 1 : i32
      %dma_wait3A_414 = arith.constant 0 : i32
      %dma_wait3A_415 = arith.constant 0 : i32
      %dma_wait3A_416 = tpu.memref_slice %arg9[%dma_wait3A_413, %dma_wait3A_414, %dma_wait3A_415] : memref<2x512x16xf32, #tpu.memory_space<vmem>> -> memref<1x512x16xf32, #tpu.memory_space<vmem>>
      %dma_wait3A_417 = tpu.memref_squeeze %dma_wait3A_416 : memref<1x512x16xf32, #tpu.memory_space<vmem>> -> memref<512x16xf32, #tpu.memory_space<vmem>>
      %dma_wait3A_418 = arith.constant 0 : i32
      %dma_wait3A_419 = arith.constant 0 : i32
      %dma_wait3A_420 = tpu.memref_slice %arg11[%dma_wait3A_418, %dma_wait3A_419] : memref<100352x16xf32, #tpu.memory_space<vmem_shared>> -> memref<512x16xf32, #tpu.memory_space<vmem_shared>>
      %dma_wait3A_421 = arith.constant 0 : i32
      %dma_wait3A_422 = arith.constant 0 : i32
      %dma_wait3A_423 = tpu.memref_slice %arg11[%dma_wait3A_421, %dma_wait3A_422] : memref<100352x16xf32, #tpu.memory_space<vmem_shared>> -> memref<512x16xf32, #tpu.memory_space<vmem_shared>>
      %dma_wait3A_424 = arith.constant 0 : i32
      %dma_wait3A_425 = arith.constant 0 : i32
      %dma_wait3A_426 = tpu.memref_slice %arg9[%dma_wait3A_413, %dma_wait3A_424, %dma_wait3A_425] : memref<2x512x16xf32, #tpu.memory_space<vmem>> -> memref<1x512x16xf32, #tpu.memory_space<vmem>>
      %dma_wait3A_427 = tpu.memref_squeeze %dma_wait3A_426 : memref<1x512x16xf32, #tpu.memory_space<vmem>> -> memref<512x16xf32, #tpu.memory_space<vmem>>
      tpu.wait_dma2 semaphore(%arg17 : memref<!tpu.dma_semaphore, #tpu.memory_space<semaphore_mem>>) src(%dma_wait3A_427 : memref<512x16xf32, #tpu.memory_space<vmem>>) dst(%dma_wait3A_423 : memref<512x16xf32, #tpu.memory_space<vmem_shared>>)
    }
    %while3A_188 = arith.constant 1 : i32
    scf.for %while3A_198 = %while3A_186 to %while3A_182 step %while3A_188  : i32 {
      %mul3A_199 = arith.constant 2 : i32
      %mul3A_200 = arith.muli %while3A_198, %mul3A_199 : i32
      %add3A_201 = arith.constant 0 : i32
      %add3A_202 = arith.addi %mul3A_200, %add3A_201 : i32
      %add3A_203 = arith.constant 1 : i32
      %add3A_204 = arith.addi %add3A_202, %add3A_203 : i32
      %mul3A_205 = arith.constant 4 : i32
      %mul3A_206 = arith.muli %add3A_204, %mul3A_205 : i32
      %add3A_207 = arith.addi %mul3A_10, %mul3A_206 : i32
      %lt3A = arith.cmpi slt, %add3A_204, %select_n3A : i32
      %convert_element_type3A_208 = arith.extui %lt3A : i1 to i32
      %cond3A_209 = arith.constant 0 : i32
      %cond3A_210 = arith.cmpi ne, %convert_element_type3A_208, %cond3A_209 : i32
      scf.if %cond3A_210 {
        %dma_start3A_428 = arith.constant 1 : i32
        %dma_start3A_429 = arith.constant 0 : i32
        %dma_start3A_430 = arith.constant 0 : i32
        %dma_start3A_431 = tpu.memref_slice %arg7[%dma_start3A_428, %dma_start3A_429, %dma_start3A_430] : memref<2x4x128xi32, #tpu.memory_space<vmem>> -> memref<1x4x128xi32, #tpu.memory_space<vmem>>
        %dma_start3A_432 = tpu.memref_squeeze %dma_start3A_431 : memref<1x4x128xi32, #tpu.memory_space<vmem>> -> memref<4x128xi32, #tpu.memory_space<vmem>>
        %dma_start3A_433 = arith.constant 0 : i32
        %dma_start3A_434 = tpu.memref_slice %arg3[%add3A_207, %dma_start3A_433] : memref<25088x128xi32, #tpu.memory_space<hbm>> -> memref<4x128xi32, #tpu.memory_space<hbm>>
        %dma_start3A_435 = arith.constant 0 : i32
        %dma_start3A_436 = arith.constant 0 : i32
        %dma_start3A_437 = tpu.memref_slice %arg7[%dma_start3A_428, %dma_start3A_435, %dma_start3A_436] : memref<2x4x128xi32, #tpu.memory_space<vmem>> -> memref<1x4x128xi32, #tpu.memory_space<vmem>>
        %dma_start3A_438 = tpu.memref_squeeze %dma_start3A_437 : memref<1x4x128xi32, #tpu.memory_space<vmem>> -> memref<4x128xi32, #tpu.memory_space<vmem>>
        %dma_start3A_439 = arith.constant 0 : i32
        %dma_start3A_440 = tpu.memref_slice %arg3[%add3A_207, %dma_start3A_439] : memref<25088x128xi32, #tpu.memory_space<hbm>> -> memref<4x128xi32, #tpu.memory_space<hbm>>
        tpu.enqueue_dma source(%dma_start3A_440 : memref<4x128xi32, #tpu.memory_space<hbm>>) target(%dma_start3A_438 : memref<4x128xi32, #tpu.memory_space<vmem>>) target_semaphore(%arg13 : memref<!tpu.dma_semaphore, #tpu.memory_space<semaphore_mem>>)
        %dma_start3A_441 = arith.constant 1 : i32
        %dma_start3A_442 = arith.constant 0 : i32
        %dma_start3A_443 = arith.constant 0 : i32
        %dma_start3A_444 = tpu.memref_slice %arg8[%dma_start3A_441, %dma_start3A_442, %dma_start3A_443] : memref<2x4x128xi32, #tpu.memory_space<vmem>> -> memref<1x4x128xi32, #tpu.memory_space<vmem>>
        %dma_start3A_445 = tpu.memref_squeeze %dma_start3A_444 : memref<1x4x128xi32, #tpu.memory_space<vmem>> -> memref<4x128xi32, #tpu.memory_space<vmem>>
        %dma_start3A_446 = arith.constant 0 : i32
        %dma_start3A_447 = tpu.memref_slice %arg4[%add3A_207, %dma_start3A_446] : memref<25088x128xi32, #tpu.memory_space<hbm>> -> memref<4x128xi32, #tpu.memory_space<hbm>>
        %dma_start3A_448 = arith.constant 0 : i32
        %dma_start3A_449 = arith.constant 0 : i32
        %dma_start3A_450 = tpu.memref_slice %arg8[%dma_start3A_441, %dma_start3A_448, %dma_start3A_449] : memref<2x4x128xi32, #tpu.memory_space<vmem>> -> memref<1x4x128xi32, #tpu.memory_space<vmem>>
        %dma_start3A_451 = tpu.memref_squeeze %dma_start3A_450 : memref<1x4x128xi32, #tpu.memory_space<vmem>> -> memref<4x128xi32, #tpu.memory_space<vmem>>
        %dma_start3A_452 = arith.constant 0 : i32
        %dma_start3A_453 = tpu.memref_slice %arg4[%add3A_207, %dma_start3A_452] : memref<25088x128xi32, #tpu.memory_space<hbm>> -> memref<4x128xi32, #tpu.memory_space<hbm>>
        tpu.enqueue_dma source(%dma_start3A_453 : memref<4x128xi32, #tpu.memory_space<hbm>>) target(%dma_start3A_451 : memref<4x128xi32, #tpu.memory_space<vmem>>) target_semaphore(%arg13 : memref<!tpu.dma_semaphore, #tpu.memory_space<semaphore_mem>>)
      } else {
      }
      %dma_wait3A_211 = arith.constant 0 : i32
      %dma_wait3A_212 = arith.constant 0 : i32
      %dma_wait3A_213 = arith.constant 0 : i32
      %dma_wait3A_214 = tpu.memref_slice %arg9[%dma_wait3A_211, %dma_wait3A_212, %dma_wait3A_213] : memref<2x512x16xf32, #tpu.memory_space<vmem>> -> memref<1x512x16xf32, #tpu.memory_space<vmem>>
      %dma_wait3A_215 = tpu.memref_squeeze %dma_wait3A_214 : memref<1x512x16xf32, #tpu.memory_space<vmem>> -> memref<512x16xf32, #tpu.memory_space<vmem>>
      %dma_wait3A_216 = arith.constant 0 : i32
      %dma_wait3A_217 = arith.constant 0 : i32
      %dma_wait3A_218 = tpu.memref_slice %arg5[%dma_wait3A_216, %dma_wait3A_217] : memref<100352x16xf32, #tpu.memory_space<hbm>> -> memref<512x16xf32, #tpu.memory_space<hbm>>
      %dma_wait3A_219 = arith.constant 0 : i32
      %dma_wait3A_220 = arith.constant 0 : i32
      %dma_wait3A_221 = tpu.memref_slice %arg9[%dma_wait3A_211, %dma_wait3A_219, %dma_wait3A_220] : memref<2x512x16xf32, #tpu.memory_space<vmem>> -> memref<1x512x16xf32, #tpu.memory_space<vmem>>
      %dma_wait3A_222 = tpu.memref_squeeze %dma_wait3A_221 : memref<1x512x16xf32, #tpu.memory_space<vmem>> -> memref<512x16xf32, #tpu.memory_space<vmem>>
      %dma_wait3A_223 = arith.constant 0 : i32
      %dma_wait3A_224 = arith.constant 0 : i32
      %dma_wait3A_225 = tpu.memref_slice %arg5[%dma_wait3A_223, %dma_wait3A_224] : memref<100352x16xf32, #tpu.memory_space<hbm>> -> memref<512x16xf32, #tpu.memory_space<hbm>>
      tpu.wait_dma2 semaphore(%arg14 : memref<!tpu.dma_semaphore, #tpu.memory_space<semaphore_mem>>) src(%dma_wait3A_225 : memref<512x16xf32, #tpu.memory_space<hbm>>) dst(%dma_wait3A_222 : memref<512x16xf32, #tpu.memory_space<vmem>>)
      %dma_start3A_226 = arith.constant 0 : i32
      %dma_start3A_227 = arith.constant 0 : i32
      %dma_start3A_228 = arith.constant 0 : i32
      %dma_start3A_229 = arith.constant 0 : i32
      %dma_start3A_230 = arith.constant 0 : i32
      %dma_start3A_231 = tpu.memref_slice %arg9[%dma_start3A_226, %dma_start3A_229, %dma_start3A_230] : memref<2x512x16xf32, #tpu.memory_space<vmem>> -> memref<1x128x16xf32, #tpu.memory_space<vmem>>
      %dma_start3A_232 = tpu.memref_squeeze %dma_start3A_231 : memref<1x128x16xf32, #tpu.memory_space<vmem>> -> memref<128x16xf32, #tpu.memory_space<vmem>>
      %dma_start3A_233 = arith.constant 0 : i32
      %dma_start3A_234 = arith.constant 0 : i32
      %dma_start3A_235 = tpu.memref_slice %arg8[%dma_start3A_227, %dma_start3A_233, %dma_start3A_234] : memref<2x4x128xi32, #tpu.memory_space<vmem>> -> memref<1x4x128xi32, #tpu.memory_space<vmem>>
      %dma_start3A_236 = tpu.memref_squeeze %dma_start3A_235 : memref<1x4x128xi32, #tpu.memory_space<vmem>> -> memref<4x128xi32, #tpu.memory_space<vmem>>
      %dma_start3A_237 = arith.constant 0 : i32
      %dma_start3A_238 = tpu.memref_slice %dma_start3A_236[%dma_start3A_228, %dma_start3A_237] : memref<4x128xi32, #tpu.memory_space<vmem>> -> memref<1x128xi32, #tpu.memory_space<vmem>>
      %dma_start3A_239 = tpu.memref_squeeze %dma_start3A_238 : memref<1x128xi32, #tpu.memory_space<vmem>> -> memref<128xi32, #tpu.memory_space<vmem>>
      %dma_start3A_240 = arith.constant 0 : i32
      %dma_start3A_241 = arith.constant 0 : i32
      %dma_start3A_242 = tpu.memref_slice %arg11[%dma_start3A_240, %dma_start3A_241] : memref<100352x16xf32, #tpu.memory_space<vmem_shared>> -> memref<100352x16xf32, #tpu.memory_space<vmem_shared>>
      tpu.enqueue_indirect_dma source(%dma_start3A_232 : memref<128x16xf32, #tpu.memory_space<vmem>>) target(%dma_start3A_242 : memref<100352x16xf32, #tpu.memory_space<vmem_shared>>) offsets(%dma_start3A_239 : memref<128xi32, #tpu.memory_space<vmem>>) semaphore(%arg16 : memref<!tpu.dma_semaphore, #tpu.memory_space<semaphore_mem>>) {add = true}
      %dma_start3A_243 = arith.constant 0 : i32
      %dma_start3A_244 = arith.constant 0 : i32
      %dma_start3A_245 = arith.constant 1 : i32
      %dma_start3A_246 = arith.constant 128 : i32
      %dma_start3A_247 = arith.constant 0 : i32
      %dma_start3A_248 = tpu.memref_slice %arg9[%dma_start3A_243, %dma_start3A_246, %dma_start3A_247] : memref<2x512x16xf32, #tpu.memory_space<vmem>> -> memref<1x128x16xf32, #tpu.memory_space<vmem>>
      %dma_start3A_249 = tpu.memref_squeeze %dma_start3A_248 : memref<1x128x16xf32, #tpu.memory_space<vmem>> -> memref<128x16xf32, #tpu.memory_space<vmem>>
      %dma_start3A_250 = arith.constant 0 : i32
      %dma_start3A_251 = arith.constant 0 : i32
      %dma_start3A_252 = tpu.memref_slice %arg8[%dma_start3A_244, %dma_start3A_250, %dma_start3A_251] : memref<2x4x128xi32, #tpu.memory_space<vmem>> -> memref<1x4x128xi32, #tpu.memory_space<vmem>>
      %dma_start3A_253 = tpu.memref_squeeze %dma_start3A_252 : memref<1x4x128xi32, #tpu.memory_space<vmem>> -> memref<4x128xi32, #tpu.memory_space<vmem>>
      %dma_start3A_254 = arith.constant 0 : i32
      %dma_start3A_255 = tpu.memref_slice %dma_start3A_253[%dma_start3A_245, %dma_start3A_254] : memref<4x128xi32, #tpu.memory_space<vmem>> -> memref<1x128xi32, #tpu.memory_space<vmem>>
      %dma_start3A_256 = tpu.memref_squeeze %dma_start3A_255 : memref<1x128xi32, #tpu.memory_space<vmem>> -> memref<128xi32, #tpu.memory_space<vmem>>
      %dma_start3A_257 = arith.constant 0 : i32
      %dma_start3A_258 = arith.constant 0 : i32
      %dma_start3A_259 = tpu.memref_slice %arg11[%dma_start3A_257, %dma_start3A_258] : memref<100352x16xf32, #tpu.memory_space<vmem_shared>> -> memref<100352x16xf32, #tpu.memory_space<vmem_shared>>
      tpu.enqueue_indirect_dma source(%dma_start3A_249 : memref<128x16xf32, #tpu.memory_space<vmem>>) target(%dma_start3A_259 : memref<100352x16xf32, #tpu.memory_space<vmem_shared>>) offsets(%dma_start3A_256 : memref<128xi32, #tpu.memory_space<vmem>>) semaphore(%arg16 : memref<!tpu.dma_semaphore, #tpu.memory_space<semaphore_mem>>) {add = true}
      %dma_start3A_260 = arith.constant 0 : i32
      %dma_start3A_261 = arith.constant 0 : i32
      %dma_start3A_262 = arith.constant 2 : i32
      %dma_start3A_263 = arith.constant 256 : i32
      %dma_start3A_264 = arith.constant 0 : i32
      %dma_start3A_265 = tpu.memref_slice %arg9[%dma_start3A_260, %dma_start3A_263, %dma_start3A_264] : memref<2x512x16xf32, #tpu.memory_space<vmem>> -> memref<1x128x16xf32, #tpu.memory_space<vmem>>
      %dma_start3A_266 = tpu.memref_squeeze %dma_start3A_265 : memref<1x128x16xf32, #tpu.memory_space<vmem>> -> memref<128x16xf32, #tpu.memory_space<vmem>>
      %dma_start3A_267 = arith.constant 0 : i32
      %dma_start3A_268 = arith.constant 0 : i32
      %dma_start3A_269 = tpu.memref_slice %arg8[%dma_start3A_261, %dma_start3A_267, %dma_start3A_268] : memref<2x4x128xi32, #tpu.memory_space<vmem>> -> memref<1x4x128xi32, #tpu.memory_space<vmem>>
      %dma_start3A_270 = tpu.memref_squeeze %dma_start3A_269 : memref<1x4x128xi32, #tpu.memory_space<vmem>> -> memref<4x128xi32, #tpu.memory_space<vmem>>
      %dma_start3A_271 = arith.constant 0 : i32
      %dma_start3A_272 = tpu.memref_slice %dma_start3A_270[%dma_start3A_262, %dma_start3A_271] : memref<4x128xi32, #tpu.memory_space<vmem>> -> memref<1x128xi32, #tpu.memory_space<vmem>>
      %dma_start3A_273 = tpu.memref_squeeze %dma_start3A_272 : memref<1x128xi32, #tpu.memory_space<vmem>> -> memref<128xi32, #tpu.memory_space<vmem>>
      %dma_start3A_274 = arith.constant 0 : i32
      %dma_start3A_275 = arith.constant 0 : i32
      %dma_start3A_276 = tpu.memref_slice %arg11[%dma_start3A_274, %dma_start3A_275] : memref<100352x16xf32, #tpu.memory_space<vmem_shared>> -> memref<100352x16xf32, #tpu.memory_space<vmem_shared>>
      tpu.enqueue_indirect_dma source(%dma_start3A_266 : memref<128x16xf32, #tpu.memory_space<vmem>>) target(%dma_start3A_276 : memref<100352x16xf32, #tpu.memory_space<vmem_shared>>) offsets(%dma_start3A_273 : memref<128xi32, #tpu.memory_space<vmem>>) semaphore(%arg16 : memref<!tpu.dma_semaphore, #tpu.memory_space<semaphore_mem>>) {add = true}
      %dma_start3A_277 = arith.constant 0 : i32
      %dma_start3A_278 = arith.constant 0 : i32
      %dma_start3A_279 = arith.constant 3 : i32
      %dma_start3A_280 = arith.constant 384 : i32
      %dma_start3A_281 = arith.constant 0 : i32
      %dma_start3A_282 = tpu.memref_slice %arg9[%dma_start3A_277, %dma_start3A_280, %dma_start3A_281] : memref<2x512x16xf32, #tpu.memory_space<vmem>> -> memref<1x128x16xf32, #tpu.memory_space<vmem>>
      %dma_start3A_283 = tpu.memref_squeeze %dma_start3A_282 : memref<1x128x16xf32, #tpu.memory_space<vmem>> -> memref<128x16xf32, #tpu.memory_space<vmem>>
      %dma_start3A_284 = arith.constant 0 : i32
      %dma_start3A_285 = arith.constant 0 : i32
      %dma_start3A_286 = tpu.memref_slice %arg8[%dma_start3A_278, %dma_start3A_284, %dma_start3A_285] : memref<2x4x128xi32, #tpu.memory_space<vmem>> -> memref<1x4x128xi32, #tpu.memory_space<vmem>>
      %dma_start3A_287 = tpu.memref_squeeze %dma_start3A_286 : memref<1x4x128xi32, #tpu.memory_space<vmem>> -> memref<4x128xi32, #tpu.memory_space<vmem>>
      %dma_start3A_288 = arith.constant 0 : i32
      %dma_start3A_289 = tpu.memref_slice %dma_start3A_287[%dma_start3A_279, %dma_start3A_288] : memref<4x128xi32, #tpu.memory_space<vmem>> -> memref<1x128xi32, #tpu.memory_space<vmem>>
      %dma_start3A_290 = tpu.memref_squeeze %dma_start3A_289 : memref<1x128xi32, #tpu.memory_space<vmem>> -> memref<128xi32, #tpu.memory_space<vmem>>
      %dma_start3A_291 = arith.constant 0 : i32
      %dma_start3A_292 = arith.constant 0 : i32
      %dma_start3A_293 = tpu.memref_slice %arg11[%dma_start3A_291, %dma_start3A_292] : memref<100352x16xf32, #tpu.memory_space<vmem_shared>> -> memref<100352x16xf32, #tpu.memory_space<vmem_shared>>
      tpu.enqueue_indirect_dma source(%dma_start3A_283 : memref<128x16xf32, #tpu.memory_space<vmem>>) target(%dma_start3A_293 : memref<100352x16xf32, #tpu.memory_space<vmem_shared>>) offsets(%dma_start3A_290 : memref<128xi32, #tpu.memory_space<vmem>>) semaphore(%arg16 : memref<!tpu.dma_semaphore, #tpu.memory_space<semaphore_mem>>) {add = true}
      %lt3A_294 = arith.cmpi slt, %add3A_204, %select_n3A : i32
      %convert_element_type3A_295 = arith.extui %lt3A_294 : i1 to i32
      %cond3A_296 = arith.constant 0 : i32
      %cond3A_297 = arith.cmpi ne, %convert_element_type3A_295, %cond3A_296 : i32
      scf.if %cond3A_297 {
        %dma_wait3A_428 = arith.constant 1 : i32
        %dma_wait3A_429 = arith.constant 0 : i32
        %dma_wait3A_430 = arith.constant 0 : i32
        %dma_wait3A_431 = tpu.memref_slice %arg7[%dma_wait3A_428, %dma_wait3A_429, %dma_wait3A_430] : memref<2x4x128xi32, #tpu.memory_space<vmem>> -> memref<1x4x128xi32, #tpu.memory_space<vmem>>
        %dma_wait3A_432 = tpu.memref_squeeze %dma_wait3A_431 : memref<1x4x128xi32, #tpu.memory_space<vmem>> -> memref<4x128xi32, #tpu.memory_space<vmem>>
        %dma_wait3A_433 = arith.constant 0 : i32
        %dma_wait3A_434 = tpu.memref_slice %arg3[%add3A_207, %dma_wait3A_433] : memref<25088x128xi32, #tpu.memory_space<hbm>> -> memref<4x128xi32, #tpu.memory_space<hbm>>
        %dma_wait3A_435 = arith.constant 0 : i32
        %dma_wait3A_436 = arith.constant 0 : i32
        %dma_wait3A_437 = tpu.memref_slice %arg7[%dma_wait3A_428, %dma_wait3A_435, %dma_wait3A_436] : memref<2x4x128xi32, #tpu.memory_space<vmem>> -> memref<1x4x128xi32, #tpu.memory_space<vmem>>
        %dma_wait3A_438 = tpu.memref_squeeze %dma_wait3A_437 : memref<1x4x128xi32, #tpu.memory_space<vmem>> -> memref<4x128xi32, #tpu.memory_space<vmem>>
        %dma_wait3A_439 = arith.constant 0 : i32
        %dma_wait3A_440 = tpu.memref_slice %arg3[%add3A_207, %dma_wait3A_439] : memref<25088x128xi32, #tpu.memory_space<hbm>> -> memref<4x128xi32, #tpu.memory_space<hbm>>
        tpu.wait_dma2 semaphore(%arg13 : memref<!tpu.dma_semaphore, #tpu.memory_space<semaphore_mem>>) src(%dma_wait3A_440 : memref<4x128xi32, #tpu.memory_space<hbm>>) dst(%dma_wait3A_438 : memref<4x128xi32, #tpu.memory_space<vmem>>)
        %dma_wait3A_441 = arith.constant 1 : i32
        %dma_wait3A_442 = arith.constant 0 : i32
        %dma_wait3A_443 = arith.constant 0 : i32
        %dma_wait3A_444 = tpu.memref_slice %arg8[%dma_wait3A_441, %dma_wait3A_442, %dma_wait3A_443] : memref<2x4x128xi32, #tpu.memory_space<vmem>> -> memref<1x4x128xi32, #tpu.memory_space<vmem>>
        %dma_wait3A_445 = tpu.memref_squeeze %dma_wait3A_444 : memref<1x4x128xi32, #tpu.memory_space<vmem>> -> memref<4x128xi32, #tpu.memory_space<vmem>>
        %dma_wait3A_446 = arith.constant 0 : i32
        %dma_wait3A_447 = tpu.memref_slice %arg4[%add3A_207, %dma_wait3A_446] : memref<25088x128xi32, #tpu.memory_space<hbm>> -> memref<4x128xi32, #tpu.memory_space<hbm>>
        %dma_wait3A_448 = arith.constant 0 : i32
        %dma_wait3A_449 = arith.constant 0 : i32
        %dma_wait3A_450 = tpu.memref_slice %arg8[%dma_wait3A_441, %dma_wait3A_448, %dma_wait3A_449] : memref<2x4x128xi32, #tpu.memory_space<vmem>> -> memref<1x4x128xi32, #tpu.memory_space<vmem>>
        %dma_wait3A_451 = tpu.memref_squeeze %dma_wait3A_450 : memref<1x4x128xi32, #tpu.memory_space<vmem>> -> memref<4x128xi32, #tpu.memory_space<vmem>>
        %dma_wait3A_452 = arith.constant 0 : i32
        %dma_wait3A_453 = tpu.memref_slice %arg4[%add3A_207, %dma_wait3A_452] : memref<25088x128xi32, #tpu.memory_space<hbm>> -> memref<4x128xi32, #tpu.memory_space<hbm>>
        tpu.wait_dma2 semaphore(%arg13 : memref<!tpu.dma_semaphore, #tpu.memory_space<semaphore_mem>>) src(%dma_wait3A_453 : memref<4x128xi32, #tpu.memory_space<hbm>>) dst(%dma_wait3A_451 : memref<4x128xi32, #tpu.memory_space<vmem>>)
        %dma_start3A_454 = arith.constant 1 : i32
        %dma_start3A_455 = arith.constant 0 : i32
        %dma_start3A_456 = arith.constant 1 : i32
        %dma_start3A_457 = arith.constant 0 : i32
        %dma_start3A_458 = arith.constant 0 : i32
        %dma_start3A_459 = tpu.memref_slice %arg9[%dma_start3A_456, %dma_start3A_457, %dma_start3A_458] : memref<2x512x16xf32, #tpu.memory_space<vmem>> -> memref<1x128x16xf32, #tpu.memory_space<vmem>>
        %dma_start3A_460 = tpu.memref_squeeze %dma_start3A_459 : memref<1x128x16xf32, #tpu.memory_space<vmem>> -> memref<128x16xf32, #tpu.memory_space<vmem>>
        %dma_start3A_461 = arith.constant 0 : i32
        %dma_start3A_462 = arith.constant 0 : i32
        %dma_start3A_463 = tpu.memref_slice %arg7[%dma_start3A_454, %dma_start3A_461, %dma_start3A_462] : memref<2x4x128xi32, #tpu.memory_space<vmem>> -> memref<1x4x128xi32, #tpu.memory_space<vmem>>
        %dma_start3A_464 = tpu.memref_squeeze %dma_start3A_463 : memref<1x4x128xi32, #tpu.memory_space<vmem>> -> memref<4x128xi32, #tpu.memory_space<vmem>>
        %dma_start3A_465 = arith.constant 0 : i32
        %dma_start3A_466 = tpu.memref_slice %dma_start3A_464[%dma_start3A_455, %dma_start3A_465] : memref<4x128xi32, #tpu.memory_space<vmem>> -> memref<1x128xi32, #tpu.memory_space<vmem>>
        %dma_start3A_467 = tpu.memref_squeeze %dma_start3A_466 : memref<1x128xi32, #tpu.memory_space<vmem>> -> memref<128xi32, #tpu.memory_space<vmem>>
        %dma_start3A_468 = arith.constant 0 : i32
        %dma_start3A_469 = arith.constant 0 : i32
        %dma_start3A_470 = tpu.memref_slice %arg2[%dma_start3A_468, %dma_start3A_469] : memref<100352x16xf32, #tpu.memory_space<hbm>> -> memref<100352x16xf32, #tpu.memory_space<hbm>>
        tpu.enqueue_indirect_dma source(%dma_start3A_470 : memref<100352x16xf32, #tpu.memory_space<hbm>>) target(%dma_start3A_460 : memref<128x16xf32, #tpu.memory_space<vmem>>) offsets(%dma_start3A_467 : memref<128xi32, #tpu.memory_space<vmem>>) semaphore(%arg15 : memref<!tpu.dma_semaphore, #tpu.memory_space<semaphore_mem>>)
        %dma_start3A_471 = arith.constant 1 : i32
        %dma_start3A_472 = arith.constant 1 : i32
        %dma_start3A_473 = arith.constant 1 : i32
        %dma_start3A_474 = arith.constant 128 : i32
        %dma_start3A_475 = arith.constant 0 : i32
        %dma_start3A_476 = tpu.memref_slice %arg9[%dma_start3A_473, %dma_start3A_474, %dma_start3A_475] : memref<2x512x16xf32, #tpu.memory_space<vmem>> -> memref<1x128x16xf32, #tpu.memory_space<vmem>>
        %dma_start3A_477 = tpu.memref_squeeze %dma_start3A_476 : memref<1x128x16xf32, #tpu.memory_space<vmem>> -> memref<128x16xf32, #tpu.memory_space<vmem>>
        %dma_start3A_478 = arith.constant 0 : i32
        %dma_start3A_479 = arith.constant 0 : i32
        %dma_start3A_480 = tpu.memref_slice %arg7[%dma_start3A_471, %dma_start3A_478, %dma_start3A_479] : memref<2x4x128xi32, #tpu.memory_space<vmem>> -> memref<1x4x128xi32, #tpu.memory_space<vmem>>
        %dma_start3A_481 = tpu.memref_squeeze %dma_start3A_480 : memref<1x4x128xi32, #tpu.memory_space<vmem>> -> memref<4x128xi32, #tpu.memory_space<vmem>>
        %dma_start3A_482 = arith.constant 0 : i32
        %dma_start3A_483 = tpu.memref_slice %dma_start3A_481[%dma_start3A_472, %dma_start3A_482] : memref<4x128xi32, #tpu.memory_space<vmem>> -> memref<1x128xi32, #tpu.memory_space<vmem>>
        %dma_start3A_484 = tpu.memref_squeeze %dma_start3A_483 : memref<1x128xi32, #tpu.memory_space<vmem>> -> memref<128xi32, #tpu.memory_space<vmem>>
        %dma_start3A_485 = arith.constant 0 : i32
        %dma_start3A_486 = arith.constant 0 : i32
        %dma_start3A_487 = tpu.memref_slice %arg2[%dma_start3A_485, %dma_start3A_486] : memref<100352x16xf32, #tpu.memory_space<hbm>> -> memref<100352x16xf32, #tpu.memory_space<hbm>>
        tpu.enqueue_indirect_dma source(%dma_start3A_487 : memref<100352x16xf32, #tpu.memory_space<hbm>>) target(%dma_start3A_477 : memref<128x16xf32, #tpu.memory_space<vmem>>) offsets(%dma_start3A_484 : memref<128xi32, #tpu.memory_space<vmem>>) semaphore(%arg15 : memref<!tpu.dma_semaphore, #tpu.memory_space<semaphore_mem>>)
        %dma_start3A_488 = arith.constant 1 : i32
        %dma_start3A_489 = arith.constant 2 : i32
        %dma_start3A_490 = arith.constant 1 : i32
        %dma_start3A_491 = arith.constant 256 : i32
        %dma_start3A_492 = arith.constant 0 : i32
        %dma_start3A_493 = tpu.memref_slice %arg9[%dma_start3A_490, %dma_start3A_491, %dma_start3A_492] : memref<2x512x16xf32, #tpu.memory_space<vmem>> -> memref<1x128x16xf32, #tpu.memory_space<vmem>>
        %dma_start3A_494 = tpu.memref_squeeze %dma_start3A_493 : memref<1x128x16xf32, #tpu.memory_space<vmem>> -> memref<128x16xf32, #tpu.memory_space<vmem>>
        %dma_start3A_495 = arith.constant 0 : i32
        %dma_start3A_496 = arith.constant 0 : i32
        %dma_start3A_497 = tpu.memref_slice %arg7[%dma_start3A_488, %dma_start3A_495, %dma_start3A_496] : memref<2x4x128xi32, #tpu.memory_space<vmem>> -> memref<1x4x128xi32, #tpu.memory_space<vmem>>
        %dma_start3A_498 = tpu.memref_squeeze %dma_start3A_497 : memref<1x4x128xi32, #tpu.memory_space<vmem>> -> memref<4x128xi32, #tpu.memory_space<vmem>>
        %dma_start3A_499 = arith.constant 0 : i32
        %dma_start3A_500 = tpu.memref_slice %dma_start3A_498[%dma_start3A_489, %dma_start3A_499] : memref<4x128xi32, #tpu.memory_space<vmem>> -> memref<1x128xi32, #tpu.memory_space<vmem>>
        %dma_start3A_501 = tpu.memref_squeeze %dma_start3A_500 : memref<1x128xi32, #tpu.memory_space<vmem>> -> memref<128xi32, #tpu.memory_space<vmem>>
        %dma_start3A_502 = arith.constant 0 : i32
        %dma_start3A_503 = arith.constant 0 : i32
        %dma_start3A_504 = tpu.memref_slice %arg2[%dma_start3A_502, %dma_start3A_503] : memref<100352x16xf32, #tpu.memory_space<hbm>> -> memref<100352x16xf32, #tpu.memory_space<hbm>>
        tpu.enqueue_indirect_dma source(%dma_start3A_504 : memref<100352x16xf32, #tpu.memory_space<hbm>>) target(%dma_start3A_494 : memref<128x16xf32, #tpu.memory_space<vmem>>) offsets(%dma_start3A_501 : memref<128xi32, #tpu.memory_space<vmem>>) semaphore(%arg15 : memref<!tpu.dma_semaphore, #tpu.memory_space<semaphore_mem>>)
        %dma_start3A_505 = arith.constant 1 : i32
        %dma_start3A_506 = arith.constant 3 : i32
        %dma_start3A_507 = arith.constant 1 : i32
        %dma_start3A_508 = arith.constant 384 : i32
        %dma_start3A_509 = arith.constant 0 : i32
        %dma_start3A_510 = tpu.memref_slice %arg9[%dma_start3A_507, %dma_start3A_508, %dma_start3A_509] : memref<2x512x16xf32, #tpu.memory_space<vmem>> -> memref<1x128x16xf32, #tpu.memory_space<vmem>>
        %dma_start3A_511 = tpu.memref_squeeze %dma_start3A_510 : memref<1x128x16xf32, #tpu.memory_space<vmem>> -> memref<128x16xf32, #tpu.memory_space<vmem>>
        %dma_start3A_512 = arith.constant 0 : i32
        %dma_start3A_513 = arith.constant 0 : i32
        %dma_start3A_514 = tpu.memref_slice %arg7[%dma_start3A_505, %dma_start3A_512, %dma_start3A_513] : memref<2x4x128xi32, #tpu.memory_space<vmem>> -> memref<1x4x128xi32, #tpu.memory_space<vmem>>
        %dma_start3A_515 = tpu.memref_squeeze %dma_start3A_514 : memref<1x4x128xi32, #tpu.memory_space<vmem>> -> memref<4x128xi32, #tpu.memory_space<vmem>>
        %dma_start3A_516 = arith.constant 0 : i32
        %dma_start3A_517 = tpu.memref_slice %dma_start3A_515[%dma_start3A_506, %dma_start3A_516] : memref<4x128xi32, #tpu.memory_space<vmem>> -> memref<1x128xi32, #tpu.memory_space<vmem>>
        %dma_start3A_518 = tpu.memref_squeeze %dma_start3A_517 : memref<1x128xi32, #tpu.memory_space<vmem>> -> memref<128xi32, #tpu.memory_space<vmem>>
        %dma_start3A_519 = arith.constant 0 : i32
        %dma_start3A_520 = arith.constant 0 : i32
        %dma_start3A_521 = tpu.memref_slice %arg2[%dma_start3A_519, %dma_start3A_520] : memref<100352x16xf32, #tpu.memory_space<hbm>> -> memref<100352x16xf32, #tpu.memory_space<hbm>>
        tpu.enqueue_indirect_dma source(%dma_start3A_521 : memref<100352x16xf32, #tpu.memory_space<hbm>>) target(%dma_start3A_511 : memref<128x16xf32, #tpu.memory_space<vmem>>) offsets(%dma_start3A_518 : memref<128xi32, #tpu.memory_space<vmem>>) semaphore(%arg15 : memref<!tpu.dma_semaphore, #tpu.memory_space<semaphore_mem>>)
      } else {
      }
      %dma_wait3A_298 = arith.constant 0 : i32
      %dma_wait3A_299 = arith.constant 0 : i32
      %dma_wait3A_300 = arith.constant 0 : i32
      %dma_wait3A_301 = tpu.memref_slice %arg9[%dma_wait3A_298, %dma_wait3A_299, %dma_wait3A_300] : memref<2x512x16xf32, #tpu.memory_space<vmem>> -> memref<1x512x16xf32, #tpu.memory_space<vmem>>
      %dma_wait3A_302 = tpu.memref_squeeze %dma_wait3A_301 : memref<1x512x16xf32, #tpu.memory_space<vmem>> -> memref<512x16xf32, #tpu.memory_space<vmem>>
      %dma_wait3A_303 = arith.constant 0 : i32
      %dma_wait3A_304 = arith.constant 0 : i32
      %dma_wait3A_305 = tpu.memref_slice %arg11[%dma_wait3A_303, %dma_wait3A_304] : memref<100352x16xf32, #tpu.memory_space<vmem_shared>> -> memref<512x16xf32, #tpu.memory_space<vmem_shared>>
      %dma_wait3A_306 = arith.constant 0 : i32
      %dma_wait3A_307 = arith.constant 0 : i32
      %dma_wait3A_308 = tpu.memref_slice %arg11[%dma_wait3A_306, %dma_wait3A_307] : memref<100352x16xf32, #tpu.memory_space<vmem_shared>> -> memref<512x16xf32, #tpu.memory_space<vmem_shared>>
      %dma_wait3A_309 = arith.constant 0 : i32
      %dma_wait3A_310 = arith.constant 0 : i32
      %dma_wait3A_311 = tpu.memref_slice %arg9[%dma_wait3A_298, %dma_wait3A_309, %dma_wait3A_310] : memref<2x512x16xf32, #tpu.memory_space<vmem>> -> memref<1x512x16xf32, #tpu.memory_space<vmem>>
      %dma_wait3A_312 = tpu.memref_squeeze %dma_wait3A_311 : memref<1x512x16xf32, #tpu.memory_space<vmem>> -> memref<512x16xf32, #tpu.memory_space<vmem>>
      tpu.wait_dma2 semaphore(%arg16 : memref<!tpu.dma_semaphore, #tpu.memory_space<semaphore_mem>>) src(%dma_wait3A_312 : memref<512x16xf32, #tpu.memory_space<vmem>>) dst(%dma_wait3A_308 : memref<512x16xf32, #tpu.memory_space<vmem_shared>>)
      %mul3A_313 = arith.constant 2 : i32
      %mul3A_314 = arith.muli %while3A_198, %mul3A_313 : i32
      %add3A_315 = arith.constant 1 : i32
      %add3A_316 = arith.addi %mul3A_314, %add3A_315 : i32
      %add3A_317 = arith.constant 1 : i32
      %add3A_318 = arith.addi %add3A_316, %add3A_317 : i32
      %mul3A_319 = arith.constant 4 : i32
      %mul3A_320 = arith.muli %add3A_318, %mul3A_319 : i32
      %add3A_321 = arith.addi %mul3A_10, %mul3A_320 : i32
      %lt3A_322 = arith.cmpi slt, %add3A_318, %select_n3A : i32
      %convert_element_type3A_323 = arith.extui %lt3A_322 : i1 to i32
      %cond3A_324 = arith.constant 0 : i32
      %cond3A_325 = arith.cmpi ne, %convert_element_type3A_323, %cond3A_324 : i32
      scf.if %cond3A_325 {
        %dma_start3A_428 = arith.constant 0 : i32
        %dma_start3A_429 = arith.constant 0 : i32
        %dma_start3A_430 = arith.constant 0 : i32
        %dma_start3A_431 = tpu.memref_slice %arg7[%dma_start3A_428, %dma_start3A_429, %dma_start3A_430] : memref<2x4x128xi32, #tpu.memory_space<vmem>> -> memref<1x4x128xi32, #tpu.memory_space<vmem>>
        %dma_start3A_432 = tpu.memref_squeeze %dma_start3A_431 : memref<1x4x128xi32, #tpu.memory_space<vmem>> -> memref<4x128xi32, #tpu.memory_space<vmem>>
        %dma_start3A_433 = arith.constant 0 : i32
        %dma_start3A_434 = tpu.memref_slice %arg3[%add3A_321, %dma_start3A_433] : memref<25088x128xi32, #tpu.memory_space<hbm>> -> memref<4x128xi32, #tpu.memory_space<hbm>>
        %dma_start3A_435 = arith.constant 0 : i32
        %dma_start3A_436 = arith.constant 0 : i32
        %dma_start3A_437 = tpu.memref_slice %arg7[%dma_start3A_428, %dma_start3A_435, %dma_start3A_436] : memref<2x4x128xi32, #tpu.memory_space<vmem>> -> memref<1x4x128xi32, #tpu.memory_space<vmem>>
        %dma_start3A_438 = tpu.memref_squeeze %dma_start3A_437 : memref<1x4x128xi32, #tpu.memory_space<vmem>> -> memref<4x128xi32, #tpu.memory_space<vmem>>
        %dma_start3A_439 = arith.constant 0 : i32
        %dma_start3A_440 = tpu.memref_slice %arg3[%add3A_321, %dma_start3A_439] : memref<25088x128xi32, #tpu.memory_space<hbm>> -> memref<4x128xi32, #tpu.memory_space<hbm>>
        tpu.enqueue_dma source(%dma_start3A_440 : memref<4x128xi32, #tpu.memory_space<hbm>>) target(%dma_start3A_438 : memref<4x128xi32, #tpu.memory_space<vmem>>) target_semaphore(%arg12 : memref<!tpu.dma_semaphore, #tpu.memory_space<semaphore_mem>>)
        %dma_start3A_441 = arith.constant 0 : i32
        %dma_start3A_442 = arith.constant 0 : i32
        %dma_start3A_443 = arith.constant 0 : i32
        %dma_start3A_444 = tpu.memref_slice %arg8[%dma_start3A_441, %dma_start3A_442, %dma_start3A_443] : memref<2x4x128xi32, #tpu.memory_space<vmem>> -> memref<1x4x128xi32, #tpu.memory_space<vmem>>
        %dma_start3A_445 = tpu.memref_squeeze %dma_start3A_444 : memref<1x4x128xi32, #tpu.memory_space<vmem>> -> memref<4x128xi32, #tpu.memory_space<vmem>>
        %dma_start3A_446 = arith.constant 0 : i32
        %dma_start3A_447 = tpu.memref_slice %arg4[%add3A_321, %dma_start3A_446] : memref<25088x128xi32, #tpu.memory_space<hbm>> -> memref<4x128xi32, #tpu.memory_space<hbm>>
        %dma_start3A_448 = arith.constant 0 : i32
        %dma_start3A_449 = arith.constant 0 : i32
        %dma_start3A_450 = tpu.memref_slice %arg8[%dma_start3A_441, %dma_start3A_448, %dma_start3A_449] : memref<2x4x128xi32, #tpu.memory_space<vmem>> -> memref<1x4x128xi32, #tpu.memory_space<vmem>>
        %dma_start3A_451 = tpu.memref_squeeze %dma_start3A_450 : memref<1x4x128xi32, #tpu.memory_space<vmem>> -> memref<4x128xi32, #tpu.memory_space<vmem>>
        %dma_start3A_452 = arith.constant 0 : i32
        %dma_start3A_453 = tpu.memref_slice %arg4[%add3A_321, %dma_start3A_452] : memref<25088x128xi32, #tpu.memory_space<hbm>> -> memref<4x128xi32, #tpu.memory_space<hbm>>
        tpu.enqueue_dma source(%dma_start3A_453 : memref<4x128xi32, #tpu.memory_space<hbm>>) target(%dma_start3A_451 : memref<4x128xi32, #tpu.memory_space<vmem>>) target_semaphore(%arg12 : memref<!tpu.dma_semaphore, #tpu.memory_space<semaphore_mem>>)
      } else {
      }
      %dma_wait3A_326 = arith.constant 1 : i32
      %dma_wait3A_327 = arith.constant 0 : i32
      %dma_wait3A_328 = arith.constant 0 : i32
      %dma_wait3A_329 = tpu.memref_slice %arg9[%dma_wait3A_326, %dma_wait3A_327, %dma_wait3A_328] : memref<2x512x16xf32, #tpu.memory_space<vmem>> -> memref<1x512x16xf32, #tpu.memory_space<vmem>>
      %dma_wait3A_330 = tpu.memref_squeeze %dma_wait3A_329 : memref<1x512x16xf32, #tpu.memory_space<vmem>> -> memref<512x16xf32, #tpu.memory_space<vmem>>
      %dma_wait3A_331 = arith.constant 0 : i32
      %dma_wait3A_332 = arith.constant 0 : i32
      %dma_wait3A_333 = tpu.memref_slice %arg5[%dma_wait3A_331, %dma_wait3A_332] : memref<100352x16xf32, #tpu.memory_space<hbm>> -> memref<512x16xf32, #tpu.memory_space<hbm>>
      %dma_wait3A_334 = arith.constant 0 : i32
      %dma_wait3A_335 = arith.constant 0 : i32
      %dma_wait3A_336 = tpu.memref_slice %arg9[%dma_wait3A_326, %dma_wait3A_334, %dma_wait3A_335] : memref<2x512x16xf32, #tpu.memory_space<vmem>> -> memref<1x512x16xf32, #tpu.memory_space<vmem>>
      %dma_wait3A_337 = tpu.memref_squeeze %dma_wait3A_336 : memref<1x512x16xf32, #tpu.memory_space<vmem>> -> memref<512x16xf32, #tpu.memory_space<vmem>>
      %dma_wait3A_338 = arith.constant 0 : i32
      %dma_wait3A_339 = arith.constant 0 : i32
      %dma_wait3A_340 = tpu.memref_slice %arg5[%dma_wait3A_338, %dma_wait3A_339] : memref<100352x16xf32, #tpu.memory_space<hbm>> -> memref<512x16xf32, #tpu.memory_space<hbm>>
      tpu.wait_dma2 semaphore(%arg15 : memref<!tpu.dma_semaphore, #tpu.memory_space<semaphore_mem>>) src(%dma_wait3A_340 : memref<512x16xf32, #tpu.memory_space<hbm>>) dst(%dma_wait3A_337 : memref<512x16xf32, #tpu.memory_space<vmem>>)
      %dma_start3A_341 = arith.constant 1 : i32
      %dma_start3A_342 = arith.constant 1 : i32
      %dma_start3A_343 = arith.constant 0 : i32
      %dma_start3A_344 = arith.constant 0 : i32
      %dma_start3A_345 = arith.constant 0 : i32
      %dma_start3A_346 = tpu.memref_slice %arg9[%dma_start3A_341, %dma_start3A_344, %dma_start3A_345] : memref<2x512x16xf32, #tpu.memory_space<vmem>> -> memref<1x128x16xf32, #tpu.memory_space<vmem>>
      %dma_start3A_347 = tpu.memref_squeeze %dma_start3A_346 : memref<1x128x16xf32, #tpu.memory_space<vmem>> -> memref<128x16xf32, #tpu.memory_space<vmem>>
      %dma_start3A_348 = arith.constant 0 : i32
      %dma_start3A_349 = arith.constant 0 : i32
      %dma_start3A_350 = tpu.memref_slice %arg8[%dma_start3A_342, %dma_start3A_348, %dma_start3A_349] : memref<2x4x128xi32, #tpu.memory_space<vmem>> -> memref<1x4x128xi32, #tpu.memory_space<vmem>>
      %dma_start3A_351 = tpu.memref_squeeze %dma_start3A_350 : memref<1x4x128xi32, #tpu.memory_space<vmem>> -> memref<4x128xi32, #tpu.memory_space<vmem>>
      %dma_start3A_352 = arith.constant 0 : i32
      %dma_start3A_353 = tpu.memref_slice %dma_start3A_351[%dma_start3A_343, %dma_start3A_352] : memref<4x128xi32, #tpu.memory_space<vmem>> -> memref<1x128xi32, #tpu.memory_space<vmem>>
      %dma_start3A_354 = tpu.memref_squeeze %dma_start3A_353 : memref<1x128xi32, #tpu.memory_space<vmem>> -> memref<128xi32, #tpu.memory_space<vmem>>
      %dma_start3A_355 = arith.constant 0 : i32
      %dma_start3A_356 = arith.constant 0 : i32
      %dma_start3A_357 = tpu.memref_slice %arg11[%dma_start3A_355, %dma_start3A_356] : memref<100352x16xf32, #tpu.memory_space<vmem_shared>> -> memref<100352x16xf32, #tpu.memory_space<vmem_shared>>
      tpu.enqueue_indirect_dma source(%dma_start3A_347 : memref<128x16xf32, #tpu.memory_space<vmem>>) target(%dma_start3A_357 : memref<100352x16xf32, #tpu.memory_space<vmem_shared>>) offsets(%dma_start3A_354 : memref<128xi32, #tpu.memory_space<vmem>>) semaphore(%arg17 : memref<!tpu.dma_semaphore, #tpu.memory_space<semaphore_mem>>) {add = true}
      %dma_start3A_358 = arith.constant 1 : i32
      %dma_start3A_359 = arith.constant 1 : i32
      %dma_start3A_360 = arith.constant 1 : i32
      %dma_start3A_361 = arith.constant 128 : i32
      %dma_start3A_362 = arith.constant 0 : i32
      %dma_start3A_363 = tpu.memref_slice %arg9[%dma_start3A_358, %dma_start3A_361, %dma_start3A_362] : memref<2x512x16xf32, #tpu.memory_space<vmem>> -> memref<1x128x16xf32, #tpu.memory_space<vmem>>
      %dma_start3A_364 = tpu.memref_squeeze %dma_start3A_363 : memref<1x128x16xf32, #tpu.memory_space<vmem>> -> memref<128x16xf32, #tpu.memory_space<vmem>>
      %dma_start3A_365 = arith.constant 0 : i32
      %dma_start3A_366 = arith.constant 0 : i32
      %dma_start3A_367 = tpu.memref_slice %arg8[%dma_start3A_359, %dma_start3A_365, %dma_start3A_366] : memref<2x4x128xi32, #tpu.memory_space<vmem>> -> memref<1x4x128xi32, #tpu.memory_space<vmem>>
      %dma_start3A_368 = tpu.memref_squeeze %dma_start3A_367 : memref<1x4x128xi32, #tpu.memory_space<vmem>> -> memref<4x128xi32, #tpu.memory_space<vmem>>
      %dma_start3A_369 = arith.constant 0 : i32
      %dma_start3A_370 = tpu.memref_slice %dma_start3A_368[%dma_start3A_360, %dma_start3A_369] : memref<4x128xi32, #tpu.memory_space<vmem>> -> memref<1x128xi32, #tpu.memory_space<vmem>>
      %dma_start3A_371 = tpu.memref_squeeze %dma_start3A_370 : memref<1x128xi32, #tpu.memory_space<vmem>> -> memref<128xi32, #tpu.memory_space<vmem>>
      %dma_start3A_372 = arith.constant 0 : i32
      %dma_start3A_373 = arith.constant 0 : i32
      %dma_start3A_374 = tpu.memref_slice %arg11[%dma_start3A_372, %dma_start3A_373] : memref<100352x16xf32, #tpu.memory_space<vmem_shared>> -> memref<100352x16xf32, #tpu.memory_space<vmem_shared>>
      tpu.enqueue_indirect_dma source(%dma_start3A_364 : memref<128x16xf32, #tpu.memory_space<vmem>>) target(%dma_start3A_374 : memref<100352x16xf32, #tpu.memory_space<vmem_shared>>) offsets(%dma_start3A_371 : memref<128xi32, #tpu.memory_space<vmem>>) semaphore(%arg17 : memref<!tpu.dma_semaphore, #tpu.memory_space<semaphore_mem>>) {add = true}
      %dma_start3A_375 = arith.constant 1 : i32
      %dma_start3A_376 = arith.constant 1 : i32
      %dma_start3A_377 = arith.constant 2 : i32
      %dma_start3A_378 = arith.constant 256 : i32
      %dma_start3A_379 = arith.constant 0 : i32
      %dma_start3A_380 = tpu.memref_slice %arg9[%dma_start3A_375, %dma_start3A_378, %dma_start3A_379] : memref<2x512x16xf32, #tpu.memory_space<vmem>> -> memref<1x128x16xf32, #tpu.memory_space<vmem>>
      %dma_start3A_381 = tpu.memref_squeeze %dma_start3A_380 : memref<1x128x16xf32, #tpu.memory_space<vmem>> -> memref<128x16xf32, #tpu.memory_space<vmem>>
      %dma_start3A_382 = arith.constant 0 : i32
      %dma_start3A_383 = arith.constant 0 : i32
      %dma_start3A_384 = tpu.memref_slice %arg8[%dma_start3A_376, %dma_start3A_382, %dma_start3A_383] : memref<2x4x128xi32, #tpu.memory_space<vmem>> -> memref<1x4x128xi32, #tpu.memory_space<vmem>>
      %dma_start3A_385 = tpu.memref_squeeze %dma_start3A_384 : memref<1x4x128xi32, #tpu.memory_space<vmem>> -> memref<4x128xi32, #tpu.memory_space<vmem>>
      %dma_start3A_386 = arith.constant 0 : i32
      %dma_start3A_387 = tpu.memref_slice %dma_start3A_385[%dma_start3A_377, %dma_start3A_386] : memref<4x128xi32, #tpu.memory_space<vmem>> -> memref<1x128xi32, #tpu.memory_space<vmem>>
      %dma_start3A_388 = tpu.memref_squeeze %dma_start3A_387 : memref<1x128xi32, #tpu.memory_space<vmem>> -> memref<128xi32, #tpu.memory_space<vmem>>
      %dma_start3A_389 = arith.constant 0 : i32
      %dma_start3A_390 = arith.constant 0 : i32
      %dma_start3A_391 = tpu.memref_slice %arg11[%dma_start3A_389, %dma_start3A_390] : memref<100352x16xf32, #tpu.memory_space<vmem_shared>> -> memref<100352x16xf32, #tpu.memory_space<vmem_shared>>
      tpu.enqueue_indirect_dma source(%dma_start3A_381 : memref<128x16xf32, #tpu.memory_space<vmem>>) target(%dma_start3A_391 : memref<100352x16xf32, #tpu.memory_space<vmem_shared>>) offsets(%dma_start3A_388 : memref<128xi32, #tpu.memory_space<vmem>>) semaphore(%arg17 : memref<!tpu.dma_semaphore, #tpu.memory_space<semaphore_mem>>) {add = true}
      %dma_start3A_392 = arith.constant 1 : i32
      %dma_start3A_393 = arith.constant 1 : i32
      %dma_start3A_394 = arith.constant 3 : i32
      %dma_start3A_395 = arith.constant 384 : i32
      %dma_start3A_396 = arith.constant 0 : i32
      %dma_start3A_397 = tpu.memref_slice %arg9[%dma_start3A_392, %dma_start3A_395, %dma_start3A_396] : memref<2x512x16xf32, #tpu.memory_space<vmem>> -> memref<1x128x16xf32, #tpu.memory_space<vmem>>
      %dma_start3A_398 = tpu.memref_squeeze %dma_start3A_397 : memref<1x128x16xf32, #tpu.memory_space<vmem>> -> memref<128x16xf32, #tpu.memory_space<vmem>>
      %dma_start3A_399 = arith.constant 0 : i32
      %dma_start3A_400 = arith.constant 0 : i32
      %dma_start3A_401 = tpu.memref_slice %arg8[%dma_start3A_393, %dma_start3A_399, %dma_start3A_400] : memref<2x4x128xi32, #tpu.memory_space<vmem>> -> memref<1x4x128xi32, #tpu.memory_space<vmem>>
      %dma_start3A_402 = tpu.memref_squeeze %dma_start3A_401 : memref<1x4x128xi32, #tpu.memory_space<vmem>> -> memref<4x128xi32, #tpu.memory_space<vmem>>
      %dma_start3A_403 = arith.constant 0 : i32
      %dma_start3A_404 = tpu.memref_slice %dma_start3A_402[%dma_start3A_394, %dma_start3A_403] : memref<4x128xi32, #tpu.memory_space<vmem>> -> memref<1x128xi32, #tpu.memory_space<vmem>>
      %dma_start3A_405 = tpu.memref_squeeze %dma_start3A_404 : memref<1x128xi32, #tpu.memory_space<vmem>> -> memref<128xi32, #tpu.memory_space<vmem>>
      %dma_start3A_406 = arith.constant 0 : i32
      %dma_start3A_407 = arith.constant 0 : i32
      %dma_start3A_408 = tpu.memref_slice %arg11[%dma_start3A_406, %dma_start3A_407] : memref<100352x16xf32, #tpu.memory_space<vmem_shared>> -> memref<100352x16xf32, #tpu.memory_space<vmem_shared>>
      tpu.enqueue_indirect_dma source(%dma_start3A_398 : memref<128x16xf32, #tpu.memory_space<vmem>>) target(%dma_start3A_408 : memref<100352x16xf32, #tpu.memory_space<vmem_shared>>) offsets(%dma_start3A_405 : memref<128xi32, #tpu.memory_space<vmem>>) semaphore(%arg17 : memref<!tpu.dma_semaphore, #tpu.memory_space<semaphore_mem>>) {add = true}
      %lt3A_409 = arith.cmpi slt, %add3A_318, %select_n3A : i32
      %convert_element_type3A_410 = arith.extui %lt3A_409 : i1 to i32
      %cond3A_411 = arith.constant 0 : i32
      %cond3A_412 = arith.cmpi ne, %convert_element_type3A_410, %cond3A_411 : i32
      scf.if %cond3A_412 {
        %dma_wait3A_428 = arith.constant 0 : i32
        %dma_wait3A_429 = arith.constant 0 : i32
        %dma_wait3A_430 = arith.constant 0 : i32
        %dma_wait3A_431 = tpu.memref_slice %arg7[%dma_wait3A_428, %dma_wait3A_429, %dma_wait3A_430] : memref<2x4x128xi32, #tpu.memory_space<vmem>> -> memref<1x4x128xi32, #tpu.memory_space<vmem>>
        %dma_wait3A_432 = tpu.memref_squeeze %dma_wait3A_431 : memref<1x4x128xi32, #tpu.memory_space<vmem>> -> memref<4x128xi32, #tpu.memory_space<vmem>>
        %dma_wait3A_433 = arith.constant 0 : i32
        %dma_wait3A_434 = tpu.memref_slice %arg3[%add3A_321, %dma_wait3A_433] : memref<25088x128xi32, #tpu.memory_space<hbm>> -> memref<4x128xi32, #tpu.memory_space<hbm>>
        %dma_wait3A_435 = arith.constant 0 : i32
        %dma_wait3A_436 = arith.constant 0 : i32
        %dma_wait3A_437 = tpu.memref_slice %arg7[%dma_wait3A_428, %dma_wait3A_435, %dma_wait3A_436] : memref<2x4x128xi32, #tpu.memory_space<vmem>> -> memref<1x4x128xi32, #tpu.memory_space<vmem>>
        %dma_wait3A_438 = tpu.memref_squeeze %dma_wait3A_437 : memref<1x4x128xi32, #tpu.memory_space<vmem>> -> memref<4x128xi32, #tpu.memory_space<vmem>>
        %dma_wait3A_439 = arith.constant 0 : i32
        %dma_wait3A_440 = tpu.memref_slice %arg3[%add3A_321, %dma_wait3A_439] : memref<25088x128xi32, #tpu.memory_space<hbm>> -> memref<4x128xi32, #tpu.memory_space<hbm>>
        tpu.wait_dma2 semaphore(%arg12 : memref<!tpu.dma_semaphore, #tpu.memory_space<semaphore_mem>>) src(%dma_wait3A_440 : memref<4x128xi32, #tpu.memory_space<hbm>>) dst(%dma_wait3A_438 : memref<4x128xi32, #tpu.memory_space<vmem>>)
        %dma_wait3A_441 = arith.constant 0 : i32
        %dma_wait3A_442 = arith.constant 0 : i32
        %dma_wait3A_443 = arith.constant 0 : i32
        %dma_wait3A_444 = tpu.memref_slice %arg8[%dma_wait3A_441, %dma_wait3A_442, %dma_wait3A_443] : memref<2x4x128xi32, #tpu.memory_space<vmem>> -> memref<1x4x128xi32, #tpu.memory_space<vmem>>
        %dma_wait3A_445 = tpu.memref_squeeze %dma_wait3A_444 : memref<1x4x128xi32, #tpu.memory_space<vmem>> -> memref<4x128xi32, #tpu.memory_space<vmem>>
        %dma_wait3A_446 = arith.constant 0 : i32
        %dma_wait3A_447 = tpu.memref_slice %arg4[%add3A_321, %dma_wait3A_446] : memref<25088x128xi32, #tpu.memory_space<hbm>> -> memref<4x128xi32, #tpu.memory_space<hbm>>
        %dma_wait3A_448 = arith.constant 0 : i32
        %dma_wait3A_449 = arith.constant 0 : i32
        %dma_wait3A_450 = tpu.memref_slice %arg8[%dma_wait3A_441, %dma_wait3A_448, %dma_wait3A_449] : memref<2x4x128xi32, #tpu.memory_space<vmem>> -> memref<1x4x128xi32, #tpu.memory_space<vmem>>
        %dma_wait3A_451 = tpu.memref_squeeze %dma_wait3A_450 : memref<1x4x128xi32, #tpu.memory_space<vmem>> -> memref<4x128xi32, #tpu.memory_space<vmem>>
        %dma_wait3A_452 = arith.constant 0 : i32
        %dma_wait3A_453 = tpu.memref_slice %arg4[%add3A_321, %dma_wait3A_452] : memref<25088x128xi32, #tpu.memory_space<hbm>> -> memref<4x128xi32, #tpu.memory_space<hbm>>
        tpu.wait_dma2 semaphore(%arg12 : memref<!tpu.dma_semaphore, #tpu.memory_space<semaphore_mem>>) src(%dma_wait3A_453 : memref<4x128xi32, #tpu.memory_space<hbm>>) dst(%dma_wait3A_451 : memref<4x128xi32, #tpu.memory_space<vmem>>)
        %dma_start3A_454 = arith.constant 0 : i32
        %dma_start3A_455 = arith.constant 0 : i32
        %dma_start3A_456 = arith.constant 0 : i32
        %dma_start3A_457 = arith.constant 0 : i32
        %dma_start3A_458 = arith.constant 0 : i32
        %dma_start3A_459 = tpu.memref_slice %arg9[%dma_start3A_456, %dma_start3A_457, %dma_start3A_458] : memref<2x512x16xf32, #tpu.memory_space<vmem>> -> memref<1x128x16xf32, #tpu.memory_space<vmem>>
        %dma_start3A_460 = tpu.memref_squeeze %dma_start3A_459 : memref<1x128x16xf32, #tpu.memory_space<vmem>> -> memref<128x16xf32, #tpu.memory_space<vmem>>
        %dma_start3A_461 = arith.constant 0 : i32
        %dma_start3A_462 = arith.constant 0 : i32
        %dma_start3A_463 = tpu.memref_slice %arg7[%dma_start3A_454, %dma_start3A_461, %dma_start3A_462] : memref<2x4x128xi32, #tpu.memory_space<vmem>> -> memref<1x4x128xi32, #tpu.memory_space<vmem>>
        %dma_start3A_464 = tpu.memref_squeeze %dma_start3A_463 : memref<1x4x128xi32, #tpu.memory_space<vmem>> -> memref<4x128xi32, #tpu.memory_space<vmem>>
        %dma_start3A_465 = arith.constant 0 : i32
        %dma_start3A_466 = tpu.memref_slice %dma_start3A_464[%dma_start3A_455, %dma_start3A_465] : memref<4x128xi32, #tpu.memory_space<vmem>> -> memref<1x128xi32, #tpu.memory_space<vmem>>
        %dma_start3A_467 = tpu.memref_squeeze %dma_start3A_466 : memref<1x128xi32, #tpu.memory_space<vmem>> -> memref<128xi32, #tpu.memory_space<vmem>>
        %dma_start3A_468 = arith.constant 0 : i32
        %dma_start3A_469 = arith.constant 0 : i32
        %dma_start3A_470 = tpu.memref_slice %arg2[%dma_start3A_468, %dma_start3A_469] : memref<100352x16xf32, #tpu.memory_space<hbm>> -> memref<100352x16xf32, #tpu.memory_space<hbm>>
        tpu.enqueue_indirect_dma source(%dma_start3A_470 : memref<100352x16xf32, #tpu.memory_space<hbm>>) target(%dma_start3A_460 : memref<128x16xf32, #tpu.memory_space<vmem>>) offsets(%dma_start3A_467 : memref<128xi32, #tpu.memory_space<vmem>>) semaphore(%arg14 : memref<!tpu.dma_semaphore, #tpu.memory_space<semaphore_mem>>)
        %dma_start3A_471 = arith.constant 0 : i32
        %dma_start3A_472 = arith.constant 1 : i32
        %dma_start3A_473 = arith.constant 0 : i32
        %dma_start3A_474 = arith.constant 128 : i32
        %dma_start3A_475 = arith.constant 0 : i32
        %dma_start3A_476 = tpu.memref_slice %arg9[%dma_start3A_473, %dma_start3A_474, %dma_start3A_475] : memref<2x512x16xf32, #tpu.memory_space<vmem>> -> memref<1x128x16xf32, #tpu.memory_space<vmem>>
        %dma_start3A_477 = tpu.memref_squeeze %dma_start3A_476 : memref<1x128x16xf32, #tpu.memory_space<vmem>> -> memref<128x16xf32, #tpu.memory_space<vmem>>
        %dma_start3A_478 = arith.constant 0 : i32
        %dma_start3A_479 = arith.constant 0 : i32
        %dma_start3A_480 = tpu.memref_slice %arg7[%dma_start3A_471, %dma_start3A_478, %dma_start3A_479] : memref<2x4x128xi32, #tpu.memory_space<vmem>> -> memref<1x4x128xi32, #tpu.memory_space<vmem>>
        %dma_start3A_481 = tpu.memref_squeeze %dma_start3A_480 : memref<1x4x128xi32, #tpu.memory_space<vmem>> -> memref<4x128xi32, #tpu.memory_space<vmem>>
        %dma_start3A_482 = arith.constant 0 : i32
        %dma_start3A_483 = tpu.memref_slice %dma_start3A_481[%dma_start3A_472, %dma_start3A_482] : memref<4x128xi32, #tpu.memory_space<vmem>> -> memref<1x128xi32, #tpu.memory_space<vmem>>
        %dma_start3A_484 = tpu.memref_squeeze %dma_start3A_483 : memref<1x128xi32, #tpu.memory_space<vmem>> -> memref<128xi32, #tpu.memory_space<vmem>>
        %dma_start3A_485 = arith.constant 0 : i32
        %dma_start3A_486 = arith.constant 0 : i32
        %dma_start3A_487 = tpu.memref_slice %arg2[%dma_start3A_485, %dma_start3A_486] : memref<100352x16xf32, #tpu.memory_space<hbm>> -> memref<100352x16xf32, #tpu.memory_space<hbm>>
        tpu.enqueue_indirect_dma source(%dma_start3A_487 : memref<100352x16xf32, #tpu.memory_space<hbm>>) target(%dma_start3A_477 : memref<128x16xf32, #tpu.memory_space<vmem>>) offsets(%dma_start3A_484 : memref<128xi32, #tpu.memory_space<vmem>>) semaphore(%arg14 : memref<!tpu.dma_semaphore, #tpu.memory_space<semaphore_mem>>)
        %dma_start3A_488 = arith.constant 0 : i32
        %dma_start3A_489 = arith.constant 2 : i32
        %dma_start3A_490 = arith.constant 0 : i32
        %dma_start3A_491 = arith.constant 256 : i32
        %dma_start3A_492 = arith.constant 0 : i32
        %dma_start3A_493 = tpu.memref_slice %arg9[%dma_start3A_490, %dma_start3A_491, %dma_start3A_492] : memref<2x512x16xf32, #tpu.memory_space<vmem>> -> memref<1x128x16xf32, #tpu.memory_space<vmem>>
        %dma_start3A_494 = tpu.memref_squeeze %dma_start3A_493 : memref<1x128x16xf32, #tpu.memory_space<vmem>> -> memref<128x16xf32, #tpu.memory_space<vmem>>
        %dma_start3A_495 = arith.constant 0 : i32
        %dma_start3A_496 = arith.constant 0 : i32
        %dma_start3A_497 = tpu.memref_slice %arg7[%dma_start3A_488, %dma_start3A_495, %dma_start3A_496] : memref<2x4x128xi32, #tpu.memory_space<vmem>> -> memref<1x4x128xi32, #tpu.memory_space<vmem>>
        %dma_start3A_498 = tpu.memref_squeeze %dma_start3A_497 : memref<1x4x128xi32, #tpu.memory_space<vmem>> -> memref<4x128xi32, #tpu.memory_space<vmem>>
        %dma_start3A_499 = arith.constant 0 : i32
        %dma_start3A_500 = tpu.memref_slice %dma_start3A_498[%dma_start3A_489, %dma_start3A_499] : memref<4x128xi32, #tpu.memory_space<vmem>> -> memref<1x128xi32, #tpu.memory_space<vmem>>
        %dma_start3A_501 = tpu.memref_squeeze %dma_start3A_500 : memref<1x128xi32, #tpu.memory_space<vmem>> -> memref<128xi32, #tpu.memory_space<vmem>>
        %dma_start3A_502 = arith.constant 0 : i32
        %dma_start3A_503 = arith.constant 0 : i32
        %dma_start3A_504 = tpu.memref_slice %arg2[%dma_start3A_502, %dma_start3A_503] : memref<100352x16xf32, #tpu.memory_space<hbm>> -> memref<100352x16xf32, #tpu.memory_space<hbm>>
        tpu.enqueue_indirect_dma source(%dma_start3A_504 : memref<100352x16xf32, #tpu.memory_space<hbm>>) target(%dma_start3A_494 : memref<128x16xf32, #tpu.memory_space<vmem>>) offsets(%dma_start3A_501 : memref<128xi32, #tpu.memory_space<vmem>>) semaphore(%arg14 : memref<!tpu.dma_semaphore, #tpu.memory_space<semaphore_mem>>)
        %dma_start3A_505 = arith.constant 0 : i32
        %dma_start3A_506 = arith.constant 3 : i32
        %dma_start3A_507 = arith.constant 0 : i32
        %dma_start3A_508 = arith.constant 384 : i32
        %dma_start3A_509 = arith.constant 0 : i32
        %dma_start3A_510 = tpu.memref_slice %arg9[%dma_start3A_507, %dma_start3A_508, %dma_start3A_509] : memref<2x512x16xf32, #tpu.memory_space<vmem>> -> memref<1x128x16xf32, #tpu.memory_space<vmem>>
        %dma_start3A_511 = tpu.memref_squeeze %dma_start3A_510 : memref<1x128x16xf32, #tpu.memory_space<vmem>> -> memref<128x16xf32, #tpu.memory_space<vmem>>
        %dma_start3A_512 = arith.constant 0 : i32
        %dma_start3A_513 = arith.constant 0 : i32
        %dma_start3A_514 = tpu.memref_slice %arg7[%dma_start3A_505, %dma_start3A_512, %dma_start3A_513] : memref<2x4x128xi32, #tpu.memory_space<vmem>> -> memref<1x4x128xi32, #tpu.memory_space<vmem>>
        %dma_start3A_515 = tpu.memref_squeeze %dma_start3A_514 : memref<1x4x128xi32, #tpu.memory_space<vmem>> -> memref<4x128xi32, #tpu.memory_space<vmem>>
        %dma_start3A_516 = arith.constant 0 : i32
        %dma_start3A_517 = tpu.memref_slice %dma_start3A_515[%dma_start3A_506, %dma_start3A_516] : memref<4x128xi32, #tpu.memory_space<vmem>> -> memref<1x128xi32, #tpu.memory_space<vmem>>
        %dma_start3A_518 = tpu.memref_squeeze %dma_start3A_517 : memref<1x128xi32, #tpu.memory_space<vmem>> -> memref<128xi32, #tpu.memory_space<vmem>>
        %dma_start3A_519 = arith.constant 0 : i32
        %dma_start3A_520 = arith.constant 0 : i32
        %dma_start3A_521 = tpu.memref_slice %arg2[%dma_start3A_519, %dma_start3A_520] : memref<100352x16xf32, #tpu.memory_space<hbm>> -> memref<100352x16xf32, #tpu.memory_space<hbm>>
        tpu.enqueue_indirect_dma source(%dma_start3A_521 : memref<100352x16xf32, #tpu.memory_space<hbm>>) target(%dma_start3A_511 : memref<128x16xf32, #tpu.memory_space<vmem>>) offsets(%dma_start3A_518 : memref<128xi32, #tpu.memory_space<vmem>>) semaphore(%arg14 : memref<!tpu.dma_semaphore, #tpu.memory_space<semaphore_mem>>)
      } else {
      }
      %dma_wait3A_413 = arith.constant 1 : i32
      %dma_wait3A_414 = arith.constant 0 : i32
      %dma_wait3A_415 = arith.constant 0 : i32
      %dma_wait3A_416 = tpu.memref_slice %arg9[%dma_wait3A_413, %dma_wait3A_414, %dma_wait3A_415] : memref<2x512x16xf32, #tpu.memory_space<vmem>> -> memref<1x512x16xf32, #tpu.memory_space<vmem>>
      %dma_wait3A_417 = tpu.memref_squeeze %dma_wait3A_416 : memref<1x512x16xf32, #tpu.memory_space<vmem>> -> memref<512x16xf32, #tpu.memory_space<vmem>>
      %dma_wait3A_418 = arith.constant 0 : i32
      %dma_wait3A_419 = arith.constant 0 : i32
      %dma_wait3A_420 = tpu.memref_slice %arg11[%dma_wait3A_418, %dma_wait3A_419] : memref<100352x16xf32, #tpu.memory_space<vmem_shared>> -> memref<512x16xf32, #tpu.memory_space<vmem_shared>>
      %dma_wait3A_421 = arith.constant 0 : i32
      %dma_wait3A_422 = arith.constant 0 : i32
      %dma_wait3A_423 = tpu.memref_slice %arg11[%dma_wait3A_421, %dma_wait3A_422] : memref<100352x16xf32, #tpu.memory_space<vmem_shared>> -> memref<512x16xf32, #tpu.memory_space<vmem_shared>>
      %dma_wait3A_424 = arith.constant 0 : i32
      %dma_wait3A_425 = arith.constant 0 : i32
      %dma_wait3A_426 = tpu.memref_slice %arg9[%dma_wait3A_413, %dma_wait3A_424, %dma_wait3A_425] : memref<2x512x16xf32, #tpu.memory_space<vmem>> -> memref<1x512x16xf32, #tpu.memory_space<vmem>>
      %dma_wait3A_427 = tpu.memref_squeeze %dma_wait3A_426 : memref<1x512x16xf32, #tpu.memory_space<vmem>> -> memref<512x16xf32, #tpu.memory_space<vmem>>
      tpu.wait_dma2 semaphore(%arg17 : memref<!tpu.dma_semaphore, #tpu.memory_space<semaphore_mem>>) src(%dma_wait3A_427 : memref<512x16xf32, #tpu.memory_space<vmem>>) dst(%dma_wait3A_423 : memref<512x16xf32, #tpu.memory_space<vmem_shared>>)
    }
    %barrier3A_189 = arith.constant 0 : index
    tpu.barrier barrier_id(%barrier3A_189)
    %eq3A_190 = arith.constant 0 : i32
    %eq3A_191 = arith.cmpi eq, %arg0, %eq3A_190 : i32
    %convert_element_type3A = arith.extui %eq3A_191 : i1 to i32
    %cond3A = arith.constant 0 : i32
    %cond3A_192 = arith.cmpi ne, %convert_element_type3A, %cond3A : i32
    scf.if %cond3A_192 {
      %mul3A_198 = arith.constant 6272 : i32
      %mul3A_199 = arith.muli %arg1, %mul3A_198 : i32
      %mul3A_200 = arith.constant 6272 : i32
      %mul3A_201 = arith.muli %arg1, %mul3A_200 : i32
      "tpu.region"() ({
        %run_scoped3A = tpu.sem_alloc : memref<!tpu.dma_semaphore, #tpu.memory_space<semaphore_mem>>
        %dma_start3A_202 = arith.constant 0 : i32
        %dma_start3A_203 = tpu.memref_slice %arg5[%mul3A_201, %dma_start3A_202] : memref<100352x16xf32, #tpu.memory_space<hbm>> -> memref<6272x16xf32, #tpu.memory_space<hbm>>
        %dma_start3A_204 = arith.constant 0 : i32
        %dma_start3A_205 = tpu.memref_slice %arg11[%mul3A_199, %dma_start3A_204] : memref<100352x16xf32, #tpu.memory_space<vmem_shared>> -> memref<6272x16xf32, #tpu.memory_space<vmem_shared>>
        tpu.enqueue_dma source(%dma_start3A_205 : memref<6272x16xf32, #tpu.memory_space<vmem_shared>>) target(%dma_start3A_203 : memref<6272x16xf32, #tpu.memory_space<hbm>>) target_semaphore(%run_scoped3A : memref<!tpu.dma_semaphore, #tpu.memory_space<semaphore_mem>>)
        %dma_wait3A_206 = arith.constant 0 : i32
        %dma_wait3A_207 = tpu.memref_slice %arg5[%mul3A_201, %dma_wait3A_206] : memref<100352x16xf32, #tpu.memory_space<hbm>> -> memref<6272x16xf32, #tpu.memory_space<hbm>>
        %dma_wait3A_208 = arith.constant 0 : i32
        %dma_wait3A_209 = tpu.memref_slice %arg11[%mul3A_199, %dma_wait3A_208] : memref<100352x16xf32, #tpu.memory_space<vmem_shared>> -> memref<6272x16xf32, #tpu.memory_space<vmem_shared>>
        tpu.wait_dma2 semaphore(%run_scoped3A : memref<!tpu.dma_semaphore, #tpu.memory_space<semaphore_mem>>) src(%dma_wait3A_209 : memref<6272x16xf32, #tpu.memory_space<vmem_shared>>) dst(%dma_wait3A_207 : memref<6272x16xf32, #tpu.memory_space<hbm>>)
        tpu.yield
      }) : () -> ()
    } else {
    }
    %eq3A_193 = arith.constant 1 : i32
    %eq3A_194 = arith.cmpi eq, %arg0, %eq3A_193 : i32
    %convert_element_type3A_195 = arith.extui %eq3A_194 : i1 to i32
    %cond3A_196 = arith.constant 0 : i32
    %cond3A_197 = arith.cmpi ne, %convert_element_type3A_195, %cond3A_196 : i32
    scf.if %cond3A_197 {
      %mul3A_198 = arith.constant 6272 : i32
      %mul3A_199 = arith.muli %arg1, %mul3A_198 : i32
      %mul3A_200 = arith.constant 6272 : i32
      %mul3A_201 = arith.muli %arg1, %mul3A_200 : i32
      "tpu.region"() ({
        %run_scoped3A = tpu.sem_alloc : memref<!tpu.dma_semaphore, #tpu.memory_space<semaphore_mem>>
        %dma_start3A_202 = arith.constant 0 : i32
        %dma_start3A_203 = tpu.memref_slice %arg6[%mul3A_201, %dma_start3A_202] : memref<100352x16xf32, #tpu.memory_space<hbm>> -> memref<6272x16xf32, #tpu.memory_space<hbm>>
        %dma_start3A_204 = arith.constant 0 : i32
        %dma_start3A_205 = tpu.memref_slice %arg11[%mul3A_199, %dma_start3A_204] : memref<100352x16xf32, #tpu.memory_space<vmem_shared>> -> memref<6272x16xf32, #tpu.memory_space<vmem_shared>>
        tpu.enqueue_dma source(%dma_start3A_205 : memref<6272x16xf32, #tpu.memory_space<vmem_shared>>) target(%dma_start3A_203 : memref<6272x16xf32, #tpu.memory_space<hbm>>) target_semaphore(%run_scoped3A : memref<!tpu.dma_semaphore, #tpu.memory_space<semaphore_mem>>)
        %dma_wait3A_206 = arith.constant 0 : i32
        %dma_wait3A_207 = tpu.memref_slice %arg6[%mul3A_201, %dma_wait3A_206] : memref<100352x16xf32, #tpu.memory_space<hbm>> -> memref<6272x16xf32, #tpu.memory_space<hbm>>
        %dma_wait3A_208 = arith.constant 0 : i32
        %dma_wait3A_209 = tpu.memref_slice %arg11[%mul3A_199, %dma_wait3A_208] : memref<100352x16xf32, #tpu.memory_space<vmem_shared>> -> memref<6272x16xf32, #tpu.memory_space<vmem_shared>>
        tpu.wait_dma2 semaphore(%run_scoped3A : memref<!tpu.dma_semaphore, #tpu.memory_space<semaphore_mem>>) src(%dma_wait3A_209 : memref<6272x16xf32, #tpu.memory_space<vmem_shared>>) dst(%dma_wait3A_207 : memref<6272x16xf32, #tpu.memory_space<hbm>>)
        tpu.yield
      }) : () -> ()
    } else {
    }
    return
  }
}

module attributes {stable_mosaic.version = 14 : i64} {
  func.func @body(%arg0: i32, %arg1: memref<2048x128xf32, #tpu.memory_space<vmem>>, %arg2: memref<1024x128xf32, #tpu.memory_space<vmem>>, %arg3: memref<256x128xf32, #tpu.memory_space<vmem>>) attributes {dimension_semantics = [#tpu.dimension_semantics<arbitrary>], iteration_bounds = array<i64: 49>, scalar_prefetch = 0 : i64, scratch_operands = 0 : i64, tpu.core_type = #tpu.core_type<tc>, window_params = [{transform_indices = @transform_0, window_bounds = array<i64: 2048, 128>}, {pipeline_mode = #tpu.pipeline_mode<synchronous>, transform_indices = @transform_1, window_bounds = array<i64: 1024, 128>}, {transform_indices = @transform_2, window_bounds = array<i64: 256, 128>}]} {
    %get3A = arith.constant 0 : index
    %get3A_0 = arith.constant 0 : index
    %get3A_1 = vector.load %arg1[%get3A, %get3A_0] : memref<2048x128xf32, #tpu.memory_space<vmem>>, vector<2048x128xf32>
    %reshape3A = vector.shape_cast %get3A_1 : vector<2048x128xf32> to vector<256x1024xf32>
    %get3A_2 = arith.constant 0 : index
    %get3A_3 = arith.constant 0 : index
    %get3A_4 = vector.load %arg2[%get3A_2, %get3A_3] : memref<1024x128xf32, #tpu.memory_space<vmem>>, vector<1024x128xf32>
    %dot_general3A = arith.constant dense<0.000000e+00> : vector<256x128xf32>
    %dot_general3A_5 = tpu.matmul %reshape3A, %get3A_4, %dot_general3A {dimension_numbers = #tpu.dot_dimension_numbers<[1], [0], [0], [1], [0, 0, 1, 1], [], []>, transpose_lhs_hint = false} : vector<256x1024xf32>, vector<1024x128xf32>, vector<256x128xf32> -> vector<256x128xf32>
    %swap3A = arith.constant 0 : index
    %swap3A_6 = arith.constant 0 : index
    %swap3A_7 = vector.load %arg3[%swap3A, %swap3A_6] : memref<256x128xf32, #tpu.memory_space<vmem>>, vector<256x128xf32>
    tpu.vector_store %arg3[%swap3A, %swap3A_6], %dot_general3A_5 {strides = array<i32>} : memref<256x128xf32, #tpu.memory_space<vmem>>, vector<256x128xf32>,
    return
  }
  func.func @transform_0(%arg0: i32) -> (i32, i32) {
    %c0_i32 = arith.constant 0 : i32
    %c0_i32_0 = arith.constant 0 : i32
    return %arg0, %c0_i32 : i32, i32
  }
  func.func @transform_1(%arg0: i32) -> (i32, i32) {
    %c0_i32 = arith.constant 0 : i32
    %c0_i32_0 = arith.constant 0 : i32
    %c0_i32_1 = arith.constant 0 : i32
    return %c0_i32, %c0_i32_0 : i32, i32
  }
  func.func @transform_2(%arg0: i32) -> (i32, i32) {
    %c0_i32 = arith.constant 0 : i32
    %c0_i32_0 = arith.constant 0 : i32
    return %arg0, %c0_i32 : i32, i32
  }
}

module attributes {stable_mosaic.version = 14 : i64} {
  func.func @body(%arg0: i32, %arg1: memref<256x8xf32, #tpu.memory_space<vmem>>, %arg2: memref<256x8xf32, #tpu.memory_space<vmem>>, %arg3: memref<256x128xf32, #tpu.memory_space<vmem>>, %arg4: memref<8x128xf32, #tpu.memory_space<vmem>>, %arg5: memref<256x128xf32, #tpu.memory_space<vmem>>, %arg6: memref<256x128xf32, #tpu.memory_space<vmem>>) attributes {dimension_semantics = [#tpu.dimension_semantics<arbitrary>], iteration_bounds = array<i64: 49>, scalar_prefetch = 0 : i64, scratch_operands = 0 : i64, tpu.core_type = #tpu.core_type<tc>, window_params = [{transform_indices = @transform_0, window_bounds = array<i64: 256, 8>}, {transform_indices = @transform_1, window_bounds = array<i64: 256, 8>}, {transform_indices = @transform_2, window_bounds = array<i64: 256, 128>}, {pipeline_mode = #tpu.pipeline_mode<synchronous>, transform_indices = @transform_3, window_bounds = array<i64: 8, 128>}, {transform_indices = @transform_4, window_bounds = array<i64: 256, 128>}, {transform_indices = @transform_5, window_bounds = array<i64: 256, 128>}]} {
    %get3A = arith.constant 0 : index
    %get3A_0 = arith.constant 0 : index
    %get3A_1 = vector.load %arg1[%get3A, %get3A_0] : memref<256x8xf32, #tpu.memory_space<vmem>>, vector<256x8xf32>
    %get3A_2 = arith.constant 0 : index
    %get3A_3 = arith.constant 0 : index
    %get3A_4 = vector.load %arg2[%get3A_2, %get3A_3] : memref<256x8xf32, #tpu.memory_space<vmem>>, vector<256x8xf32>
    %add3A = arith.addf %get3A_1, %get3A_4 : vector<256x8xf32>
    %add3A_5 = arith.constant 1.000000e+00 : f32
    %add3A_6 = vector.broadcast %add3A_5 : f32 to vector<256x8xf32>
    %add3A_7 = arith.addf %add3A, %add3A_6 : vector<256x8xf32>
    %rsqrt3A = math.rsqrt %add3A_7 : vector<256x8xf32>
    %get3A_8 = arith.constant 0 : index
    %get3A_9 = arith.constant 0 : index
    %get3A_10 = vector.load %arg4[%get3A_8, %get3A_9] : memref<8x128xf32, #tpu.memory_space<vmem>>, vector<8x128xf32>
    %dot_general3A = arith.constant dense<0.000000e+00> : vector<256x128xf32>
    %dot_general3A_11 = tpu.matmul %rsqrt3A, %get3A_10, %dot_general3A {dimension_numbers = #tpu.dot_dimension_numbers<[1], [0], [0], [1], [0, 0, 1, 1], [], []>, transpose_lhs_hint = false} : vector<256x8xf32>, vector<8x128xf32>, vector<256x128xf32> -> vector<256x128xf32>
    %swap3A = arith.constant 0 : index
    %swap3A_12 = arith.constant 0 : index
    %swap3A_13 = vector.load %arg5[%swap3A, %swap3A_12] : memref<256x128xf32, #tpu.memory_space<vmem>>, vector<256x128xf32>
    tpu.vector_store %arg5[%swap3A, %swap3A_12], %dot_general3A_11 {strides = array<i32>} : memref<256x128xf32, #tpu.memory_space<vmem>>, vector<256x128xf32>,
    %get3A_14 = arith.constant 0 : index
    %get3A_15 = arith.constant 0 : index
    %get3A_16 = vector.load %arg3[%get3A_14, %get3A_15] : memref<256x128xf32, #tpu.memory_space<vmem>>, vector<256x128xf32>
    %mul3A = arith.mulf %get3A_16, %dot_general3A_11 : vector<256x128xf32>
    %swap3A_17 = arith.constant 0 : index
    %swap3A_18 = arith.constant 0 : index
    %swap3A_19 = vector.load %arg6[%swap3A_17, %swap3A_18] : memref<256x128xf32, #tpu.memory_space<vmem>>, vector<256x128xf32>
    tpu.vector_store %arg6[%swap3A_17, %swap3A_18], %mul3A {strides = array<i32>} : memref<256x128xf32, #tpu.memory_space<vmem>>, vector<256x128xf32>,
    return
  }
  func.func @transform_0(%arg0: i32) -> (i32, i32) {
    %c0_i32 = arith.constant 0 : i32
    %c0_i32_0 = arith.constant 0 : i32
    return %arg0, %c0_i32 : i32, i32
  }
  func.func @transform_1(%arg0: i32) -> (i32, i32) {
    %c0_i32 = arith.constant 0 : i32
    %c0_i32_0 = arith.constant 0 : i32
    return %arg0, %c0_i32 : i32, i32
  }
  func.func @transform_2(%arg0: i32) -> (i32, i32) {
    %c0_i32 = arith.constant 0 : i32
    %c0_i32_0 = arith.constant 0 : i32
    return %arg0, %c0_i32 : i32, i32
  }
  func.func @transform_3(%arg0: i32) -> (i32, i32) {
    %c0_i32 = arith.constant 0 : i32
    %c0_i32_0 = arith.constant 0 : i32
    %c0_i32_1 = arith.constant 0 : i32
    return %c0_i32, %c0_i32_0 : i32, i32
  }
  func.func @transform_4(%arg0: i32) -> (i32, i32) {
    %c0_i32 = arith.constant 0 : i32
    %c0_i32_0 = arith.constant 0 : i32
    return %arg0, %c0_i32 : i32, i32
  }
  func.func @transform_5(%arg0: i32) -> (i32, i32) {
    %c0_i32 = arith.constant 0 : i32
    %c0_i32_0 = arith.constant 0 : i32
    return %arg0, %c0_i32 : i32, i32
  }
}

module attributes {stable_mosaic.version = 14 : i64} {
  func.func @body(%arg0: i32, %arg1: memref<256x128xf32, #tpu.memory_space<vmem>>, %arg2: memref<256x128xf32, #tpu.memory_space<vmem>>, %arg3: memref<256x128xf32, #tpu.memory_space<vmem>>, %arg4: memref<256x128xf32, #tpu.memory_space<vmem>>, %arg5: memref<1x128xf32, #tpu.memory_space<vmem>>, %arg6: memref<128x128xf32, #tpu.memory_space<vmem>>, %arg7: memref<1x128xf32, #tpu.memory_space<vmem>>, %arg8: memref<128x128xf32, #tpu.memory_space<vmem>>, %arg9: memref<256x128xf32, #tpu.memory_space<vmem>>, %arg10: memref<256x128xf32, #tpu.memory_space<vmem>>) attributes {dimension_semantics = [#tpu.dimension_semantics<arbitrary>], iteration_bounds = array<i64: 49>, scalar_prefetch = 0 : i64, scratch_operands = 0 : i64, tpu.core_type = #tpu.core_type<tc>, window_params = [{transform_indices = @transform_0, window_bounds = array<i64: 256, 128>}, {transform_indices = @transform_1, window_bounds = array<i64: 256, 128>}, {transform_indices = @transform_2, window_bounds = array<i64: 256, 128>}, {transform_indices = @transform_3, window_bounds = array<i64: 256, 128>}, {pipeline_mode = #tpu.pipeline_mode<synchronous>, transform_indices = @transform_4, window_bounds = array<i64: 1, 128>}, {pipeline_mode = #tpu.pipeline_mode<synchronous>, transform_indices = @transform_5, window_bounds = array<i64: 128, 128>}, {pipeline_mode = #tpu.pipeline_mode<synchronous>, transform_indices = @transform_6, window_bounds = array<i64: 1, 128>}, {pipeline_mode = #tpu.pipeline_mode<synchronous>, transform_indices = @transform_7, window_bounds = array<i64: 128, 128>}, {transform_indices = @transform_8, window_bounds = array<i64: 256, 128>}, {transform_indices = @transform_9, window_bounds = array<i64: 256, 128>}]} {
    %get3A = arith.constant 0 : index
    %get3A_0 = arith.constant 0 : index
    %get3A_1 = vector.load %arg3[%get3A, %get3A_0] : memref<256x128xf32, #tpu.memory_space<vmem>>, vector<256x128xf32>
    %get3A_2 = arith.constant 0 : index
    %get3A_3 = arith.constant 0 : index
    %get3A_4 = vector.load %arg1[%get3A_2, %get3A_3] : memref<256x128xf32, #tpu.memory_space<vmem>>, vector<256x128xf32>
    %get3A_5 = arith.constant 0 : index
    %get3A_6 = arith.constant 0 : index
    %get3A_7 = vector.load %arg2[%get3A_5, %get3A_6] : memref<256x128xf32, #tpu.memory_space<vmem>>, vector<256x128xf32>
    %add3A = arith.addf %get3A_4, %get3A_7 : vector<256x128xf32>
    %get3A_8 = arith.constant 0 : index
    %get3A_9 = arith.constant 0 : index
    %get3A_10 = vector.load %arg4[%get3A_8, %get3A_9] : memref<256x128xf32, #tpu.memory_space<vmem>>, vector<256x128xf32>
    %add3A_11 = arith.addf %add3A, %get3A_10 : vector<256x128xf32>
    %mul3A = arith.mulf %get3A_1, %add3A_11 : vector<256x128xf32>
    %get3A_12 = arith.constant 0 : index
    %get3A_13 = arith.constant 0 : index
    %get3A_14 = vector.load %arg5[%get3A_12, %get3A_13] : memref<1x128xf32, #tpu.memory_space<vmem>>, vector<1x128xf32>
    %add3A_15 = vector.broadcast %get3A_14 : vector<1x128xf32> to vector<256x128xf32>
    %add3A_16 = arith.addf %mul3A, %add3A_15 : vector<256x128xf32>
    %gt3A = arith.constant 0.000000e+00 : f32
    %gt3A_17 = vector.broadcast %gt3A : f32 to vector<256x128xf32>
    %gt3A_18 = arith.cmpf ogt, %add3A_16, %gt3A_17 : vector<256x128xf32>
    %min3A = arith.constant 0.000000e+00 : f32
    %min3A_19 = vector.broadcast %min3A : f32 to vector<256x128xf32>
    %min3A_20 = arith.minimumf %add3A_16, %min3A_19 : vector<256x128xf32>
    %exp3A = math.exp %min3A_20 : vector<256x128xf32>
    %sub3A = arith.constant 1.000000e+00 : f32
    %sub3A_21 = vector.broadcast %sub3A : f32 to vector<256x128xf32>
    %sub3A_22 = arith.subf %exp3A, %sub3A_21 : vector<256x128xf32>
    %select_n3A = arith.select %gt3A_18, %add3A_16, %sub3A_22 : vector<256x128xi1>, vector<256x128xf32>
    %get3A_23 = arith.constant 0 : index
    %get3A_24 = arith.constant 0 : index
    %get3A_25 = vector.load %arg6[%get3A_23, %get3A_24] : memref<128x128xf32, #tpu.memory_space<vmem>>, vector<128x128xf32>
    %dot_general3A = arith.constant dense<0.000000e+00> : vector<256x128xf32>
    %dot_general3A_26 = tpu.matmul %select_n3A, %get3A_25, %dot_general3A {dimension_numbers = #tpu.dot_dimension_numbers<[1], [0], [0], [1], [0, 0, 1, 1], [], []>, transpose_lhs_hint = false} : vector<256x128xf32>, vector<128x128xf32>, vector<256x128xf32> -> vector<256x128xf32>
    %get3A_27 = arith.constant 0 : index
    %get3A_28 = arith.constant 0 : index
    %get3A_29 = vector.load %arg7[%get3A_27, %get3A_28] : memref<1x128xf32, #tpu.memory_space<vmem>>, vector<1x128xf32>
    %add3A_30 = vector.broadcast %get3A_29 : vector<1x128xf32> to vector<256x128xf32>
    %add3A_31 = arith.addf %dot_general3A_26, %add3A_30 : vector<256x128xf32>
    %get3A_32 = arith.constant 0 : index
    %get3A_33 = arith.constant 0 : index
    %get3A_34 = vector.load %arg8[%get3A_32, %get3A_33] : memref<128x128xf32, #tpu.memory_space<vmem>>, vector<128x128xf32>
    %dot_general3A_35 = arith.constant dense<0.000000e+00> : vector<256x128xf32>
    %dot_general3A_36 = tpu.matmul %add3A_31, %get3A_34, %dot_general3A_35 {dimension_numbers = #tpu.dot_dimension_numbers<[1], [0], [0], [1], [0, 0, 1, 1], [], []>, transpose_lhs_hint = false} : vector<256x128xf32>, vector<128x128xf32>, vector<256x128xf32> -> vector<256x128xf32>
    %mul3A_37 = arith.mulf %dot_general3A_36, %get3A_1 : vector<256x128xf32>
    %swap3A = arith.constant 0 : index
    %swap3A_38 = arith.constant 0 : index
    %swap3A_39 = vector.load %arg9[%swap3A, %swap3A_38] : memref<256x128xf32, #tpu.memory_space<vmem>>, vector<256x128xf32>
    tpu.vector_store %arg9[%swap3A, %swap3A_38], %add3A_31 {strides = array<i32>} : memref<256x128xf32, #tpu.memory_space<vmem>>, vector<256x128xf32>,
    %swap3A_40 = arith.constant 0 : index
    %swap3A_41 = arith.constant 0 : index
    %swap3A_42 = vector.load %arg10[%swap3A_40, %swap3A_41] : memref<256x128xf32, #tpu.memory_space<vmem>>, vector<256x128xf32>
    tpu.vector_store %arg10[%swap3A_40, %swap3A_41], %mul3A_37 {strides = array<i32>} : memref<256x128xf32, #tpu.memory_space<vmem>>, vector<256x128xf32>,
    return
  }
  func.func @transform_0(%arg0: i32) -> (i32, i32) {
    %c0_i32 = arith.constant 0 : i32
    %c0_i32_0 = arith.constant 0 : i32
    return %arg0, %c0_i32 : i32, i32
  }
  func.func @transform_1(%arg0: i32) -> (i32, i32) {
    %c0_i32 = arith.constant 0 : i32
    %c0_i32_0 = arith.constant 0 : i32
    return %arg0, %c0_i32 : i32, i32
  }
  func.func @transform_2(%arg0: i32) -> (i32, i32) {
    %c0_i32 = arith.constant 0 : i32
    %c0_i32_0 = arith.constant 0 : i32
    return %arg0, %c0_i32 : i32, i32
  }
  func.func @transform_3(%arg0: i32) -> (i32, i32) {
    %c0_i32 = arith.constant 0 : i32
    %c0_i32_0 = arith.constant 0 : i32
    return %arg0, %c0_i32 : i32, i32
  }
  func.func @transform_4(%arg0: i32) -> (i32, i32) {
    %c0_i32 = arith.constant 0 : i32
    %c0_i32_0 = arith.constant 0 : i32
    %c0_i32_1 = arith.constant 0 : i32
    return %c0_i32, %c0_i32_0 : i32, i32
  }
  func.func @transform_5(%arg0: i32) -> (i32, i32) {
    %c0_i32 = arith.constant 0 : i32
    %c0_i32_0 = arith.constant 0 : i32
    %c0_i32_1 = arith.constant 0 : i32
    return %c0_i32, %c0_i32_0 : i32, i32
  }
  func.func @transform_6(%arg0: i32) -> (i32, i32) {
    %c0_i32 = arith.constant 0 : i32
    %c0_i32_0 = arith.constant 0 : i32
    %c0_i32_1 = arith.constant 0 : i32
    return %c0_i32, %c0_i32_0 : i32, i32
  }
  func.func @transform_7(%arg0: i32) -> (i32, i32) {
    %c0_i32 = arith.constant 0 : i32
    %c0_i32_0 = arith.constant 0 : i32
    %c0_i32_1 = arith.constant 0 : i32
    return %c0_i32, %c0_i32_0 : i32, i32
  }
  func.func @transform_8(%arg0: i32) -> (i32, i32) {
    %c0_i32 = arith.constant 0 : i32
    %c0_i32_0 = arith.constant 0 : i32
    return %arg0, %c0_i32 : i32, i32
  }
  func.func @transform_9(%arg0: i32) -> (i32, i32) {
    %c0_i32 = arith.constant 0 : i32
    %c0_i32_0 = arith.constant 0 : i32
    return %arg0, %c0_i32 : i32, i32
  }
}

module attributes {stable_mosaic.version = 14 : i64} {
  func.func @body(%arg0: i32, %arg1: memref<256x128xf32, #tpu.memory_space<vmem>>, %arg2: memref<256x128xf32, #tpu.memory_space<vmem>>, %arg3: memref<256x128xf32, #tpu.memory_space<vmem>>, %arg4: memref<256x128xf32, #tpu.memory_space<vmem>>, %arg5: memref<1x128xf32, #tpu.memory_space<vmem>>, %arg6: memref<128x128xf32, #tpu.memory_space<vmem>>, %arg7: memref<1x128xf32, #tpu.memory_space<vmem>>, %arg8: memref<256x128xf32, #tpu.memory_space<vmem>>, %arg9: memref<128x320xf32, #tpu.memory_space<vmem>>, %arg10: memref<128x320xf32, #tpu.memory_space<vmem>>, %arg11: memref<1x320xf32, #tpu.memory_space<vmem>>, %arg12: memref<256x320xf32, #tpu.memory_space<vmem>>) attributes {dimension_semantics = [#tpu.dimension_semantics<arbitrary>], iteration_bounds = array<i64: 49>, scalar_prefetch = 0 : i64, scratch_operands = 0 : i64, tpu.core_type = #tpu.core_type<tc>, window_params = [{transform_indices = @transform_0, window_bounds = array<i64: 256, 128>}, {transform_indices = @transform_1, window_bounds = array<i64: 256, 128>}, {transform_indices = @transform_2, window_bounds = array<i64: 256, 128>}, {transform_indices = @transform_3, window_bounds = array<i64: 256, 128>}, {pipeline_mode = #tpu.pipeline_mode<synchronous>, transform_indices = @transform_4, window_bounds = array<i64: 1, 128>}, {pipeline_mode = #tpu.pipeline_mode<synchronous>, transform_indices = @transform_5, window_bounds = array<i64: 128, 128>}, {pipeline_mode = #tpu.pipeline_mode<synchronous>, transform_indices = @transform_6, window_bounds = array<i64: 1, 128>}, {transform_indices = @transform_7, window_bounds = array<i64: 256, 128>}, {pipeline_mode = #tpu.pipeline_mode<synchronous>, transform_indices = @transform_8, window_bounds = array<i64: 128, 320>}, {pipeline_mode = #tpu.pipeline_mode<synchronous>, transform_indices = @transform_9, window_bounds = array<i64: 128, 320>}, {pipeline_mode = #tpu.pipeline_mode<synchronous>, transform_indices = @transform_10, window_bounds = array<i64: 1, 320>}, {transform_indices = @transform_11, window_bounds = array<i64: 256, 320>}]} {
    %get3A = arith.constant 0 : index
    %get3A_0 = arith.constant 0 : index
    %get3A_1 = vector.load %arg3[%get3A, %get3A_0] : memref<256x128xf32, #tpu.memory_space<vmem>>, vector<256x128xf32>
    %get3A_2 = arith.constant 0 : index
    %get3A_3 = arith.constant 0 : index
    %get3A_4 = vector.load %arg1[%get3A_2, %get3A_3] : memref<256x128xf32, #tpu.memory_space<vmem>>, vector<256x128xf32>
    %get3A_5 = arith.constant 0 : index
    %get3A_6 = arith.constant 0 : index
    %get3A_7 = vector.load %arg2[%get3A_5, %get3A_6] : memref<256x128xf32, #tpu.memory_space<vmem>>, vector<256x128xf32>
    %add3A = arith.addf %get3A_4, %get3A_7 : vector<256x128xf32>
    %get3A_8 = arith.constant 0 : index
    %get3A_9 = arith.constant 0 : index
    %get3A_10 = vector.load %arg4[%get3A_8, %get3A_9] : memref<256x128xf32, #tpu.memory_space<vmem>>, vector<256x128xf32>
    %add3A_11 = arith.addf %add3A, %get3A_10 : vector<256x128xf32>
    %mul3A = arith.mulf %get3A_1, %add3A_11 : vector<256x128xf32>
    %get3A_12 = arith.constant 0 : index
    %get3A_13 = arith.constant 0 : index
    %get3A_14 = vector.load %arg5[%get3A_12, %get3A_13] : memref<1x128xf32, #tpu.memory_space<vmem>>, vector<1x128xf32>
    %add3A_15 = vector.broadcast %get3A_14 : vector<1x128xf32> to vector<256x128xf32>
    %add3A_16 = arith.addf %mul3A, %add3A_15 : vector<256x128xf32>
    %gt3A = arith.constant 0.000000e+00 : f32
    %gt3A_17 = vector.broadcast %gt3A : f32 to vector<256x128xf32>
    %gt3A_18 = arith.cmpf ogt, %add3A_16, %gt3A_17 : vector<256x128xf32>
    %min3A = arith.constant 0.000000e+00 : f32
    %min3A_19 = vector.broadcast %min3A : f32 to vector<256x128xf32>
    %min3A_20 = arith.minimumf %add3A_16, %min3A_19 : vector<256x128xf32>
    %exp3A = math.exp %min3A_20 : vector<256x128xf32>
    %sub3A = arith.constant 1.000000e+00 : f32
    %sub3A_21 = vector.broadcast %sub3A : f32 to vector<256x128xf32>
    %sub3A_22 = arith.subf %exp3A, %sub3A_21 : vector<256x128xf32>
    %select_n3A = arith.select %gt3A_18, %add3A_16, %sub3A_22 : vector<256x128xi1>, vector<256x128xf32>
    %get3A_23 = arith.constant 0 : index
    %get3A_24 = arith.constant 0 : index
    %get3A_25 = vector.load %arg6[%get3A_23, %get3A_24] : memref<128x128xf32, #tpu.memory_space<vmem>>, vector<128x128xf32>
    %dot_general3A = arith.constant dense<0.000000e+00> : vector<256x128xf32>
    %dot_general3A_26 = tpu.matmul %select_n3A, %get3A_25, %dot_general3A {dimension_numbers = #tpu.dot_dimension_numbers<[1], [0], [0], [1], [0, 0, 1, 1], [], []>, transpose_lhs_hint = false} : vector<256x128xf32>, vector<128x128xf32>, vector<256x128xf32> -> vector<256x128xf32>
    %get3A_27 = arith.constant 0 : index
    %get3A_28 = arith.constant 0 : index
    %get3A_29 = vector.load %arg7[%get3A_27, %get3A_28] : memref<1x128xf32, #tpu.memory_space<vmem>>, vector<1x128xf32>
    %add3A_30 = vector.broadcast %get3A_29 : vector<1x128xf32> to vector<256x128xf32>
    %add3A_31 = arith.addf %dot_general3A_26, %add3A_30 : vector<256x128xf32>
    %get3A_32 = arith.constant 0 : index
    %get3A_33 = arith.constant 0 : index
    %get3A_34 = vector.load %arg8[%get3A_32, %get3A_33] : memref<256x128xf32, #tpu.memory_space<vmem>>, vector<256x128xf32>
    %get3A_35 = arith.constant 0 : index
    %get3A_36 = arith.constant 0 : index
    %get3A_37 = vector.load %arg9[%get3A_35, %get3A_36] : memref<128x320xf32, #tpu.memory_space<vmem>>, vector<128x320xf32>
    %dot_general3A_38 = arith.constant dense<0.000000e+00> : vector<256x320xf32>
    %dot_general3A_39 = tpu.matmul %get3A_34, %get3A_37, %dot_general3A_38 {dimension_numbers = #tpu.dot_dimension_numbers<[1], [0], [0], [1], [0, 0, 1, 1], [], []>, transpose_lhs_hint = false} : vector<256x128xf32>, vector<128x320xf32>, vector<256x320xf32> -> vector<256x320xf32>
    %get3A_40 = arith.constant 0 : index
    %get3A_41 = arith.constant 0 : index
    %get3A_42 = vector.load %arg10[%get3A_40, %get3A_41] : memref<128x320xf32, #tpu.memory_space<vmem>>, vector<128x320xf32>
    %dot_general3A_43 = arith.constant dense<0.000000e+00> : vector<256x320xf32>
    %dot_general3A_44 = tpu.matmul %add3A_31, %get3A_42, %dot_general3A_43 {dimension_numbers = #tpu.dot_dimension_numbers<[1], [0], [0], [1], [0, 0, 1, 1], [], []>, transpose_lhs_hint = false} : vector<256x128xf32>, vector<128x320xf32>, vector<256x320xf32> -> vector<256x320xf32>
    %add3A_45 = arith.addf %dot_general3A_39, %dot_general3A_44 : vector<256x320xf32>
    %get3A_46 = arith.constant 0 : index
    %get3A_47 = arith.constant 0 : index
    %get3A_48 = vector.load %arg11[%get3A_46, %get3A_47] : memref<1x320xf32, #tpu.memory_space<vmem>>, vector<1x320xf32>
    %add3A_49 = vector.broadcast %get3A_48 : vector<1x320xf32> to vector<256x320xf32>
    %add3A_50 = arith.addf %add3A_45, %add3A_49 : vector<256x320xf32>
    %swap3A = arith.constant 0 : index
    %swap3A_51 = arith.constant 0 : index
    %swap3A_52 = vector.load %arg12[%swap3A, %swap3A_51] : memref<256x320xf32, #tpu.memory_space<vmem>>, vector<256x320xf32>
    tpu.vector_store %arg12[%swap3A, %swap3A_51], %add3A_50 {strides = array<i32>} : memref<256x320xf32, #tpu.memory_space<vmem>>, vector<256x320xf32>,
    return
  }
  func.func @transform_0(%arg0: i32) -> (i32, i32) {
    %c0_i32 = arith.constant 0 : i32
    %c0_i32_0 = arith.constant 0 : i32
    return %arg0, %c0_i32 : i32, i32
  }
  func.func @transform_1(%arg0: i32) -> (i32, i32) {
    %c0_i32 = arith.constant 0 : i32
    %c0_i32_0 = arith.constant 0 : i32
    return %arg0, %c0_i32 : i32, i32
  }
  func.func @transform_2(%arg0: i32) -> (i32, i32) {
    %c0_i32 = arith.constant 0 : i32
    %c0_i32_0 = arith.constant 0 : i32
    return %arg0, %c0_i32 : i32, i32
  }
  func.func @transform_3(%arg0: i32) -> (i32, i32) {
    %c0_i32 = arith.constant 0 : i32
    %c0_i32_0 = arith.constant 0 : i32
    return %arg0, %c0_i32 : i32, i32
  }
  func.func @transform_4(%arg0: i32) -> (i32, i32) {
    %c0_i32 = arith.constant 0 : i32
    %c0_i32_0 = arith.constant 0 : i32
    %c0_i32_1 = arith.constant 0 : i32
    return %c0_i32, %c0_i32_0 : i32, i32
  }
  func.func @transform_5(%arg0: i32) -> (i32, i32) {
    %c0_i32 = arith.constant 0 : i32
    %c0_i32_0 = arith.constant 0 : i32
    %c0_i32_1 = arith.constant 0 : i32
    return %c0_i32, %c0_i32_0 : i32, i32
  }
  func.func @transform_6(%arg0: i32) -> (i32, i32) {
    %c0_i32 = arith.constant 0 : i32
    %c0_i32_0 = arith.constant 0 : i32
    %c0_i32_1 = arith.constant 0 : i32
    return %c0_i32, %c0_i32_0 : i32, i32
  }
  func.func @transform_7(%arg0: i32) -> (i32, i32) {
    %c0_i32 = arith.constant 0 : i32
    %c0_i32_0 = arith.constant 0 : i32
    return %arg0, %c0_i32 : i32, i32
  }
  func.func @transform_8(%arg0: i32) -> (i32, i32) {
    %c0_i32 = arith.constant 0 : i32
    %c0_i32_0 = arith.constant 0 : i32
    %c0_i32_1 = arith.constant 0 : i32
    return %c0_i32, %c0_i32_0 : i32, i32
  }
  func.func @transform_9(%arg0: i32) -> (i32, i32) {
    %c0_i32 = arith.constant 0 : i32
    %c0_i32_0 = arith.constant 0 : i32
    %c0_i32_1 = arith.constant 0 : i32
    return %c0_i32, %c0_i32_0 : i32, i32
  }
  func.func @transform_10(%arg0: i32) -> (i32, i32) {
    %c0_i32 = arith.constant 0 : i32
    %c0_i32_0 = arith.constant 0 : i32
    %c0_i32_1 = arith.constant 0 : i32
    return %c0_i32, %c0_i32_0 : i32, i32
  }
  func.func @transform_11(%arg0: i32) -> (i32, i32) {
    %c0_i32 = arith.constant 0 : i32
    %c0_i32_0 = arith.constant 0 : i32
    return %arg0, %c0_i32 : i32, i32
  }
}

</mosaic_0001>

<sc_bundles>
// kernel: kernel.12.cloned.1.call-start
scs
__scs_entry_jumppad:
0x0: {  	(pc) =	sbr.rel $0x88, $3  }
0x1: {  	(tag) =	ssettag $0x0;
	lr =	simm.s32 $0x1  }
0x2: {  	[smem:$0x3F95] =	sst lr;
	_ =	strace $0xD0000000  }
0x3: {  	_ = 	snop  }
0x4: {  	_ = 	snop  }
0x5: {  	_ = 	snop  }
0x6: {  	_ = 	snop  }
0x7: {  	_ = 	snop  }
__scs_overlays_trampoline_lowered:
0x8: {  	[smem:$0x3FA4] =	sst s0  }
0x9: {  	[smem:$0x3FA5] =	sst s1  }
0xa: {  	[smem:$0x3FA6] =	sst s2  }
0xb: {  	[smem:$0x3FA7] =	sst s3  }
0xc: {  	[smem:$0x3FA8] =	sst s4  }
0xd: {  	[smem:$0x3FA9] =	sst s5  }
0xe: {  	[smem:$0x3FAA] =	sst s6  }
0xf: {  	[smem:$0x3FAB] =	sst s7  }
0x10: {  	[smem:$0x3FAC] =	sst s8  }
0x11: {  	[smem:$0x3FAD] =	sst s9;
	s0 =	simm.s32 @!p0 $0x0  }
0x12: {  	s1 =	sld [smem:$0x3F93];
	s0 =	simm.s32 @p0 $0x1  }
0x13: {  	[smem:$0x3FAE] =	sst s0;
	s0 =	simm.s32 @!p1 $0x0  }
0x14: {  	s2 =	sld [smem:$0x3F92];
	s0 =	simm.s32 @p1 $0x1  }
0x15: {  	[smem:$0x3FAF] =	sst s0;
	s0 =	simm.s32 @!p2 $0x0  }
0x16: {  	s3 =	sld [smem:$0x3FDB];
	s0 =	simm.s32 @p2 $0x1  }
0x17: {  	s4 =	simm.s32 $0x1BF5;
	[smem:$0x3FB1] =	sst s0  }
0x18: {  	s0 =	sld [smem:$0x3F94];
	_ =	swait.ge [sflag:s4], $0x0  }
0x19: {  	s7 =	sld [smem:$0x3F95]  }
0x1a: {  	s8 =	sadd.s32 $0xFFFFE003, lr  }
0x1b: {  	s9 =	sadd.s32 $0xFFFFFEF7, lr;
	s5 =	simm.s32 $0xFFFFFFFF;
	p2 =	slt.u32 s8, $0xFFFFF086  }
0x1c: {  	p1 =	slt.u32 s9, $0xF7A;
	s5 =	simm.s32 @!p2 $0x0  }
0x1d: {  	s5 =	simm.s32 @p1 $0x1;
	p0 =	seq.s32 s7, s2  }
0x1e: {  	s7 =	smul.u32 @!p0 $0xF7A, s2;
	p2 =	seq.s32 @!p0 s5, $0x0  }
0x1f: {  	s9 =	smul.u32 $0xF7A, s1;
	s8 =	simm.s32 @!p0 $0x1BF5;
	p2 =	por !p2, p0  }
0x20: {  	[sflag:s8] =	ssyncset.s32 @!p0 $0xFFFFF086;
	s6 =	sadd.s32 @!p0 s3, s7;
	s7 =	simm.s32 @!p0 $0x108  }
0x21: {  	s3 =	sadd.s32 s3, s9;
	s6 =	sadd.s32 @!p0 $0x88, s6;
	s7 =	simm.s32 @p2 $0x1082  }
0x22: {  	[simem:s7], [sflag:s8] =	dma.local @!p0 [hbm:s6], $0xF7A  }
0x23: {  	s9 =	sor.u32 $0xD0000000, s2;
	s6 =	simm.s32 $0x108;
	_ =	swait.ge @!p0 [sflag:s8], $0x0  }
0x24: {  	s3 =	sadd.s32 $0x88, s3;
	s6 =	simm.s32 @!p1 $0x1082;
	[sflag:s4] =	ssyncset.s32 $0xFFFFF086  }
0x25: {  	[simem:s6], [sflag:s4] =	dma.local [hbm:s3], $0xF7A  }
0x26: {  	[smem:$0x3F95] =	sst s1;
	(tag) =	ssettag s2;
	_ =	strace s9  }
0x27: {  	s1 =	sld [smem:$0x3FA5]  }
0x28: {  	s2 =	sld [smem:$0x3FA6]  }
0x29: {  	s4 =	sld [smem:$0x3FA8]  }
0x2a: {  	p0 =	seq.s32 s5, $0x0;
	s5 =	sld [smem:$0x3FA9]  }
0x2b: {  	s6 =	sld [smem:$0x3FAA]  }
0x2c: {  	s7 =	sld [smem:$0x3FAB]  }
0x2d: {  	s3 =	simm.s32 $0x108;
	s8 =	sld [smem:$0x3FAC]  }
0x2e: {  	s3 =	simm.s32 @!p0 $0x1082;
	s9 =	sld [smem:$0x3FAD]  }
0x2f: {  	lr =	sadd.s32 s0, s3;
	s0 =	sld [smem:$0x3FA4]  }
0x30: {  	s3 =	sld [smem:$0x3FA7]  }
0x31: {  	[smem:$0x3FB0] =	sst s10  }
0x32: {  	s10 =	sld [smem:$0x3FAE];
	_ =	sdelay $0x3  }
0x33: {  	p0 =	seq.s32 s10, $0x1;
	s10 =	sld [smem:$0x3FB0];
	_ =	sdelay $0x3  }
0x34: {  	[smem:$0x3FB0] =	sst s10  }
0x35: {  	s10 =	sld [smem:$0x3FAF];
	_ =	sdelay $0x3  }
0x36: {  	p1 =	seq.s32 s10, $0x1;
	s10 =	sld [smem:$0x3FB0];
	_ =	sdelay $0x3  }
0x37: {  	[smem:$0x3FB0] =	sst s10  }
0x38: {  	s10 =	sld [smem:$0x3FB1]  }
0x39: {  	_ = 	snop;
	(pc) =	sbr.ind lr, $3  }
0x3a: {  	_ = 	snop  }
0x3b: {  	_ = 	snop  }
0x3c: {  	p2 =	seq.s32 s10, $0x1;
	s10 =	sld [smem:$0x3FB0]  }
0x3d: {  	_ =	shalt  }
0x3e: {  	_ =	shalt  }
0x3f: {  	_ =	shalt  }
0x40: {  	_ =	shalt  }
0x41: {  	_ =	shalt  }
0x42: {  	_ =	shalt  }
0x43: {  	_ =	shalt  }
0x44: {  	_ =	shalt  }
0x45: {  	_ =	shalt  }
0x46: {  	_ =	shalt  }
0x47: {  	_ =	shalt  }
0x48: {  	_ =	shalt  }
0x49: {  	_ =	shalt  }
0x4a: {  	_ =	shalt  }
0x4b: {  	_ =	shalt  }
0x4c: {  	_ =	shalt  }
0x4d: {  	_ =	shalt  }
0x4e: {  	_ =	shalt  }
0x4f: {  	_ =	shalt  }
0x50: {  	_ =	shalt  }
0x51: {  	_ =	shalt  }
0x52: {  	_ =	shalt  }
0x53: {  	_ =	shalt  }
0x54: {  	_ =	shalt  }
0x55: {  	_ =	shalt  }
0x56: {  	_ =	shalt  }
0x57: {  	_ =	shalt  }
0x58: {  	_ =	shalt  }
0x59: {  	_ =	shalt  }
0x5a: {  	_ =	shalt  }
0x5b: {  	_ =	shalt  }
0x5c: {  	_ =	shalt  }
0x5d: {  	_ =	shalt  }
0x5e: {  	_ =	shalt  }
0x5f: {  	_ =	shalt  }
0x60: {  	_ =	shalt  }
0x61: {  	_ =	shalt  }
0x62: {  	_ =	shalt  }
0x63: {  	_ =	shalt  }
0x64: {  	_ =	shalt  }
0x65: {  	_ =	shalt  }
0x66: {  	_ =	shalt  }
0x67: {  	_ =	shalt  }
0x68: {  	_ =	shalt  }
0x69: {  	_ =	shalt  }
0x6a: {  	_ =	shalt  }
0x6b: {  	_ =	shalt  }
0x6c: {  	_ =	shalt  }
0x6d: {  	_ =	shalt  }
0x6e: {  	_ =	shalt  }
0x6f: {  	_ =	shalt  }
0x70: {  	_ =	shalt  }
0x71: {  	_ =	shalt  }
0x72: {  	_ =	shalt  }
0x73: {  	_ =	shalt  }
0x74: {  	_ =	shalt  }
0x75: {  	_ =	shalt  }
0x76: {  	_ =	shalt  }
0x77: {  	_ =	shalt  }
0x78: {  	_ =	shalt  }
0x79: {  	_ =	shalt  }
0x7a: {  	_ =	shalt  }
0x7b: {  	_ =	shalt  }
0x7c: {  	_ =	shalt  }
0x7d: {  	_ =	shalt  }
0x7e: {  	_ =	shalt  }
0x7f: {  	_ =	shalt  }
0x80: {  	_ =	shalt  }
0x81: {  	_ =	shalt  }
0x82: {  	_ =	shalt  }
0x83: {  	_ =	shalt  }
0x84: {  	_ =	shalt  }
0x85: {  	_ =	shalt  }
0x86: {  	_ =	shalt  }
0x87: {  	_ =	shalt  }
.Lfunc_end0:
.L_simem_size_0:
called_computation.1_lowered:
.L_overlay_start_0:
0x88: {  	s2 =	sld [smem:$0x3FD9]  }
0x89: {  	s3 =	sld [smem:$0x3FFE];
	_ =	sdelay $0x1  }
0x8a: {  	s1 =	srdreg.scid  }
0x8b: {  	s0 =	sand.u32 $0x1, s1  }
0x8c: {  	s17 =	sshll.u32 s0, $0xA;
	s2 =	sadd.s32 s3, s2  }
0x8d: {  	s2 =	sadd.s32 s2, s17  }
0x8e: {  	[smem:$0x3FBC] =	sst s2  }
0x8f: {  	_ = 	snop  }
0x90: {  	s2 =	sld [smem:$0x3FD0];
	(tm) =	ssettm $0x1  }
0x91: {  	s18 =	sld [smem:$0x3FFB];
	_ =	sdelay $0x3  }
0x92: {  	_ =	strace s18  }
0x93: {  	s3 =	sld [smem:$0x3FFC];
	_ =	sdelay $0x3  }
0x94: {  	_ =	strace s3  }
0x95: {  	s3 =	sld [smem:$0x3FFD];
	_ =	sdelay $0x3  }
0x96: {  	_ =	strace s3  }
0x97: {  	_ =	strace $0x8FFFFFFF  }
0x98: {  	s19 =	sld [smem:$0x3FDB];
	_ =	sdelay $0x1  }
0x99: {  	s4 =	simm.s32 $_scs_section_size  }
0x9a: {  	s5 =	simm.s32 $_size__tile_overlayer_lowered;
	s6 =	simm.s32 $_tile_overlayer_lowered  }
0x9b: {  	s22 =	simm.s32 $0x1BFF;
	s21 =	sshll.u32 s6, $0x1;
	s3 =	sadd.s32 s4, s19  }
0x9c: {  	s7 =	simm.s32 $0x0;
	s20 =	sshll.u32 s5, $0x1;
	s5 =	sadd.s32 s21, s3  }
0x9d: {  	[timem:s7], [sflag:s22] =	dma.local [hbm:s5], s20  }
0x9e: {  	_ =	swait.ge [sflag:s22], s20  }
0x9f: {  	s4 =	ssub.s32 $0x0, s20;
	[sflag:s22] =	ssyncset.done $0x0  }
0xa0: {  	[sflag:s22] =	ssyncadd.s32 s4;
	_ =	sdelay $0x1  }
0xa1: {  	s23 =	simm.s32 $0x1B8B  }
0xa2: {  	_ =	swait.ge [sflag:s23], $0x1  }
0xa3: {  	[sflag:s23] =	ssyncset.done $0x0  }
0xa4: {  	s25 =	simm.s32 $0x1B8E;
	s24 =	sld [smem:$0x3FFE];
	[sflag:s23] =	ssyncadd.s32 $0xFFFFFFFF  }
0xa5: {  	s26 =	simm.s32 $execute0_lowered;
	[smem:$0x3FD2] =	sst s25  }
0xa6: {  	s5 =	sshll.u32 s26, $0x1;
	_ =	strace $0x80000049;
	[dreg:$0x1] =	wrdreg $0xFFFFFFFF  }
0xa7: {  	s28 =	simm.s32 $_size_execute0_lowered;
	s3 =	sadd.s32 s3, s5;
	[dreg:$0x0] =	wrdreg $0x0  }
0xa8: {  	s5 =	sshll.u32 s28, $0x1;
	[dreg:$0x2] =	wrdreg s3  }
0xa9: {  	[dreg:$0x3] =	wrdreg s5  }
0xaa: {  	[dreg:$0x4] =	wrdreg $0xC0  }
0xab: {  	_ =	task [dreg:s7], $0x5FFFF  }
0xac: {  	[dreg:$0x1] =	wrdreg $0xFFFFFFFF  }
0xad: {  	[dreg:$0x0] =	wrdreg $0x60  }
0xae: {  	[dreg:$0x2] =	wrdreg s24  }
0xaf: {  	[dreg:$0x3] =	wrdreg s2  }
0xb0: {  	[dreg:$0x4] =	wrdreg $0x68000  }
0xb1: {  	[dreg:$0x5] =	wrdreg $0x9  }
0xb2: {  	_ =	task.clear_ibuf [dreg:s7], $0x6FFFF;
	_ =	strace $0x90000049  }
0xb3: {  	s29 =	simm.s32 $0x9;
	_ =	strace $0x8000004B  }
0xb4: {  	_ =	swait.ge [sflag:s29], $0x1  }
0xb5: {  	[sflag:s29] =	ssyncadd.s32 $0xFFFFFFFF  }
0xb6: {  	_ =	strace $0x9000004B  }
0xb7: {  	_ =	sfence  }
0xb8: {  	s30 =	sld [smem:$0x0];
	_ =	sdelay $0x2  }
0xb9: {  	s31 =	sshll.u32 s1, $0xD;
	s1 =	sshrl.u32 s1, $0x2  }
0xba: {  	s3 =	sand.u32 $0x4000, s31;
	s1 =	sadd.s32 s1, s30  }
0xbb: {  	s0 =	sor.u32 s3, s0;
	s1 =	sshll.u32 s1, $0x11  }
0xbc: {  	s0 =	sor.u32 s1, s0  }
0xbd: {  	s0 =	sadd.s32 $0x8F2B, s0  }
0xbe: {  	[sflag:s0] =	ssyncadd.remote.s32 $0x1  }
0xbf: {  	_ =	sfence.sel $0xFFFF  }
0xc0: {  	[dreg:$0x0] =	wrdreg $0xFFFFFFFF;
	(pc) =	sbr.abs _section_cstart, $3  }
0xc1: {  	[dreg:$0x1] =	wrdreg $0xFFFFFFFF  }
0xc2: {  	_ =	task.clear_ibuf [dreg:s7], $0x2FFFF;
	_ =	strace $0x9FFFFFFF  }
0xc3: {  	(tm) =	ssettm $0x7FFFFFFF  }
tec
execute0_lowered:
.L_overlay_start_1:
0x0: {  	(tag) =	ssettag $0x1  }
0x1: {  	s0 =	rddreg [dreg:$0x0]  }
0x2: {  	s1 =	rddreg [dreg:$0x1]  }
0x3: {  	s2 =	rddreg [dreg:$0x2]  }
0x4: {  	s3 =	stileid.u32;
	s4 =	srdreg.scid  }
0x5: {  	s7 =	simm.s32 $0x0;
	s28 =	simm.s32 $0x6;
	s5 =	smul.u32 $0xAE, s3  }
0x6: {  	s29 =	simm.s32 $0x0;
	s6 =	sand.u32 $0x1, s4;
	s4 =	smul.u32 $0xDA, s3  }
0x7: {  	[smem:$0x7FF] =	sst s7;
	s9 =	smul.u32 $0x62000, s3;
	s22 =	sadd.s32 $0xCF800, s0  }
0x8: {  	p0 =	seq.s32 s6, $0x0;
	_ =	strace $0x8000004A;
	s23 =	ssub.s32 $0x2, s6  }
0x9: {  	s5 =	sadd.s32 $0xDA0, s5;
	s8 =	sshrl.u32 s23, $0x1;
	s25 =	sshrl.u32 s9, $0x2  }
0xa: {  	s5 =	smov.u32 @p0 s4;
	s4 =	sadd.s32 $0x5400, s0;
	s21 =	ssub.s32 s23, s8  }
0xb: {  	s23 =	smul.u32 $0x18800, s3;
	s20 =	sadd.s32 s25, s2;
	s25 =	simm.s32 $0x7  }
0xc: {  	s19 =	sshll.u32 s5, $0x6;
	s5 =	simm.s32 $0xDA;
	s26 =	sadd.s32 $0x2000, s20  }
0xd: {  	s10 =	sadd.s32 $0x4000, s20;
	s11 =	sadd.s32 $0x6000, s20;
	s12 =	sadd.s32 $0x8000, s20  }
0xe: {  	s13 =	sadd.s32 $0xA000, s20;
	s14 =	sadd.s32 $0xC000, s20;
	s15 =	sadd.s32 $0xE000, s20  }
0xf: {  	s16 =	sadd.s32 $0x10000, s20;
	s17 =	sadd.s32 $0x12000, s20;
	s18 =	sadd.s32 $0x14000, s20  }
0x10: {  	s21 =	smax.u32 s21, $0x1;
	s24 =	sadd.s32 s19, s0;
	s0 =	sadd.s32 $0x100800, s0  }
0x11: {  	s5 =	simm.s32 @!p0 $0xAE;
	s7 =	sadd.s32 s1, s19;
	s8 =	sadd.s32 s23, s2  }
0x12: {  	[dreg:$0x5] =	wrdreg s26;
	s19 =	sadd.s32 $0x16000, s20;
	s20 =	sadd.s32 $0x18000, s20  }
0x13: {  	s30 =	sshrl.u32 s23, $0x3;
	s26 =	simm.s32 $0x80;
	s23 =	simm.s32 $0x5  }
0x14: {  	s6 =	sadd.s32 $0x3C800, s24;
	s0 =	smov.u32 @p0 s22;
	s31 =	sshll.u32 s5, $0x6  }
0x15: {  	v0 =	vimm.f32 $0.0e+00;
	s24 =	simm.s32 $0x4800;
	s22 =	sadd.s32 s0, s30;
	[dreg:$0x4] =	wrdreg s31  }
.LBB2_1:
0x16: {  	s0 =	simm.s32 $0x0  }
0x17: {  	[tilespmem:s0], [sflag:$0x1] =	stream.linear.gather [hbm4b:s6+s0], $0x200, $0x38;
	[tilespmem:$0x1F000] =	vst v63  }
0x18: {  	s1 =	simm.s32 $0x400;
	s30 =	simm.s32 $0x40;
	s31 =	simm.s32 $0x0  }
0x19: {  	[tilespmem:s1], [sflag:$0x1] =	stream.linear.gather [hbm4b:s7+s0], $0x200, $0x38;
	[tilespmem:$0x1F000] =	vst v63  }
.LBB2_2:
0x1a: {  	p0 =	sne.s32 s30, $0x7FC0;
	[tilespmem:s31+$0x4800] =	vst v0;
	s31 =	smov.u32 s30;
	s30 =	sadd.s32 $0x40, s30  }
.Ltmp0:
0x1b: {  	(pc) =	sbr.rel @p0 .LBB2_2-.Ltmp0, $2  }
0x1c: {  	_ =	sdelay $0x2  }
0x1d: {  	s31 =	sshra.s32 s31, $0x2  }
0x1e: {  	[tilespmem:s31+$0x4800] =	vst v0  }
0x1f: {  	[spmem:s8] =	stream.linear.scatter [tilespmem:s24], [sflag:$0x7], $0x2000, $0x38;
	[tilespmem:$0x1F000] =	vst v63  }
0x20: {  	_ =	swait.ge [sflag:s25], $0x2000  }
0x21: {  	[sflag:s25] =	ssyncset.done $0x0  }
0x22: {  	s0 =	rddreg [dreg:$0x5];
	[sflag:s25] =	ssyncadd.s32 $0xFFFFE000  }
0x23: {  	[spmem:s0] =	stream.linear.scatter [tilespmem:s24], [sflag:$0x7], $0x2000, $0x38;
	[tilespmem:$0x1F000] =	vst v63  }
0x24: {  	_ =	swait.ge [sflag:s25], $0x2000  }
0x25: {  	[sflag:s25] =	ssyncset.done $0x0  }
0x26: {  	[sflag:s25] =	ssyncadd.s32 $0xFFFFE000  }
0x27: {  	[spmem:s10] =	stream.linear.scatter [tilespmem:s24], [sflag:$0x7], $0x2000, $0x38;
	[tilespmem:$0x1F000] =	vst v63  }
0x28: {  	_ =	swait.ge [sflag:s25], $0x2000  }
0x29: {  	[sflag:s25] =	ssyncset.done $0x0  }
0x2a: {  	[sflag:s25] =	ssyncadd.s32 $0xFFFFE000  }
0x2b: {  	[spmem:s11] =	stream.linear.scatter [tilespmem:s24], [sflag:$0x7], $0x2000, $0x38;
	[tilespmem:$0x1F000] =	vst v63  }
0x2c: {  	_ =	swait.ge [sflag:s25], $0x2000  }
0x2d: {  	[sflag:s25] =	ssyncset.done $0x0  }
0x2e: {  	[sflag:s25] =	ssyncadd.s32 $0xFFFFE000  }
0x2f: {  	[spmem:s12] =	stream.linear.scatter [tilespmem:s24], [sflag:$0x7], $0x2000, $0x38;
	[tilespmem:$0x1F000] =	vst v63  }
0x30: {  	_ =	swait.ge [sflag:s25], $0x2000  }
0x31: {  	[sflag:s25] =	ssyncset.done $0x0  }
0x32: {  	[sflag:s25] =	ssyncadd.s32 $0xFFFFE000  }
0x33: {  	[spmem:s13] =	stream.linear.scatter [tilespmem:s24], [sflag:$0x7], $0x2000, $0x38;
	[tilespmem:$0x1F000] =	vst v63  }
0x34: {  	_ =	swait.ge [sflag:s25], $0x2000  }
0x35: {  	[sflag:s25] =	ssyncset.done $0x0  }
0x36: {  	[sflag:s25] =	ssyncadd.s32 $0xFFFFE000  }
0x37: {  	[spmem:s14] =	stream.linear.scatter [tilespmem:s24], [sflag:$0x7], $0x2000, $0x38;
	[tilespmem:$0x1F000] =	vst v63  }
0x38: {  	_ =	swait.ge [sflag:s25], $0x2000  }
0x39: {  	[sflag:s25] =	ssyncset.done $0x0  }
0x3a: {  	[sflag:s25] =	ssyncadd.s32 $0xFFFFE000  }
0x3b: {  	[spmem:s15] =	stream.linear.scatter [tilespmem:s24], [sflag:$0x7], $0x2000, $0x38;
	[tilespmem:$0x1F000] =	vst v63  }
0x3c: {  	_ =	swait.ge [sflag:s25], $0x2000  }
0x3d: {  	[sflag:s25] =	ssyncset.done $0x0  }
0x3e: {  	[sflag:s25] =	ssyncadd.s32 $0xFFFFE000  }
0x3f: {  	[spmem:s16] =	stream.linear.scatter [tilespmem:s24], [sflag:$0x7], $0x2000, $0x38;
	[tilespmem:$0x1F000] =	vst v63  }
0x40: {  	_ =	swait.ge [sflag:s25], $0x2000  }
0x41: {  	[sflag:s25] =	ssyncset.done $0x0  }
0x42: {  	[sflag:s25] =	ssyncadd.s32 $0xFFFFE000  }
0x43: {  	[spmem:s17] =	stream.linear.scatter [tilespmem:s24], [sflag:$0x7], $0x2000, $0x38;
	[tilespmem:$0x1F000] =	vst v63  }
0x44: {  	_ =	swait.ge [sflag:s25], $0x2000  }
0x45: {  	[sflag:s25] =	ssyncset.done $0x0  }
0x46: {  	[sflag:s25] =	ssyncadd.s32 $0xFFFFE000  }
0x47: {  	[spmem:s18] =	stream.linear.scatter [tilespmem:s24], [sflag:$0x7], $0x2000, $0x38;
	[tilespmem:$0x1F000] =	vst v63  }
0x48: {  	_ =	swait.ge [sflag:s25], $0x2000  }
0x49: {  	[sflag:s25] =	ssyncset.done $0x0  }
0x4a: {  	[sflag:s25] =	ssyncadd.s32 $0xFFFFE000  }
0x4b: {  	[spmem:s19] =	stream.linear.scatter [tilespmem:s24], [sflag:$0x7], $0x2000, $0x38;
	[tilespmem:$0x1F000] =	vst v63  }
0x4c: {  	_ =	swait.ge [sflag:s25], $0x2000  }
0x4d: {  	[sflag:s25] =	ssyncset.done $0x0  }
0x4e: {  	[sflag:s25] =	ssyncadd.s32 $0xFFFFE000  }
0x4f: {  	[spmem:s20] =	stream.linear.scatter [tilespmem:s24], [sflag:$0x7], $0x800, $0x38;
	[tilespmem:$0x1F000] =	vst v63  }
0x50: {  	_ =	swait.ge [sflag:s25], $0x800  }
0x51: {  	[sflag:s25] =	ssyncset.done $0x0  }
0x52: {  	s30 =	simm.s32 $0x1;
	[sflag:s25] =	ssyncadd.s32 $0xFFFFF800  }
0x53: {  	_ =	swait.ge [sflag:s30], $0x200  }
0x54: {  	[sflag:s30] =	ssyncset.done $0x0  }
0x55: {  	[sflag:s30] =	ssyncadd.s32 $0xFFFFFE00  }
0x56: {  	_ =	swait.ge [sflag:s30], $0x200  }
0x57: {  	[sflag:s30] =	ssyncset.done $0x0  }
0x58: {  	s31 =	simm.s32 $0x0;
	s1 =	simm.s32 $0x800;
	[sflag:s30] =	ssyncadd.s32 $0xFFFFFE00  }
0x59: {  	[tilespmem:s1], [sflag:$0x3] =	stream.indirect.gather [hbm4b:s4+s26], $0x10, s31, s26, $0xb8;
	[tilespmem:$0x1F000] =	vst v63  }
0x5a: {  	s3 =	simm.s32 $0x1000  }
0x5b: {  	[tilespmem:s3], [sflag:$0x3] =	stream.indirect.gather [hbm4b:s4+s26], $0x10, s26, s26, $0xb8;
	[tilespmem:$0x1F000] =	vst v63  }
0x5c: {  	s9 =	simm.s32 $0x100;
	s1 =	simm.s32 $0x1800  }
0x5d: {  	[tilespmem:s1], [sflag:$0x3] =	stream.indirect.gather [hbm4b:s4+s26], $0x10, s9, s26, $0xb8;
	[tilespmem:$0x1F000] =	vst v63  }
0x5e: {  	s3 =	simm.s32 $0x180;
	s9 =	simm.s32 $0x2000  }
0x5f: {  	[tilespmem:s9], [sflag:$0x3] =	stream.indirect.gather [hbm4b:s4+s26], $0x10, s3, s26, $0xb8;
	[tilespmem:$0x1F000] =	vst v63  }
0x60: {  	[bflag:$0x0] =	sbarrier.arrive $0xFFFF  }
.LBB2_4:
0x61: {  	p0 =	sge.u32 s30, s5  }
0x62: {  	s0 =	simm.s32 @p0 $0x3  }
0x63: {  	_ =	swait.ge @p0 [sflag:s0], $0x2000  }
0x64: {  	s1 =	simm.s32 @p0 $0x400;
	[sflag:s0] =	ssyncset.done @p0 $0x0  }
0x65: {  	s3 =	simm.s32 @p0 $0x800;
	[sflag:s0] =	ssyncadd.s32 @p0 $0xFFFFE000;
	s0 =	simm.s32 @p0 $0x80  }
0x66: {  	[spmem:s2] =	stream.indirect.scatter.add.f32 @p0 [tilespmem:s3], [sflag:$0x5], $0x10, s1, s0, $0xb8;
	[tilespmem:$0x1F000] =	vst v63  }
0x67: {  	s1 =	simm.s32 @p0 $0x480;
	s3 =	simm.s32 @p0 $0x1000  }
0x68: {  	[spmem:s2] =	stream.indirect.scatter.add.f32 @p0 [tilespmem:s3], [sflag:$0x5], $0x10, s1, s0, $0xb8;
	[tilespmem:$0x1F000] =	vst v63  }
0x69: {  	s1 =	simm.s32 @p0 $0x500;
	s3 =	simm.s32 @p0 $0x1800  }
0x6a: {  	[spmem:s2] =	stream.indirect.scatter.add.f32 @p0 [tilespmem:s3], [sflag:$0x5], $0x10, s1, s0, $0xb8;
	[tilespmem:$0x1F000] =	vst v63  }
0x6b: {  	s1 =	simm.s32 @p0 $0x580;
	s3 =	simm.s32 @p0 $0x2000  }
0x6c: {  	[spmem:s2] =	stream.indirect.scatter.add.f32 @p0 [tilespmem:s3], [sflag:$0x5], $0x10, s1, s0, $0xb8;
	[tilespmem:$0x1F000] =	vst v63  }
0x6d: {  	s0 =	sadd.s32 @!p0 s31, s6  }
0x6e: {  	s1 =	simm.s32 @!p0 $0x0;
	s3 =	simm.s32 @!p0 $0x200;
	s0 =	sadd.s32 @!p0 $0x40, s0  }
0x6f: {  	[tilespmem:s3], [sflag:$0x2] =	stream.linear.gather @!p0 [hbm4b:s0+s1], $0x200, $0x38;
	[tilespmem:$0x1F000] =	vst v63  }
0x70: {  	s0 =	sadd.s32 @!p0 s31, s7  }
0x71: {  	s9 =	simm.s32 @!p0 $0x600;
	s0 =	sadd.s32 @!p0 $0x40, s0  }
0x72: {  	[tilespmem:s9], [sflag:$0x2] =	stream.linear.gather @!p0 [hbm4b:s0+s1], $0x200, $0x38;
	[tilespmem:$0x1F000] =	vst v63  }
0x73: {  	s0 =	simm.s32 @!p0 $0x3  }
0x74: {  	_ =	swait.ge @!p0 [sflag:s0], $0x2000  }
0x75: {  	s1 =	simm.s32 @!p0 $0x400;
	[sflag:s0] =	ssyncset.done @!p0 $0x0  }
0x76: {  	s9 =	simm.s32 @!p0 $0x800;
	[sflag:s0] =	ssyncadd.s32 @!p0 $0xFFFFE000;
	s0 =	simm.s32 @!p0 $0x80  }
0x77: {  	[spmem:s2] =	stream.indirect.scatter.add.f32 @!p0 [tilespmem:s9], [sflag:$0x5], $0x10, s1, s0, $0xb8;
	[tilespmem:$0x1F000] =	vst v63  }
0x78: {  	s1 =	simm.s32 @!p0 $0x480;
	s9 =	simm.s32 @!p0 $0x1000  }
0x79: {  	[spmem:s2] =	stream.indirect.scatter.add.f32 @!p0 [tilespmem:s9], [sflag:$0x5], $0x10, s1, s0, $0xb8;
	[tilespmem:$0x1F000] =	vst v63  }
0x7a: {  	s1 =	simm.s32 @!p0 $0x500;
	s9 =	simm.s32 @!p0 $0x1800  }
0x7b: {  	[spmem:s2] =	stream.indirect.scatter.add.f32 @!p0 [tilespmem:s9], [sflag:$0x5], $0x10, s1, s0, $0xb8;
	[tilespmem:$0x1F000] =	vst v63  }
0x7c: {  	s1 =	simm.s32 @!p0 $0x580;
	s9 =	simm.s32 @!p0 $0x2000  }
0x7d: {  	[spmem:s2] =	stream.indirect.scatter.add.f32 @!p0 [tilespmem:s9], [sflag:$0x5], $0x10, s1, s0, $0xb8;
	[tilespmem:$0x1F000] =	vst v63  }
0x7e: {  	s1 =	simm.s32 @!p0 $0x2  }
0x7f: {  	_ =	swait.ge @!p0 [sflag:s1], $0x200  }
0x80: {  	[sflag:s1] =	ssyncset.done @!p0 $0x0  }
0x81: {  	[sflag:s1] =	ssyncadd.s32 @!p0 $0xFFFFFE00  }
0x82: {  	_ =	swait.ge @!p0 [sflag:s1], $0x200  }
0x83: {  	[sflag:s1] =	ssyncset.done @!p0 $0x0  }
0x84: {  	[sflag:s1] =	ssyncadd.s32 @!p0 $0xFFFFFE00;
	s1 =	simm.s32 @!p0 $0x2800  }
0x85: {  	[tilespmem:s1], [sflag:$0x4] =	stream.indirect.gather @!p0 [hbm4b:s4+s0], $0x10, s3, s0, $0xb8;
	[tilespmem:$0x1F000] =	vst v63  }
0x86: {  	s1 =	simm.s32 @!p0 $0x280;
	s3 =	simm.s32 @!p0 $0x3000  }
0x87: {  	[tilespmem:s3], [sflag:$0x4] =	stream.indirect.gather @!p0 [hbm4b:s4+s0], $0x10, s1, s0, $0xb8;
	[tilespmem:$0x1F000] =	vst v63  }
0x88: {  	s1 =	simm.s32 @!p0 $0x300;
	s3 =	simm.s32 @!p0 $0x3800  }
0x89: {  	[tilespmem:s3], [sflag:$0x4] =	stream.indirect.gather @!p0 [hbm4b:s4+s0], $0x10, s1, s0, $0xb8;
	[tilespmem:$0x1F000] =	vst v63  }
0x8a: {  	s1 =	simm.s32 @!p0 $0x380;
	s3 =	simm.s32 @!p0 $0x4000  }
0x8b: {  	[tilespmem:s3], [sflag:$0x4] =	stream.indirect.gather @!p0 [hbm4b:s4+s0], $0x10, s1, s0, $0xb8;
	[tilespmem:$0x1F000] =	vst v63  }
0x8c: {  	s3 =	sadd.s32 $0x1, s30;
	_ =	swait.ge [sflag:s23], $0x2000  }
0x8d: {  	p0 =	sge.u32 s3, s5;
	[sflag:s23] =	ssyncset.done $0x0  }
0x8e: {  	s0 =	simm.s32 @p0 $0x4;
	[sflag:s23] =	ssyncadd.s32 $0xFFFFE000  }
0x8f: {  	_ =	swait.ge @p0 [sflag:s0], $0x2000  }
0x90: {  	s1 =	simm.s32 @p0 $0x600;
	[sflag:s0] =	ssyncset.done @p0 $0x0  }
0x91: {  	s3 =	simm.s32 @p0 $0x2800;
	[sflag:s0] =	ssyncadd.s32 @p0 $0xFFFFE000;
	s0 =	simm.s32 @p0 $0x80  }
0x92: {  	[spmem:s2] =	stream.indirect.scatter.add.f32 @p0 [tilespmem:s3], [sflag:$0x6], $0x10, s1, s0, $0xb8;
	[tilespmem:$0x1F000] =	vst v63  }
0x93: {  	s1 =	simm.s32 @p0 $0x680;
	s3 =	simm.s32 @p0 $0x3000  }
0x94: {  	[spmem:s2] =	stream.indirect.scatter.add.f32 @p0 [tilespmem:s3], [sflag:$0x6], $0x10, s1, s0, $0xb8;
	[tilespmem:$0x1F000] =	vst v63  }
0x95: {  	s1 =	simm.s32 @p0 $0x700;
	s3 =	simm.s32 @p0 $0x3800  }
0x96: {  	[spmem:s2] =	stream.indirect.scatter.add.f32 @p0 [tilespmem:s3], [sflag:$0x6], $0x10, s1, s0, $0xb8;
	[tilespmem:$0x1F000] =	vst v63  }
0x97: {  	s1 =	simm.s32 @p0 $0x780;
	s3 =	simm.s32 @p0 $0x4000  }
0x98: {  	[spmem:s2] =	stream.indirect.scatter.add.f32 @p0 [tilespmem:s3], [sflag:$0x6], $0x10, s1, s0, $0xb8;
	[tilespmem:$0x1F000] =	vst v63  }
0x99: {  	s0 =	sadd.s32 @!p0 s31, s6  }
0x9a: {  	s1 =	simm.s32 @!p0 $0x0;
	s0 =	sadd.s32 @!p0 $0x80, s0  }
0x9b: {  	[tilespmem:s1], [sflag:$0x1] =	stream.linear.gather @!p0 [hbm4b:s0+s1], $0x200, $0x38;
	[tilespmem:$0x1F000] =	vst v63  }
0x9c: {  	s0 =	sadd.s32 @!p0 s31, s7  }
0x9d: {  	s3 =	simm.s32 @!p0 $0x400;
	s0 =	sadd.s32 @!p0 $0x80, s0  }
0x9e: {  	[tilespmem:s3], [sflag:$0x1] =	stream.linear.gather @!p0 [hbm4b:s0+s1], $0x200, $0x38;
	[tilespmem:$0x1F000] =	vst v63  }
0x9f: {  	s0 =	simm.s32 @!p0 $0x4  }
0xa0: {  	_ =	swait.ge @!p0 [sflag:s0], $0x2000  }
0xa1: {  	s9 =	simm.s32 @!p0 $0x2800;
	[sflag:s0] =	ssyncset.done @!p0 $0x0  }
0xa2: {  	s3 =	simm.s32 @!p0 $0x600;
	[sflag:s0] =	ssyncadd.s32 @!p0 $0xFFFFE000;
	s0 =	simm.s32 @!p0 $0x80  }
0xa3: {  	[spmem:s2] =	stream.indirect.scatter.add.f32 @!p0 [tilespmem:s9], [sflag:$0x6], $0x10, s3, s0, $0xb8;
	[tilespmem:$0x1F000] =	vst v63  }
0xa4: {  	s3 =	simm.s32 @!p0 $0x680;
	s9 =	simm.s32 @!p0 $0x3000  }
0xa5: {  	[spmem:s2] =	stream.indirect.scatter.add.f32 @!p0 [tilespmem:s9], [sflag:$0x6], $0x10, s3, s0, $0xb8;
	[tilespmem:$0x1F000] =	vst v63  }
0xa6: {  	s3 =	simm.s32 @!p0 $0x700;
	s9 =	simm.s32 @!p0 $0x3800  }
0xa7: {  	[spmem:s2] =	stream.indirect.scatter.add.f32 @!p0 [tilespmem:s9], [sflag:$0x6], $0x10, s3, s0, $0xb8;
	[tilespmem:$0x1F000] =	vst v63  }
0xa8: {  	s3 =	simm.s32 @!p0 $0x780;
	s9 =	simm.s32 @!p0 $0x4000  }
0xa9: {  	[spmem:s2] =	stream.indirect.scatter.add.f32 @!p0 [tilespmem:s9], [sflag:$0x6], $0x10, s3, s0, $0xb8;
	[tilespmem:$0x1F000] =	vst v63  }
0xaa: {  	s3 =	simm.s32 @!p0 $0x1  }
0xab: {  	_ =	swait.ge @!p0 [sflag:s3], $0x200  }
0xac: {  	[sflag:s3] =	ssyncset.done @!p0 $0x0  }
0xad: {  	[sflag:s3] =	ssyncadd.s32 @!p0 $0xFFFFFE00  }
0xae: {  	_ =	swait.ge @!p0 [sflag:s3], $0x200  }
0xaf: {  	[sflag:s3] =	ssyncset.done @!p0 $0x0  }
0xb0: {  	[sflag:s3] =	ssyncadd.s32 @!p0 $0xFFFFFE00;
	s3 =	simm.s32 @!p0 $0x800  }
0xb1: {  	[tilespmem:s3], [sflag:$0x3] =	stream.indirect.gather @!p0 [hbm4b:s4+s0], $0x10, s1, s0, $0xb8;
	[tilespmem:$0x1F000] =	vst v63  }
0xb2: {  	s1 =	simm.s32 @!p0 $0x1000  }
0xb3: {  	[tilespmem:s1], [sflag:$0x3] =	stream.indirect.gather @!p0 [hbm4b:s4+s0], $0x10, s0, s0, $0xb8;
	[tilespmem:$0x1F000] =	vst v63  }
0xb4: {  	s3 =	simm.s32 @!p0 $0x1800;
	s1 =	simm.s32 @!p0 $0x100  }
0xb5: {  	[tilespmem:s3], [sflag:$0x3] =	stream.indirect.gather @!p0 [hbm4b:s4+s0], $0x10, s1, s0, $0xb8;
	[tilespmem:$0x1F000] =	vst v63  }
0xb6: {  	s1 =	simm.s32 @!p0 $0x180;
	s3 =	simm.s32 @!p0 $0x2000  }
0xb7: {  	[tilespmem:s3], [sflag:$0x3] =	stream.indirect.gather @!p0 [hbm4b:s4+s0], $0x10, s1, s0, $0xb8;
	[tilespmem:$0x1F000] =	vst v63  }
0xb8: {  	_ =	swait.ge [sflag:s28], $0x2000  }
0xb9: {  	s31 =	sadd.s32 $0x80, s31;
	s9 =	rddreg [dreg:$0x4]  }
0xba: {  	p0 =	sne.s32 s9, s31  }
.Ltmp1:
0xbb: {  	_ = 	snop;
	(pc) =	sbr.rel @p0 .LBB2_4-.Ltmp1, $3  }
0xbc: {  	_ =	sdelay $0x1  }
0xbd: {  	[sflag:s28] =	ssyncset.done $0x0  }
0xbe: {  	s30 =	sadd.s32 $0x2, s30;
	[sflag:s28] =	ssyncadd.s32 $0xFFFFE000  }
0xbf: {  	s0 =	stileid.u32;
	s29 =	sadd.s32 $0x1, s29  }
0xc0: {  	[bflag:$0x0] =	sbarrier.arrive $0xFFFF;
	s0 =	sshll.u32 s0, $0x6;
	p0 =	sne.s32 s29, s21  }
.Ltmp2:
0xc1: {  	s1 =	sshrl.u32 s8, $0x3;
	s0 =	sor.u32 $0x1C07, s0;
	(pc) =	sbr.rel @p0 .LBB2_1-.Ltmp2, $4  }
0xc2: {  	[hbm:s22], [sflag:s0] =	dma.local [spmem:s1], $0x3100  }
0xc3: {  	_ =	swait.ge [sflag:s25], $0x3100  }
0xc4: {  	[sflag:s25] =	ssyncset.done $0x0  }
0xc5: {  	[sflag:s25] =	ssyncadd.s32 $0xFFFFCF00  }
0xc6: {  	_ =	sfence.sel $0x180000  }
0xc7: {  	[bflag:$0x0] =	sbarrier.arrive $0xFFFF  }
0xc8: {  	_ =	strace $0x9000004A  }
0xc9: {  	s0 =	stileid.u32;
	[bflag:$0x2] =	sbarrier.arrive $0xFFFF  }
0xca: {  	p0 =	sne.s32 s0, $0x0;
	s0 =	rddreg [dreg:$0x3]  }
0xcb: {  	s0 =	sadd.s32 @!p0 $0x100000, s0  }
0xcc: {  	[sflag:s0] =	ssyncadd.tile.s32 @!p0 $0x1;
	_ =	shalt  }
.Lfunc_end2:
_tile_overlayer_lowered:
.L_overlay_start_2:
0xcd: {  	(tag) =	ssettag $0x2  }
0xce: {  	s0 =	rddreg [dreg:$0x0];
	s2 =	stileid.u32  }
0xcf: {  	s1 =	rddreg [dreg:$0x1];
	p0 =	sne.s32 s2, $0x0  }
0xd0: {  	s3 =	rddreg [dreg:$0x2];
	[bflag:$0x3] =	sbarrier.arrive $0xFFFF;
	s2 =	simm.s32 @!p0 $0x1C07  }
0xd1: {  	[timem:s3], [sflag:s2] =	dma.local @!p0 [hbm:s0], s1  }
0xd2: {  	s0 =	simm.s32 @!p0 $0x7  }
0xd3: {  	_ =	swait.ge @!p0 [sflag:s0], s1  }
0xd4: {  	s1 =	ssub.s32 @!p0 $0x0, s1;
	[sflag:s0] =	ssyncset.done @!p0 $0x0  }
0xd5: {  	[sflag:s0] =	ssyncadd.s32 @!p0 s1  }
0xd6: {  	[bflag:$0x3] =	sbarrier.arrive $0xFFFF  }
0xd7: {  	_ =	shalt  }

// kernel: kernel.15.cloned.1.call-start
scs
__scs_entry_jumppad:
0x0: {  	(pc) =	sbr.rel $0x88, $3  }
0x1: {  	(tag) =	ssettag $0x0;
	lr =	simm.s32 $0x1  }
0x2: {  	[smem:$0x3F95] =	sst lr;
	_ =	strace $0xD0000000  }
0x3: {  	_ = 	snop  }
0x4: {  	_ = 	snop  }
0x5: {  	_ = 	snop  }
0x6: {  	_ = 	snop  }
0x7: {  	_ = 	snop  }
__scs_overlays_trampoline_lowered:
0x8: {  	[smem:$0x3FA4] =	sst s0  }
0x9: {  	[smem:$0x3FA5] =	sst s1  }
0xa: {  	[smem:$0x3FA6] =	sst s2  }
0xb: {  	[smem:$0x3FA7] =	sst s3  }
0xc: {  	[smem:$0x3FA8] =	sst s4  }
0xd: {  	[smem:$0x3FA9] =	sst s5  }
0xe: {  	[smem:$0x3FAA] =	sst s6  }
0xf: {  	[smem:$0x3FAB] =	sst s7  }
0x10: {  	[smem:$0x3FAC] =	sst s8  }
0x11: {  	[smem:$0x3FAD] =	sst s9;
	s0 =	simm.s32 @!p0 $0x0  }
0x12: {  	s1 =	sld [smem:$0x3F93];
	s0 =	simm.s32 @p0 $0x1  }
0x13: {  	[smem:$0x3FAE] =	sst s0;
	s0 =	simm.s32 @!p1 $0x0  }
0x14: {  	s2 =	sld [smem:$0x3F92];
	s0 =	simm.s32 @p1 $0x1  }
0x15: {  	[smem:$0x3FAF] =	sst s0;
	s0 =	simm.s32 @!p2 $0x0  }
0x16: {  	s3 =	sld [smem:$0x3FDB];
	s0 =	simm.s32 @p2 $0x1  }
0x17: {  	s4 =	simm.s32 $0x1BF5;
	[smem:$0x3FB1] =	sst s0  }
0x18: {  	s0 =	sld [smem:$0x3F94];
	_ =	swait.ge [sflag:s4], $0x0  }
0x19: {  	s7 =	sld [smem:$0x3F95]  }
0x1a: {  	s8 =	sadd.s32 $0xFFFFE003, lr  }
0x1b: {  	s9 =	sadd.s32 $0xFFFFFEF7, lr;
	s5 =	simm.s32 $0xFFFFFFFF;
	p2 =	slt.u32 s8, $0xFFFFF086  }
0x1c: {  	p1 =	slt.u32 s9, $0xF7A;
	s5 =	simm.s32 @!p2 $0x0  }
0x1d: {  	s5 =	simm.s32 @p1 $0x1;
	p0 =	seq.s32 s7, s2  }
0x1e: {  	s7 =	smul.u32 @!p0 $0xF7A, s2;
	p2 =	seq.s32 @!p0 s5, $0x0  }
0x1f: {  	s9 =	smul.u32 $0xF7A, s1;
	s8 =	simm.s32 @!p0 $0x1BF5;
	p2 =	por !p2, p0  }
0x20: {  	[sflag:s8] =	ssyncset.s32 @!p0 $0xFFFFF086;
	s6 =	sadd.s32 @!p0 s3, s7;
	s7 =	simm.s32 @!p0 $0x108  }
0x21: {  	s3 =	sadd.s32 s3, s9;
	s6 =	sadd.s32 @!p0 $0x88, s6;
	s7 =	simm.s32 @p2 $0x1082  }
0x22: {  	[simem:s7], [sflag:s8] =	dma.local @!p0 [hbm:s6], $0xF7A  }
0x23: {  	s9 =	sor.u32 $0xD0000000, s2;
	s6 =	simm.s32 $0x108;
	_ =	swait.ge @!p0 [sflag:s8], $0x0  }
0x24: {  	s3 =	sadd.s32 $0x88, s3;
	s6 =	simm.s32 @!p1 $0x1082;
	[sflag:s4] =	ssyncset.s32 $0xFFFFF086  }
0x25: {  	[simem:s6], [sflag:s4] =	dma.local [hbm:s3], $0xF7A  }
0x26: {  	[smem:$0x3F95] =	sst s1;
	(tag) =	ssettag s2;
	_ =	strace s9  }
0x27: {  	s1 =	sld [smem:$0x3FA5]  }
0x28: {  	s2 =	sld [smem:$0x3FA6]  }
0x29: {  	s4 =	sld [smem:$0x3FA8]  }
0x2a: {  	p0 =	seq.s32 s5, $0x0;
	s5 =	sld [smem:$0x3FA9]  }
0x2b: {  	s6 =	sld [smem:$0x3FAA]  }
0x2c: {  	s7 =	sld [smem:$0x3FAB]  }
0x2d: {  	s3 =	simm.s32 $0x108;
	s8 =	sld [smem:$0x3FAC]  }
0x2e: {  	s3 =	simm.s32 @!p0 $0x1082;
	s9 =	sld [smem:$0x3FAD]  }
0x2f: {  	lr =	sadd.s32 s0, s3;
	s0 =	sld [smem:$0x3FA4]  }
0x30: {  	s3 =	sld [smem:$0x3FA7]  }
0x31: {  	[smem:$0x3FB0] =	sst s10  }
0x32: {  	s10 =	sld [smem:$0x3FAE];
	_ =	sdelay $0x3  }
0x33: {  	p0 =	seq.s32 s10, $0x1;
	s10 =	sld [smem:$0x3FB0];
	_ =	sdelay $0x3  }
0x34: {  	[smem:$0x3FB0] =	sst s10  }
0x35: {  	s10 =	sld [smem:$0x3FAF];
	_ =	sdelay $0x3  }
0x36: {  	p1 =	seq.s32 s10, $0x1;
	s10 =	sld [smem:$0x3FB0];
	_ =	sdelay $0x3  }
0x37: {  	[smem:$0x3FB0] =	sst s10  }
0x38: {  	s10 =	sld [smem:$0x3FB1]  }
0x39: {  	_ = 	snop;
	(pc) =	sbr.ind lr, $3  }
0x3a: {  	_ = 	snop  }
0x3b: {  	_ = 	snop  }
0x3c: {  	p2 =	seq.s32 s10, $0x1;
	s10 =	sld [smem:$0x3FB0]  }
0x3d: {  	_ =	shalt  }
0x3e: {  	_ =	shalt  }
0x3f: {  	_ =	shalt  }
0x40: {  	_ =	shalt  }
0x41: {  	_ =	shalt  }
0x42: {  	_ =	shalt  }
0x43: {  	_ =	shalt  }
0x44: {  	_ =	shalt  }
0x45: {  	_ =	shalt  }
0x46: {  	_ =	shalt  }
0x47: {  	_ =	shalt  }
0x48: {  	_ =	shalt  }
0x49: {  	_ =	shalt  }
0x4a: {  	_ =	shalt  }
0x4b: {  	_ =	shalt  }
0x4c: {  	_ =	shalt  }
0x4d: {  	_ =	shalt  }
0x4e: {  	_ =	shalt  }
0x4f: {  	_ =	shalt  }
0x50: {  	_ =	shalt  }
0x51: {  	_ =	shalt  }
0x52: {  	_ =	shalt  }
0x53: {  	_ =	shalt  }
0x54: {  	_ =	shalt  }
0x55: {  	_ =	shalt  }
0x56: {  	_ =	shalt  }
0x57: {  	_ =	shalt  }
0x58: {  	_ =	shalt  }
0x59: {  	_ =	shalt  }
0x5a: {  	_ =	shalt  }
0x5b: {  	_ =	shalt  }
0x5c: {  	_ =	shalt  }
0x5d: {  	_ =	shalt  }
0x5e: {  	_ =	shalt  }
0x5f: {  	_ =	shalt  }
0x60: {  	_ =	shalt  }
0x61: {  	_ =	shalt  }
0x62: {  	_ =	shalt  }
0x63: {  	_ =	shalt  }
0x64: {  	_ =	shalt  }
0x65: {  	_ =	shalt  }
0x66: {  	_ =	shalt  }
0x67: {  	_ =	shalt  }
0x68: {  	_ =	shalt  }
0x69: {  	_ =	shalt  }
0x6a: {  	_ =	shalt  }
0x6b: {  	_ =	shalt  }
0x6c: {  	_ =	shalt  }
0x6d: {  	_ =	shalt  }
0x6e: {  	_ =	shalt  }
0x6f: {  	_ =	shalt  }
0x70: {  	_ =	shalt  }
0x71: {  	_ =	shalt  }
0x72: {  	_ =	shalt  }
0x73: {  	_ =	shalt  }
0x74: {  	_ =	shalt  }
0x75: {  	_ =	shalt  }
0x76: {  	_ =	shalt  }
0x77: {  	_ =	shalt  }
0x78: {  	_ =	shalt  }
0x79: {  	_ =	shalt  }
0x7a: {  	_ =	shalt  }
0x7b: {  	_ =	shalt  }
0x7c: {  	_ =	shalt  }
0x7d: {  	_ =	shalt  }
0x7e: {  	_ =	shalt  }
0x7f: {  	_ =	shalt  }
0x80: {  	_ =	shalt  }
0x81: {  	_ =	shalt  }
0x82: {  	_ =	shalt  }
0x83: {  	_ =	shalt  }
0x84: {  	_ =	shalt  }
0x85: {  	_ =	shalt  }
0x86: {  	_ =	shalt  }
0x87: {  	_ =	shalt  }
.Lfunc_end0:
.L_simem_size_0:
called_computation.2_lowered:
.L_overlay_start_0:
0x88: {  	s2 =	sld [smem:$0x3FD9]  }
0x89: {  	s3 =	sld [smem:$0x3FFE];
	_ =	sdelay $0x1  }
0x8a: {  	s1 =	srdreg.scid  }
0x8b: {  	s0 =	sand.u32 $0x1, s1  }
0x8c: {  	s17 =	sshll.u32 s0, $0xA;
	s2 =	sadd.s32 s3, s2  }
0x8d: {  	s2 =	sadd.s32 s2, s17  }
0x8e: {  	[smem:$0x3FBC] =	sst s2  }
0x8f: {  	_ = 	snop  }
0x90: {  	s2 =	sld [smem:$0x3FD0];
	(tm) =	ssettm $0x1  }
0x91: {  	s18 =	sld [smem:$0x3FFB];
	_ =	sdelay $0x3  }
0x92: {  	_ =	strace s18  }
0x93: {  	s3 =	sld [smem:$0x3FFC];
	_ =	sdelay $0x3  }
0x94: {  	_ =	strace s3  }
0x95: {  	s3 =	sld [smem:$0x3FFD];
	_ =	sdelay $0x3  }
0x96: {  	_ =	strace s3  }
0x97: {  	_ =	strace $0x8FFFFFFF  }
0x98: {  	s19 =	sld [smem:$0x3FDB];
	_ =	sdelay $0x1  }
0x99: {  	s4 =	simm.s32 $_scs_section_size  }
0x9a: {  	s5 =	simm.s32 $_size__tile_overlayer_lowered;
	s6 =	simm.s32 $_tile_overlayer_lowered  }
0x9b: {  	s22 =	simm.s32 $0x1BFF;
	s21 =	sshll.u32 s6, $0x1;
	s3 =	sadd.s32 s4, s19  }
0x9c: {  	s7 =	simm.s32 $0x0;
	s20 =	sshll.u32 s5, $0x1;
	s5 =	sadd.s32 s21, s3  }
0x9d: {  	[timem:s7], [sflag:s22] =	dma.local [hbm:s5], s20  }
0x9e: {  	_ =	swait.ge [sflag:s22], s20  }
0x9f: {  	s4 =	ssub.s32 $0x0, s20;
	[sflag:s22] =	ssyncset.done $0x0  }
0xa0: {  	[sflag:s22] =	ssyncadd.s32 s4;
	_ =	sdelay $0x1  }
0xa1: {  	s23 =	simm.s32 $0x1B8B  }
0xa2: {  	_ =	swait.ge [sflag:s23], $0x1  }
0xa3: {  	[sflag:s23] =	ssyncset.done $0x0  }
0xa4: {  	s25 =	simm.s32 $0x1B8E;
	s24 =	sld [smem:$0x3FFE];
	[sflag:s23] =	ssyncadd.s32 $0xFFFFFFFF  }
0xa5: {  	s26 =	simm.s32 $execute0_lowered;
	[smem:$0x3FD2] =	sst s25  }
0xa6: {  	s5 =	sshll.u32 s26, $0x1;
	_ =	strace $0x8000004C;
	[dreg:$0x1] =	wrdreg $0xFFFFFFFF  }
0xa7: {  	s28 =	simm.s32 $_size_execute0_lowered;
	s3 =	sadd.s32 s3, s5;
	[dreg:$0x0] =	wrdreg $0x0  }
0xa8: {  	s5 =	sshll.u32 s28, $0x1;
	[dreg:$0x2] =	wrdreg s3  }
0xa9: {  	[dreg:$0x3] =	wrdreg s5  }
0xaa: {  	[dreg:$0x4] =	wrdreg $0xC0  }
0xab: {  	_ =	task [dreg:s7], $0x5FFFF  }
0xac: {  	[dreg:$0x1] =	wrdreg $0xFFFFFFFF  }
0xad: {  	[dreg:$0x0] =	wrdreg $0x60  }
0xae: {  	[dreg:$0x2] =	wrdreg s24  }
0xaf: {  	[dreg:$0x3] =	wrdreg s2  }
0xb0: {  	[dreg:$0x4] =	wrdreg $0x68000  }
0xb1: {  	[dreg:$0x5] =	wrdreg $0x9  }
0xb2: {  	_ =	task.clear_ibuf [dreg:s7], $0x6FFFF;
	_ =	strace $0x9000004C  }
0xb3: {  	s29 =	simm.s32 $0x9;
	_ =	strace $0x8000004E  }
0xb4: {  	_ =	swait.ge [sflag:s29], $0x1  }
0xb5: {  	[sflag:s29] =	ssyncadd.s32 $0xFFFFFFFF  }
0xb6: {  	_ =	strace $0x9000004E  }
0xb7: {  	_ =	sfence  }
0xb8: {  	s30 =	sld [smem:$0x0];
	_ =	sdelay $0x2  }
0xb9: {  	s31 =	sshll.u32 s1, $0xD;
	s1 =	sshrl.u32 s1, $0x2  }
0xba: {  	s3 =	sand.u32 $0x4000, s31;
	s1 =	sadd.s32 s1, s30  }
0xbb: {  	s0 =	sor.u32 s3, s0;
	s1 =	sshll.u32 s1, $0x11  }
0xbc: {  	s0 =	sor.u32 s1, s0  }
0xbd: {  	s0 =	sadd.s32 $0x8F2B, s0  }
0xbe: {  	[sflag:s0] =	ssyncadd.remote.s32 $0x1  }
0xbf: {  	_ =	sfence.sel $0xFFFF  }
0xc0: {  	[dreg:$0x0] =	wrdreg $0xFFFFFFFF;
	(pc) =	sbr.abs _section_cstart, $3  }
0xc1: {  	[dreg:$0x1] =	wrdreg $0xFFFFFFFF  }
0xc2: {  	_ =	task.clear_ibuf [dreg:s7], $0x2FFFF;
	_ =	strace $0x9FFFFFFF  }
0xc3: {  	(tm) =	ssettm $0x7FFFFFFF  }
tec
execute0_lowered:
.L_overlay_start_1:
0x0: {  	(tag) =	ssettag $0x1  }
0x1: {  	s0 =	rddreg [dreg:$0x0]  }
0x2: {  	s1 =	rddreg [dreg:$0x1]  }
0x3: {  	s2 =	rddreg [dreg:$0x2]  }
0x4: {  	s3 =	stileid.u32;
	s4 =	srdreg.scid  }
0x5: {  	s7 =	simm.s32 $0x0;
	s28 =	simm.s32 $0x6;
	s5 =	smul.u32 $0xAE, s3  }
0x6: {  	s29 =	simm.s32 $0x0;
	s6 =	sand.u32 $0x1, s4;
	s4 =	smul.u32 $0xDA, s3  }
0x7: {  	[smem:$0x7FF] =	sst s7;
	s9 =	smul.u32 $0x62000, s3;
	s22 =	sadd.s32 $0x100800, s0  }
0x8: {  	p0 =	seq.s32 s6, $0x0;
	_ =	strace $0x8000004D;
	s23 =	ssub.s32 $0x2, s6  }
0x9: {  	s5 =	sadd.s32 $0xDA0, s5;
	s8 =	sshrl.u32 s23, $0x1;
	s25 =	sshrl.u32 s9, $0x2  }
0xa: {  	s5 =	smov.u32 @p0 s4;
	s4 =	sadd.s32 $0x5400, s0;
	s21 =	ssub.s32 s23, s8  }
0xb: {  	s23 =	smul.u32 $0x18800, s3;
	s20 =	sadd.s32 s25, s2;
	s25 =	simm.s32 $0x7  }
0xc: {  	s19 =	sshll.u32 s5, $0x6;
	s5 =	simm.s32 $0xDA;
	s26 =	sadd.s32 $0x2000, s20  }
0xd: {  	s10 =	sadd.s32 $0x4000, s20;
	s11 =	sadd.s32 $0x6000, s20;
	s12 =	sadd.s32 $0x8000, s20  }
0xe: {  	s13 =	sadd.s32 $0xA000, s20;
	s14 =	sadd.s32 $0xC000, s20;
	s15 =	sadd.s32 $0xE000, s20  }
0xf: {  	s16 =	sadd.s32 $0x10000, s20;
	s17 =	sadd.s32 $0x12000, s20;
	s18 =	sadd.s32 $0x14000, s20  }
0x10: {  	s21 =	smax.u32 s21, $0x1;
	s24 =	sadd.s32 s19, s0;
	s0 =	sadd.s32 $0x131800, s0  }
0x11: {  	s5 =	simm.s32 @!p0 $0xAE;
	s7 =	sadd.s32 s1, s19;
	s8 =	sadd.s32 s23, s2  }
0x12: {  	[dreg:$0x5] =	wrdreg s26;
	s19 =	sadd.s32 $0x16000, s20;
	s20 =	sadd.s32 $0x18000, s20  }
0x13: {  	s30 =	sshrl.u32 s23, $0x3;
	s26 =	simm.s32 $0x80;
	s23 =	simm.s32 $0x5  }
0x14: {  	s6 =	sadd.s32 $0x3C800, s24;
	s0 =	smov.u32 @p0 s22;
	s31 =	sshll.u32 s5, $0x6  }
0x15: {  	v0 =	vimm.f32 $0.0e+00;
	s24 =	simm.s32 $0x4800;
	s22 =	sadd.s32 s0, s30;
	[dreg:$0x4] =	wrdreg s31  }
.LBB2_1:
0x16: {  	s0 =	simm.s32 $0x0  }
0x17: {  	[tilespmem:s0], [sflag:$0x1] =	stream.linear.gather [hbm4b:s6+s0], $0x200, $0x38;
	[tilespmem:$0x1F000] =	vst v63  }
0x18: {  	s1 =	simm.s32 $0x400;
	s30 =	simm.s32 $0x40;
	s31 =	simm.s32 $0x0  }
0x19: {  	[tilespmem:s1], [sflag:$0x1] =	stream.linear.gather [hbm4b:s7+s0], $0x200, $0x38;
	[tilespmem:$0x1F000] =	vst v63  }
.LBB2_2:
0x1a: {  	p0 =	sne.s32 s30, $0x7FC0;
	[tilespmem:s31+$0x4800] =	vst v0;
	s31 =	smov.u32 s30;
	s30 =	sadd.s32 $0x40, s30  }
.Ltmp0:
0x1b: {  	(pc) =	sbr.rel @p0 .LBB2_2-.Ltmp0, $2  }
0x1c: {  	_ =	sdelay $0x2  }
0x1d: {  	s31 =	sshra.s32 s31, $0x2  }
0x1e: {  	[tilespmem:s31+$0x4800] =	vst v0  }
0x1f: {  	[spmem:s8] =	stream.linear.scatter [tilespmem:s24], [sflag:$0x7], $0x2000, $0x38;
	[tilespmem:$0x1F000] =	vst v63  }
0x20: {  	_ =	swait.ge [sflag:s25], $0x2000  }
0x21: {  	[sflag:s25] =	ssyncset.done $0x0  }
0x22: {  	s0 =	rddreg [dreg:$0x5];
	[sflag:s25] =	ssyncadd.s32 $0xFFFFE000  }
0x23: {  	[spmem:s0] =	stream.linear.scatter [tilespmem:s24], [sflag:$0x7], $0x2000, $0x38;
	[tilespmem:$0x1F000] =	vst v63  }
0x24: {  	_ =	swait.ge [sflag:s25], $0x2000  }
0x25: {  	[sflag:s25] =	ssyncset.done $0x0  }
0x26: {  	[sflag:s25] =	ssyncadd.s32 $0xFFFFE000  }
0x27: {  	[spmem:s10] =	stream.linear.scatter [tilespmem:s24], [sflag:$0x7], $0x2000, $0x38;
	[tilespmem:$0x1F000] =	vst v63  }
0x28: {  	_ =	swait.ge [sflag:s25], $0x2000  }
0x29: {  	[sflag:s25] =	ssyncset.done $0x0  }
0x2a: {  	[sflag:s25] =	ssyncadd.s32 $0xFFFFE000  }
0x2b: {  	[spmem:s11] =	stream.linear.scatter [tilespmem:s24], [sflag:$0x7], $0x2000, $0x38;
	[tilespmem:$0x1F000] =	vst v63  }
0x2c: {  	_ =	swait.ge [sflag:s25], $0x2000  }
0x2d: {  	[sflag:s25] =	ssyncset.done $0x0  }
0x2e: {  	[sflag:s25] =	ssyncadd.s32 $0xFFFFE000  }
0x2f: {  	[spmem:s12] =	stream.linear.scatter [tilespmem:s24], [sflag:$0x7], $0x2000, $0x38;
	[tilespmem:$0x1F000] =	vst v63  }
0x30: {  	_ =	swait.ge [sflag:s25], $0x2000  }
0x31: {  	[sflag:s25] =	ssyncset.done $0x0  }
0x32: {  	[sflag:s25] =	ssyncadd.s32 $0xFFFFE000  }
0x33: {  	[spmem:s13] =	stream.linear.scatter [tilespmem:s24], [sflag:$0x7], $0x2000, $0x38;
	[tilespmem:$0x1F000] =	vst v63  }
0x34: {  	_ =	swait.ge [sflag:s25], $0x2000  }
0x35: {  	[sflag:s25] =	ssyncset.done $0x0  }
0x36: {  	[sflag:s25] =	ssyncadd.s32 $0xFFFFE000  }
0x37: {  	[spmem:s14] =	stream.linear.scatter [tilespmem:s24], [sflag:$0x7], $0x2000, $0x38;
	[tilespmem:$0x1F000] =	vst v63  }
0x38: {  	_ =	swait.ge [sflag:s25], $0x2000  }
0x39: {  	[sflag:s25] =	ssyncset.done $0x0  }
0x3a: {  	[sflag:s25] =	ssyncadd.s32 $0xFFFFE000  }
0x3b: {  	[spmem:s15] =	stream.linear.scatter [tilespmem:s24], [sflag:$0x7], $0x2000, $0x38;
	[tilespmem:$0x1F000] =	vst v63  }
0x3c: {  	_ =	swait.ge [sflag:s25], $0x2000  }
0x3d: {  	[sflag:s25] =	ssyncset.done $0x0  }
0x3e: {  	[sflag:s25] =	ssyncadd.s32 $0xFFFFE000  }
0x3f: {  	[spmem:s16] =	stream.linear.scatter [tilespmem:s24], [sflag:$0x7], $0x2000, $0x38;
	[tilespmem:$0x1F000] =	vst v63  }
0x40: {  	_ =	swait.ge [sflag:s25], $0x2000  }
0x41: {  	[sflag:s25] =	ssyncset.done $0x0  }
0x42: {  	[sflag:s25] =	ssyncadd.s32 $0xFFFFE000  }
0x43: {  	[spmem:s17] =	stream.linear.scatter [tilespmem:s24], [sflag:$0x7], $0x2000, $0x38;
	[tilespmem:$0x1F000] =	vst v63  }
0x44: {  	_ =	swait.ge [sflag:s25], $0x2000  }
0x45: {  	[sflag:s25] =	ssyncset.done $0x0  }
0x46: {  	[sflag:s25] =	ssyncadd.s32 $0xFFFFE000  }
0x47: {  	[spmem:s18] =	stream.linear.scatter [tilespmem:s24], [sflag:$0x7], $0x2000, $0x38;
	[tilespmem:$0x1F000] =	vst v63  }
0x48: {  	_ =	swait.ge [sflag:s25], $0x2000  }
0x49: {  	[sflag:s25] =	ssyncset.done $0x0  }
0x4a: {  	[sflag:s25] =	ssyncadd.s32 $0xFFFFE000  }
0x4b: {  	[spmem:s19] =	stream.linear.scatter [tilespmem:s24], [sflag:$0x7], $0x2000, $0x38;
	[tilespmem:$0x1F000] =	vst v63  }
0x4c: {  	_ =	swait.ge [sflag:s25], $0x2000  }
0x4d: {  	[sflag:s25] =	ssyncset.done $0x0  }
0x4e: {  	[sflag:s25] =	ssyncadd.s32 $0xFFFFE000  }
0x4f: {  	[spmem:s20] =	stream.linear.scatter [tilespmem:s24], [sflag:$0x7], $0x800, $0x38;
	[tilespmem:$0x1F000] =	vst v63  }
0x50: {  	_ =	swait.ge [sflag:s25], $0x800  }
0x51: {  	[sflag:s25] =	ssyncset.done $0x0  }
0x52: {  	s30 =	simm.s32 $0x1;
	[sflag:s25] =	ssyncadd.s32 $0xFFFFF800  }
0x53: {  	_ =	swait.ge [sflag:s30], $0x200  }
0x54: {  	[sflag:s30] =	ssyncset.done $0x0  }
0x55: {  	[sflag:s30] =	ssyncadd.s32 $0xFFFFFE00  }
0x56: {  	_ =	swait.ge [sflag:s30], $0x200  }
0x57: {  	[sflag:s30] =	ssyncset.done $0x0  }
0x58: {  	s31 =	simm.s32 $0x0;
	s1 =	simm.s32 $0x800;
	[sflag:s30] =	ssyncadd.s32 $0xFFFFFE00  }
0x59: {  	[tilespmem:s1], [sflag:$0x3] =	stream.indirect.gather [hbm4b:s4+s26], $0x10, s31, s26, $0xb8;
	[tilespmem:$0x1F000] =	vst v63  }
0x5a: {  	s3 =	simm.s32 $0x1000  }
0x5b: {  	[tilespmem:s3], [sflag:$0x3] =	stream.indirect.gather [hbm4b:s4+s26], $0x10, s26, s26, $0xb8;
	[tilespmem:$0x1F000] =	vst v63  }
0x5c: {  	s9 =	simm.s32 $0x100;
	s1 =	simm.s32 $0x1800  }
0x5d: {  	[tilespmem:s1], [sflag:$0x3] =	stream.indirect.gather [hbm4b:s4+s26], $0x10, s9, s26, $0xb8;
	[tilespmem:$0x1F000] =	vst v63  }
0x5e: {  	s3 =	simm.s32 $0x180;
	s9 =	simm.s32 $0x2000  }
0x5f: {  	[tilespmem:s9], [sflag:$0x3] =	stream.indirect.gather [hbm4b:s4+s26], $0x10, s3, s26, $0xb8;
	[tilespmem:$0x1F000] =	vst v63  }
0x60: {  	[bflag:$0x0] =	sbarrier.arrive $0xFFFF  }
.LBB2_4:
0x61: {  	p0 =	sge.u32 s30, s5  }
0x62: {  	s0 =	simm.s32 @p0 $0x3  }
0x63: {  	_ =	swait.ge @p0 [sflag:s0], $0x2000  }
0x64: {  	s1 =	simm.s32 @p0 $0x400;
	[sflag:s0] =	ssyncset.done @p0 $0x0  }
0x65: {  	s3 =	simm.s32 @p0 $0x800;
	[sflag:s0] =	ssyncadd.s32 @p0 $0xFFFFE000;
	s0 =	simm.s32 @p0 $0x80  }
0x66: {  	[spmem:s2] =	stream.indirect.scatter.add.f32 @p0 [tilespmem:s3], [sflag:$0x5], $0x10, s1, s0, $0xb8;
	[tilespmem:$0x1F000] =	vst v63  }
0x67: {  	s1 =	simm.s32 @p0 $0x480;
	s3 =	simm.s32 @p0 $0x1000  }
0x68: {  	[spmem:s2] =	stream.indirect.scatter.add.f32 @p0 [tilespmem:s3], [sflag:$0x5], $0x10, s1, s0, $0xb8;
	[tilespmem:$0x1F000] =	vst v63  }
0x69: {  	s1 =	simm.s32 @p0 $0x500;
	s3 =	simm.s32 @p0 $0x1800  }
0x6a: {  	[spmem:s2] =	stream.indirect.scatter.add.f32 @p0 [tilespmem:s3], [sflag:$0x5], $0x10, s1, s0, $0xb8;
	[tilespmem:$0x1F000] =	vst v63  }
0x6b: {  	s1 =	simm.s32 @p0 $0x580;
	s3 =	simm.s32 @p0 $0x2000  }
0x6c: {  	[spmem:s2] =	stream.indirect.scatter.add.f32 @p0 [tilespmem:s3], [sflag:$0x5], $0x10, s1, s0, $0xb8;
	[tilespmem:$0x1F000] =	vst v63  }
0x6d: {  	s0 =	sadd.s32 @!p0 s31, s6  }
0x6e: {  	s1 =	simm.s32 @!p0 $0x0;
	s3 =	simm.s32 @!p0 $0x200;
	s0 =	sadd.s32 @!p0 $0x40, s0  }
0x6f: {  	[tilespmem:s3], [sflag:$0x2] =	stream.linear.gather @!p0 [hbm4b:s0+s1], $0x200, $0x38;
	[tilespmem:$0x1F000] =	vst v63  }
0x70: {  	s0 =	sadd.s32 @!p0 s31, s7  }
0x71: {  	s9 =	simm.s32 @!p0 $0x600;
	s0 =	sadd.s32 @!p0 $0x40, s0  }
0x72: {  	[tilespmem:s9], [sflag:$0x2] =	stream.linear.gather @!p0 [hbm4b:s0+s1], $0x200, $0x38;
	[tilespmem:$0x1F000] =	vst v63  }
0x73: {  	s0 =	simm.s32 @!p0 $0x3  }
0x74: {  	_ =	swait.ge @!p0 [sflag:s0], $0x2000  }
0x75: {  	s1 =	simm.s32 @!p0 $0x400;
	[sflag:s0] =	ssyncset.done @!p0 $0x0  }
0x76: {  	s9 =	simm.s32 @!p0 $0x800;
	[sflag:s0] =	ssyncadd.s32 @!p0 $0xFFFFE000;
	s0 =	simm.s32 @!p0 $0x80  }
0x77: {  	[spmem:s2] =	stream.indirect.scatter.add.f32 @!p0 [tilespmem:s9], [sflag:$0x5], $0x10, s1, s0, $0xb8;
	[tilespmem:$0x1F000] =	vst v63  }
0x78: {  	s1 =	simm.s32 @!p0 $0x480;
	s9 =	simm.s32 @!p0 $0x1000  }
0x79: {  	[spmem:s2] =	stream.indirect.scatter.add.f32 @!p0 [tilespmem:s9], [sflag:$0x5], $0x10, s1, s0, $0xb8;
	[tilespmem:$0x1F000] =	vst v63  }
0x7a: {  	s1 =	simm.s32 @!p0 $0x500;
	s9 =	simm.s32 @!p0 $0x1800  }
0x7b: {  	[spmem:s2] =	stream.indirect.scatter.add.f32 @!p0 [tilespmem:s9], [sflag:$0x5], $0x10, s1, s0, $0xb8;
	[tilespmem:$0x1F000] =	vst v63  }
0x7c: {  	s1 =	simm.s32 @!p0 $0x580;
	s9 =	simm.s32 @!p0 $0x2000  }
0x7d: {  	[spmem:s2] =	stream.indirect.scatter.add.f32 @!p0 [tilespmem:s9], [sflag:$0x5], $0x10, s1, s0, $0xb8;
	[tilespmem:$0x1F000] =	vst v63  }
0x7e: {  	s1 =	simm.s32 @!p0 $0x2  }
0x7f: {  	_ =	swait.ge @!p0 [sflag:s1], $0x200  }
0x80: {  	[sflag:s1] =	ssyncset.done @!p0 $0x0  }
0x81: {  	[sflag:s1] =	ssyncadd.s32 @!p0 $0xFFFFFE00  }
0x82: {  	_ =	swait.ge @!p0 [sflag:s1], $0x200  }
0x83: {  	[sflag:s1] =	ssyncset.done @!p0 $0x0  }
0x84: {  	[sflag:s1] =	ssyncadd.s32 @!p0 $0xFFFFFE00;
	s1 =	simm.s32 @!p0 $0x2800  }
0x85: {  	[tilespmem:s1], [sflag:$0x4] =	stream.indirect.gather @!p0 [hbm4b:s4+s0], $0x10, s3, s0, $0xb8;
	[tilespmem:$0x1F000] =	vst v63  }
0x86: {  	s1 =	simm.s32 @!p0 $0x280;
	s3 =	simm.s32 @!p0 $0x3000  }
0x87: {  	[tilespmem:s3], [sflag:$0x4] =	stream.indirect.gather @!p0 [hbm4b:s4+s0], $0x10, s1, s0, $0xb8;
	[tilespmem:$0x1F000] =	vst v63  }
0x88: {  	s1 =	simm.s32 @!p0 $0x300;
	s3 =	simm.s32 @!p0 $0x3800  }
0x89: {  	[tilespmem:s3], [sflag:$0x4] =	stream.indirect.gather @!p0 [hbm4b:s4+s0], $0x10, s1, s0, $0xb8;
	[tilespmem:$0x1F000] =	vst v63  }
0x8a: {  	s1 =	simm.s32 @!p0 $0x380;
	s3 =	simm.s32 @!p0 $0x4000  }
0x8b: {  	[tilespmem:s3], [sflag:$0x4] =	stream.indirect.gather @!p0 [hbm4b:s4+s0], $0x10, s1, s0, $0xb8;
	[tilespmem:$0x1F000] =	vst v63  }
0x8c: {  	s3 =	sadd.s32 $0x1, s30;
	_ =	swait.ge [sflag:s23], $0x2000  }
0x8d: {  	p0 =	sge.u32 s3, s5;
	[sflag:s23] =	ssyncset.done $0x0  }
0x8e: {  	s0 =	simm.s32 @p0 $0x4;
	[sflag:s23] =	ssyncadd.s32 $0xFFFFE000  }
0x8f: {  	_ =	swait.ge @p0 [sflag:s0], $0x2000  }
0x90: {  	s1 =	simm.s32 @p0 $0x600;
	[sflag:s0] =	ssyncset.done @p0 $0x0  }
0x91: {  	s3 =	simm.s32 @p0 $0x2800;
	[sflag:s0] =	ssyncadd.s32 @p0 $0xFFFFE000;
	s0 =	simm.s32 @p0 $0x80  }
0x92: {  	[spmem:s2] =	stream.indirect.scatter.add.f32 @p0 [tilespmem:s3], [sflag:$0x6], $0x10, s1, s0, $0xb8;
	[tilespmem:$0x1F000] =	vst v63  }
0x93: {  	s1 =	simm.s32 @p0 $0x680;
	s3 =	simm.s32 @p0 $0x3000  }
0x94: {  	[spmem:s2] =	stream.indirect.scatter.add.f32 @p0 [tilespmem:s3], [sflag:$0x6], $0x10, s1, s0, $0xb8;
	[tilespmem:$0x1F000] =	vst v63  }
0x95: {  	s1 =	simm.s32 @p0 $0x700;
	s3 =	simm.s32 @p0 $0x3800  }
0x96: {  	[spmem:s2] =	stream.indirect.scatter.add.f32 @p0 [tilespmem:s3], [sflag:$0x6], $0x10, s1, s0, $0xb8;
	[tilespmem:$0x1F000] =	vst v63  }
0x97: {  	s1 =	simm.s32 @p0 $0x780;
	s3 =	simm.s32 @p0 $0x4000  }
0x98: {  	[spmem:s2] =	stream.indirect.scatter.add.f32 @p0 [tilespmem:s3], [sflag:$0x6], $0x10, s1, s0, $0xb8;
	[tilespmem:$0x1F000] =	vst v63  }
0x99: {  	s0 =	sadd.s32 @!p0 s31, s6  }
0x9a: {  	s1 =	simm.s32 @!p0 $0x0;
	s0 =	sadd.s32 @!p0 $0x80, s0  }
0x9b: {  	[tilespmem:s1], [sflag:$0x1] =	stream.linear.gather @!p0 [hbm4b:s0+s1], $0x200, $0x38;
	[tilespmem:$0x1F000] =	vst v63  }
0x9c: {  	s0 =	sadd.s32 @!p0 s31, s7  }
0x9d: {  	s3 =	simm.s32 @!p0 $0x400;
	s0 =	sadd.s32 @!p0 $0x80, s0  }
0x9e: {  	[tilespmem:s3], [sflag:$0x1] =	stream.linear.gather @!p0 [hbm4b:s0+s1], $0x200, $0x38;
	[tilespmem:$0x1F000] =	vst v63  }
0x9f: {  	s0 =	simm.s32 @!p0 $0x4  }
0xa0: {  	_ =	swait.ge @!p0 [sflag:s0], $0x2000  }
0xa1: {  	s9 =	simm.s32 @!p0 $0x2800;
	[sflag:s0] =	ssyncset.done @!p0 $0x0  }
0xa2: {  	s3 =	simm.s32 @!p0 $0x600;
	[sflag:s0] =	ssyncadd.s32 @!p0 $0xFFFFE000;
	s0 =	simm.s32 @!p0 $0x80  }
0xa3: {  	[spmem:s2] =	stream.indirect.scatter.add.f32 @!p0 [tilespmem:s9], [sflag:$0x6], $0x10, s3, s0, $0xb8;
	[tilespmem:$0x1F000] =	vst v63  }
0xa4: {  	s3 =	simm.s32 @!p0 $0x680;
	s9 =	simm.s32 @!p0 $0x3000  }
0xa5: {  	[spmem:s2] =	stream.indirect.scatter.add.f32 @!p0 [tilespmem:s9], [sflag:$0x6], $0x10, s3, s0, $0xb8;
	[tilespmem:$0x1F000] =	vst v63  }
0xa6: {  	s3 =	simm.s32 @!p0 $0x700;
	s9 =	simm.s32 @!p0 $0x3800  }
0xa7: {  	[spmem:s2] =	stream.indirect.scatter.add.f32 @!p0 [tilespmem:s9], [sflag:$0x6], $0x10, s3, s0, $0xb8;
	[tilespmem:$0x1F000] =	vst v63  }
0xa8: {  	s3 =	simm.s32 @!p0 $0x780;
	s9 =	simm.s32 @!p0 $0x4000  }
0xa9: {  	[spmem:s2] =	stream.indirect.scatter.add.f32 @!p0 [tilespmem:s9], [sflag:$0x6], $0x10, s3, s0, $0xb8;
	[tilespmem:$0x1F000] =	vst v63  }
0xaa: {  	s3 =	simm.s32 @!p0 $0x1  }
0xab: {  	_ =	swait.ge @!p0 [sflag:s3], $0x200  }
0xac: {  	[sflag:s3] =	ssyncset.done @!p0 $0x0  }
0xad: {  	[sflag:s3] =	ssyncadd.s32 @!p0 $0xFFFFFE00  }
0xae: {  	_ =	swait.ge @!p0 [sflag:s3], $0x200  }
0xaf: {  	[sflag:s3] =	ssyncset.done @!p0 $0x0  }
0xb0: {  	[sflag:s3] =	ssyncadd.s32 @!p0 $0xFFFFFE00;
	s3 =	simm.s32 @!p0 $0x800  }
0xb1: {  	[tilespmem:s3], [sflag:$0x3] =	stream.indirect.gather @!p0 [hbm4b:s4+s0], $0x10, s1, s0, $0xb8;
	[tilespmem:$0x1F000] =	vst v63  }
0xb2: {  	s1 =	simm.s32 @!p0 $0x1000  }
0xb3: {  	[tilespmem:s1], [sflag:$0x3] =	stream.indirect.gather @!p0 [hbm4b:s4+s0], $0x10, s0, s0, $0xb8;
	[tilespmem:$0x1F000] =	vst v63  }
0xb4: {  	s3 =	simm.s32 @!p0 $0x1800;
	s1 =	simm.s32 @!p0 $0x100  }
0xb5: {  	[tilespmem:s3], [sflag:$0x3] =	stream.indirect.gather @!p0 [hbm4b:s4+s0], $0x10, s1, s0, $0xb8;
	[tilespmem:$0x1F000] =	vst v63  }
0xb6: {  	s1 =	simm.s32 @!p0 $0x180;
	s3 =	simm.s32 @!p0 $0x2000  }
0xb7: {  	[tilespmem:s3], [sflag:$0x3] =	stream.indirect.gather @!p0 [hbm4b:s4+s0], $0x10, s1, s0, $0xb8;
	[tilespmem:$0x1F000] =	vst v63  }
0xb8: {  	_ =	swait.ge [sflag:s28], $0x2000  }
0xb9: {  	s31 =	sadd.s32 $0x80, s31;
	s9 =	rddreg [dreg:$0x4]  }
0xba: {  	p0 =	sne.s32 s9, s31  }
.Ltmp1:
0xbb: {  	_ = 	snop;
	(pc) =	sbr.rel @p0 .LBB2_4-.Ltmp1, $3  }
0xbc: {  	_ =	sdelay $0x1  }
0xbd: {  	[sflag:s28] =	ssyncset.done $0x0  }
0xbe: {  	s30 =	sadd.s32 $0x2, s30;
	[sflag:s28] =	ssyncadd.s32 $0xFFFFE000  }
0xbf: {  	s0 =	stileid.u32;
	s29 =	sadd.s32 $0x1, s29  }
0xc0: {  	[bflag:$0x0] =	sbarrier.arrive $0xFFFF;
	s0 =	sshll.u32 s0, $0x6;
	p0 =	sne.s32 s29, s21  }
.Ltmp2:
0xc1: {  	s1 =	sshrl.u32 s8, $0x3;
	s0 =	sor.u32 $0x1C07, s0;
	(pc) =	sbr.rel @p0 .LBB2_1-.Ltmp2, $4  }
0xc2: {  	[hbm:s22], [sflag:s0] =	dma.local [spmem:s1], $0x3100  }
0xc3: {  	_ =	swait.ge [sflag:s25], $0x3100  }
0xc4: {  	[sflag:s25] =	ssyncset.done $0x0  }
0xc5: {  	[sflag:s25] =	ssyncadd.s32 $0xFFFFCF00  }
0xc6: {  	_ =	sfence.sel $0x180000  }
0xc7: {  	[bflag:$0x0] =	sbarrier.arrive $0xFFFF  }
0xc8: {  	_ =	strace $0x9000004D  }
0xc9: {  	s0 =	stileid.u32;
	[bflag:$0x2] =	sbarrier.arrive $0xFFFF  }
0xca: {  	p0 =	sne.s32 s0, $0x0;
	s0 =	rddreg [dreg:$0x3]  }
0xcb: {  	s0 =	sadd.s32 @!p0 $0x100000, s0  }
0xcc: {  	[sflag:s0] =	ssyncadd.tile.s32 @!p0 $0x1;
	_ =	shalt  }
.Lfunc_end2:
_tile_overlayer_lowered:
.L_overlay_start_2:
0xcd: {  	(tag) =	ssettag $0x2  }
0xce: {  	s0 =	rddreg [dreg:$0x0];
	s2 =	stileid.u32  }
0xcf: {  	s1 =	rddreg [dreg:$0x1];
	p0 =	sne.s32 s2, $0x0  }
0xd0: {  	s3 =	rddreg [dreg:$0x2];
	[bflag:$0x3] =	sbarrier.arrive $0xFFFF;
	s2 =	simm.s32 @!p0 $0x1C07  }
0xd1: {  	[timem:s3], [sflag:s2] =	dma.local @!p0 [hbm:s0], s1  }
0xd2: {  	s0 =	simm.s32 @!p0 $0x7  }
0xd3: {  	_ =	swait.ge @!p0 [sflag:s0], s1  }
0xd4: {  	s1 =	ssub.s32 @!p0 $0x0, s1;
	[sflag:s0] =	ssyncset.done @!p0 $0x0  }
0xd5: {  	[sflag:s0] =	ssyncadd.s32 @!p0 s1  }
0xd6: {  	[bflag:$0x3] =	sbarrier.arrive $0xFFFF  }
0xd7: {  	_ =	shalt  }

// kernel: kernel.9.cloned.1.call-start
scs
__scs_entry_jumppad:
0x0: {  	(pc) =	sbr.rel $0x88, $3  }
0x1: {  	(tag) =	ssettag $0x0;
	lr =	simm.s32 $0x1  }
0x2: {  	[smem:$0x3F95] =	sst lr;
	_ =	strace $0xD0000000  }
0x3: {  	_ = 	snop  }
0x4: {  	_ = 	snop  }
0x5: {  	_ = 	snop  }
0x6: {  	_ = 	snop  }
0x7: {  	_ = 	snop  }
__scs_overlays_trampoline_lowered:
0x8: {  	[smem:$0x3FA4] =	sst s0  }
0x9: {  	[smem:$0x3FA5] =	sst s1  }
0xa: {  	[smem:$0x3FA6] =	sst s2  }
0xb: {  	[smem:$0x3FA7] =	sst s3  }
0xc: {  	[smem:$0x3FA8] =	sst s4  }
0xd: {  	[smem:$0x3FA9] =	sst s5  }
0xe: {  	[smem:$0x3FAA] =	sst s6  }
0xf: {  	[smem:$0x3FAB] =	sst s7  }
0x10: {  	[smem:$0x3FAC] =	sst s8  }
0x11: {  	[smem:$0x3FAD] =	sst s9;
	s0 =	simm.s32 @!p0 $0x0  }
0x12: {  	s1 =	sld [smem:$0x3F93];
	s0 =	simm.s32 @p0 $0x1  }
0x13: {  	[smem:$0x3FAE] =	sst s0;
	s0 =	simm.s32 @!p1 $0x0  }
0x14: {  	s2 =	sld [smem:$0x3F92];
	s0 =	simm.s32 @p1 $0x1  }
0x15: {  	[smem:$0x3FAF] =	sst s0;
	s0 =	simm.s32 @!p2 $0x0  }
0x16: {  	s3 =	sld [smem:$0x3FDB];
	s0 =	simm.s32 @p2 $0x1  }
0x17: {  	s4 =	simm.s32 $0x1BF5;
	[smem:$0x3FB1] =	sst s0  }
0x18: {  	s0 =	sld [smem:$0x3F94];
	_ =	swait.ge [sflag:s4], $0x0  }
0x19: {  	s7 =	sld [smem:$0x3F95]  }
0x1a: {  	s8 =	sadd.s32 $0xFFFFE003, lr  }
0x1b: {  	s9 =	sadd.s32 $0xFFFFFEF7, lr;
	s5 =	simm.s32 $0xFFFFFFFF;
	p2 =	slt.u32 s8, $0xFFFFF086  }
0x1c: {  	p1 =	slt.u32 s9, $0xF7A;
	s5 =	simm.s32 @!p2 $0x0  }
0x1d: {  	s5 =	simm.s32 @p1 $0x1;
	p0 =	seq.s32 s7, s2  }
0x1e: {  	s7 =	smul.u32 @!p0 $0xF7A, s2;
	p2 =	seq.s32 @!p0 s5, $0x0  }
0x1f: {  	s9 =	smul.u32 $0xF7A, s1;
	s8 =	simm.s32 @!p0 $0x1BF5;
	p2 =	por !p2, p0  }
0x20: {  	[sflag:s8] =	ssyncset.s32 @!p0 $0xFFFFF086;
	s6 =	sadd.s32 @!p0 s3, s7;
	s7 =	simm.s32 @!p0 $0x108  }
0x21: {  	s3 =	sadd.s32 s3, s9;
	s6 =	sadd.s32 @!p0 $0x88, s6;
	s7 =	simm.s32 @p2 $0x1082  }
0x22: {  	[simem:s7], [sflag:s8] =	dma.local @!p0 [hbm:s6], $0xF7A  }
0x23: {  	s9 =	sor.u32 $0xD0000000, s2;
	s6 =	simm.s32 $0x108;
	_ =	swait.ge @!p0 [sflag:s8], $0x0  }
0x24: {  	s3 =	sadd.s32 $0x88, s3;
	s6 =	simm.s32 @!p1 $0x1082;
	[sflag:s4] =	ssyncset.s32 $0xFFFFF086  }
0x25: {  	[simem:s6], [sflag:s4] =	dma.local [hbm:s3], $0xF7A  }
0x26: {  	[smem:$0x3F95] =	sst s1;
	(tag) =	ssettag s2;
	_ =	strace s9  }
0x27: {  	s1 =	sld [smem:$0x3FA5]  }
0x28: {  	s2 =	sld [smem:$0x3FA6]  }
0x29: {  	s4 =	sld [smem:$0x3FA8]  }
0x2a: {  	p0 =	seq.s32 s5, $0x0;
	s5 =	sld [smem:$0x3FA9]  }
0x2b: {  	s6 =	sld [smem:$0x3FAA]  }
0x2c: {  	s7 =	sld [smem:$0x3FAB]  }
0x2d: {  	s3 =	simm.s32 $0x108;
	s8 =	sld [smem:$0x3FAC]  }
0x2e: {  	s3 =	simm.s32 @!p0 $0x1082;
	s9 =	sld [smem:$0x3FAD]  }
0x2f: {  	lr =	sadd.s32 s0, s3;
	s0 =	sld [smem:$0x3FA4]  }
0x30: {  	s3 =	sld [smem:$0x3FA7]  }
0x31: {  	[smem:$0x3FB0] =	sst s10  }
0x32: {  	s10 =	sld [smem:$0x3FAE];
	_ =	sdelay $0x3  }
0x33: {  	p0 =	seq.s32 s10, $0x1;
	s10 =	sld [smem:$0x3FB0];
	_ =	sdelay $0x3  }
0x34: {  	[smem:$0x3FB0] =	sst s10  }
0x35: {  	s10 =	sld [smem:$0x3FAF];
	_ =	sdelay $0x3  }
0x36: {  	p1 =	seq.s32 s10, $0x1;
	s10 =	sld [smem:$0x3FB0];
	_ =	sdelay $0x3  }
0x37: {  	[smem:$0x3FB0] =	sst s10  }
0x38: {  	s10 =	sld [smem:$0x3FB1]  }
0x39: {  	_ = 	snop;
	(pc) =	sbr.ind lr, $3  }
0x3a: {  	_ = 	snop  }
0x3b: {  	_ = 	snop  }
0x3c: {  	p2 =	seq.s32 s10, $0x1;
	s10 =	sld [smem:$0x3FB0]  }
0x3d: {  	_ =	shalt  }
0x3e: {  	_ =	shalt  }
0x3f: {  	_ =	shalt  }
0x40: {  	_ =	shalt  }
0x41: {  	_ =	shalt  }
0x42: {  	_ =	shalt  }
0x43: {  	_ =	shalt  }
0x44: {  	_ =	shalt  }
0x45: {  	_ =	shalt  }
0x46: {  	_ =	shalt  }
0x47: {  	_ =	shalt  }
0x48: {  	_ =	shalt  }
0x49: {  	_ =	shalt  }
0x4a: {  	_ =	shalt  }
0x4b: {  	_ =	shalt  }
0x4c: {  	_ =	shalt  }
0x4d: {  	_ =	shalt  }
0x4e: {  	_ =	shalt  }
0x4f: {  	_ =	shalt  }
0x50: {  	_ =	shalt  }
0x51: {  	_ =	shalt  }
0x52: {  	_ =	shalt  }
0x53: {  	_ =	shalt  }
0x54: {  	_ =	shalt  }
0x55: {  	_ =	shalt  }
0x56: {  	_ =	shalt  }
0x57: {  	_ =	shalt  }
0x58: {  	_ =	shalt  }
0x59: {  	_ =	shalt  }
0x5a: {  	_ =	shalt  }
0x5b: {  	_ =	shalt  }
0x5c: {  	_ =	shalt  }
0x5d: {  	_ =	shalt  }
0x5e: {  	_ =	shalt  }
0x5f: {  	_ =	shalt  }
0x60: {  	_ =	shalt  }
0x61: {  	_ =	shalt  }
0x62: {  	_ =	shalt  }
0x63: {  	_ =	shalt  }
0x64: {  	_ =	shalt  }
0x65: {  	_ =	shalt  }
0x66: {  	_ =	shalt  }
0x67: {  	_ =	shalt  }
0x68: {  	_ =	shalt  }
0x69: {  	_ =	shalt  }
0x6a: {  	_ =	shalt  }
0x6b: {  	_ =	shalt  }
0x6c: {  	_ =	shalt  }
0x6d: {  	_ =	shalt  }
0x6e: {  	_ =	shalt  }
0x6f: {  	_ =	shalt  }
0x70: {  	_ =	shalt  }
0x71: {  	_ =	shalt  }
0x72: {  	_ =	shalt  }
0x73: {  	_ =	shalt  }
0x74: {  	_ =	shalt  }
0x75: {  	_ =	shalt  }
0x76: {  	_ =	shalt  }
0x77: {  	_ =	shalt  }
0x78: {  	_ =	shalt  }
0x79: {  	_ =	shalt  }
0x7a: {  	_ =	shalt  }
0x7b: {  	_ =	shalt  }
0x7c: {  	_ =	shalt  }
0x7d: {  	_ =	shalt  }
0x7e: {  	_ =	shalt  }
0x7f: {  	_ =	shalt  }
0x80: {  	_ =	shalt  }
0x81: {  	_ =	shalt  }
0x82: {  	_ =	shalt  }
0x83: {  	_ =	shalt  }
0x84: {  	_ =	shalt  }
0x85: {  	_ =	shalt  }
0x86: {  	_ =	shalt  }
0x87: {  	_ =	shalt  }
.Lfunc_end0:
.L_simem_size_0:
called_computation_lowered:
.L_overlay_start_0:
0x88: {  	s2 =	sld [smem:$0x3FD9]  }
0x89: {  	s3 =	sld [smem:$0x3FFE];
	_ =	sdelay $0x1  }
0x8a: {  	s1 =	srdreg.scid  }
0x8b: {  	s0 =	sand.u32 $0x1, s1  }
0x8c: {  	s17 =	sshll.u32 s0, $0xA;
	s2 =	sadd.s32 s3, s2  }
0x8d: {  	s2 =	sadd.s32 s2, s17  }
0x8e: {  	[smem:$0x3FBC] =	sst s2  }
0x8f: {  	_ = 	snop  }
0x90: {  	s2 =	sld [smem:$0x3FD0];
	(tm) =	ssettm $0x1  }
0x91: {  	s18 =	sld [smem:$0x3FFB];
	_ =	sdelay $0x3  }
0x92: {  	_ =	strace s18  }
0x93: {  	s3 =	sld [smem:$0x3FFC];
	_ =	sdelay $0x3  }
0x94: {  	_ =	strace s3  }
0x95: {  	s3 =	sld [smem:$0x3FFD];
	_ =	sdelay $0x3  }
0x96: {  	_ =	strace s3  }
0x97: {  	_ =	strace $0x8FFFFFFF  }
0x98: {  	s19 =	sld [smem:$0x3FDB];
	_ =	sdelay $0x1  }
0x99: {  	s4 =	simm.s32 $_scs_section_size  }
0x9a: {  	s5 =	simm.s32 $_size__tile_overlayer_lowered;
	s6 =	simm.s32 $_tile_overlayer_lowered  }
0x9b: {  	s22 =	simm.s32 $0x1BFF;
	s21 =	sshll.u32 s6, $0x1;
	s3 =	sadd.s32 s4, s19  }
0x9c: {  	s7 =	simm.s32 $0x0;
	s20 =	sshll.u32 s5, $0x1;
	s5 =	sadd.s32 s21, s3  }
0x9d: {  	[timem:s7], [sflag:s22] =	dma.local [hbm:s5], s20  }
0x9e: {  	_ =	swait.ge [sflag:s22], s20  }
0x9f: {  	s4 =	ssub.s32 $0x0, s20;
	[sflag:s22] =	ssyncset.done $0x0  }
0xa0: {  	[sflag:s22] =	ssyncadd.s32 s4;
	_ =	sdelay $0x1  }
0xa1: {  	s23 =	simm.s32 $0x1B8B  }
0xa2: {  	_ =	swait.ge [sflag:s23], $0x1  }
0xa3: {  	[sflag:s23] =	ssyncset.done $0x0  }
0xa4: {  	s25 =	simm.s32 $0x1B8E;
	s24 =	sld [smem:$0x3FFE];
	[sflag:s23] =	ssyncadd.s32 $0xFFFFFFFF  }
0xa5: {  	s26 =	simm.s32 $execute0_lowered;
	[smem:$0x3FD2] =	sst s25  }
0xa6: {  	s5 =	sshll.u32 s26, $0x1;
	_ =	strace $0x80000046;
	[dreg:$0x1] =	wrdreg $0xFFFFFFFF  }
0xa7: {  	s28 =	simm.s32 $_size_execute0_lowered;
	s3 =	sadd.s32 s3, s5;
	[dreg:$0x0] =	wrdreg $0x0  }
0xa8: {  	s5 =	sshll.u32 s28, $0x1;
	[dreg:$0x2] =	wrdreg s3  }
0xa9: {  	[dreg:$0x3] =	wrdreg s5  }
0xaa: {  	[dreg:$0x4] =	wrdreg $0xC0  }
0xab: {  	_ =	task [dreg:s7], $0x5FFFF  }
0xac: {  	[dreg:$0x1] =	wrdreg $0xFFFFFFFF  }
0xad: {  	[dreg:$0x0] =	wrdreg $0x60  }
0xae: {  	[dreg:$0x2] =	wrdreg s2  }
0xaf: {  	[dreg:$0x3] =	wrdreg s24  }
0xb0: {  	[dreg:$0x4] =	wrdreg $0xA800  }
0xb1: {  	[dreg:$0x5] =	wrdreg $0x9  }
0xb2: {  	_ =	task.clear_ibuf [dreg:s7], $0x6FFFF;
	_ =	strace $0x90000046  }
0xb3: {  	s29 =	simm.s32 $0x9;
	_ =	strace $0x80000048  }
0xb4: {  	_ =	swait.ge [sflag:s29], $0x1  }
0xb5: {  	[sflag:s29] =	ssyncadd.s32 $0xFFFFFFFF  }
0xb6: {  	_ =	strace $0x90000048  }
0xb7: {  	_ =	sfence  }
0xb8: {  	s30 =	sld [smem:$0x0];
	_ =	sdelay $0x2  }
0xb9: {  	s31 =	sshll.u32 s1, $0xD;
	s1 =	sshrl.u32 s1, $0x2  }
0xba: {  	s3 =	sand.u32 $0x4000, s31;
	s1 =	sadd.s32 s1, s30  }
0xbb: {  	s0 =	sor.u32 s3, s0;
	s1 =	sshll.u32 s1, $0x11  }
0xbc: {  	s0 =	sor.u32 s1, s0  }
0xbd: {  	s0 =	sadd.s32 $0x8F2B, s0  }
0xbe: {  	[sflag:s0] =	ssyncadd.remote.s32 $0x1  }
0xbf: {  	_ =	sfence.sel $0xFFFF  }
0xc0: {  	[dreg:$0x0] =	wrdreg $0xFFFFFFFF;
	(pc) =	sbr.abs _section_cstart, $3  }
0xc1: {  	[dreg:$0x1] =	wrdreg $0xFFFFFFFF  }
0xc2: {  	_ =	task.clear_ibuf [dreg:s7], $0x2FFFF;
	_ =	strace $0x9FFFFFFF  }
0xc3: {  	(tm) =	ssettm $0x7FFFFFFF  }
tec
execute0_lowered:
.L_overlay_start_1:
0x0: {  	(tag) =	ssettag $0x1  }
0x1: {  	s1 =	rddreg [dreg:$0x0]  }
0x2: {  	s0 =	rddreg [dreg:$0x1]  }
0x3: {  	s2 =	rddreg [dreg:$0x2];
	s3 =	srdreg.scid;
	s4 =	simm.s32 $0x0  }
0x4: {  	s10 =	stileid.u32;
	s11 =	simm.s32 $0x400;
	s20 =	simm.s32 $0x100  }
0x5: {  	s28 =	simm.s32 $0x2;
	s29 =	simm.s32 $0x3;
	s30 =	simm.s32 $0x4  }
0x6: {  	s31 =	simm.s32 $0x0;
	s3 =	sand.u32 $0x1, s3;
	s7 =	smul.u32 $0x1880, s10  }
0x7: {  	[smem:$0x7FF] =	sst s4;
	s16 =	smul.u32 $0x18800, s10;
	s5 =	sshll.u32 s3, $0x4  }
0x8: {  	s6 =	ssub.s32 $0x2, s3;
	_ =	strace $0x80000047;
	s15 =	smul.u32 $0x188000, s3  }
0x9: {  	p0 =	seq.s32 s3, $0x1;
	[dreg:$0x5] =	wrdreg s11;
	s5 =	sor.u32 s10, s5  }
0xa: {  	s8 =	sshrl.u32 s6, $0x1;
	s9 =	smul.u32 $0x3100, s5;
	s5 =	sadd.s32 s7, s2  }
0xb: {  	[dreg:$0x6] =	wrdreg s20;
	s6 =	ssub.s32 s6, s8;
	s22 =	sadd.s32 $0x200, s5  }
0xc: {  	s23 =	sadd.s32 $0x400, s5;
	s24 =	sadd.s32 $0x600, s5;
	[dreg:$0xd] =	wrdreg s22  }
0xd: {  	s25 =	sadd.s32 $0x800, s5;
	s26 =	sadd.s32 $0xA00, s5;
	[dreg:$0xe] =	wrdreg s23  }
0xe: {  	s12 =	sadd.s32 $0xC00, s5;
	s13 =	sadd.s32 $0xE00, s5;
	[dreg:$0xf] =	wrdreg s24  }
0xf: {  	s14 =	sadd.s32 $0x1000, s5;
	s17 =	sadd.s32 $0x1600, s5;
	[dreg:$0x10] =	wrdreg s25  }
0x10: {  	s18 =	sadd.s32 $0x1800, s5;
	s21 =	sadd.s32 s1, s9;
	[dreg:$0x11] =	wrdreg s26  }
0x11: {  	s9 =	sshrl.u32 s7, $0x3;
	s7 =	simm.s32 $0x5400;
	s22 =	simm.s32 $0x180  }
0x12: {  	s23 =	simm.s32 $0x200;
	s24 =	simm.s32 $0x280;
	[dreg:$0xc] =	wrdreg s21  }
0x13: {  	s25 =	simm.s32 $0x300;
	s26 =	simm.s32 $0x380;
	[dreg:$0x7] =	wrdreg s22  }
0x14: {  	s21 =	sadd.s32 s16, s15;
	s15 =	sadd.s32 $0x1200, s5;
	[dreg:$0x8] =	wrdreg s23  }
0x15: {  	s16 =	sadd.s32 $0x1400, s5;
	s7 =	simm.s32 @!p0 $0x8600;
	[dreg:$0x9] =	wrdreg s24  }
0x16: {  	s22 =	simm.s32 $0x880;
	[dreg:$0xa] =	wrdreg s25;
	s23 =	simm.s32 $0x5  }
0x17: {  	s24 =	simm.s32 $0x1;
	[dreg:$0xb] =	wrdreg s26;
	s19 =	sor.u32 $0x400, s21  }
0x18: {  	s25 =	simm.s32 $0x80;
	s26 =	simm.s32 $0x800;
	s19 =	sshrl.u32 s19, $0x3  }
0x19: {  	s0 =	sadd.s32 s7, s0;
	s21 =	sadd.s32 $0x800, s21;
	s10 =	sadd.s32 s19, s1  }
0x1a: {  	v0 =	vimm.f32 $1.000000000e+00;
	v1 =	vimm.f32 $0.0e+00;
	s20 =	sadd.s32 s0, s9;
	s19 =	smax.u32 s6, $0x1;
	[dreg:$0x4] =	wrdreg s10  }
.LBB2_1:
0x1b: {  	s0 =	rddreg [dreg:$0xc]  }
0x1c: {  	[tilespmem:s4], [sflag:$0x1] =	stream.linear.gather [hbm4b:s0+s4], $0x400, $0x38;
	[tilespmem:$0x2300] =	vst v63  }
0x1d: {  	[tilespmem:$0x800] =	vst v0  }
0x1e: {  	[tilespmem:$0x810] =	vst v0  }
0x1f: {  	[tilespmem:$0x820] =	vst v0  }
0x20: {  	[tilespmem:$0x830] =	vst v0  }
0x21: {  	[tilespmem:$0x840] =	vst v0  }
0x22: {  	[tilespmem:$0x850] =	vst v0  }
0x23: {  	[tilespmem:$0x860] =	vst v0  }
0x24: {  	[tilespmem:$0x870] =	vst v0  }
0x25: {  	[tilespmem:$0x880] =	vst v1  }
0x26: {  	[tilespmem:$0x890] =	vst v1  }
0x27: {  	[tilespmem:$0x8A0] =	vst v1  }
0x28: {  	[tilespmem:$0x8B0] =	vst v1  }
0x29: {  	[tilespmem:$0x8C0] =	vst v1  }
0x2a: {  	[tilespmem:$0x8D0] =	vst v1  }
0x2b: {  	[tilespmem:$0x8E0] =	vst v1  }
0x2c: {  	[tilespmem:$0x8F0] =	vst v1  }
0x2d: {  	[tilespmem:$0x900] =	vst v1  }
0x2e: {  	[tilespmem:$0x910] =	vst v1  }
0x2f: {  	[tilespmem:$0x920] =	vst v1  }
0x30: {  	[tilespmem:$0x930] =	vst v1  }
0x31: {  	[tilespmem:$0x940] =	vst v1  }
0x32: {  	[tilespmem:$0x950] =	vst v1  }
0x33: {  	[tilespmem:$0x960] =	vst v1  }
0x34: {  	[tilespmem:$0x970] =	vst v1  }
0x35: {  	[tilespmem:$0x980] =	vst v1  }
0x36: {  	[tilespmem:$0x990] =	vst v1  }
0x37: {  	[tilespmem:$0x9A0] =	vst v1  }
0x38: {  	[tilespmem:$0x9B0] =	vst v1  }
0x39: {  	[tilespmem:$0x9C0] =	vst v1  }
0x3a: {  	[tilespmem:$0x9D0] =	vst v1  }
0x3b: {  	[tilespmem:$0x9E0] =	vst v1  }
0x3c: {  	[tilespmem:$0x9F0] =	vst v1  }
0x3d: {  	[tilespmem:$0xA00] =	vst v1  }
0x3e: {  	[tilespmem:$0xA10] =	vst v1  }
0x3f: {  	[tilespmem:$0xA20] =	vst v1  }
0x40: {  	[tilespmem:$0xA30] =	vst v1  }
0x41: {  	[tilespmem:$0xA40] =	vst v1  }
0x42: {  	[tilespmem:$0xA50] =	vst v1  }
0x43: {  	[tilespmem:$0xA60] =	vst v1  }
0x44: {  	[tilespmem:$0xA70] =	vst v1  }
0x45: {  	[spmem:s5] =	stream.linear.scatter [tilespmem:s22], [sflag:$0x5], $0x200, $0x38;
	[tilespmem:$0x2300] =	vst v63  }
0x46: {  	_ =	swait.ge [sflag:s23], $0x200  }
0x47: {  	[sflag:s23] =	ssyncset.done $0x0  }
0x48: {  	s6 =	rddreg [dreg:$0xd];
	[sflag:s23] =	ssyncadd.s32 $0xFFFFFE00  }
0x49: {  	[spmem:s6] =	stream.linear.scatter [tilespmem:s22], [sflag:$0x5], $0x200, $0x38;
	[tilespmem:$0x2300] =	vst v63  }
0x4a: {  	_ =	swait.ge [sflag:s23], $0x200  }
0x4b: {  	[sflag:s23] =	ssyncset.done $0x0  }
0x4c: {  	s7 =	rddreg [dreg:$0xe];
	[sflag:s23] =	ssyncadd.s32 $0xFFFFFE00  }
0x4d: {  	[spmem:s7] =	stream.linear.scatter [tilespmem:s22], [sflag:$0x5], $0x200, $0x38;
	[tilespmem:$0x2300] =	vst v63  }
0x4e: {  	_ =	swait.ge [sflag:s23], $0x200  }
0x4f: {  	[sflag:s23] =	ssyncset.done $0x0  }
0x50: {  	s8 =	rddreg [dreg:$0xf];
	[sflag:s23] =	ssyncadd.s32 $0xFFFFFE00  }
0x51: {  	[spmem:s8] =	stream.linear.scatter [tilespmem:s22], [sflag:$0x5], $0x200, $0x38;
	[tilespmem:$0x2300] =	vst v63  }
0x52: {  	_ =	swait.ge [sflag:s23], $0x200  }
0x53: {  	[sflag:s23] =	ssyncset.done $0x0  }
0x54: {  	s9 =	rddreg [dreg:$0x10];
	[sflag:s23] =	ssyncadd.s32 $0xFFFFFE00  }
0x55: {  	[spmem:s9] =	stream.linear.scatter [tilespmem:s22], [sflag:$0x5], $0x200, $0x38;
	[tilespmem:$0x2300] =	vst v63  }
0x56: {  	_ =	swait.ge [sflag:s23], $0x200  }
0x57: {  	[sflag:s23] =	ssyncset.done $0x0  }
0x58: {  	s10 =	rddreg [dreg:$0x11];
	[sflag:s23] =	ssyncadd.s32 $0xFFFFFE00  }
0x59: {  	[spmem:s10] =	stream.linear.scatter [tilespmem:s22], [sflag:$0x5], $0x200, $0x38;
	[tilespmem:$0x2300] =	vst v63  }
0x5a: {  	_ =	swait.ge [sflag:s23], $0x200  }
0x5b: {  	[sflag:s23] =	ssyncset.done $0x0  }
0x5c: {  	[sflag:s23] =	ssyncadd.s32 $0xFFFFFE00  }
0x5d: {  	[spmem:s12] =	stream.linear.scatter [tilespmem:s22], [sflag:$0x5], $0x200, $0x38;
	[tilespmem:$0x2300] =	vst v63  }
0x5e: {  	_ =	swait.ge [sflag:s23], $0x200  }
0x5f: {  	[sflag:s23] =	ssyncset.done $0x0  }
0x60: {  	[sflag:s23] =	ssyncadd.s32 $0xFFFFFE00  }
0x61: {  	[spmem:s13] =	stream.linear.scatter [tilespmem:s22], [sflag:$0x5], $0x200, $0x38;
	[tilespmem:$0x2300] =	vst v63  }
0x62: {  	_ =	swait.ge [sflag:s23], $0x200  }
0x63: {  	[sflag:s23] =	ssyncset.done $0x0  }
0x64: {  	[sflag:s23] =	ssyncadd.s32 $0xFFFFFE00  }
0x65: {  	[spmem:s14] =	stream.linear.scatter [tilespmem:s22], [sflag:$0x5], $0x200, $0x38;
	[tilespmem:$0x2300] =	vst v63  }
0x66: {  	_ =	swait.ge [sflag:s23], $0x200  }
0x67: {  	[sflag:s23] =	ssyncset.done $0x0  }
0x68: {  	[sflag:s23] =	ssyncadd.s32 $0xFFFFFE00  }
0x69: {  	[spmem:s15] =	stream.linear.scatter [tilespmem:s22], [sflag:$0x5], $0x200, $0x38;
	[tilespmem:$0x2300] =	vst v63  }
0x6a: {  	_ =	swait.ge [sflag:s23], $0x200  }
0x6b: {  	[sflag:s23] =	ssyncset.done $0x0  }
0x6c: {  	[sflag:s23] =	ssyncadd.s32 $0xFFFFFE00  }
0x6d: {  	[spmem:s16] =	stream.linear.scatter [tilespmem:s22], [sflag:$0x5], $0x200, $0x38;
	[tilespmem:$0x2300] =	vst v63  }
0x6e: {  	_ =	swait.ge [sflag:s23], $0x200  }
0x6f: {  	[sflag:s23] =	ssyncset.done $0x0  }
0x70: {  	[sflag:s23] =	ssyncadd.s32 $0xFFFFFE00  }
0x71: {  	[spmem:s17] =	stream.linear.scatter [tilespmem:s22], [sflag:$0x5], $0x200, $0x38;
	[tilespmem:$0x2300] =	vst v63  }
0x72: {  	_ =	swait.ge [sflag:s23], $0x200  }
0x73: {  	[sflag:s23] =	ssyncset.done $0x0  }
0x74: {  	[sflag:s23] =	ssyncadd.s32 $0xFFFFFE00  }
0x75: {  	[spmem:s18] =	stream.linear.scatter [tilespmem:s22], [sflag:$0x5], $0x80, $0x38;
	[tilespmem:$0x2300] =	vst v63  }
0x76: {  	_ =	swait.ge [sflag:s23], $0x80  }
0x77: {  	[sflag:s23] =	ssyncset.done $0x0  }
0x78: {  	[sflag:s23] =	ssyncadd.s32 $0xFFFFFF80  }
0x79: {  	_ =	swait.ge [sflag:s24], $0x400  }
0x7a: {  	[sflag:s24] =	ssyncset.done $0x0  }
0x7b: {  	[sflag:s24] =	ssyncadd.s32 $0xFFFFFC00  }
0x7c: {  	[bflag:$0x0] =	sbarrier.arrive $0xFFFF  }
0x7d: {  	s11 =	rddreg [dreg:$0x4]  }
0x7e: {  	s3 =	rddreg [dreg:$0x5];
	s0 =	sadd.s32 $0x0, s11  }
0x7f: {  	[tilespmem:s3], [sflag:$0x2] =	stream.linear.gather [hbm4b:s0+s4], $0x400, $0x38;
	[tilespmem:$0x2300] =	vst v63  }
0x80: {  	_ = 	snop  }
0x81: {  	[spmem:s2] =	stream.indirect.scatter.add.f32 [tilespmem:s26], [sflag:$0x3], $0x1, s4, s25, $0xb8;
	[tilespmem:$0x2300] =	vst v63  }
0x82: {  	_ = 	snop  }
0x83: {  	[spmem:s2] =	stream.indirect.scatter.add.f32 [tilespmem:s26], [sflag:$0x3], $0x1, s25, s25, $0xb8;
	[tilespmem:$0x2300] =	vst v63  }
0x84: {  	s6 =	rddreg [dreg:$0x6]  }
0x85: {  	[spmem:s2] =	stream.indirect.scatter.add.f32 [tilespmem:s26], [sflag:$0x3], $0x1, s6, s25, $0xb8;
	[tilespmem:$0x2300] =	vst v63  }
0x86: {  	s7 =	rddreg [dreg:$0x7]  }
0x87: {  	[spmem:s2] =	stream.indirect.scatter.add.f32 [tilespmem:s26], [sflag:$0x3], $0x1, s7, s25, $0xb8;
	[tilespmem:$0x2300] =	vst v63  }
0x88: {  	s8 =	rddreg [dreg:$0x8]  }
0x89: {  	[spmem:s2] =	stream.indirect.scatter.add.f32 [tilespmem:s26], [sflag:$0x3], $0x1, s8, s25, $0xb8;
	[tilespmem:$0x2300] =	vst v63  }
0x8a: {  	s9 =	rddreg [dreg:$0x9]  }
0x8b: {  	[spmem:s2] =	stream.indirect.scatter.add.f32 [tilespmem:s26], [sflag:$0x3], $0x1, s9, s25, $0xb8;
	[tilespmem:$0x2300] =	vst v63  }
0x8c: {  	s10 =	rddreg [dreg:$0xa]  }
0x8d: {  	[spmem:s2] =	stream.indirect.scatter.add.f32 [tilespmem:s26], [sflag:$0x3], $0x1, s10, s25, $0xb8;
	[tilespmem:$0x2300] =	vst v63  }
0x8e: {  	s11 =	rddreg [dreg:$0xb]  }
0x8f: {  	[spmem:s2] =	stream.indirect.scatter.add.f32 [tilespmem:s26], [sflag:$0x3], $0x1, s11, s25, $0xb8;
	[tilespmem:$0x2300] =	vst v63  }
0x90: {  	_ =	swait.ge [sflag:s28], $0x400  }
0x91: {  	[sflag:s28] =	ssyncset.done $0x0  }
0x92: {  	[sflag:s28] =	ssyncadd.s32 $0xFFFFFC00  }
0x93: {  	_ =	swait.ge [sflag:s29], $0x80  }
0x94: {  	[sflag:s29] =	ssyncset.done $0x0  }
0x95: {  	[sflag:s29] =	ssyncadd.s32 $0xFFFFFF80  }
0x96: {  	_ =	swait.ge [sflag:s29], $0x80  }
0x97: {  	[sflag:s29] =	ssyncset.done $0x0  }
0x98: {  	[sflag:s29] =	ssyncadd.s32 $0xFFFFFF80  }
0x99: {  	_ =	swait.ge [sflag:s29], $0x80  }
0x9a: {  	[sflag:s29] =	ssyncset.done $0x0  }
0x9b: {  	[sflag:s29] =	ssyncadd.s32 $0xFFFFFF80  }
0x9c: {  	_ =	swait.ge [sflag:s29], $0x80  }
0x9d: {  	[sflag:s29] =	ssyncset.done $0x0  }
0x9e: {  	[sflag:s29] =	ssyncadd.s32 $0xFFFFFF80  }
0x9f: {  	_ =	swait.ge [sflag:s29], $0x80  }
0xa0: {  	[sflag:s29] =	ssyncset.done $0x0  }
0xa1: {  	[sflag:s29] =	ssyncadd.s32 $0xFFFFFF80  }
0xa2: {  	_ =	swait.ge [sflag:s29], $0x80  }
0xa3: {  	[sflag:s29] =	ssyncset.done $0x0  }
0xa4: {  	[sflag:s29] =	ssyncadd.s32 $0xFFFFFF80  }
0xa5: {  	_ =	swait.ge [sflag:s29], $0x80  }
0xa6: {  	[sflag:s29] =	ssyncset.done $0x0  }
0xa7: {  	[sflag:s29] =	ssyncadd.s32 $0xFFFFFF80  }
0xa8: {  	p0 =	por $0x0, $0x0;
	_ =	swait.ge [sflag:s29], $0x80  }
0xa9: {  	s0 =	simm.s32 @p0 $0x80;
	[sflag:s29] =	ssyncset.done $0x0  }
0xaa: {  	s3 =	simm.s32 @p0 $0x400;
	s6 =	simm.s32 @p0 $0x800;
	[sflag:s29] =	ssyncadd.s32 $0xFFFFFF80  }
0xab: {  	[spmem:s2] =	stream.indirect.scatter.add.f32 @p0 [tilespmem:s6], [sflag:$0x4], $0x1, s3, s0, $0xb8;
	[tilespmem:$0x2300] =	vst v63  }
0xac: {  	s3 =	simm.s32 @p0 $0x480  }
0xad: {  	[spmem:s2] =	stream.indirect.scatter.add.f32 @p0 [tilespmem:s6], [sflag:$0x4], $0x1, s3, s0, $0xb8;
	[tilespmem:$0x2300] =	vst v63  }
0xae: {  	s3 =	simm.s32 @p0 $0x500  }
0xaf: {  	[spmem:s2] =	stream.indirect.scatter.add.f32 @p0 [tilespmem:s6], [sflag:$0x4], $0x1, s3, s0, $0xb8;
	[tilespmem:$0x2300] =	vst v63  }
0xb0: {  	s3 =	simm.s32 @p0 $0x580  }
0xb1: {  	[spmem:s2] =	stream.indirect.scatter.add.f32 @p0 [tilespmem:s6], [sflag:$0x4], $0x1, s3, s0, $0xb8;
	[tilespmem:$0x2300] =	vst v63  }
0xb2: {  	s3 =	simm.s32 @p0 $0x600  }
0xb3: {  	[spmem:s2] =	stream.indirect.scatter.add.f32 @p0 [tilespmem:s6], [sflag:$0x4], $0x1, s3, s0, $0xb8;
	[tilespmem:$0x2300] =	vst v63  }
0xb4: {  	s3 =	simm.s32 @p0 $0x680  }
0xb5: {  	[spmem:s2] =	stream.indirect.scatter.add.f32 @p0 [tilespmem:s6], [sflag:$0x4], $0x1, s3, s0, $0xb8;
	[tilespmem:$0x2300] =	vst v63  }
0xb6: {  	s3 =	simm.s32 @p0 $0x700  }
0xb7: {  	[spmem:s2] =	stream.indirect.scatter.add.f32 @p0 [tilespmem:s6], [sflag:$0x4], $0x1, s3, s0, $0xb8;
	[tilespmem:$0x2300] =	vst v63  }
0xb8: {  	s3 =	simm.s32 @p0 $0x780  }
0xb9: {  	[spmem:s2] =	stream.indirect.scatter.add.f32 @p0 [tilespmem:s6], [sflag:$0x4], $0x1, s3, s0, $0xb8;
	[tilespmem:$0x2300] =	vst v63  }
0xba: {  	s0 =	sshrl.u32 @!p0 s21, $0x3  }
0xbb: {  	s3 =	simm.s32 @!p0 $0x0;
	s0 =	sadd.s32 @!p0 s1, s0  }
0xbc: {  	[tilespmem:s3], [sflag:$0x1] =	stream.linear.gather @!p0 [hbm4b:s0+s3], $0x400, $0x38;
	[tilespmem:$0x2300] =	vst v63  }
0xbd: {  	s6 =	simm.s32 @!p0 $0x800;
	s0 =	simm.s32 @!p0 $0x80;
	s3 =	simm.s32 @!p0 $0x400  }
0xbe: {  	[spmem:s2] =	stream.indirect.scatter.add.f32 @!p0 [tilespmem:s6], [sflag:$0x4], $0x1, s3, s0, $0xb8;
	[tilespmem:$0x2300] =	vst v63  }
0xbf: {  	s3 =	simm.s32 @!p0 $0x480  }
0xc0: {  	[spmem:s2] =	stream.indirect.scatter.add.f32 @!p0 [tilespmem:s6], [sflag:$0x4], $0x1, s3, s0, $0xb8;
	[tilespmem:$0x2300] =	vst v63  }
0xc1: {  	s3 =	simm.s32 @!p0 $0x500  }
0xc2: {  	[spmem:s2] =	stream.indirect.scatter.add.f32 @!p0 [tilespmem:s6], [sflag:$0x4], $0x1, s3, s0, $0xb8;
	[tilespmem:$0x2300] =	vst v63  }
0xc3: {  	s3 =	simm.s32 @!p0 $0x580  }
0xc4: {  	[spmem:s2] =	stream.indirect.scatter.add.f32 @!p0 [tilespmem:s6], [sflag:$0x4], $0x1, s3, s0, $0xb8;
	[tilespmem:$0x2300] =	vst v63  }
0xc5: {  	s3 =	simm.s32 @!p0 $0x600  }
0xc6: {  	[spmem:s2] =	stream.indirect.scatter.add.f32 @!p0 [tilespmem:s6], [sflag:$0x4], $0x1, s3, s0, $0xb8;
	[tilespmem:$0x2300] =	vst v63  }
0xc7: {  	s3 =	simm.s32 @!p0 $0x680  }
0xc8: {  	[spmem:s2] =	stream.indirect.scatter.add.f32 @!p0 [tilespmem:s6], [sflag:$0x4], $0x1, s3, s0, $0xb8;
	[tilespmem:$0x2300] =	vst v63  }
0xc9: {  	s3 =	simm.s32 @!p0 $0x700  }
0xca: {  	[spmem:s2] =	stream.indirect.scatter.add.f32 @!p0 [tilespmem:s6], [sflag:$0x4], $0x1, s3, s0, $0xb8;
	[tilespmem:$0x2300] =	vst v63  }
0xcb: {  	s3 =	simm.s32 @!p0 $0x780  }
0xcc: {  	[spmem:s2] =	stream.indirect.scatter.add.f32 @!p0 [tilespmem:s6], [sflag:$0x4], $0x1, s3, s0, $0xb8;
	[tilespmem:$0x2300] =	vst v63  }
0xcd: {  	s0 =	simm.s32 @!p0 $0x1  }
0xce: {  	_ =	swait.ge @!p0 [sflag:s0], $0x400  }
0xcf: {  	[sflag:s0] =	ssyncset.done @!p0 $0x0  }
0xd0: {  	[sflag:s0] =	ssyncadd.s32 @!p0 $0xFFFFFC00  }
0xd1: {  	_ =	swait.ge [sflag:s30], $0x80  }
0xd2: {  	[sflag:s30] =	ssyncset.done $0x0  }
0xd3: {  	[sflag:s30] =	ssyncadd.s32 $0xFFFFFF80  }
0xd4: {  	_ =	swait.ge [sflag:s30], $0x80  }
0xd5: {  	[sflag:s30] =	ssyncset.done $0x0  }
0xd6: {  	[sflag:s30] =	ssyncadd.s32 $0xFFFFFF80  }
0xd7: {  	_ =	swait.ge [sflag:s30], $0x80  }
0xd8: {  	[sflag:s30] =	ssyncset.done $0x0  }
0xd9: {  	[sflag:s30] =	ssyncadd.s32 $0xFFFFFF80  }
0xda: {  	_ =	swait.ge [sflag:s30], $0x80  }
0xdb: {  	[sflag:s30] =	ssyncset.done $0x0  }
0xdc: {  	[sflag:s30] =	ssyncadd.s32 $0xFFFFFF80  }
0xdd: {  	_ =	swait.ge [sflag:s30], $0x80  }
0xde: {  	[sflag:s30] =	ssyncset.done $0x0  }
0xdf: {  	[sflag:s30] =	ssyncadd.s32 $0xFFFFFF80  }
0xe0: {  	_ =	swait.ge [sflag:s30], $0x80  }
0xe1: {  	[sflag:s30] =	ssyncset.done $0x0  }
0xe2: {  	[sflag:s30] =	ssyncadd.s32 $0xFFFFFF80  }
0xe3: {  	_ =	swait.ge [sflag:s30], $0x80  }
0xe4: {  	[sflag:s30] =	ssyncset.done $0x0  }
0xe5: {  	s3 =	simm.s32 $0x100;
	[sflag:s30] =	ssyncadd.s32 $0xFFFFFF80  }
0xe6: {  	s6 =	simm.s32 $0x200;
	s0 =	sadd.s32 $0x800, s21;
	_ =	swait.ge [sflag:s30], $0x80  }
.LBB2_2:
0xe7: {  	s8 =	rddreg [dreg:$0x4];
	[sflag:s30] =	ssyncset.done $0x0  }
0xe8: {  	s9 =	rddreg [dreg:$0x5];
	[sflag:s30] =	ssyncadd.s32 $0xFFFFFF80;
	s8 =	sadd.s32 s3, s8  }
0xe9: {  	[tilespmem:s9], [sflag:$0x2] =	stream.linear.gather [hbm4b:s8+s4], $0x400, $0x38;
	[tilespmem:$0x2300] =	vst v63  }
0xea: {  	_ = 	snop  }
0xeb: {  	[spmem:s2] =	stream.indirect.scatter.add.f32 [tilespmem:s26], [sflag:$0x3], $0x1, s4, s25, $0xb8;
	[tilespmem:$0x2300] =	vst v63  }
0xec: {  	_ = 	snop  }
0xed: {  	[spmem:s2] =	stream.indirect.scatter.add.f32 [tilespmem:s26], [sflag:$0x3], $0x1, s25, s25, $0xb8;
	[tilespmem:$0x2300] =	vst v63  }
0xee: {  	s10 =	rddreg [dreg:$0x6]  }
0xef: {  	[spmem:s2] =	stream.indirect.scatter.add.f32 [tilespmem:s26], [sflag:$0x3], $0x1, s10, s25, $0xb8;
	[tilespmem:$0x2300] =	vst v63  }
0xf0: {  	s11 =	rddreg [dreg:$0x7]  }
0xf1: {  	[spmem:s2] =	stream.indirect.scatter.add.f32 [tilespmem:s26], [sflag:$0x3], $0x1, s11, s25, $0xb8;
	[tilespmem:$0x2300] =	vst v63  }
0xf2: {  	s10 =	rddreg [dreg:$0x8]  }
0xf3: {  	[spmem:s2] =	stream.indirect.scatter.add.f32 [tilespmem:s26], [sflag:$0x3], $0x1, s10, s25, $0xb8;
	[tilespmem:$0x2300] =	vst v63  }
0xf4: {  	s11 =	rddreg [dreg:$0x9]  }
0xf5: {  	[spmem:s2] =	stream.indirect.scatter.add.f32 [tilespmem:s26], [sflag:$0x3], $0x1, s11, s25, $0xb8;
	[tilespmem:$0x2300] =	vst v63  }
0xf6: {  	s10 =	rddreg [dreg:$0xa]  }
0xf7: {  	[spmem:s2] =	stream.indirect.scatter.add.f32 [tilespmem:s26], [sflag:$0x3], $0x1, s10, s25, $0xb8;
	[tilespmem:$0x2300] =	vst v63  }
0xf8: {  	s11 =	rddreg [dreg:$0xb]  }
0xf9: {  	[spmem:s2] =	stream.indirect.scatter.add.f32 [tilespmem:s26], [sflag:$0x3], $0x1, s11, s25, $0xb8;
	[tilespmem:$0x2300] =	vst v63  }
0xfa: {  	_ =	swait.ge [sflag:s28], $0x400  }
0xfb: {  	[sflag:s28] =	ssyncset.done $0x0  }
0xfc: {  	[sflag:s28] =	ssyncadd.s32 $0xFFFFFC00  }
0xfd: {  	_ =	swait.ge [sflag:s29], $0x80  }
0xfe: {  	[sflag:s29] =	ssyncset.done $0x0  }
0xff: {  	[sflag:s29] =	ssyncadd.s32 $0xFFFFFF80  }
0x100: {  	_ =	swait.ge [sflag:s29], $0x80  }
0x101: {  	[sflag:s29] =	ssyncset.done $0x0  }
0x102: {  	[sflag:s29] =	ssyncadd.s32 $0xFFFFFF80  }
0x103: {  	_ =	swait.ge [sflag:s29], $0x80  }
0x104: {  	[sflag:s29] =	ssyncset.done $0x0  }
0x105: {  	[sflag:s29] =	ssyncadd.s32 $0xFFFFFF80  }
0x106: {  	_ =	swait.ge [sflag:s29], $0x80  }
0x107: {  	[sflag:s29] =	ssyncset.done $0x0  }
0x108: {  	[sflag:s29] =	ssyncadd.s32 $0xFFFFFF80  }
0x109: {  	_ =	swait.ge [sflag:s29], $0x80  }
0x10a: {  	[sflag:s29] =	ssyncset.done $0x0  }
0x10b: {  	[sflag:s29] =	ssyncadd.s32 $0xFFFFFF80  }
0x10c: {  	_ =	swait.ge [sflag:s29], $0x80  }
0x10d: {  	[sflag:s29] =	ssyncset.done $0x0  }
0x10e: {  	[sflag:s29] =	ssyncadd.s32 $0xFFFFFF80  }
0x10f: {  	_ =	swait.ge [sflag:s29], $0x80  }
0x110: {  	[sflag:s29] =	ssyncset.done $0x0  }
0x111: {  	[sflag:s29] =	ssyncadd.s32 $0xFFFFFF80  }
0x112: {  	s7 =	smov.u32 s6;
	p1 =	seq.s32 s3, $0x3000;
	_ =	swait.ge [sflag:s29], $0x80  }
0x113: {  	s3 =	smov.u32 s7;
	s7 =	simm.s32 @p1 $0x80;
	[sflag:s29] =	ssyncset.done $0x0  }
0x114: {  	s8 =	simm.s32 @p1 $0x400;
	s9 =	simm.s32 @p1 $0x800;
	[sflag:s29] =	ssyncadd.s32 $0xFFFFFF80  }
0x115: {  	[spmem:s2] =	stream.indirect.scatter.add.f32 @p1 [tilespmem:s9], [sflag:$0x4], $0x1, s8, s7, $0xb8;
	[tilespmem:$0x2300] =	vst v63  }
0x116: {  	s10 =	simm.s32 @p1 $0x480  }
0x117: {  	[spmem:s2] =	stream.indirect.scatter.add.f32 @p1 [tilespmem:s9], [sflag:$0x4], $0x1, s10, s7, $0xb8;
	[tilespmem:$0x2300] =	vst v63  }
0x118: {  	s8 =	simm.s32 @p1 $0x500  }
0x119: {  	[spmem:s2] =	stream.indirect.scatter.add.f32 @p1 [tilespmem:s9], [sflag:$0x4], $0x1, s8, s7, $0xb8;
	[tilespmem:$0x2300] =	vst v63  }
0x11a: {  	s10 =	simm.s32 @p1 $0x580  }
0x11b: {  	[spmem:s2] =	stream.indirect.scatter.add.f32 @p1 [tilespmem:s9], [sflag:$0x4], $0x1, s10, s7, $0xb8;
	[tilespmem:$0x2300] =	vst v63  }
0x11c: {  	s8 =	simm.s32 @p1 $0x600  }
0x11d: {  	[spmem:s2] =	stream.indirect.scatter.add.f32 @p1 [tilespmem:s9], [sflag:$0x4], $0x1, s8, s7, $0xb8;
	[tilespmem:$0x2300] =	vst v63  }
0x11e: {  	s10 =	simm.s32 @p1 $0x680  }
0x11f: {  	[spmem:s2] =	stream.indirect.scatter.add.f32 @p1 [tilespmem:s9], [sflag:$0x4], $0x1, s10, s7, $0xb8;
	[tilespmem:$0x2300] =	vst v63  }
0x120: {  	s8 =	simm.s32 @p1 $0x700  }
0x121: {  	[spmem:s2] =	stream.indirect.scatter.add.f32 @p1 [tilespmem:s9], [sflag:$0x4], $0x1, s8, s7, $0xb8;
	[tilespmem:$0x2300] =	vst v63  }
0x122: {  	s11 =	sshrl.u32 @!p1 s0, $0x3;
	s10 =	simm.s32 @p1 $0x780  }
0x123: {  	[spmem:s2] =	stream.indirect.scatter.add.f32 @p1 [tilespmem:s9], [sflag:$0x4], $0x1, s10, s7, $0xb8;
	[tilespmem:$0x2300] =	vst v63  }
0x124: {  	s11 =	sadd.s32 @!p1 s1, s11;
	s8 =	simm.s32 @!p1 $0x0  }
0x125: {  	[tilespmem:s8], [sflag:$0x1] =	stream.linear.gather @!p1 [hbm4b:s11+s8], $0x400, $0x38;
	[tilespmem:$0x2300] =	vst v63  }
0x126: {  	s7 =	simm.s32 @!p1 $0x80;
	s9 =	simm.s32 @!p1 $0x400;
	s10 =	simm.s32 @!p1 $0x800  }
0x127: {  	[spmem:s2] =	stream.indirect.scatter.add.f32 @!p1 [tilespmem:s10], [sflag:$0x4], $0x1, s9, s7, $0xb8;
	[tilespmem:$0x2300] =	vst v63  }
0x128: {  	s8 =	simm.s32 @!p1 $0x480  }
0x129: {  	[spmem:s2] =	stream.indirect.scatter.add.f32 @!p1 [tilespmem:s10], [sflag:$0x4], $0x1, s8, s7, $0xb8;
	[tilespmem:$0x2300] =	vst v63  }
0x12a: {  	s9 =	simm.s32 @!p1 $0x500  }
0x12b: {  	[spmem:s2] =	stream.indirect.scatter.add.f32 @!p1 [tilespmem:s10], [sflag:$0x4], $0x1, s9, s7, $0xb8;
	[tilespmem:$0x2300] =	vst v63  }
0x12c: {  	s8 =	simm.s32 @!p1 $0x580  }
0x12d: {  	[spmem:s2] =	stream.indirect.scatter.add.f32 @!p1 [tilespmem:s10], [sflag:$0x4], $0x1, s8, s7, $0xb8;
	[tilespmem:$0x2300] =	vst v63  }
0x12e: {  	s9 =	simm.s32 @!p1 $0x600  }
0x12f: {  	[spmem:s2] =	stream.indirect.scatter.add.f32 @!p1 [tilespmem:s10], [sflag:$0x4], $0x1, s9, s7, $0xb8;
	[tilespmem:$0x2300] =	vst v63  }
0x130: {  	s8 =	simm.s32 @!p1 $0x680  }
0x131: {  	[spmem:s2] =	stream.indirect.scatter.add.f32 @!p1 [tilespmem:s10], [sflag:$0x4], $0x1, s8, s7, $0xb8;
	[tilespmem:$0x2300] =	vst v63  }
0x132: {  	s9 =	simm.s32 @!p1 $0x700  }
0x133: {  	[spmem:s2] =	stream.indirect.scatter.add.f32 @!p1 [tilespmem:s10], [sflag:$0x4], $0x1, s9, s7, $0xb8;
	[tilespmem:$0x2300] =	vst v63  }
0x134: {  	s8 =	simm.s32 @!p1 $0x780;
	s9 =	simm.s32 @!p1 $0x1  }
0x135: {  	[spmem:s2] =	stream.indirect.scatter.add.f32 @!p1 [tilespmem:s10], [sflag:$0x4], $0x1, s8, s7, $0xb8;
	[tilespmem:$0x2300] =	vst v63  }
0x136: {  	_ =	swait.ge @!p1 [sflag:s9], $0x400  }
0x137: {  	[sflag:s9] =	ssyncset.done @!p1 $0x0  }
0x138: {  	[sflag:s9] =	ssyncadd.s32 @!p1 $0xFFFFFC00  }
0x139: {  	_ =	swait.ge [sflag:s30], $0x80  }
0x13a: {  	[sflag:s30] =	ssyncset.done $0x0  }
0x13b: {  	[sflag:s30] =	ssyncadd.s32 $0xFFFFFF80  }
0x13c: {  	_ =	swait.ge [sflag:s30], $0x80  }
0x13d: {  	[sflag:s30] =	ssyncset.done $0x0  }
0x13e: {  	[sflag:s30] =	ssyncadd.s32 $0xFFFFFF80  }
0x13f: {  	_ =	swait.ge [sflag:s30], $0x80  }
0x140: {  	[sflag:s30] =	ssyncset.done $0x0  }
0x141: {  	[sflag:s30] =	ssyncadd.s32 $0xFFFFFF80  }
0x142: {  	_ =	swait.ge [sflag:s30], $0x80  }
0x143: {  	[sflag:s30] =	ssyncset.done $0x0  }
0x144: {  	[sflag:s30] =	ssyncadd.s32 $0xFFFFFF80  }
0x145: {  	_ =	swait.ge [sflag:s30], $0x80  }
0x146: {  	[sflag:s30] =	ssyncset.done $0x0  }
0x147: {  	[sflag:s30] =	ssyncadd.s32 $0xFFFFFF80  }
0x148: {  	s6 =	sadd.s32 $0x100, s6;
	_ =	swait.ge [sflag:s30], $0x80  }
0x149: {  	p0 =	sne.s32 s6, $0x3100;
	[sflag:s30] =	ssyncset.done $0x0  }
.Ltmp0:
0x14a: {  	[sflag:s30] =	ssyncadd.s32 $0xFFFFFF80;
	(pc) =	sbr.rel @p0 .LBB2_2-.Ltmp0, $4  }
0x14b: {  	_ =	swait.ge [sflag:s30], $0x80  }
0x14c: {  	[sflag:s30] =	ssyncset.done $0x0  }
0x14d: {  	[sflag:s30] =	ssyncadd.s32 $0xFFFFFF80  }
0x14e: {  	s0 =	sadd.s32 $0x800, s0;
	_ =	swait.ge [sflag:s30], $0x80  }
0x14f: {  	s6 =	rddreg [dreg:$0x4];
	[sflag:s30] =	ssyncset.done $0x0  }
0x150: {  	s7 =	rddreg [dreg:$0x5];
	[sflag:s30] =	ssyncadd.s32 $0xFFFFFF80;
	s6 =	sadd.s32 s3, s6  }
0x151: {  	[tilespmem:s7], [sflag:$0x2] =	stream.linear.gather [hbm4b:s6+s4], $0x400, $0x38;
	[tilespmem:$0x2300] =	vst v63  }
0x152: {  	_ = 	snop  }
0x153: {  	[spmem:s2] =	stream.indirect.scatter.add.f32 [tilespmem:s26], [sflag:$0x3], $0x1, s4, s25, $0xb8;
	[tilespmem:$0x2300] =	vst v63  }
0x154: {  	_ = 	snop  }
0x155: {  	[spmem:s2] =	stream.indirect.scatter.add.f32 [tilespmem:s26], [sflag:$0x3], $0x1, s25, s25, $0xb8;
	[tilespmem:$0x2300] =	vst v63  }
0x156: {  	s8 =	rddreg [dreg:$0x6]  }
0x157: {  	[spmem:s2] =	stream.indirect.scatter.add.f32 [tilespmem:s26], [sflag:$0x3], $0x1, s8, s25, $0xb8;
	[tilespmem:$0x2300] =	vst v63  }
0x158: {  	s9 =	rddreg [dreg:$0x7]  }
0x159: {  	[spmem:s2] =	stream.indirect.scatter.add.f32 [tilespmem:s26], [sflag:$0x3], $0x1, s9, s25, $0xb8;
	[tilespmem:$0x2300] =	vst v63  }
0x15a: {  	s10 =	rddreg [dreg:$0x8]  }
0x15b: {  	[spmem:s2] =	stream.indirect.scatter.add.f32 [tilespmem:s26], [sflag:$0x3], $0x1, s10, s25, $0xb8;
	[tilespmem:$0x2300] =	vst v63  }
0x15c: {  	s11 =	rddreg [dreg:$0x9]  }
0x15d: {  	[spmem:s2] =	stream.indirect.scatter.add.f32 [tilespmem:s26], [sflag:$0x3], $0x1, s11, s25, $0xb8;
	[tilespmem:$0x2300] =	vst v63  }
0x15e: {  	s8 =	rddreg [dreg:$0xa]  }
0x15f: {  	[spmem:s2] =	stream.indirect.scatter.add.f32 [tilespmem:s26], [sflag:$0x3], $0x1, s8, s25, $0xb8;
	[tilespmem:$0x2300] =	vst v63  }
0x160: {  	s9 =	rddreg [dreg:$0xb]  }
0x161: {  	[spmem:s2] =	stream.indirect.scatter.add.f32 [tilespmem:s26], [sflag:$0x3], $0x1, s9, s25, $0xb8;
	[tilespmem:$0x2300] =	vst v63  }
0x162: {  	_ =	swait.ge [sflag:s28], $0x400  }
0x163: {  	[sflag:s28] =	ssyncset.done $0x0  }
0x164: {  	[sflag:s28] =	ssyncadd.s32 $0xFFFFFC00  }
0x165: {  	_ =	swait.ge [sflag:s29], $0x80  }
0x166: {  	[sflag:s29] =	ssyncset.done $0x0  }
0x167: {  	[sflag:s29] =	ssyncadd.s32 $0xFFFFFF80  }
0x168: {  	_ =	swait.ge [sflag:s29], $0x80  }
0x169: {  	[sflag:s29] =	ssyncset.done $0x0  }
0x16a: {  	[sflag:s29] =	ssyncadd.s32 $0xFFFFFF80  }
0x16b: {  	_ =	swait.ge [sflag:s29], $0x80  }
0x16c: {  	[sflag:s29] =	ssyncset.done $0x0  }
0x16d: {  	[sflag:s29] =	ssyncadd.s32 $0xFFFFFF80  }
0x16e: {  	_ =	swait.ge [sflag:s29], $0x80  }
0x16f: {  	[sflag:s29] =	ssyncset.done $0x0  }
0x170: {  	[sflag:s29] =	ssyncadd.s32 $0xFFFFFF80  }
0x171: {  	_ =	swait.ge [sflag:s29], $0x80  }
0x172: {  	[sflag:s29] =	ssyncset.done $0x0  }
0x173: {  	[sflag:s29] =	ssyncadd.s32 $0xFFFFFF80  }
0x174: {  	_ =	swait.ge [sflag:s29], $0x80  }
0x175: {  	[sflag:s29] =	ssyncset.done $0x0  }
0x176: {  	[sflag:s29] =	ssyncadd.s32 $0xFFFFFF80  }
0x177: {  	_ =	swait.ge [sflag:s29], $0x80  }
0x178: {  	[sflag:s29] =	ssyncset.done $0x0  }
0x179: {  	[sflag:s29] =	ssyncadd.s32 $0xFFFFFF80  }
0x17a: {  	p0 =	seq.s32 s3, $0x3000;
	_ =	swait.ge [sflag:s29], $0x80  }
0x17b: {  	s3 =	simm.s32 @p0 $0x80;
	[sflag:s29] =	ssyncset.done $0x0  }
0x17c: {  	s6 =	simm.s32 @p0 $0x400;
	s7 =	simm.s32 @p0 $0x800;
	[sflag:s29] =	ssyncadd.s32 $0xFFFFFF80  }
0x17d: {  	[spmem:s2] =	stream.indirect.scatter.add.f32 @p0 [tilespmem:s7], [sflag:$0x4], $0x1, s6, s3, $0xb8;
	[tilespmem:$0x2300] =	vst v63  }
0x17e: {  	s6 =	simm.s32 @p0 $0x480  }
0x17f: {  	[spmem:s2] =	stream.indirect.scatter.add.f32 @p0 [tilespmem:s7], [sflag:$0x4], $0x1, s6, s3, $0xb8;
	[tilespmem:$0x2300] =	vst v63  }
0x180: {  	s6 =	simm.s32 @p0 $0x500  }
0x181: {  	[spmem:s2] =	stream.indirect.scatter.add.f32 @p0 [tilespmem:s7], [sflag:$0x4], $0x1, s6, s3, $0xb8;
	[tilespmem:$0x2300] =	vst v63  }
0x182: {  	s6 =	simm.s32 @p0 $0x580  }
0x183: {  	[spmem:s2] =	stream.indirect.scatter.add.f32 @p0 [tilespmem:s7], [sflag:$0x4], $0x1, s6, s3, $0xb8;
	[tilespmem:$0x2300] =	vst v63  }
0x184: {  	s6 =	simm.s32 @p0 $0x600  }
0x185: {  	[spmem:s2] =	stream.indirect.scatter.add.f32 @p0 [tilespmem:s7], [sflag:$0x4], $0x1, s6, s3, $0xb8;
	[tilespmem:$0x2300] =	vst v63  }
0x186: {  	s6 =	simm.s32 @p0 $0x680  }
0x187: {  	[spmem:s2] =	stream.indirect.scatter.add.f32 @p0 [tilespmem:s7], [sflag:$0x4], $0x1, s6, s3, $0xb8;
	[tilespmem:$0x2300] =	vst v63  }
0x188: {  	s6 =	simm.s32 @p0 $0x700  }
0x189: {  	[spmem:s2] =	stream.indirect.scatter.add.f32 @p0 [tilespmem:s7], [sflag:$0x4], $0x1, s6, s3, $0xb8;
	[tilespmem:$0x2300] =	vst v63  }
0x18a: {  	s0 =	sshrl.u32 @!p0 s0, $0x3;
	s6 =	simm.s32 @p0 $0x780  }
0x18b: {  	[spmem:s2] =	stream.indirect.scatter.add.f32 @p0 [tilespmem:s7], [sflag:$0x4], $0x1, s6, s3, $0xb8;
	[tilespmem:$0x2300] =	vst v63  }
0x18c: {  	s0 =	sadd.s32 @!p0 s1, s0;
	s3 =	simm.s32 @!p0 $0x0  }
0x18d: {  	[tilespmem:s3], [sflag:$0x1] =	stream.linear.gather @!p0 [hbm4b:s0+s3], $0x400, $0x38;
	[tilespmem:$0x2300] =	vst v63  }
0x18e: {  	s6 =	simm.s32 @!p0 $0x800;
	s0 =	simm.s32 @!p0 $0x80;
	s3 =	simm.s32 @!p0 $0x400  }
0x18f: {  	[spmem:s2] =	stream.indirect.scatter.add.f32 @!p0 [tilespmem:s6], [sflag:$0x4], $0x1, s3, s0, $0xb8;
	[tilespmem:$0x2300] =	vst v63  }
0x190: {  	s3 =	simm.s32 @!p0 $0x480  }
0x191: {  	[spmem:s2] =	stream.indirect.scatter.add.f32 @!p0 [tilespmem:s6], [sflag:$0x4], $0x1, s3, s0, $0xb8;
	[tilespmem:$0x2300] =	vst v63  }
0x192: {  	s3 =	simm.s32 @!p0 $0x500  }
0x193: {  	[spmem:s2] =	stream.indirect.scatter.add.f32 @!p0 [tilespmem:s6], [sflag:$0x4], $0x1, s3, s0, $0xb8;
	[tilespmem:$0x2300] =	vst v63  }
0x194: {  	s3 =	simm.s32 @!p0 $0x580  }
0x195: {  	[spmem:s2] =	stream.indirect.scatter.add.f32 @!p0 [tilespmem:s6], [sflag:$0x4], $0x1, s3, s0, $0xb8;
	[tilespmem:$0x2300] =	vst v63  }
0x196: {  	s3 =	simm.s32 @!p0 $0x600  }
0x197: {  	[spmem:s2] =	stream.indirect.scatter.add.f32 @!p0 [tilespmem:s6], [sflag:$0x4], $0x1, s3, s0, $0xb8;
	[tilespmem:$0x2300] =	vst v63  }
0x198: {  	s3 =	simm.s32 @!p0 $0x680  }
0x199: {  	[spmem:s2] =	stream.indirect.scatter.add.f32 @!p0 [tilespmem:s6], [sflag:$0x4], $0x1, s3, s0, $0xb8;
	[tilespmem:$0x2300] =	vst v63  }
0x19a: {  	s3 =	simm.s32 @!p0 $0x700  }
0x19b: {  	[spmem:s2] =	stream.indirect.scatter.add.f32 @!p0 [tilespmem:s6], [sflag:$0x4], $0x1, s3, s0, $0xb8;
	[tilespmem:$0x2300] =	vst v63  }
0x19c: {  	s7 =	simm.s32 @!p0 $0x1;
	s3 =	simm.s32 @!p0 $0x780  }
0x19d: {  	[spmem:s2] =	stream.indirect.scatter.add.f32 @!p0 [tilespmem:s6], [sflag:$0x4], $0x1, s3, s0, $0xb8;
	[tilespmem:$0x2300] =	vst v63  }
0x19e: {  	_ =	swait.ge @!p0 [sflag:s7], $0x400  }
0x19f: {  	[sflag:s7] =	ssyncset.done @!p0 $0x0  }
0x1a0: {  	[sflag:s7] =	ssyncadd.s32 @!p0 $0xFFFFFC00  }
0x1a1: {  	_ =	swait.ge [sflag:s30], $0x80  }
0x1a2: {  	[sflag:s30] =	ssyncset.done $0x0  }
0x1a3: {  	[sflag:s30] =	ssyncadd.s32 $0xFFFFFF80  }
0x1a4: {  	_ =	swait.ge [sflag:s30], $0x80  }
0x1a5: {  	[sflag:s30] =	ssyncset.done $0x0  }
0x1a6: {  	[sflag:s30] =	ssyncadd.s32 $0xFFFFFF80  }
0x1a7: {  	_ =	swait.ge [sflag:s30], $0x80  }
0x1a8: {  	[sflag:s30] =	ssyncset.done $0x0  }
0x1a9: {  	[sflag:s30] =	ssyncadd.s32 $0xFFFFFF80  }
0x1aa: {  	_ =	swait.ge [sflag:s30], $0x80  }
0x1ab: {  	[sflag:s30] =	ssyncset.done $0x0  }
0x1ac: {  	[sflag:s30] =	ssyncadd.s32 $0xFFFFFF80  }
0x1ad: {  	_ =	swait.ge [sflag:s30], $0x80  }
0x1ae: {  	[sflag:s30] =	ssyncset.done $0x0  }
0x1af: {  	[sflag:s30] =	ssyncadd.s32 $0xFFFFFF80  }
0x1b0: {  	_ =	swait.ge [sflag:s30], $0x80  }
0x1b1: {  	[sflag:s30] =	ssyncset.done $0x0  }
0x1b2: {  	[sflag:s30] =	ssyncadd.s32 $0xFFFFFF80  }
0x1b3: {  	_ =	swait.ge [sflag:s30], $0x80  }
0x1b4: {  	[sflag:s30] =	ssyncset.done $0x0  }
0x1b5: {  	[sflag:s30] =	ssyncadd.s32 $0xFFFFFF80  }
0x1b6: {  	s31 =	sadd.s32 $0x1, s31;
	_ =	swait.ge [sflag:s30], $0x80  }
0x1b7: {  	s10 =	stileid.u32;
	s11 =	sshrl.u32 s5, $0x3;
	[sflag:s30] =	ssyncset.done $0x0  }
0x1b8: {  	s0 =	sshll.u32 s10, $0x6;
	p0 =	sne.s32 s31, s19;
	[sflag:s30] =	ssyncadd.s32 $0xFFFFFF80  }
.Ltmp1:
0x1b9: {  	s0 =	sor.u32 $0x1C05, s0;
	[bflag:$0x0] =	sbarrier.arrive $0xFFFF;
	(pc) =	sbr.rel @p0 .LBB2_1-.Ltmp1, $4  }
0x1ba: {  	[hbm:s20], [sflag:s0] =	dma.local [spmem:s11], $0x310  }
0x1bb: {  	_ =	swait.ge [sflag:s23], $0x310  }
0x1bc: {  	[sflag:s23] =	ssyncset.done $0x0  }
0x1bd: {  	[sflag:s23] =	ssyncadd.s32 $0xFFFFFCF0  }
0x1be: {  	_ =	sfence.sel $0x180000  }
0x1bf: {  	[bflag:$0x0] =	sbarrier.arrive $0xFFFF  }
0x1c0: {  	_ =	strace $0x90000047  }
0x1c1: {  	s0 =	stileid.u32;
	[bflag:$0x2] =	sbarrier.arrive $0xFFFF  }
0x1c2: {  	p0 =	sne.s32 s0, $0x0;
	s0 =	rddreg [dreg:$0x3]  }
0x1c3: {  	s0 =	sadd.s32 @!p0 $0x100000, s0  }
0x1c4: {  	[sflag:s0] =	ssyncadd.tile.s32 @!p0 $0x1;
	_ =	shalt  }
.Lfunc_end2:
_tile_overlayer_lowered:
.L_overlay_start_2:
0x1c5: {  	(tag) =	ssettag $0x2  }
0x1c6: {  	s0 =	rddreg [dreg:$0x0];
	s2 =	stileid.u32  }
0x1c7: {  	s1 =	rddreg [dreg:$0x1];
	p0 =	sne.s32 s2, $0x0  }
0x1c8: {  	s3 =	rddreg [dreg:$0x2];
	[bflag:$0x3] =	sbarrier.arrive $0xFFFF;
	s2 =	simm.s32 @!p0 $0x1C05  }
0x1c9: {  	[timem:s3], [sflag:s2] =	dma.local @!p0 [hbm:s0], s1  }
0x1ca: {  	s0 =	simm.s32 @!p0 $0x5  }
0x1cb: {  	_ =	swait.ge @!p0 [sflag:s0], s1  }
0x1cc: {  	s1 =	ssub.s32 @!p0 $0x0, s1;
	[sflag:s0] =	ssyncset.done @!p0 $0x0  }
0x1cd: {  	[sflag:s0] =	ssyncadd.s32 @!p0 s1  }
0x1ce: {  	[bflag:$0x3] =	sbarrier.arrive $0xFFFF  }
0x1cf: {  	_ =	shalt  }

</sc_bundles>
